<compile_context>
chip_gen: v7x
topology: tpu7x:2x2x1
jax: 0.10.2.dev20260603
libtpu: 0.0.44.dev20260713+nightly
codegen_flags: <defaults>
</compile_context>

<pallas_src>
import functools
import math

import jax
import jax.numpy as jnp
from jax import lax
from jax.experimental import pallas as pl
from jax.experimental.pallas import tpu as pltpu
from jax.experimental.pallas import tpu_sc as plsc

_SMOOTHING = 0.1
_CONFIDENCE = 1.0 - _SMOOTHING
_IGNORE = 0

_BATCH = 1024
_VOCAB = 100000
_EPS = _SMOOTHING / (_VOCAB - 1)
_TLOGT = (_VOCAB - 1) * _EPS * math.log(_EPS) + _CONFIDENCE * math.log(
    _CONFIDENCE
)

_NC, _NS = 2, 16
_NW = _NC * _NS
_RT = _BATCH // _NW
_RG = _RT // 8
_CH = 4096
_NFULL = 24
_TAIL = 1696
_NBUF = 3




def _sc_body(pred_hbm, out_hbm, b0, b1, b2, tailbuf, out_v, sem):
    bufs = (b0, b1, b2)
    wid = lax.axis_index("s") * _NC + lax.axis_index("c")
    base_row = wid * _RT
    lane = lax.broadcasted_iota(jnp.int32, (16,), 0)
    for g in range(_RG):
        r0 = base_row + g * 8
        for b in range(_NBUF):
            pltpu.async_copy(
                pred_hbm.at[pl.ds(r0, 8), pl.ds(b * _CH, _CH)], bufs[b], sem
            )
        accs = tuple(jnp.zeros((16,), jnp.float32) for _ in range(8))

        def group_body(k, accs, _r0=r0):
            for b in range(_NBUF):
                ci = k * _NBUF + b
                pltpu.make_async_copy(
                    pred_hbm.at[pl.ds(_r0, 8), pl.ds(0, _CH)], bufs[b], sem
                ).wait()

                def add_body(i, a, _b=b):
                    base = i * 64
                    for step in range(4):
                        a = tuple(
                            v + bufs[_b][r, pl.ds(base + step * 16, 16)]
                            for r, v in enumerate(a)
                        )
                    return a

                accs = lax.fori_loop(0, _CH // 64, add_body, accs)
                nxt = ci + _NBUF

                @pl.when(nxt < _NFULL)
                def _(_b=b, _nxt=nxt, _r0=_r0):
                    pltpu.async_copy(
                        pred_hbm.at[pl.ds(_r0, 8), pl.ds(_nxt * _CH, _CH)],
                        bufs[_b],
                        sem,
                    )

            return accs

        accs = lax.fori_loop(0, _NFULL // _NBUF, group_body, accs)
        pltpu.sync_copy(
            pred_hbm.at[pl.ds(r0, 8), pl.ds(_NFULL * _CH, _TAIL)], tailbuf
        )

        def tail_body(i, a):
            return tuple(
                v + tailbuf[r, pl.ds(i * 16, 16)] for r, v in enumerate(a)
            )

        accs = lax.fori_loop(0, _TAIL // 16, tail_body, accs)
        row8 = jnp.zeros((16,), jnp.float32)
        for r in range(8):
            row8 = row8 + jnp.where(lane == r, jnp.sum(accs[r]), 0.0)
        out_v[...] = row8
        pltpu.sync_copy(
            out_v.at[pl.ds(0, 8)], out_hbm.at[pl.ds(r0, 8)]
        )


_sc_rowsum = functools.partial(
    pl.kernel,
    _sc_body,
    out_type=jax.ShapeDtypeStruct((_BATCH,), jnp.float32),
    mesh=plsc.VectorSubcoreMesh(core_axis_name="c", subcore_axis_name="s"),
    compiler_params=pltpu.CompilerParams(needs_layout_passes=False),
    scratch_types=[pltpu.VMEM((8, _CH), jnp.float32)] * _NBUF
    + [
        pltpu.VMEM((8, _TAIL), jnp.float32),
        pltpu.VMEM((16,), jnp.float32),
        pltpu.SemaphoreType.DMA,
    ],
)()




def _comb_body(rs_ref, tgt_smem, tgtv_ref, pred_any, out_ref, gbuf, gsem):
    def issue(r, carry):
        t = tgt_smem[r]
        cbase = pl.multiple_of((t // 128) * 128, 128)
        rbase = (r // 8) * 8
        pltpu.make_async_copy(
            pred_any.at[pl.ds(rbase, 8), pl.ds(cbase, 128)],
            gbuf.at[r],
            gsem,
        ).start()
        return carry

    lax.fori_loop(0, _BATCH, issue, 0)

    def drain(r, carry):
        pltpu.make_async_copy(
            pred_any.at[pl.ds(0, 8), pl.ds(0, 128)], gbuf.at[r], gsem
        ).wait()
        return carry

    lax.fori_loop(0, _BATCH, drain, 0)

    t = tgtv_ref[...]
    validf = (t != _IGNORE).astype(jnp.float32)
    lanes3 = (t % 128).reshape(_BATCH, 1, 1)
    subs3 = lax.broadcasted_iota(jnp.int32, (_BATCH, 1, 1), 0) % 8
    isub = lax.broadcasted_iota(jnp.int32, (_BATCH, 8, 128), 1)
    ilane = lax.broadcasted_iota(jnp.int32, (_BATCH, 8, 128), 2)
    sel = (isub == subs3) & (ilane == lanes3)
    g = jnp.sum(
        jnp.where(sel, gbuf[...], 0.0), axis=(1, 2)
    ).reshape(_BATCH, 1)
    total = jnp.sum(
        validf
        * (_TLOGT - _EPS * rs_ref[...] - (_CONFIDENCE - _EPS) * g)
    )
    out_ref[0, 0] = total / _BATCH


def _combine(sc_sums, target, pred):
    return pl.pallas_call(
        _comb_body,
        in_specs=[
            pl.BlockSpec((_BATCH, 1), lambda: (0, 0)),
            pl.BlockSpec(memory_space=pltpu.SMEM),
            pl.BlockSpec((_BATCH, 1), lambda: (0, 0)),
            pl.BlockSpec(memory_space=pl.ANY),
        ],
        out_specs=pl.BlockSpec(memory_space=pltpu.SMEM),
        out_shape=jax.ShapeDtypeStruct((1, 1), jnp.float32),
        scratch_shapes=[
            pltpu.VMEM((_BATCH, 8, 128), jnp.float32),
            pltpu.SemaphoreType.DMA,
        ],
        compiler_params=pltpu.CompilerParams(
            disable_bounds_checks=True,
        ),
    )(sc_sums.reshape(_BATCH, 1), target, target.reshape(_BATCH, 1), pred)


def kernel(pred_logprob, target):
    sc_sums = _sc_rowsum(pred_logprob)
    return jnp.sum(sc_sums) / _BATCH

# --- scband reference (transcript-rebuilt; emitter-appended) ---
"""Pipeline reference for scband-label-smoothing-loss-45526653337829 (READ-ONLY COPY).

The authoritative reference and input builder live on the scoring server;
editing this copy changes nothing except your own understanding.
"""

import jax, jax.numpy as jnp
import numpy as np

LABEL_SMOOTHING = 0.1
TGT_VOCAB = 100000
IGNORE_INDEX = 0
BATCH = 1024


def setup_inputs(seed: int = 0) -> dict:
    key = jax.random.key(seed)
    k1, k2 = jax.random.split(key)
    logits = jax.random.normal(k1, (BATCH, TGT_VOCAB), dtype=jnp.float32)
    pred_logprob = jax.nn.log_softmax(logits, axis=-1)
    target = jax.random.randint(k2, (BATCH,), 0, TGT_VOCAB, dtype=jnp.int32)
    return {"pred_logprob": pred_logprob, "target": target}


def reference(pred_logprob, target):
    smoothing = LABEL_SMOOTHING
    confidence = 1.0 - smoothing
    vocab = TGT_VOCAB
    n = pred_logprob.shape[0]
    # true_dist = clone filled with smoothing mass
    true_dist = jnp.full(pred_logprob.shape, smoothing / (vocab - 1), dtype=pred_logprob.dtype)
    # scatter confidence at target index (scatter-overwrite)
    rows = jnp.arange(n)
    true_dist = true_dist.at[rows, target].set(confidence)
    # zero out rows where target == ignore_index
    mask = target != IGNORE_INDEX
    true_dist = jnp.where(mask[:, None], true_dist, jnp.zeros_like(true_dist))
    # KLDivLoss(reduction='batchmean'): sum(t * (log t - input)) / N, with 0*log0 = 0
    t_log_t = jnp.where(true_dist > 0, true_dist * jnp.log(jnp.where(true_dist > 0, true_dist, 1.0)), 0.0)
    pointwise = t_log_t - true_dist * pred_logprob
    return jnp.sum(pointwise) / n

if __name__ == "__main__":
    import jax
    _d = setup_inputs()
    print(jax.jit(kernel)(*tuple(_d.values())))

</pallas_src>

<mosaic_0001>
#map = affine_map<(d0, d1) -> (0, 0)>
#map1 = affine_map<(d0, d1) -> (0)>
module attributes {stable_mosaic.version = 14 : i64} {
  func.func @_sc_body(%arg0: i32, %arg1: i32, %arg2: memref<1024x100000xf32, #tpu.memory_space<hbm>>, %arg3: memref<1024xf32, #tpu.memory_space<hbm>>, %arg4: memref<8x4096xf32, #tpu.memory_space<vmem>>, %arg5: memref<8x4096xf32, #tpu.memory_space<vmem>>, %arg6: memref<8x4096xf32, #tpu.memory_space<vmem>>, %arg7: memref<8x1696xf32, #tpu.memory_space<vmem>>, %arg8: memref<16xf32, #tpu.memory_space<vmem>>, %arg9: memref<!tpu.dma_semaphore, #tpu.memory_space<semaphore_mem>>) attributes {dimension_semantics = [#tpu.dimension_semantics<core_parallel>, #tpu.dimension_semantics<subcore_parallel>], iteration_bounds = array<i64: 2, 16>, scalar_prefetch = 0 : i64, scratch_operands = 6 : i64, tpu.core_type = #tpu.core_type<sc_vector_subcore>, window_params = [{transform_indices = #map}, {transform_indices = #map1}]} {
    %mul3A = arith.constant 2 : i32
    %mul3A_0 = arith.muli %arg1, %mul3A : i32
    %add3A = arith.addi %mul3A_0, %arg0 : i32
    %mul3A_1 = arith.constant 32 : i32
    %mul3A_2 = arith.muli %add3A, %mul3A_1 : i32
    %iota3A = tpu.iota {dimensions = array<i32: 0>} : vector<16xi32>
    %add3A_3 = arith.constant 0 : i32
    %add3A_4 = arith.addi %mul3A_2, %add3A_3 : i32
    %dma_start3A = arith.constant 0 : i32
    %dma_start3A_5 = tpu.memref_slice %arg2[%add3A_4, %dma_start3A] : memref<1024x100000xf32, #tpu.memory_space<hbm>> -> memref<8x4096xf32, #tpu.memory_space<hbm>>
    %dma_start3A_6 = arith.constant 0 : i32
    %dma_start3A_7 = tpu.memref_slice %arg2[%add3A_4, %dma_start3A_6] : memref<1024x100000xf32, #tpu.memory_space<hbm>> -> memref<8x4096xf32, #tpu.memory_space<hbm>>
    tpu.enqueue_dma source(%dma_start3A_7 : memref<8x4096xf32, #tpu.memory_space<hbm>>) target(%arg4 : memref<8x4096xf32, #tpu.memory_space<vmem>>) target_semaphore(%arg9 : memref<!tpu.dma_semaphore, #tpu.memory_space<semaphore_mem>>)
    %dma_start3A_8 = arith.constant 4096 : i32
    %dma_start3A_9 = tpu.memref_slice %arg2[%add3A_4, %dma_start3A_8] : memref<1024x100000xf32, #tpu.memory_space<hbm>> -> memref<8x4096xf32, #tpu.memory_space<hbm>>
    %dma_start3A_10 = arith.constant 4096 : i32
    %dma_start3A_11 = tpu.memref_slice %arg2[%add3A_4, %dma_start3A_10] : memref<1024x100000xf32, #tpu.memory_space<hbm>> -> memref<8x4096xf32, #tpu.memory_space<hbm>>
    tpu.enqueue_dma source(%dma_start3A_11 : memref<8x4096xf32, #tpu.memory_space<hbm>>) target(%arg5 : memref<8x4096xf32, #tpu.memory_space<vmem>>) target_semaphore(%arg9 : memref<!tpu.dma_semaphore, #tpu.memory_space<semaphore_mem>>)
    %dma_start3A_12 = arith.constant 8192 : i32
    %dma_start3A_13 = tpu.memref_slice %arg2[%add3A_4, %dma_start3A_12] : memref<1024x100000xf32, #tpu.memory_space<hbm>> -> memref<8x4096xf32, #tpu.memory_space<hbm>>
    %dma_start3A_14 = arith.constant 8192 : i32
    %dma_start3A_15 = tpu.memref_slice %arg2[%add3A_4, %dma_start3A_14] : memref<1024x100000xf32, #tpu.memory_space<hbm>> -> memref<8x4096xf32, #tpu.memory_space<hbm>>
    tpu.enqueue_dma source(%dma_start3A_15 : memref<8x4096xf32, #tpu.memory_space<hbm>>) target(%arg6 : memref<8x4096xf32, #tpu.memory_space<vmem>>) target_semaphore(%arg9 : memref<!tpu.dma_semaphore, #tpu.memory_space<semaphore_mem>>)
    %broadcast_in_dim3A = arith.constant 0.000000e+00 : f32
    %broadcast_in_dim3A_16 = vector.broadcast %broadcast_in_dim3A : f32 to vector<16xf32>
    %broadcast_in_dim3A_17 = arith.constant 0.000000e+00 : f32
    %broadcast_in_dim3A_18 = vector.broadcast %broadcast_in_dim3A_17 : f32 to vector<16xf32>
    %broadcast_in_dim3A_19 = arith.constant 0.000000e+00 : f32
    %broadcast_in_dim3A_20 = vector.broadcast %broadcast_in_dim3A_19 : f32 to vector<16xf32>
    %broadcast_in_dim3A_21 = arith.constant 0.000000e+00 : f32
    %broadcast_in_dim3A_22 = vector.broadcast %broadcast_in_dim3A_21 : f32 to vector<16xf32>
    %broadcast_in_dim3A_23 = arith.constant 0.000000e+00 : f32
    %broadcast_in_dim3A_24 = vector.broadcast %broadcast_in_dim3A_23 : f32 to vector<16xf32>
    %broadcast_in_dim3A_25 = arith.constant 0.000000e+00 : f32
    %broadcast_in_dim3A_26 = vector.broadcast %broadcast_in_dim3A_25 : f32 to vector<16xf32>
    %broadcast_in_dim3A_27 = arith.constant 0.000000e+00 : f32
    %broadcast_in_dim3A_28 = vector.broadcast %broadcast_in_dim3A_27 : f32 to vector<16xf32>
    %broadcast_in_dim3A_29 = arith.constant 0.000000e+00 : f32
    %broadcast_in_dim3A_30 = vector.broadcast %broadcast_in_dim3A_29 : f32 to vector<16xf32>
    %scan3A = arith.constant 0 : i32
    %scan3A_31 = arith.constant 8 : i32
    %scan3A_32 = arith.addi %scan3A, %scan3A_31 : i32
    %scan3A_33 = arith.constant 1 : i32
    %scan3A_34:8 = scf.for %scan3A_563 = %scan3A to %scan3A_32 step %scan3A_33 iter_args(%scan3A_564 = %broadcast_in_dim3A_16, %scan3A_565 = %broadcast_in_dim3A_18, %scan3A_566 = %broadcast_in_dim3A_20, %scan3A_567 = %broadcast_in_dim3A_22, %scan3A_568 = %broadcast_in_dim3A_24, %scan3A_569 = %broadcast_in_dim3A_26, %scan3A_570 = %broadcast_in_dim3A_28, %scan3A_571 = %broadcast_in_dim3A_30) -> (vector<16xf32>, vector<16xf32>, vector<16xf32>, vector<16xf32>, vector<16xf32>, vector<16xf32>, vector<16xf32>, vector<16xf32>)  : i32 {
      %mul3A_572 = arith.constant 3 : i32
      %mul3A_573 = arith.muli %scan3A_563, %mul3A_572 : i32
      %add3A_574 = arith.constant 0 : i32
      %add3A_575 = arith.addi %mul3A_573, %add3A_574 : i32
      %dma_wait3A = arith.constant 0 : i32
      %dma_wait3A_576 = tpu.memref_slice %arg2[%add3A_4, %dma_wait3A] : memref<1024x100000xf32, #tpu.memory_space<hbm>> -> memref<8x4096xf32, #tpu.memory_space<hbm>>
      %dma_wait3A_577 = arith.constant 0 : i32
      %dma_wait3A_578 = tpu.memref_slice %arg2[%add3A_4, %dma_wait3A_577] : memref<1024x100000xf32, #tpu.memory_space<hbm>> -> memref<8x4096xf32, #tpu.memory_space<hbm>>
      tpu.wait_dma2 semaphore(%arg9 : memref<!tpu.dma_semaphore, #tpu.memory_space<semaphore_mem>>) src(%dma_wait3A_578 : memref<8x4096xf32, #tpu.memory_space<hbm>>) dst(%arg4 : memref<8x4096xf32, #tpu.memory_space<vmem>>)
      %scan3A_579 = arith.constant 0 : i32
      %scan3A_580 = arith.constant 64 : i32
      %scan3A_581 = arith.addi %scan3A_579, %scan3A_580 : i32
      %scan3A_582 = arith.constant 1 : i32
      %scan3A_583:8 = scf.for %scan3A_631 = %scan3A_579 to %scan3A_581 step %scan3A_582 iter_args(%scan3A_632 = %scan3A_564, %scan3A_633 = %scan3A_565, %scan3A_634 = %scan3A_566, %scan3A_635 = %scan3A_567, %scan3A_636 = %scan3A_568, %scan3A_637 = %scan3A_569, %scan3A_638 = %scan3A_570, %scan3A_639 = %scan3A_571) -> (vector<16xf32>, vector<16xf32>, vector<16xf32>, vector<16xf32>, vector<16xf32>, vector<16xf32>, vector<16xf32>, vector<16xf32>)  : i32 {
        %mul3A_640 = arith.constant 64 : i32
        %mul3A_641 = arith.muli %scan3A_631, %mul3A_640 : i32
        %add3A_642 = arith.constant 0 : i32
        %add3A_643 = arith.addi %mul3A_641, %add3A_642 : i32
        %get3A = arith.constant 0 : i32
        %get3A_644 = arith.index_cast %get3A : i32 to index
        %get3A_645 = arith.index_cast %add3A_643 : i32 to index
        %get3A_646 = tpu.vector_load %arg4[%get3A_644, %get3A_645] {strides = array<i32>} : memref<8x4096xf32, #tpu.memory_space<vmem>>, vector<16xf32>,
        %add3A_647 = arith.addf %scan3A_632, %get3A_646 : vector<16xf32>
        %add3A_648 = arith.constant 0 : i32
        %add3A_649 = arith.addi %mul3A_641, %add3A_648 : i32
        %get3A_650 = arith.constant 1 : i32
        %get3A_651 = arith.index_cast %get3A_650 : i32 to index
        %get3A_652 = arith.index_cast %add3A_649 : i32 to index
        %get3A_653 = tpu.vector_load %arg4[%get3A_651, %get3A_652] {strides = array<i32>} : memref<8x4096xf32, #tpu.memory_space<vmem>>, vector<16xf32>,
        %add3A_654 = arith.addf %scan3A_633, %get3A_653 : vector<16xf32>
        %add3A_655 = arith.constant 0 : i32
        %add3A_656 = arith.addi %mul3A_641, %add3A_655 : i32
        %get3A_657 = arith.constant 2 : i32
        %get3A_658 = arith.index_cast %get3A_657 : i32 to index
        %get3A_659 = arith.index_cast %add3A_656 : i32 to index
        %get3A_660 = tpu.vector_load %arg4[%get3A_658, %get3A_659] {strides = array<i32>} : memref<8x4096xf32, #tpu.memory_space<vmem>>, vector<16xf32>,
        %add3A_661 = arith.addf %scan3A_634, %get3A_660 : vector<16xf32>
        %add3A_662 = arith.constant 0 : i32
        %add3A_663 = arith.addi %mul3A_641, %add3A_662 : i32
        %get3A_664 = arith.constant 3 : i32
        %get3A_665 = arith.index_cast %get3A_664 : i32 to index
        %get3A_666 = arith.index_cast %add3A_663 : i32 to index
        %get3A_667 = tpu.vector_load %arg4[%get3A_665, %get3A_666] {strides = array<i32>} : memref<8x4096xf32, #tpu.memory_space<vmem>>, vector<16xf32>,
        %add3A_668 = arith.addf %scan3A_635, %get3A_667 : vector<16xf32>
        %add3A_669 = arith.constant 0 : i32
        %add3A_670 = arith.addi %mul3A_641, %add3A_669 : i32
        %get3A_671 = arith.constant 4 : i32
        %get3A_672 = arith.index_cast %get3A_671 : i32 to index
        %get3A_673 = arith.index_cast %add3A_670 : i32 to index
        %get3A_674 = tpu.vector_load %arg4[%get3A_672, %get3A_673] {strides = array<i32>} : memref<8x4096xf32, #tpu.memory_space<vmem>>, vector<16xf32>,
        %add3A_675 = arith.addf %scan3A_636, %get3A_674 : vector<16xf32>
        %add3A_676 = arith.constant 0 : i32
        %add3A_677 = arith.addi %mul3A_641, %add3A_676 : i32
        %get3A_678 = arith.constant 5 : i32
        %get3A_679 = arith.index_cast %get3A_678 : i32 to index
        %get3A_680 = arith.index_cast %add3A_677 : i32 to index
        %get3A_681 = tpu.vector_load %arg4[%get3A_679, %get3A_680] {strides = array<i32>} : memref<8x4096xf32, #tpu.memory_space<vmem>>, vector<16xf32>,
        %add3A_682 = arith.addf %scan3A_637, %get3A_681 : vector<16xf32>
        %add3A_683 = arith.constant 0 : i32
        %add3A_684 = arith.addi %mul3A_641, %add3A_683 : i32
        %get3A_685 = arith.constant 6 : i32
        %get3A_686 = arith.index_cast %get3A_685 : i32 to index
        %get3A_687 = arith.index_cast %add3A_684 : i32 to index
        %get3A_688 = tpu.vector_load %arg4[%get3A_686, %get3A_687] {strides = array<i32>} : memref<8x4096xf32, #tpu.memory_space<vmem>>, vector<16xf32>,
        %add3A_689 = arith.addf %scan3A_638, %get3A_688 : vector<16xf32>
        %add3A_690 = arith.constant 0 : i32
        %add3A_691 = arith.addi %mul3A_641, %add3A_690 : i32
        %get3A_692 = arith.constant 7 : i32
        %get3A_693 = arith.index_cast %get3A_692 : i32 to index
        %get3A_694 = arith.index_cast %add3A_691 : i32 to index
        %get3A_695 = tpu.vector_load %arg4[%get3A_693, %get3A_694] {strides = array<i32>} : memref<8x4096xf32, #tpu.memory_space<vmem>>, vector<16xf32>,
        %add3A_696 = arith.addf %scan3A_639, %get3A_695 : vector<16xf32>
        %add3A_697 = arith.constant 16 : i32
        %add3A_698 = arith.addi %mul3A_641, %add3A_697 : i32
        %get3A_699 = arith.constant 0 : i32
        %get3A_700 = arith.index_cast %get3A_699 : i32 to index
        %get3A_701 = arith.index_cast %add3A_698 : i32 to index
        %get3A_702 = tpu.vector_load %arg4[%get3A_700, %get3A_701] {strides = array<i32>} : memref<8x4096xf32, #tpu.memory_space<vmem>>, vector<16xf32>,
        %add3A_703 = arith.addf %add3A_647, %get3A_702 : vector<16xf32>
        %add3A_704 = arith.constant 16 : i32
        %add3A_705 = arith.addi %mul3A_641, %add3A_704 : i32
        %get3A_706 = arith.constant 1 : i32
        %get3A_707 = arith.index_cast %get3A_706 : i32 to index
        %get3A_708 = arith.index_cast %add3A_705 : i32 to index
        %get3A_709 = tpu.vector_load %arg4[%get3A_707, %get3A_708] {strides = array<i32>} : memref<8x4096xf32, #tpu.memory_space<vmem>>, vector<16xf32>,
        %add3A_710 = arith.addf %add3A_654, %get3A_709 : vector<16xf32>
        %add3A_711 = arith.constant 16 : i32
        %add3A_712 = arith.addi %mul3A_641, %add3A_711 : i32
        %get3A_713 = arith.constant 2 : i32
        %get3A_714 = arith.index_cast %get3A_713 : i32 to index
        %get3A_715 = arith.index_cast %add3A_712 : i32 to index
        %get3A_716 = tpu.vector_load %arg4[%get3A_714, %get3A_715] {strides = array<i32>} : memref<8x4096xf32, #tpu.memory_space<vmem>>, vector<16xf32>,
        %add3A_717 = arith.addf %add3A_661, %get3A_716 : vector<16xf32>
        %add3A_718 = arith.constant 16 : i32
        %add3A_719 = arith.addi %mul3A_641, %add3A_718 : i32
        %get3A_720 = arith.constant 3 : i32
        %get3A_721 = arith.index_cast %get3A_720 : i32 to index
        %get3A_722 = arith.index_cast %add3A_719 : i32 to index
        %get3A_723 = tpu.vector_load %arg4[%get3A_721, %get3A_722] {strides = array<i32>} : memref<8x4096xf32, #tpu.memory_space<vmem>>, vector<16xf32>,
        %add3A_724 = arith.addf %add3A_668, %get3A_723 : vector<16xf32>
        %add3A_725 = arith.constant 16 : i32
        %add3A_726 = arith.addi %mul3A_641, %add3A_725 : i32
        %get3A_727 = arith.constant 4 : i32
        %get3A_728 = arith.index_cast %get3A_727 : i32 to index
        %get3A_729 = arith.index_cast %add3A_726 : i32 to index
        %get3A_730 = tpu.vector_load %arg4[%get3A_728, %get3A_729] {strides = array<i32>} : memref<8x4096xf32, #tpu.memory_space<vmem>>, vector<16xf32>,
        %add3A_731 = arith.addf %add3A_675, %get3A_730 : vector<16xf32>
        %add3A_732 = arith.constant 16 : i32
        %add3A_733 = arith.addi %mul3A_641, %add3A_732 : i32
        %get3A_734 = arith.constant 5 : i32
        %get3A_735 = arith.index_cast %get3A_734 : i32 to index
        %get3A_736 = arith.index_cast %add3A_733 : i32 to index
        %get3A_737 = tpu.vector_load %arg4[%get3A_735, %get3A_736] {strides = array<i32>} : memref<8x4096xf32, #tpu.memory_space<vmem>>, vector<16xf32>,
        %add3A_738 = arith.addf %add3A_682, %get3A_737 : vector<16xf32>
        %add3A_739 = arith.constant 16 : i32
        %add3A_740 = arith.addi %mul3A_641, %add3A_739 : i32
        %get3A_741 = arith.constant 6 : i32
        %get3A_742 = arith.index_cast %get3A_741 : i32 to index
        %get3A_743 = arith.index_cast %add3A_740 : i32 to index
        %get3A_744 = tpu.vector_load %arg4[%get3A_742, %get3A_743] {strides = array<i32>} : memref<8x4096xf32, #tpu.memory_space<vmem>>, vector<16xf32>,
        %add3A_745 = arith.addf %add3A_689, %get3A_744 : vector<16xf32>
        %add3A_746 = arith.constant 16 : i32
        %add3A_747 = arith.addi %mul3A_641, %add3A_746 : i32
        %get3A_748 = arith.constant 7 : i32
        %get3A_749 = arith.index_cast %get3A_748 : i32 to index
        %get3A_750 = arith.index_cast %add3A_747 : i32 to index
        %get3A_751 = tpu.vector_load %arg4[%get3A_749, %get3A_750] {strides = array<i32>} : memref<8x4096xf32, #tpu.memory_space<vmem>>, vector<16xf32>,
        %add3A_752 = arith.addf %add3A_696, %get3A_751 : vector<16xf32>
        %add3A_753 = arith.constant 32 : i32
        %add3A_754 = arith.addi %mul3A_641, %add3A_753 : i32
        %get3A_755 = arith.constant 0 : i32
        %get3A_756 = arith.index_cast %get3A_755 : i32 to index
        %get3A_757 = arith.index_cast %add3A_754 : i32 to index
        %get3A_758 = tpu.vector_load %arg4[%get3A_756, %get3A_757] {strides = array<i32>} : memref<8x4096xf32, #tpu.memory_space<vmem>>, vector<16xf32>,
        %add3A_759 = arith.addf %add3A_703, %get3A_758 : vector<16xf32>
        %add3A_760 = arith.constant 32 : i32
        %add3A_761 = arith.addi %mul3A_641, %add3A_760 : i32
        %get3A_762 = arith.constant 1 : i32
        %get3A_763 = arith.index_cast %get3A_762 : i32 to index
        %get3A_764 = arith.index_cast %add3A_761 : i32 to index
        %get3A_765 = tpu.vector_load %arg4[%get3A_763, %get3A_764] {strides = array<i32>} : memref<8x4096xf32, #tpu.memory_space<vmem>>, vector<16xf32>,
        %add3A_766 = arith.addf %add3A_710, %get3A_765 : vector<16xf32>
        %add3A_767 = arith.constant 32 : i32
        %add3A_768 = arith.addi %mul3A_641, %add3A_767 : i32
        %get3A_769 = arith.constant 2 : i32
        %get3A_770 = arith.index_cast %get3A_769 : i32 to index
        %get3A_771 = arith.index_cast %add3A_768 : i32 to index
        %get3A_772 = tpu.vector_load %arg4[%get3A_770, %get3A_771] {strides = array<i32>} : memref<8x4096xf32, #tpu.memory_space<vmem>>, vector<16xf32>,
        %add3A_773 = arith.addf %add3A_717, %get3A_772 : vector<16xf32>
        %add3A_774 = arith.constant 32 : i32
        %add3A_775 = arith.addi %mul3A_641, %add3A_774 : i32
        %get3A_776 = arith.constant 3 : i32
        %get3A_777 = arith.index_cast %get3A_776 : i32 to index
        %get3A_778 = arith.index_cast %add3A_775 : i32 to index
        %get3A_779 = tpu.vector_load %arg4[%get3A_777, %get3A_778] {strides = array<i32>} : memref<8x4096xf32, #tpu.memory_space<vmem>>, vector<16xf32>,
        %add3A_780 = arith.addf %add3A_724, %get3A_779 : vector<16xf32>
        %add3A_781 = arith.constant 32 : i32
        %add3A_782 = arith.addi %mul3A_641, %add3A_781 : i32
        %get3A_783 = arith.constant 4 : i32
        %get3A_784 = arith.index_cast %get3A_783 : i32 to index
        %get3A_785 = arith.index_cast %add3A_782 : i32 to index
        %get3A_786 = tpu.vector_load %arg4[%get3A_784, %get3A_785] {strides = array<i32>} : memref<8x4096xf32, #tpu.memory_space<vmem>>, vector<16xf32>,
        %add3A_787 = arith.addf %add3A_731, %get3A_786 : vector<16xf32>
        %add3A_788 = arith.constant 32 : i32
        %add3A_789 = arith.addi %mul3A_641, %add3A_788 : i32
        %get3A_790 = arith.constant 5 : i32
        %get3A_791 = arith.index_cast %get3A_790 : i32 to index
        %get3A_792 = arith.index_cast %add3A_789 : i32 to index
        %get3A_793 = tpu.vector_load %arg4[%get3A_791, %get3A_792] {strides = array<i32>} : memref<8x4096xf32, #tpu.memory_space<vmem>>, vector<16xf32>,
        %add3A_794 = arith.addf %add3A_738, %get3A_793 : vector<16xf32>
        %add3A_795 = arith.constant 32 : i32
        %add3A_796 = arith.addi %mul3A_641, %add3A_795 : i32
        %get3A_797 = arith.constant 6 : i32
        %get3A_798 = arith.index_cast %get3A_797 : i32 to index
        %get3A_799 = arith.index_cast %add3A_796 : i32 to index
        %get3A_800 = tpu.vector_load %arg4[%get3A_798, %get3A_799] {strides = array<i32>} : memref<8x4096xf32, #tpu.memory_space<vmem>>, vector<16xf32>,
        %add3A_801 = arith.addf %add3A_745, %get3A_800 : vector<16xf32>
        %add3A_802 = arith.constant 32 : i32
        %add3A_803 = arith.addi %mul3A_641, %add3A_802 : i32
        %get3A_804 = arith.constant 7 : i32
        %get3A_805 = arith.index_cast %get3A_804 : i32 to index
        %get3A_806 = arith.index_cast %add3A_803 : i32 to index
        %get3A_807 = tpu.vector_load %arg4[%get3A_805, %get3A_806] {strides = array<i32>} : memref<8x4096xf32, #tpu.memory_space<vmem>>, vector<16xf32>,
        %add3A_808 = arith.addf %add3A_752, %get3A_807 : vector<16xf32>
        %add3A_809 = arith.constant 48 : i32
        %add3A_810 = arith.addi %mul3A_641, %add3A_809 : i32
        %get3A_811 = arith.constant 0 : i32
        %get3A_812 = arith.index_cast %get3A_811 : i32 to index
        %get3A_813 = arith.index_cast %add3A_810 : i32 to index
        %get3A_814 = tpu.vector_load %arg4[%get3A_812, %get3A_813] {strides = array<i32>} : memref<8x4096xf32, #tpu.memory_space<vmem>>, vector<16xf32>,
        %add3A_815 = arith.addf %add3A_759, %get3A_814 : vector<16xf32>
        %add3A_816 = arith.constant 48 : i32
        %add3A_817 = arith.addi %mul3A_641, %add3A_816 : i32
        %get3A_818 = arith.constant 1 : i32
        %get3A_819 = arith.index_cast %get3A_818 : i32 to index
        %get3A_820 = arith.index_cast %add3A_817 : i32 to index
        %get3A_821 = tpu.vector_load %arg4[%get3A_819, %get3A_820] {strides = array<i32>} : memref<8x4096xf32, #tpu.memory_space<vmem>>, vector<16xf32>,
        %add3A_822 = arith.addf %add3A_766, %get3A_821 : vector<16xf32>
        %add3A_823 = arith.constant 48 : i32
        %add3A_824 = arith.addi %mul3A_641, %add3A_823 : i32
        %get3A_825 = arith.constant 2 : i32
        %get3A_826 = arith.index_cast %get3A_825 : i32 to index
        %get3A_827 = arith.index_cast %add3A_824 : i32 to index
        %get3A_828 = tpu.vector_load %arg4[%get3A_826, %get3A_827] {strides = array<i32>} : memref<8x4096xf32, #tpu.memory_space<vmem>>, vector<16xf32>,
        %add3A_829 = arith.addf %add3A_773, %get3A_828 : vector<16xf32>
        %add3A_830 = arith.constant 48 : i32
        %add3A_831 = arith.addi %mul3A_641, %add3A_830 : i32
        %get3A_832 = arith.constant 3 : i32
        %get3A_833 = arith.index_cast %get3A_832 : i32 to index
        %get3A_834 = arith.index_cast %add3A_831 : i32 to index
        %get3A_835 = tpu.vector_load %arg4[%get3A_833, %get3A_834] {strides = array<i32>} : memref<8x4096xf32, #tpu.memory_space<vmem>>, vector<16xf32>,
        %add3A_836 = arith.addf %add3A_780, %get3A_835 : vector<16xf32>
        %add3A_837 = arith.constant 48 : i32
        %add3A_838 = arith.addi %mul3A_641, %add3A_837 : i32
        %get3A_839 = arith.constant 4 : i32
        %get3A_840 = arith.index_cast %get3A_839 : i32 to index
        %get3A_841 = arith.index_cast %add3A_838 : i32 to index
        %get3A_842 = tpu.vector_load %arg4[%get3A_840, %get3A_841] {strides = array<i32>} : memref<8x4096xf32, #tpu.memory_space<vmem>>, vector<16xf32>,
        %add3A_843 = arith.addf %add3A_787, %get3A_842 : vector<16xf32>
        %add3A_844 = arith.constant 48 : i32
        %add3A_845 = arith.addi %mul3A_641, %add3A_844 : i32
        %get3A_846 = arith.constant 5 : i32
        %get3A_847 = arith.index_cast %get3A_846 : i32 to index
        %get3A_848 = arith.index_cast %add3A_845 : i32 to index
        %get3A_849 = tpu.vector_load %arg4[%get3A_847, %get3A_848] {strides = array<i32>} : memref<8x4096xf32, #tpu.memory_space<vmem>>, vector<16xf32>,
        %add3A_850 = arith.addf %add3A_794, %get3A_849 : vector<16xf32>
        %add3A_851 = arith.constant 48 : i32
        %add3A_852 = arith.addi %mul3A_641, %add3A_851 : i32
        %get3A_853 = arith.constant 6 : i32
        %get3A_854 = arith.index_cast %get3A_853 : i32 to index
        %get3A_855 = arith.index_cast %add3A_852 : i32 to index
        %get3A_856 = tpu.vector_load %arg4[%get3A_854, %get3A_855] {strides = array<i32>} : memref<8x4096xf32, #tpu.memory_space<vmem>>, vector<16xf32>,
        %add3A_857 = arith.addf %add3A_801, %get3A_856 : vector<16xf32>
        %add3A_858 = arith.constant 48 : i32
        %add3A_859 = arith.addi %mul3A_641, %add3A_858 : i32
        %get3A_860 = arith.constant 7 : i32
        %get3A_861 = arith.index_cast %get3A_860 : i32 to index
        %get3A_862 = arith.index_cast %add3A_859 : i32 to index
        %get3A_863 = tpu.vector_load %arg4[%get3A_861, %get3A_862] {strides = array<i32>} : memref<8x4096xf32, #tpu.memory_space<vmem>>, vector<16xf32>,
        %add3A_864 = arith.addf %add3A_808, %get3A_863 : vector<16xf32>
        scf.yield %add3A_815, %add3A_822, %add3A_829, %add3A_836, %add3A_843, %add3A_850, %add3A_857, %add3A_864 : vector<16xf32>, vector<16xf32>, vector<16xf32>, vector<16xf32>, vector<16xf32>, vector<16xf32>, vector<16xf32>, vector<16xf32>
      }
      %scan3A_584 = arith.constant 64 : i32
      %add3A_585 = arith.constant 3 : i32
      %add3A_586 = arith.addi %add3A_575, %add3A_585 : i32
      %lt3A = arith.constant 24 : i32
      %lt3A_587 = arith.cmpi slt, %add3A_586, %lt3A : i32
      %convert_element_type3A = arith.extui %lt3A_587 : i1 to i32
      %cond3A = arith.constant 0 : i32
      %cond3A_588 = arith.cmpi ne, %convert_element_type3A, %cond3A : i32
      scf.if %cond3A_588 {
        %mul3A_631 = arith.constant 4096 : i32
        %mul3A_632 = arith.muli %add3A_586, %mul3A_631 : i32
        %dma_start3A_633 = tpu.memref_slice %arg2[%add3A_4, %mul3A_632] : memref<1024x100000xf32, #tpu.memory_space<hbm>> -> memref<8x4096xf32, #tpu.memory_space<hbm>>
        %dma_start3A_634 = tpu.memref_slice %arg2[%add3A_4, %mul3A_632] : memref<1024x100000xf32, #tpu.memory_space<hbm>> -> memref<8x4096xf32, #tpu.memory_space<hbm>>
        tpu.enqueue_dma source(%dma_start3A_634 : memref<8x4096xf32, #tpu.memory_space<hbm>>) target(%arg4 : memref<8x4096xf32, #tpu.memory_space<vmem>>) target_semaphore(%arg9 : memref<!tpu.dma_semaphore, #tpu.memory_space<semaphore_mem>>)
      } else {
      }
      %mul3A_589 = arith.constant 3 : i32
      %mul3A_590 = arith.muli %scan3A_563, %mul3A_589 : i32
      %add3A_591 = arith.constant 1 : i32
      %add3A_592 = arith.addi %mul3A_590, %add3A_591 : i32
      %dma_wait3A_593 = arith.constant 0 : i32
      %dma_wait3A_594 = tpu.memref_slice %arg2[%add3A_4, %dma_wait3A_593] : memref<1024x100000xf32, #tpu.memory_space<hbm>> -> memref<8x4096xf32, #tpu.memory_space<hbm>>
      %dma_wait3A_595 = arith.constant 0 : i32
      %dma_wait3A_596 = tpu.memref_slice %arg2[%add3A_4, %dma_wait3A_595] : memref<1024x100000xf32, #tpu.memory_space<hbm>> -> memref<8x4096xf32, #tpu.memory_space<hbm>>
      tpu.wait_dma2 semaphore(%arg9 : memref<!tpu.dma_semaphore, #tpu.memory_space<semaphore_mem>>) src(%dma_wait3A_596 : memref<8x4096xf32, #tpu.memory_space<hbm>>) dst(%arg5 : memref<8x4096xf32, #tpu.memory_space<vmem>>)
      %scan3A_597 = arith.constant 0 : i32
      %scan3A_598 = arith.constant 64 : i32
      %scan3A_599 = arith.addi %scan3A_597, %scan3A_598 : i32
      %scan3A_600 = arith.constant 1 : i32
      %scan3A_601:8 = scf.for %scan3A_631 = %scan3A_597 to %scan3A_599 step %scan3A_600 iter_args(%scan3A_632 = %scan3A_583#0, %scan3A_633 = %scan3A_583#1, %scan3A_634 = %scan3A_583#2, %scan3A_635 = %scan3A_583#3, %scan3A_636 = %scan3A_583#4, %scan3A_637 = %scan3A_583#5, %scan3A_638 = %scan3A_583#6, %scan3A_639 = %scan3A_583#7) -> (vector<16xf32>, vector<16xf32>, vector<16xf32>, vector<16xf32>, vector<16xf32>, vector<16xf32>, vector<16xf32>, vector<16xf32>)  : i32 {
        %mul3A_640 = arith.constant 64 : i32
        %mul3A_641 = arith.muli %scan3A_631, %mul3A_640 : i32
        %add3A_642 = arith.constant 0 : i32
        %add3A_643 = arith.addi %mul3A_641, %add3A_642 : i32
        %get3A = arith.constant 0 : i32
        %get3A_644 = arith.index_cast %get3A : i32 to index
        %get3A_645 = arith.index_cast %add3A_643 : i32 to index
        %get3A_646 = tpu.vector_load %arg5[%get3A_644, %get3A_645] {strides = array<i32>} : memref<8x4096xf32, #tpu.memory_space<vmem>>, vector<16xf32>,
        %add3A_647 = arith.addf %scan3A_632, %get3A_646 : vector<16xf32>
        %add3A_648 = arith.constant 0 : i32
        %add3A_649 = arith.addi %mul3A_641, %add3A_648 : i32
        %get3A_650 = arith.constant 1 : i32
        %get3A_651 = arith.index_cast %get3A_650 : i32 to index
        %get3A_652 = arith.index_cast %add3A_649 : i32 to index
        %get3A_653 = tpu.vector_load %arg5[%get3A_651, %get3A_652] {strides = array<i32>} : memref<8x4096xf32, #tpu.memory_space<vmem>>, vector<16xf32>,
        %add3A_654 = arith.addf %scan3A_633, %get3A_653 : vector<16xf32>
        %add3A_655 = arith.constant 0 : i32
        %add3A_656 = arith.addi %mul3A_641, %add3A_655 : i32
        %get3A_657 = arith.constant 2 : i32
        %get3A_658 = arith.index_cast %get3A_657 : i32 to index
        %get3A_659 = arith.index_cast %add3A_656 : i32 to index
        %get3A_660 = tpu.vector_load %arg5[%get3A_658, %get3A_659] {strides = array<i32>} : memref<8x4096xf32, #tpu.memory_space<vmem>>, vector<16xf32>,
        %add3A_661 = arith.addf %scan3A_634, %get3A_660 : vector<16xf32>
        %add3A_662 = arith.constant 0 : i32
        %add3A_663 = arith.addi %mul3A_641, %add3A_662 : i32
        %get3A_664 = arith.constant 3 : i32
        %get3A_665 = arith.index_cast %get3A_664 : i32 to index
        %get3A_666 = arith.index_cast %add3A_663 : i32 to index
        %get3A_667 = tpu.vector_load %arg5[%get3A_665, %get3A_666] {strides = array<i32>} : memref<8x4096xf32, #tpu.memory_space<vmem>>, vector<16xf32>,
        %add3A_668 = arith.addf %scan3A_635, %get3A_667 : vector<16xf32>
        %add3A_669 = arith.constant 0 : i32
        %add3A_670 = arith.addi %mul3A_641, %add3A_669 : i32
        %get3A_671 = arith.constant 4 : i32
        %get3A_672 = arith.index_cast %get3A_671 : i32 to index
        %get3A_673 = arith.index_cast %add3A_670 : i32 to index
        %get3A_674 = tpu.vector_load %arg5[%get3A_672, %get3A_673] {strides = array<i32>} : memref<8x4096xf32, #tpu.memory_space<vmem>>, vector<16xf32>,
        %add3A_675 = arith.addf %scan3A_636, %get3A_674 : vector<16xf32>
        %add3A_676 = arith.constant 0 : i32
        %add3A_677 = arith.addi %mul3A_641, %add3A_676 : i32
        %get3A_678 = arith.constant 5 : i32
        %get3A_679 = arith.index_cast %get3A_678 : i32 to index
        %get3A_680 = arith.index_cast %add3A_677 : i32 to index
        %get3A_681 = tpu.vector_load %arg5[%get3A_679, %get3A_680] {strides = array<i32>} : memref<8x4096xf32, #tpu.memory_space<vmem>>, vector<16xf32>,
        %add3A_682 = arith.addf %scan3A_637, %get3A_681 : vector<16xf32>
        %add3A_683 = arith.constant 0 : i32
        %add3A_684 = arith.addi %mul3A_641, %add3A_683 : i32
        %get3A_685 = arith.constant 6 : i32
        %get3A_686 = arith.index_cast %get3A_685 : i32 to index
        %get3A_687 = arith.index_cast %add3A_684 : i32 to index
        %get3A_688 = tpu.vector_load %arg5[%get3A_686, %get3A_687] {strides = array<i32>} : memref<8x4096xf32, #tpu.memory_space<vmem>>, vector<16xf32>,
        %add3A_689 = arith.addf %scan3A_638, %get3A_688 : vector<16xf32>
        %add3A_690 = arith.constant 0 : i32
        %add3A_691 = arith.addi %mul3A_641, %add3A_690 : i32
        %get3A_692 = arith.constant 7 : i32
        %get3A_693 = arith.index_cast %get3A_692 : i32 to index
        %get3A_694 = arith.index_cast %add3A_691 : i32 to index
        %get3A_695 = tpu.vector_load %arg5[%get3A_693, %get3A_694] {strides = array<i32>} : memref<8x4096xf32, #tpu.memory_space<vmem>>, vector<16xf32>,
        %add3A_696 = arith.addf %scan3A_639, %get3A_695 : vector<16xf32>
        %add3A_697 = arith.constant 16 : i32
        %add3A_698 = arith.addi %mul3A_641, %add3A_697 : i32
        %get3A_699 = arith.constant 0 : i32
        %get3A_700 = arith.index_cast %get3A_699 : i32 to index
        %get3A_701 = arith.index_cast %add3A_698 : i32 to index
        %get3A_702 = tpu.vector_load %arg5[%get3A_700, %get3A_701] {strides = array<i32>} : memref<8x4096xf32, #tpu.memory_space<vmem>>, vector<16xf32>,
        %add3A_703 = arith.addf %add3A_647, %get3A_702 : vector<16xf32>
        %add3A_704 = arith.constant 16 : i32
        %add3A_705 = arith.addi %mul3A_641, %add3A_704 : i32
        %get3A_706 = arith.constant 1 : i32
        %get3A_707 = arith.index_cast %get3A_706 : i32 to index
        %get3A_708 = arith.index_cast %add3A_705 : i32 to index
        %get3A_709 = tpu.vector_load %arg5[%get3A_707, %get3A_708] {strides = array<i32>} : memref<8x4096xf32, #tpu.memory_space<vmem>>, vector<16xf32>,
        %add3A_710 = arith.addf %add3A_654, %get3A_709 : vector<16xf32>
        %add3A_711 = arith.constant 16 : i32
        %add3A_712 = arith.addi %mul3A_641, %add3A_711 : i32
        %get3A_713 = arith.constant 2 : i32
        %get3A_714 = arith.index_cast %get3A_713 : i32 to index
        %get3A_715 = arith.index_cast %add3A_712 : i32 to index
        %get3A_716 = tpu.vector_load %arg5[%get3A_714, %get3A_715] {strides = array<i32>} : memref<8x4096xf32, #tpu.memory_space<vmem>>, vector<16xf32>,
        %add3A_717 = arith.addf %add3A_661, %get3A_716 : vector<16xf32>
        %add3A_718 = arith.constant 16 : i32
        %add3A_719 = arith.addi %mul3A_641, %add3A_718 : i32
        %get3A_720 = arith.constant 3 : i32
        %get3A_721 = arith.index_cast %get3A_720 : i32 to index
        %get3A_722 = arith.index_cast %add3A_719 : i32 to index
        %get3A_723 = tpu.vector_load %arg5[%get3A_721, %get3A_722] {strides = array<i32>} : memref<8x4096xf32, #tpu.memory_space<vmem>>, vector<16xf32>,
        %add3A_724 = arith.addf %add3A_668, %get3A_723 : vector<16xf32>
        %add3A_725 = arith.constant 16 : i32
        %add3A_726 = arith.addi %mul3A_641, %add3A_725 : i32
        %get3A_727 = arith.constant 4 : i32
        %get3A_728 = arith.index_cast %get3A_727 : i32 to index
        %get3A_729 = arith.index_cast %add3A_726 : i32 to index
        %get3A_730 = tpu.vector_load %arg5[%get3A_728, %get3A_729] {strides = array<i32>} : memref<8x4096xf32, #tpu.memory_space<vmem>>, vector<16xf32>,
        %add3A_731 = arith.addf %add3A_675, %get3A_730 : vector<16xf32>
        %add3A_732 = arith.constant 16 : i32
        %add3A_733 = arith.addi %mul3A_641, %add3A_732 : i32
        %get3A_734 = arith.constant 5 : i32
        %get3A_735 = arith.index_cast %get3A_734 : i32 to index
        %get3A_736 = arith.index_cast %add3A_733 : i32 to index
        %get3A_737 = tpu.vector_load %arg5[%get3A_735, %get3A_736] {strides = array<i32>} : memref<8x4096xf32, #tpu.memory_space<vmem>>, vector<16xf32>,
        %add3A_738 = arith.addf %add3A_682, %get3A_737 : vector<16xf32>
        %add3A_739 = arith.constant 16 : i32
        %add3A_740 = arith.addi %mul3A_641, %add3A_739 : i32
        %get3A_741 = arith.constant 6 : i32
        %get3A_742 = arith.index_cast %get3A_741 : i32 to index
        %get3A_743 = arith.index_cast %add3A_740 : i32 to index
        %get3A_744 = tpu.vector_load %arg5[%get3A_742, %get3A_743] {strides = array<i32>} : memref<8x4096xf32, #tpu.memory_space<vmem>>, vector<16xf32>,
        %add3A_745 = arith.addf %add3A_689, %get3A_744 : vector<16xf32>
        %add3A_746 = arith.constant 16 : i32
        %add3A_747 = arith.addi %mul3A_641, %add3A_746 : i32
        %get3A_748 = arith.constant 7 : i32
        %get3A_749 = arith.index_cast %get3A_748 : i32 to index
        %get3A_750 = arith.index_cast %add3A_747 : i32 to index
        %get3A_751 = tpu.vector_load %arg5[%get3A_749, %get3A_750] {strides = array<i32>} : memref<8x4096xf32, #tpu.memory_space<vmem>>, vector<16xf32>,
        %add3A_752 = arith.addf %add3A_696, %get3A_751 : vector<16xf32>
        %add3A_753 = arith.constant 32 : i32
        %add3A_754 = arith.addi %mul3A_641, %add3A_753 : i32
        %get3A_755 = arith.constant 0 : i32
        %get3A_756 = arith.index_cast %get3A_755 : i32 to index
        %get3A_757 = arith.index_cast %add3A_754 : i32 to index
        %get3A_758 = tpu.vector_load %arg5[%get3A_756, %get3A_757] {strides = array<i32>} : memref<8x4096xf32, #tpu.memory_space<vmem>>, vector<16xf32>,
        %add3A_759 = arith.addf %add3A_703, %get3A_758 : vector<16xf32>
        %add3A_760 = arith.constant 32 : i32
        %add3A_761 = arith.addi %mul3A_641, %add3A_760 : i32
        %get3A_762 = arith.constant 1 : i32
        %get3A_763 = arith.index_cast %get3A_762 : i32 to index
        %get3A_764 = arith.index_cast %add3A_761 : i32 to index
        %get3A_765 = tpu.vector_load %arg5[%get3A_763, %get3A_764] {strides = array<i32>} : memref<8x4096xf32, #tpu.memory_space<vmem>>, vector<16xf32>,
        %add3A_766 = arith.addf %add3A_710, %get3A_765 : vector<16xf32>
        %add3A_767 = arith.constant 32 : i32
        %add3A_768 = arith.addi %mul3A_641, %add3A_767 : i32
        %get3A_769 = arith.constant 2 : i32
        %get3A_770 = arith.index_cast %get3A_769 : i32 to index
        %get3A_771 = arith.index_cast %add3A_768 : i32 to index
        %get3A_772 = tpu.vector_load %arg5[%get3A_770, %get3A_771] {strides = array<i32>} : memref<8x4096xf32, #tpu.memory_space<vmem>>, vector<16xf32>,
        %add3A_773 = arith.addf %add3A_717, %get3A_772 : vector<16xf32>
        %add3A_774 = arith.constant 32 : i32
        %add3A_775 = arith.addi %mul3A_641, %add3A_774 : i32
        %get3A_776 = arith.constant 3 : i32
        %get3A_777 = arith.index_cast %get3A_776 : i32 to index
        %get3A_778 = arith.index_cast %add3A_775 : i32 to index
        %get3A_779 = tpu.vector_load %arg5[%get3A_777, %get3A_778] {strides = array<i32>} : memref<8x4096xf32, #tpu.memory_space<vmem>>, vector<16xf32>,
        %add3A_780 = arith.addf %add3A_724, %get3A_779 : vector<16xf32>
        %add3A_781 = arith.constant 32 : i32
        %add3A_782 = arith.addi %mul3A_641, %add3A_781 : i32
        %get3A_783 = arith.constant 4 : i32
        %get3A_784 = arith.index_cast %get3A_783 : i32 to index
        %get3A_785 = arith.index_cast %add3A_782 : i32 to index
        %get3A_786 = tpu.vector_load %arg5[%get3A_784, %get3A_785] {strides = array<i32>} : memref<8x4096xf32, #tpu.memory_space<vmem>>, vector<16xf32>,
        %add3A_787 = arith.addf %add3A_731, %get3A_786 : vector<16xf32>
        %add3A_788 = arith.constant 32 : i32
        %add3A_789 = arith.addi %mul3A_641, %add3A_788 : i32
        %get3A_790 = arith.constant 5 : i32
        %get3A_791 = arith.index_cast %get3A_790 : i32 to index
        %get3A_792 = arith.index_cast %add3A_789 : i32 to index
        %get3A_793 = tpu.vector_load %arg5[%get3A_791, %get3A_792] {strides = array<i32>} : memref<8x4096xf32, #tpu.memory_space<vmem>>, vector<16xf32>,
        %add3A_794 = arith.addf %add3A_738, %get3A_793 : vector<16xf32>
        %add3A_795 = arith.constant 32 : i32
        %add3A_796 = arith.addi %mul3A_641, %add3A_795 : i32
        %get3A_797 = arith.constant 6 : i32
        %get3A_798 = arith.index_cast %get3A_797 : i32 to index
        %get3A_799 = arith.index_cast %add3A_796 : i32 to index
        %get3A_800 = tpu.vector_load %arg5[%get3A_798, %get3A_799] {strides = array<i32>} : memref<8x4096xf32, #tpu.memory_space<vmem>>, vector<16xf32>,
        %add3A_801 = arith.addf %add3A_745, %get3A_800 : vector<16xf32>
        %add3A_802 = arith.constant 32 : i32
        %add3A_803 = arith.addi %mul3A_641, %add3A_802 : i32
        %get3A_804 = arith.constant 7 : i32
        %get3A_805 = arith.index_cast %get3A_804 : i32 to index
        %get3A_806 = arith.index_cast %add3A_803 : i32 to index
        %get3A_807 = tpu.vector_load %arg5[%get3A_805, %get3A_806] {strides = array<i32>} : memref<8x4096xf32, #tpu.memory_space<vmem>>, vector<16xf32>,
        %add3A_808 = arith.addf %add3A_752, %get3A_807 : vector<16xf32>
        %add3A_809 = arith.constant 48 : i32
        %add3A_810 = arith.addi %mul3A_641, %add3A_809 : i32
        %get3A_811 = arith.constant 0 : i32
        %get3A_812 = arith.index_cast %get3A_811 : i32 to index
        %get3A_813 = arith.index_cast %add3A_810 : i32 to index
        %get3A_814 = tpu.vector_load %arg5[%get3A_812, %get3A_813] {strides = array<i32>} : memref<8x4096xf32, #tpu.memory_space<vmem>>, vector<16xf32>,
        %add3A_815 = arith.addf %add3A_759, %get3A_814 : vector<16xf32>
        %add3A_816 = arith.constant 48 : i32
        %add3A_817 = arith.addi %mul3A_641, %add3A_816 : i32
        %get3A_818 = arith.constant 1 : i32
        %get3A_819 = arith.index_cast %get3A_818 : i32 to index
        %get3A_820 = arith.index_cast %add3A_817 : i32 to index
        %get3A_821 = tpu.vector_load %arg5[%get3A_819, %get3A_820] {strides = array<i32>} : memref<8x4096xf32, #tpu.memory_space<vmem>>, vector<16xf32>,
        %add3A_822 = arith.addf %add3A_766, %get3A_821 : vector<16xf32>
        %add3A_823 = arith.constant 48 : i32
        %add3A_824 = arith.addi %mul3A_641, %add3A_823 : i32
        %get3A_825 = arith.constant 2 : i32
        %get3A_826 = arith.index_cast %get3A_825 : i32 to index
        %get3A_827 = arith.index_cast %add3A_824 : i32 to index
        %get3A_828 = tpu.vector_load %arg5[%get3A_826, %get3A_827] {strides = array<i32>} : memref<8x4096xf32, #tpu.memory_space<vmem>>, vector<16xf32>,
        %add3A_829 = arith.addf %add3A_773, %get3A_828 : vector<16xf32>
        %add3A_830 = arith.constant 48 : i32
        %add3A_831 = arith.addi %mul3A_641, %add3A_830 : i32
        %get3A_832 = arith.constant 3 : i32
        %get3A_833 = arith.index_cast %get3A_832 : i32 to index
        %get3A_834 = arith.index_cast %add3A_831 : i32 to index
        %get3A_835 = tpu.vector_load %arg5[%get3A_833, %get3A_834] {strides = array<i32>} : memref<8x4096xf32, #tpu.memory_space<vmem>>, vector<16xf32>,
        %add3A_836 = arith.addf %add3A_780, %get3A_835 : vector<16xf32>
        %add3A_837 = arith.constant 48 : i32
        %add3A_838 = arith.addi %mul3A_641, %add3A_837 : i32
        %get3A_839 = arith.constant 4 : i32
        %get3A_840 = arith.index_cast %get3A_839 : i32 to index
        %get3A_841 = arith.index_cast %add3A_838 : i32 to index
        %get3A_842 = tpu.vector_load %arg5[%get3A_840, %get3A_841] {strides = array<i32>} : memref<8x4096xf32, #tpu.memory_space<vmem>>, vector<16xf32>,
        %add3A_843 = arith.addf %add3A_787, %get3A_842 : vector<16xf32>
        %add3A_844 = arith.constant 48 : i32
        %add3A_845 = arith.addi %mul3A_641, %add3A_844 : i32
        %get3A_846 = arith.constant 5 : i32
        %get3A_847 = arith.index_cast %get3A_846 : i32 to index
        %get3A_848 = arith.index_cast %add3A_845 : i32 to index
        %get3A_849 = tpu.vector_load %arg5[%get3A_847, %get3A_848] {strides = array<i32>} : memref<8x4096xf32, #tpu.memory_space<vmem>>, vector<16xf32>,
        %add3A_850 = arith.addf %add3A_794, %get3A_849 : vector<16xf32>
        %add3A_851 = arith.constant 48 : i32
        %add3A_852 = arith.addi %mul3A_641, %add3A_851 : i32
        %get3A_853 = arith.constant 6 : i32
        %get3A_854 = arith.index_cast %get3A_853 : i32 to index
        %get3A_855 = arith.index_cast %add3A_852 : i32 to index
        %get3A_856 = tpu.vector_load %arg5[%get3A_854, %get3A_855] {strides = array<i32>} : memref<8x4096xf32, #tpu.memory_space<vmem>>, vector<16xf32>,
        %add3A_857 = arith.addf %add3A_801, %get3A_856 : vector<16xf32>
        %add3A_858 = arith.constant 48 : i32
        %add3A_859 = arith.addi %mul3A_641, %add3A_858 : i32
        %get3A_860 = arith.constant 7 : i32
        %get3A_861 = arith.index_cast %get3A_860 : i32 to index
        %get3A_862 = arith.index_cast %add3A_859 : i32 to index
        %get3A_863 = tpu.vector_load %arg5[%get3A_861, %get3A_862] {strides = array<i32>} : memref<8x4096xf32, #tpu.memory_space<vmem>>, vector<16xf32>,
        %add3A_864 = arith.addf %add3A_808, %get3A_863 : vector<16xf32>
        scf.yield %add3A_815, %add3A_822, %add3A_829, %add3A_836, %add3A_843, %add3A_850, %add3A_857, %add3A_864 : vector<16xf32>, vector<16xf32>, vector<16xf32>, vector<16xf32>, vector<16xf32>, vector<16xf32>, vector<16xf32>, vector<16xf32>
      }
      %scan3A_602 = arith.constant 64 : i32
      %add3A_603 = arith.constant 3 : i32
      %add3A_604 = arith.addi %add3A_592, %add3A_603 : i32
      %lt3A_605 = arith.constant 24 : i32
      %lt3A_606 = arith.cmpi slt, %add3A_604, %lt3A_605 : i32
      %convert_element_type3A_607 = arith.extui %lt3A_606 : i1 to i32
      %cond3A_608 = arith.constant 0 : i32
      %cond3A_609 = arith.cmpi ne, %convert_element_type3A_607, %cond3A_608 : i32
      scf.if %cond3A_609 {
        %mul3A_631 = arith.constant 4096 : i32
        %mul3A_632 = arith.muli %add3A_604, %mul3A_631 : i32
        %dma_start3A_633 = tpu.memref_slice %arg2[%add3A_4, %mul3A_632] : memref<1024x100000xf32, #tpu.memory_space<hbm>> -> memref<8x4096xf32, #tpu.memory_space<hbm>>
        %dma_start3A_634 = tpu.memref_slice %arg2[%add3A_4, %mul3A_632] : memref<1024x100000xf32, #tpu.memory_space<hbm>> -> memref<8x4096xf32, #tpu.memory_space<hbm>>
        tpu.enqueue_dma source(%dma_start3A_634 : memref<8x4096xf32, #tpu.memory_space<hbm>>) target(%arg5 : memref<8x4096xf32, #tpu.memory_space<vmem>>) target_semaphore(%arg9 : memref<!tpu.dma_semaphore, #tpu.memory_space<semaphore_mem>>)
      } else {
      }
      %mul3A_610 = arith.constant 3 : i32
      %mul3A_611 = arith.muli %scan3A_563, %mul3A_610 : i32
      %add3A_612 = arith.constant 2 : i32
      %add3A_613 = arith.addi %mul3A_611, %add3A_612 : i32
      %dma_wait3A_614 = arith.constant 0 : i32
      %dma_wait3A_615 = tpu.memref_slice %arg2[%add3A_4, %dma_wait3A_614] : memref<1024x100000xf32, #tpu.memory_space<hbm>> -> memref<8x4096xf32, #tpu.memory_space<hbm>>
      %dma_wait3A_616 = arith.constant 0 : i32
      %dma_wait3A_617 = tpu.memref_slice %arg2[%add3A_4, %dma_wait3A_616] : memref<1024x100000xf32, #tpu.memory_space<hbm>> -> memref<8x4096xf32, #tpu.memory_space<hbm>>
      tpu.wait_dma2 semaphore(%arg9 : memref<!tpu.dma_semaphore, #tpu.memory_space<semaphore_mem>>) src(%dma_wait3A_617 : memref<8x4096xf32, #tpu.memory_space<hbm>>) dst(%arg6 : memref<8x4096xf32, #tpu.memory_space<vmem>>)
      %scan3A_618 = arith.constant 0 : i32
      %scan3A_619 = arith.constant 64 : i32
      %scan3A_620 = arith.addi %scan3A_618, %scan3A_619 : i32
      %scan3A_621 = arith.constant 1 : i32
      %scan3A_622:8 = scf.for %scan3A_631 = %scan3A_618 to %scan3A_620 step %scan3A_621 iter_args(%scan3A_632 = %scan3A_601#0, %scan3A_633 = %scan3A_601#1, %scan3A_634 = %scan3A_601#2, %scan3A_635 = %scan3A_601#3, %scan3A_636 = %scan3A_601#4, %scan3A_637 = %scan3A_601#5, %scan3A_638 = %scan3A_601#6, %scan3A_639 = %scan3A_601#7) -> (vector<16xf32>, vector<16xf32>, vector<16xf32>, vector<16xf32>, vector<16xf32>, vector<16xf32>, vector<16xf32>, vector<16xf32>)  : i32 {
        %mul3A_640 = arith.constant 64 : i32
        %mul3A_641 = arith.muli %scan3A_631, %mul3A_640 : i32
        %add3A_642 = arith.constant 0 : i32
        %add3A_643 = arith.addi %mul3A_641, %add3A_642 : i32
        %get3A = arith.constant 0 : i32
        %get3A_644 = arith.index_cast %get3A : i32 to index
        %get3A_645 = arith.index_cast %add3A_643 : i32 to index
        %get3A_646 = tpu.vector_load %arg6[%get3A_644, %get3A_645] {strides = array<i32>} : memref<8x4096xf32, #tpu.memory_space<vmem>>, vector<16xf32>,
        %add3A_647 = arith.addf %scan3A_632, %get3A_646 : vector<16xf32>
        %add3A_648 = arith.constant 0 : i32
        %add3A_649 = arith.addi %mul3A_641, %add3A_648 : i32
        %get3A_650 = arith.constant 1 : i32
        %get3A_651 = arith.index_cast %get3A_650 : i32 to index
        %get3A_652 = arith.index_cast %add3A_649 : i32 to index
        %get3A_653 = tpu.vector_load %arg6[%get3A_651, %get3A_652] {strides = array<i32>} : memref<8x4096xf32, #tpu.memory_space<vmem>>, vector<16xf32>,
        %add3A_654 = arith.addf %scan3A_633, %get3A_653 : vector<16xf32>
        %add3A_655 = arith.constant 0 : i32
        %add3A_656 = arith.addi %mul3A_641, %add3A_655 : i32
        %get3A_657 = arith.constant 2 : i32
        %get3A_658 = arith.index_cast %get3A_657 : i32 to index
        %get3A_659 = arith.index_cast %add3A_656 : i32 to index
        %get3A_660 = tpu.vector_load %arg6[%get3A_658, %get3A_659] {strides = array<i32>} : memref<8x4096xf32, #tpu.memory_space<vmem>>, vector<16xf32>,
        %add3A_661 = arith.addf %scan3A_634, %get3A_660 : vector<16xf32>
        %add3A_662 = arith.constant 0 : i32
        %add3A_663 = arith.addi %mul3A_641, %add3A_662 : i32
        %get3A_664 = arith.constant 3 : i32
        %get3A_665 = arith.index_cast %get3A_664 : i32 to index
        %get3A_666 = arith.index_cast %add3A_663 : i32 to index
        %get3A_667 = tpu.vector_load %arg6[%get3A_665, %get3A_666] {strides = array<i32>} : memref<8x4096xf32, #tpu.memory_space<vmem>>, vector<16xf32>,
        %add3A_668 = arith.addf %scan3A_635, %get3A_667 : vector<16xf32>
        %add3A_669 = arith.constant 0 : i32
        %add3A_670 = arith.addi %mul3A_641, %add3A_669 : i32
        %get3A_671 = arith.constant 4 : i32
        %get3A_672 = arith.index_cast %get3A_671 : i32 to index
        %get3A_673 = arith.index_cast %add3A_670 : i32 to index
        %get3A_674 = tpu.vector_load %arg6[%get3A_672, %get3A_673] {strides = array<i32>} : memref<8x4096xf32, #tpu.memory_space<vmem>>, vector<16xf32>,
        %add3A_675 = arith.addf %scan3A_636, %get3A_674 : vector<16xf32>
        %add3A_676 = arith.constant 0 : i32
        %add3A_677 = arith.addi %mul3A_641, %add3A_676 : i32
        %get3A_678 = arith.constant 5 : i32
        %get3A_679 = arith.index_cast %get3A_678 : i32 to index
        %get3A_680 = arith.index_cast %add3A_677 : i32 to index
        %get3A_681 = tpu.vector_load %arg6[%get3A_679, %get3A_680] {strides = array<i32>} : memref<8x4096xf32, #tpu.memory_space<vmem>>, vector<16xf32>,
        %add3A_682 = arith.addf %scan3A_637, %get3A_681 : vector<16xf32>
        %add3A_683 = arith.constant 0 : i32
        %add3A_684 = arith.addi %mul3A_641, %add3A_683 : i32
        %get3A_685 = arith.constant 6 : i32
        %get3A_686 = arith.index_cast %get3A_685 : i32 to index
        %get3A_687 = arith.index_cast %add3A_684 : i32 to index
        %get3A_688 = tpu.vector_load %arg6[%get3A_686, %get3A_687] {strides = array<i32>} : memref<8x4096xf32, #tpu.memory_space<vmem>>, vector<16xf32>,
        %add3A_689 = arith.addf %scan3A_638, %get3A_688 : vector<16xf32>
        %add3A_690 = arith.constant 0 : i32
        %add3A_691 = arith.addi %mul3A_641, %add3A_690 : i32
        %get3A_692 = arith.constant 7 : i32
        %get3A_693 = arith.index_cast %get3A_692 : i32 to index
        %get3A_694 = arith.index_cast %add3A_691 : i32 to index
        %get3A_695 = tpu.vector_load %arg6[%get3A_693, %get3A_694] {strides = array<i32>} : memref<8x4096xf32, #tpu.memory_space<vmem>>, vector<16xf32>,
        %add3A_696 = arith.addf %scan3A_639, %get3A_695 : vector<16xf32>
        %add3A_697 = arith.constant 16 : i32
        %add3A_698 = arith.addi %mul3A_641, %add3A_697 : i32
        %get3A_699 = arith.constant 0 : i32
        %get3A_700 = arith.index_cast %get3A_699 : i32 to index
        %get3A_701 = arith.index_cast %add3A_698 : i32 to index
        %get3A_702 = tpu.vector_load %arg6[%get3A_700, %get3A_701] {strides = array<i32>} : memref<8x4096xf32, #tpu.memory_space<vmem>>, vector<16xf32>,
        %add3A_703 = arith.addf %add3A_647, %get3A_702 : vector<16xf32>
        %add3A_704 = arith.constant 16 : i32
        %add3A_705 = arith.addi %mul3A_641, %add3A_704 : i32
        %get3A_706 = arith.constant 1 : i32
        %get3A_707 = arith.index_cast %get3A_706 : i32 to index
        %get3A_708 = arith.index_cast %add3A_705 : i32 to index
        %get3A_709 = tpu.vector_load %arg6[%get3A_707, %get3A_708] {strides = array<i32>} : memref<8x4096xf32, #tpu.memory_space<vmem>>, vector<16xf32>,
        %add3A_710 = arith.addf %add3A_654, %get3A_709 : vector<16xf32>
        %add3A_711 = arith.constant 16 : i32
        %add3A_712 = arith.addi %mul3A_641, %add3A_711 : i32
        %get3A_713 = arith.constant 2 : i32
        %get3A_714 = arith.index_cast %get3A_713 : i32 to index
        %get3A_715 = arith.index_cast %add3A_712 : i32 to index
        %get3A_716 = tpu.vector_load %arg6[%get3A_714, %get3A_715] {strides = array<i32>} : memref<8x4096xf32, #tpu.memory_space<vmem>>, vector<16xf32>,
        %add3A_717 = arith.addf %add3A_661, %get3A_716 : vector<16xf32>
        %add3A_718 = arith.constant 16 : i32
        %add3A_719 = arith.addi %mul3A_641, %add3A_718 : i32
        %get3A_720 = arith.constant 3 : i32
        %get3A_721 = arith.index_cast %get3A_720 : i32 to index
        %get3A_722 = arith.index_cast %add3A_719 : i32 to index
        %get3A_723 = tpu.vector_load %arg6[%get3A_721, %get3A_722] {strides = array<i32>} : memref<8x4096xf32, #tpu.memory_space<vmem>>, vector<16xf32>,
        %add3A_724 = arith.addf %add3A_668, %get3A_723 : vector<16xf32>
        %add3A_725 = arith.constant 16 : i32
        %add3A_726 = arith.addi %mul3A_641, %add3A_725 : i32
        %get3A_727 = arith.constant 4 : i32
        %get3A_728 = arith.index_cast %get3A_727 : i32 to index
        %get3A_729 = arith.index_cast %add3A_726 : i32 to index
        %get3A_730 = tpu.vector_load %arg6[%get3A_728, %get3A_729] {strides = array<i32>} : memref<8x4096xf32, #tpu.memory_space<vmem>>, vector<16xf32>,
        %add3A_731 = arith.addf %add3A_675, %get3A_730 : vector<16xf32>
        %add3A_732 = arith.constant 16 : i32
        %add3A_733 = arith.addi %mul3A_641, %add3A_732 : i32
        %get3A_734 = arith.constant 5 : i32
        %get3A_735 = arith.index_cast %get3A_734 : i32 to index
        %get3A_736 = arith.index_cast %add3A_733 : i32 to index
        %get3A_737 = tpu.vector_load %arg6[%get3A_735, %get3A_736] {strides = array<i32>} : memref<8x4096xf32, #tpu.memory_space<vmem>>, vector<16xf32>,
        %add3A_738 = arith.addf %add3A_682, %get3A_737 : vector<16xf32>
        %add3A_739 = arith.constant 16 : i32
        %add3A_740 = arith.addi %mul3A_641, %add3A_739 : i32
        %get3A_741 = arith.constant 6 : i32
        %get3A_742 = arith.index_cast %get3A_741 : i32 to index
        %get3A_743 = arith.index_cast %add3A_740 : i32 to index
        %get3A_744 = tpu.vector_load %arg6[%get3A_742, %get3A_743] {strides = array<i32>} : memref<8x4096xf32, #tpu.memory_space<vmem>>, vector<16xf32>,
        %add3A_745 = arith.addf %add3A_689, %get3A_744 : vector<16xf32>
        %add3A_746 = arith.constant 16 : i32
        %add3A_747 = arith.addi %mul3A_641, %add3A_746 : i32
        %get3A_748 = arith.constant 7 : i32
        %get3A_749 = arith.index_cast %get3A_748 : i32 to index
        %get3A_750 = arith.index_cast %add3A_747 : i32 to index
        %get3A_751 = tpu.vector_load %arg6[%get3A_749, %get3A_750] {strides = array<i32>} : memref<8x4096xf32, #tpu.memory_space<vmem>>, vector<16xf32>,
        %add3A_752 = arith.addf %add3A_696, %get3A_751 : vector<16xf32>
        %add3A_753 = arith.constant 32 : i32
        %add3A_754 = arith.addi %mul3A_641, %add3A_753 : i32
        %get3A_755 = arith.constant 0 : i32
        %get3A_756 = arith.index_cast %get3A_755 : i32 to index
        %get3A_757 = arith.index_cast %add3A_754 : i32 to index
        %get3A_758 = tpu.vector_load %arg6[%get3A_756, %get3A_757] {strides = array<i32>} : memref<8x4096xf32, #tpu.memory_space<vmem>>, vector<16xf32>,
        %add3A_759 = arith.addf %add3A_703, %get3A_758 : vector<16xf32>
        %add3A_760 = arith.constant 32 : i32
        %add3A_761 = arith.addi %mul3A_641, %add3A_760 : i32
        %get3A_762 = arith.constant 1 : i32
        %get3A_763 = arith.index_cast %get3A_762 : i32 to index
        %get3A_764 = arith.index_cast %add3A_761 : i32 to index
        %get3A_765 = tpu.vector_load %arg6[%get3A_763, %get3A_764] {strides = array<i32>} : memref<8x4096xf32, #tpu.memory_space<vmem>>, vector<16xf32>,
        %add3A_766 = arith.addf %add3A_710, %get3A_765 : vector<16xf32>
        %add3A_767 = arith.constant 32 : i32
        %add3A_768 = arith.addi %mul3A_641, %add3A_767 : i32
        %get3A_769 = arith.constant 2 : i32
        %get3A_770 = arith.index_cast %get3A_769 : i32 to index
        %get3A_771 = arith.index_cast %add3A_768 : i32 to index
        %get3A_772 = tpu.vector_load %arg6[%get3A_770, %get3A_771] {strides = array<i32>} : memref<8x4096xf32, #tpu.memory_space<vmem>>, vector<16xf32>,
        %add3A_773 = arith.addf %add3A_717, %get3A_772 : vector<16xf32>
        %add3A_774 = arith.constant 32 : i32
        %add3A_775 = arith.addi %mul3A_641, %add3A_774 : i32
        %get3A_776 = arith.constant 3 : i32
        %get3A_777 = arith.index_cast %get3A_776 : i32 to index
        %get3A_778 = arith.index_cast %add3A_775 : i32 to index
        %get3A_779 = tpu.vector_load %arg6[%get3A_777, %get3A_778] {strides = array<i32>} : memref<8x4096xf32, #tpu.memory_space<vmem>>, vector<16xf32>,
        %add3A_780 = arith.addf %add3A_724, %get3A_779 : vector<16xf32>
        %add3A_781 = arith.constant 32 : i32
        %add3A_782 = arith.addi %mul3A_641, %add3A_781 : i32
        %get3A_783 = arith.constant 4 : i32
        %get3A_784 = arith.index_cast %get3A_783 : i32 to index
        %get3A_785 = arith.index_cast %add3A_782 : i32 to index
        %get3A_786 = tpu.vector_load %arg6[%get3A_784, %get3A_785] {strides = array<i32>} : memref<8x4096xf32, #tpu.memory_space<vmem>>, vector<16xf32>,
        %add3A_787 = arith.addf %add3A_731, %get3A_786 : vector<16xf32>
        %add3A_788 = arith.constant 32 : i32
        %add3A_789 = arith.addi %mul3A_641, %add3A_788 : i32
        %get3A_790 = arith.constant 5 : i32
        %get3A_791 = arith.index_cast %get3A_790 : i32 to index
        %get3A_792 = arith.index_cast %add3A_789 : i32 to index
        %get3A_793 = tpu.vector_load %arg6[%get3A_791, %get3A_792] {strides = array<i32>} : memref<8x4096xf32, #tpu.memory_space<vmem>>, vector<16xf32>,
        %add3A_794 = arith.addf %add3A_738, %get3A_793 : vector<16xf32>
        %add3A_795 = arith.constant 32 : i32
        %add3A_796 = arith.addi %mul3A_641, %add3A_795 : i32
        %get3A_797 = arith.constant 6 : i32
        %get3A_798 = arith.index_cast %get3A_797 : i32 to index
        %get3A_799 = arith.index_cast %add3A_796 : i32 to index
        %get3A_800 = tpu.vector_load %arg6[%get3A_798, %get3A_799] {strides = array<i32>} : memref<8x4096xf32, #tpu.memory_space<vmem>>, vector<16xf32>,
        %add3A_801 = arith.addf %add3A_745, %get3A_800 : vector<16xf32>
        %add3A_802 = arith.constant 32 : i32
        %add3A_803 = arith.addi %mul3A_641, %add3A_802 : i32
        %get3A_804 = arith.constant 7 : i32
        %get3A_805 = arith.index_cast %get3A_804 : i32 to index
        %get3A_806 = arith.index_cast %add3A_803 : i32 to index
        %get3A_807 = tpu.vector_load %arg6[%get3A_805, %get3A_806] {strides = array<i32>} : memref<8x4096xf32, #tpu.memory_space<vmem>>, vector<16xf32>,
        %add3A_808 = arith.addf %add3A_752, %get3A_807 : vector<16xf32>
        %add3A_809 = arith.constant 48 : i32
        %add3A_810 = arith.addi %mul3A_641, %add3A_809 : i32
        %get3A_811 = arith.constant 0 : i32
        %get3A_812 = arith.index_cast %get3A_811 : i32 to index
        %get3A_813 = arith.index_cast %add3A_810 : i32 to index
        %get3A_814 = tpu.vector_load %arg6[%get3A_812, %get3A_813] {strides = array<i32>} : memref<8x4096xf32, #tpu.memory_space<vmem>>, vector<16xf32>,
        %add3A_815 = arith.addf %add3A_759, %get3A_814 : vector<16xf32>
        %add3A_816 = arith.constant 48 : i32
        %add3A_817 = arith.addi %mul3A_641, %add3A_816 : i32
        %get3A_818 = arith.constant 1 : i32
        %get3A_819 = arith.index_cast %get3A_818 : i32 to index
        %get3A_820 = arith.index_cast %add3A_817 : i32 to index
        %get3A_821 = tpu.vector_load %arg6[%get3A_819, %get3A_820] {strides = array<i32>} : memref<8x4096xf32, #tpu.memory_space<vmem>>, vector<16xf32>,
        %add3A_822 = arith.addf %add3A_766, %get3A_821 : vector<16xf32>
        %add3A_823 = arith.constant 48 : i32
        %add3A_824 = arith.addi %mul3A_641, %add3A_823 : i32
        %get3A_825 = arith.constant 2 : i32
        %get3A_826 = arith.index_cast %get3A_825 : i32 to index
        %get3A_827 = arith.index_cast %add3A_824 : i32 to index
        %get3A_828 = tpu.vector_load %arg6[%get3A_826, %get3A_827] {strides = array<i32>} : memref<8x4096xf32, #tpu.memory_space<vmem>>, vector<16xf32>,
        %add3A_829 = arith.addf %add3A_773, %get3A_828 : vector<16xf32>
        %add3A_830 = arith.constant 48 : i32
        %add3A_831 = arith.addi %mul3A_641, %add3A_830 : i32
        %get3A_832 = arith.constant 3 : i32
        %get3A_833 = arith.index_cast %get3A_832 : i32 to index
        %get3A_834 = arith.index_cast %add3A_831 : i32 to index
        %get3A_835 = tpu.vector_load %arg6[%get3A_833, %get3A_834] {strides = array<i32>} : memref<8x4096xf32, #tpu.memory_space<vmem>>, vector<16xf32>,
        %add3A_836 = arith.addf %add3A_780, %get3A_835 : vector<16xf32>
        %add3A_837 = arith.constant 48 : i32
        %add3A_838 = arith.addi %mul3A_641, %add3A_837 : i32
        %get3A_839 = arith.constant 4 : i32
        %get3A_840 = arith.index_cast %get3A_839 : i32 to index
        %get3A_841 = arith.index_cast %add3A_838 : i32 to index
        %get3A_842 = tpu.vector_load %arg6[%get3A_840, %get3A_841] {strides = array<i32>} : memref<8x4096xf32, #tpu.memory_space<vmem>>, vector<16xf32>,
        %add3A_843 = arith.addf %add3A_787, %get3A_842 : vector<16xf32>
        %add3A_844 = arith.constant 48 : i32
        %add3A_845 = arith.addi %mul3A_641, %add3A_844 : i32
        %get3A_846 = arith.constant 5 : i32
        %get3A_847 = arith.index_cast %get3A_846 : i32 to index
        %get3A_848 = arith.index_cast %add3A_845 : i32 to index
        %get3A_849 = tpu.vector_load %arg6[%get3A_847, %get3A_848] {strides = array<i32>} : memref<8x4096xf32, #tpu.memory_space<vmem>>, vector<16xf32>,
        %add3A_850 = arith.addf %add3A_794, %get3A_849 : vector<16xf32>
        %add3A_851 = arith.constant 48 : i32
        %add3A_852 = arith.addi %mul3A_641, %add3A_851 : i32
        %get3A_853 = arith.constant 6 : i32
        %get3A_854 = arith.index_cast %get3A_853 : i32 to index
        %get3A_855 = arith.index_cast %add3A_852 : i32 to index
        %get3A_856 = tpu.vector_load %arg6[%get3A_854, %get3A_855] {strides = array<i32>} : memref<8x4096xf32, #tpu.memory_space<vmem>>, vector<16xf32>,
        %add3A_857 = arith.addf %add3A_801, %get3A_856 : vector<16xf32>
        %add3A_858 = arith.constant 48 : i32
        %add3A_859 = arith.addi %mul3A_641, %add3A_858 : i32
        %get3A_860 = arith.constant 7 : i32
        %get3A_861 = arith.index_cast %get3A_860 : i32 to index
        %get3A_862 = arith.index_cast %add3A_859 : i32 to index
        %get3A_863 = tpu.vector_load %arg6[%get3A_861, %get3A_862] {strides = array<i32>} : memref<8x4096xf32, #tpu.memory_space<vmem>>, vector<16xf32>,
        %add3A_864 = arith.addf %add3A_808, %get3A_863 : vector<16xf32>
        scf.yield %add3A_815, %add3A_822, %add3A_829, %add3A_836, %add3A_843, %add3A_850, %add3A_857, %add3A_864 : vector<16xf32>, vector<16xf32>, vector<16xf32>, vector<16xf32>, vector<16xf32>, vector<16xf32>, vector<16xf32>, vector<16xf32>
      }
      %scan3A_623 = arith.constant 64 : i32
      %add3A_624 = arith.constant 3 : i32
      %add3A_625 = arith.addi %add3A_613, %add3A_624 : i32
      %lt3A_626 = arith.constant 24 : i32
      %lt3A_627 = arith.cmpi slt, %add3A_625, %lt3A_626 : i32
      %convert_element_type3A_628 = arith.extui %lt3A_627 : i1 to i32
      %cond3A_629 = arith.constant 0 : i32
      %cond3A_630 = arith.cmpi ne, %convert_element_type3A_628, %cond3A_629 : i32
      scf.if %cond3A_630 {
        %mul3A_631 = arith.constant 4096 : i32
        %mul3A_632 = arith.muli %add3A_625, %mul3A_631 : i32
        %dma_start3A_633 = tpu.memref_slice %arg2[%add3A_4, %mul3A_632] : memref<1024x100000xf32, #tpu.memory_space<hbm>> -> memref<8x4096xf32, #tpu.memory_space<hbm>>
        %dma_start3A_634 = tpu.memref_slice %arg2[%add3A_4, %mul3A_632] : memref<1024x100000xf32, #tpu.memory_space<hbm>> -> memref<8x4096xf32, #tpu.memory_space<hbm>>
        tpu.enqueue_dma source(%dma_start3A_634 : memref<8x4096xf32, #tpu.memory_space<hbm>>) target(%arg6 : memref<8x4096xf32, #tpu.memory_space<vmem>>) target_semaphore(%arg9 : memref<!tpu.dma_semaphore, #tpu.memory_space<semaphore_mem>>)
      } else {
      }
      scf.yield %scan3A_622#0, %scan3A_622#1, %scan3A_622#2, %scan3A_622#3, %scan3A_622#4, %scan3A_622#5, %scan3A_622#6, %scan3A_622#7 : vector<16xf32>, vector<16xf32>, vector<16xf32>, vector<16xf32>, vector<16xf32>, vector<16xf32>, vector<16xf32>, vector<16xf32>
    }
    %scan3A_35 = arith.constant 8 : i32
    "tpu.region"() ({
      %run_scoped3A = tpu.sem_alloc : memref<!tpu.dma_semaphore, #tpu.memory_space<semaphore_mem>>
      %dma_start3A_563 = arith.constant 98304 : i32
      %dma_start3A_564 = tpu.memref_slice %arg2[%add3A_4, %dma_start3A_563] : memref<1024x100000xf32, #tpu.memory_space<hbm>> -> memref<8x1696xf32, #tpu.memory_space<hbm>>
      %dma_start3A_565 = arith.constant 98304 : i32
      %dma_start3A_566 = tpu.memref_slice %arg2[%add3A_4, %dma_start3A_565] : memref<1024x100000xf32, #tpu.memory_space<hbm>> -> memref<8x1696xf32, #tpu.memory_space<hbm>>
      tpu.enqueue_dma source(%dma_start3A_566 : memref<8x1696xf32, #tpu.memory_space<hbm>>) target(%arg7 : memref<8x1696xf32, #tpu.memory_space<vmem>>) target_semaphore(%run_scoped3A : memref<!tpu.dma_semaphore, #tpu.memory_space<semaphore_mem>>)
      %dma_wait3A = arith.constant 98304 : i32
      %dma_wait3A_567 = tpu.memref_slice %arg2[%add3A_4, %dma_wait3A] : memref<1024x100000xf32, #tpu.memory_space<hbm>> -> memref<8x1696xf32, #tpu.memory_space<hbm>>
      %dma_wait3A_568 = arith.constant 98304 : i32
      %dma_wait3A_569 = tpu.memref_slice %arg2[%add3A_4, %dma_wait3A_568] : memref<1024x100000xf32, #tpu.memory_space<hbm>> -> memref<8x1696xf32, #tpu.memory_space<hbm>>
      tpu.wait_dma2 semaphore(%run_scoped3A : memref<!tpu.dma_semaphore, #tpu.memory_space<semaphore_mem>>) src(%dma_wait3A_569 : memref<8x1696xf32, #tpu.memory_space<hbm>>) dst(%arg7 : memref<8x1696xf32, #tpu.memory_space<vmem>>)
      tpu.yield
    }) : () -> ()
    %scan3A_36 = arith.constant 0 : i32
    %scan3A_37 = arith.constant 106 : i32
    %scan3A_38 = arith.addi %scan3A_36, %scan3A_37 : i32
    %scan3A_39 = arith.constant 1 : i32
    %scan3A_40:8 = scf.for %scan3A_563 = %scan3A_36 to %scan3A_38 step %scan3A_39 iter_args(%scan3A_564 = %scan3A_34#0, %scan3A_565 = %scan3A_34#1, %scan3A_566 = %scan3A_34#2, %scan3A_567 = %scan3A_34#3, %scan3A_568 = %scan3A_34#4, %scan3A_569 = %scan3A_34#5, %scan3A_570 = %scan3A_34#6, %scan3A_571 = %scan3A_34#7) -> (vector<16xf32>, vector<16xf32>, vector<16xf32>, vector<16xf32>, vector<16xf32>, vector<16xf32>, vector<16xf32>, vector<16xf32>)  : i32 {
      %mul3A_572 = arith.constant 16 : i32
      %mul3A_573 = arith.muli %scan3A_563, %mul3A_572 : i32
      %get3A = arith.constant 0 : i32
      %get3A_574 = arith.index_cast %get3A : i32 to index
      %get3A_575 = arith.index_cast %mul3A_573 : i32 to index
      %get3A_576 = tpu.vector_load %arg7[%get3A_574, %get3A_575] {strides = array<i32>} : memref<8x1696xf32, #tpu.memory_space<vmem>>, vector<16xf32>,
      %add3A_577 = arith.addf %scan3A_564, %get3A_576 : vector<16xf32>
      %mul3A_578 = arith.constant 16 : i32
      %mul3A_579 = arith.muli %scan3A_563, %mul3A_578 : i32
      %get3A_580 = arith.constant 1 : i32
      %get3A_581 = arith.index_cast %get3A_580 : i32 to index
      %get3A_582 = arith.index_cast %mul3A_579 : i32 to index
      %get3A_583 = tpu.vector_load %arg7[%get3A_581, %get3A_582] {strides = array<i32>} : memref<8x1696xf32, #tpu.memory_space<vmem>>, vector<16xf32>,
      %add3A_584 = arith.addf %scan3A_565, %get3A_583 : vector<16xf32>
      %mul3A_585 = arith.constant 16 : i32
      %mul3A_586 = arith.muli %scan3A_563, %mul3A_585 : i32
      %get3A_587 = arith.constant 2 : i32
      %get3A_588 = arith.index_cast %get3A_587 : i32 to index
      %get3A_589 = arith.index_cast %mul3A_586 : i32 to index
      %get3A_590 = tpu.vector_load %arg7[%get3A_588, %get3A_589] {strides = array<i32>} : memref<8x1696xf32, #tpu.memory_space<vmem>>, vector<16xf32>,
      %add3A_591 = arith.addf %scan3A_566, %get3A_590 : vector<16xf32>
      %mul3A_592 = arith.constant 16 : i32
      %mul3A_593 = arith.muli %scan3A_563, %mul3A_592 : i32
      %get3A_594 = arith.constant 3 : i32
      %get3A_595 = arith.index_cast %get3A_594 : i32 to index
      %get3A_596 = arith.index_cast %mul3A_593 : i32 to index
      %get3A_597 = tpu.vector_load %arg7[%get3A_595, %get3A_596] {strides = array<i32>} : memref<8x1696xf32, #tpu.memory_space<vmem>>, vector<16xf32>,
      %add3A_598 = arith.addf %scan3A_567, %get3A_597 : vector<16xf32>
      %mul3A_599 = arith.constant 16 : i32
      %mul3A_600 = arith.muli %scan3A_563, %mul3A_599 : i32
      %get3A_601 = arith.constant 4 : i32
      %get3A_602 = arith.index_cast %get3A_601 : i32 to index
      %get3A_603 = arith.index_cast %mul3A_600 : i32 to index
      %get3A_604 = tpu.vector_load %arg7[%get3A_602, %get3A_603] {strides = array<i32>} : memref<8x1696xf32, #tpu.memory_space<vmem>>, vector<16xf32>,
      %add3A_605 = arith.addf %scan3A_568, %get3A_604 : vector<16xf32>
      %mul3A_606 = arith.constant 16 : i32
      %mul3A_607 = arith.muli %scan3A_563, %mul3A_606 : i32
      %get3A_608 = arith.constant 5 : i32
      %get3A_609 = arith.index_cast %get3A_608 : i32 to index
      %get3A_610 = arith.index_cast %mul3A_607 : i32 to index
      %get3A_611 = tpu.vector_load %arg7[%get3A_609, %get3A_610] {strides = array<i32>} : memref<8x1696xf32, #tpu.memory_space<vmem>>, vector<16xf32>,
      %add3A_612 = arith.addf %scan3A_569, %get3A_611 : vector<16xf32>
      %mul3A_613 = arith.constant 16 : i32
      %mul3A_614 = arith.muli %scan3A_563, %mul3A_613 : i32
      %get3A_615 = arith.constant 6 : i32
      %get3A_616 = arith.index_cast %get3A_615 : i32 to index
      %get3A_617 = arith.index_cast %mul3A_614 : i32 to index
      %get3A_618 = tpu.vector_load %arg7[%get3A_616, %get3A_617] {strides = array<i32>} : memref<8x1696xf32, #tpu.memory_space<vmem>>, vector<16xf32>,
      %add3A_619 = arith.addf %scan3A_570, %get3A_618 : vector<16xf32>
      %mul3A_620 = arith.constant 16 : i32
      %mul3A_621 = arith.muli %scan3A_563, %mul3A_620 : i32
      %get3A_622 = arith.constant 7 : i32
      %get3A_623 = arith.index_cast %get3A_622 : i32 to index
      %get3A_624 = arith.index_cast %mul3A_621 : i32 to index
      %get3A_625 = tpu.vector_load %arg7[%get3A_623, %get3A_624] {strides = array<i32>} : memref<8x1696xf32, #tpu.memory_space<vmem>>, vector<16xf32>,
      %add3A_626 = arith.addf %scan3A_571, %get3A_625 : vector<16xf32>
      scf.yield %add3A_577, %add3A_584, %add3A_591, %add3A_598, %add3A_605, %add3A_612, %add3A_619, %add3A_626 : vector<16xf32>, vector<16xf32>, vector<16xf32>, vector<16xf32>, vector<16xf32>, vector<16xf32>, vector<16xf32>, vector<16xf32>
    }
    %scan3A_41 = arith.constant 106 : i32
    %broadcast_in_dim3A_42 = arith.constant 0.000000e+00 : f32
    %broadcast_in_dim3A_43 = vector.broadcast %broadcast_in_dim3A_42 : f32 to vector<16xf32>
    %eq3A = arith.constant 0 : i32
    %eq3A_44 = vector.broadcast %eq3A : i32 to vector<16xi32>
    %eq3A_45 = arith.cmpi eq, %iota3A, %eq3A_44 : vector<16xi32>
    %reduce_sum3A = arith.constant true
    %reduce_sum3A_46 = vector.broadcast %reduce_sum3A : i1 to vector<16xi1>
    %reduce_sum3A_47 = tpu.scan <sum>, %scan3A_40#0 masked %reduce_sum3A_46 : vector<16xf32>, vector<16xi1> -> vector<16xf32>
    %reduce_sum3A_48 = vector.extract %reduce_sum3A_47[15] : f32 from vector<16xf32>
    %jit3A = arith.constant 0.000000e+00 : f32
    %broadcast_in_dim3A_49 = vector.broadcast %reduce_sum3A_48 : f32 to vector<16xf32>
    %broadcast_in_dim3A_50 = vector.broadcast %jit3A : f32 to vector<16xf32>
    %select_n3A = arith.select %eq3A_45, %broadcast_in_dim3A_49, %broadcast_in_dim3A_50 : vector<16xi1>, vector<16xf32>
    %add3A_51 = arith.addf %broadcast_in_dim3A_43, %select_n3A : vector<16xf32>
    %eq3A_52 = arith.constant 1 : i32
    %eq3A_53 = vector.broadcast %eq3A_52 : i32 to vector<16xi32>
    %eq3A_54 = arith.cmpi eq, %iota3A, %eq3A_53 : vector<16xi32>
    %reduce_sum3A_55 = arith.constant true
    %reduce_sum3A_56 = vector.broadcast %reduce_sum3A_55 : i1 to vector<16xi1>
    %reduce_sum3A_57 = tpu.scan <sum>, %scan3A_40#1 masked %reduce_sum3A_56 : vector<16xf32>, vector<16xi1> -> vector<16xf32>
    %reduce_sum3A_58 = vector.extract %reduce_sum3A_57[15] : f32 from vector<16xf32>
    %jit3A_59 = arith.constant 0.000000e+00 : f32
    %broadcast_in_dim3A_60 = vector.broadcast %reduce_sum3A_58 : f32 to vector<16xf32>
    %broadcast_in_dim3A_61 = vector.broadcast %jit3A_59 : f32 to vector<16xf32>
    %select_n3A_62 = arith.select %eq3A_54, %broadcast_in_dim3A_60, %broadcast_in_dim3A_61 : vector<16xi1>, vector<16xf32>
    %add3A_63 = arith.addf %add3A_51, %select_n3A_62 : vector<16xf32>
    %eq3A_64 = arith.constant 2 : i32
    %eq3A_65 = vector.broadcast %eq3A_64 : i32 to vector<16xi32>
    %eq3A_66 = arith.cmpi eq, %iota3A, %eq3A_65 : vector<16xi32>
    %reduce_sum3A_67 = arith.constant true
    %reduce_sum3A_68 = vector.broadcast %reduce_sum3A_67 : i1 to vector<16xi1>
    %reduce_sum3A_69 = tpu.scan <sum>, %scan3A_40#2 masked %reduce_sum3A_68 : vector<16xf32>, vector<16xi1> -> vector<16xf32>
    %reduce_sum3A_70 = vector.extract %reduce_sum3A_69[15] : f32 from vector<16xf32>
    %jit3A_71 = arith.constant 0.000000e+00 : f32
    %broadcast_in_dim3A_72 = vector.broadcast %reduce_sum3A_70 : f32 to vector<16xf32>
    %broadcast_in_dim3A_73 = vector.broadcast %jit3A_71 : f32 to vector<16xf32>
    %select_n3A_74 = arith.select %eq3A_66, %broadcast_in_dim3A_72, %broadcast_in_dim3A_73 : vector<16xi1>, vector<16xf32>
    %add3A_75 = arith.addf %add3A_63, %select_n3A_74 : vector<16xf32>
    %eq3A_76 = arith.constant 3 : i32
    %eq3A_77 = vector.broadcast %eq3A_76 : i32 to vector<16xi32>
    %eq3A_78 = arith.cmpi eq, %iota3A, %eq3A_77 : vector<16xi32>
    %reduce_sum3A_79 = arith.constant true
    %reduce_sum3A_80 = vector.broadcast %reduce_sum3A_79 : i1 to vector<16xi1>
    %reduce_sum3A_81 = tpu.scan <sum>, %scan3A_40#3 masked %reduce_sum3A_80 : vector<16xf32>, vector<16xi1> -> vector<16xf32>
    %reduce_sum3A_82 = vector.extract %reduce_sum3A_81[15] : f32 from vector<16xf32>
    %jit3A_83 = arith.constant 0.000000e+00 : f32
    %broadcast_in_dim3A_84 = vector.broadcast %reduce_sum3A_82 : f32 to vector<16xf32>
    %broadcast_in_dim3A_85 = vector.broadcast %jit3A_83 : f32 to vector<16xf32>
    %select_n3A_86 = arith.select %eq3A_78, %broadcast_in_dim3A_84, %broadcast_in_dim3A_85 : vector<16xi1>, vector<16xf32>
    %add3A_87 = arith.addf %add3A_75, %select_n3A_86 : vector<16xf32>
    %eq3A_88 = arith.constant 4 : i32
    %eq3A_89 = vector.broadcast %eq3A_88 : i32 to vector<16xi32>
    %eq3A_90 = arith.cmpi eq, %iota3A, %eq3A_89 : vector<16xi32>
    %reduce_sum3A_91 = arith.constant true
    %reduce_sum3A_92 = vector.broadcast %reduce_sum3A_91 : i1 to vector<16xi1>
    %reduce_sum3A_93 = tpu.scan <sum>, %scan3A_40#4 masked %reduce_sum3A_92 : vector<16xf32>, vector<16xi1> -> vector<16xf32>
    %reduce_sum3A_94 = vector.extract %reduce_sum3A_93[15] : f32 from vector<16xf32>
    %jit3A_95 = arith.constant 0.000000e+00 : f32
    %broadcast_in_dim3A_96 = vector.broadcast %reduce_sum3A_94 : f32 to vector<16xf32>
    %broadcast_in_dim3A_97 = vector.broadcast %jit3A_95 : f32 to vector<16xf32>
    %select_n3A_98 = arith.select %eq3A_90, %broadcast_in_dim3A_96, %broadcast_in_dim3A_97 : vector<16xi1>, vector<16xf32>
    %add3A_99 = arith.addf %add3A_87, %select_n3A_98 : vector<16xf32>
    %eq3A_100 = arith.constant 5 : i32
    %eq3A_101 = vector.broadcast %eq3A_100 : i32 to vector<16xi32>
    %eq3A_102 = arith.cmpi eq, %iota3A, %eq3A_101 : vector<16xi32>
    %reduce_sum3A_103 = arith.constant true
    %reduce_sum3A_104 = vector.broadcast %reduce_sum3A_103 : i1 to vector<16xi1>
    %reduce_sum3A_105 = tpu.scan <sum>, %scan3A_40#5 masked %reduce_sum3A_104 : vector<16xf32>, vector<16xi1> -> vector<16xf32>
    %reduce_sum3A_106 = vector.extract %reduce_sum3A_105[15] : f32 from vector<16xf32>
    %jit3A_107 = arith.constant 0.000000e+00 : f32
    %broadcast_in_dim3A_108 = vector.broadcast %reduce_sum3A_106 : f32 to vector<16xf32>
    %broadcast_in_dim3A_109 = vector.broadcast %jit3A_107 : f32 to vector<16xf32>
    %select_n3A_110 = arith.select %eq3A_102, %broadcast_in_dim3A_108, %broadcast_in_dim3A_109 : vector<16xi1>, vector<16xf32>
    %add3A_111 = arith.addf %add3A_99, %select_n3A_110 : vector<16xf32>
    %eq3A_112 = arith.constant 6 : i32
    %eq3A_113 = vector.broadcast %eq3A_112 : i32 to vector<16xi32>
    %eq3A_114 = arith.cmpi eq, %iota3A, %eq3A_113 : vector<16xi32>
    %reduce_sum3A_115 = arith.constant true
    %reduce_sum3A_116 = vector.broadcast %reduce_sum3A_115 : i1 to vector<16xi1>
    %reduce_sum3A_117 = tpu.scan <sum>, %scan3A_40#6 masked %reduce_sum3A_116 : vector<16xf32>, vector<16xi1> -> vector<16xf32>
    %reduce_sum3A_118 = vector.extract %reduce_sum3A_117[15] : f32 from vector<16xf32>
    %jit3A_119 = arith.constant 0.000000e+00 : f32
    %broadcast_in_dim3A_120 = vector.broadcast %reduce_sum3A_118 : f32 to vector<16xf32>
    %broadcast_in_dim3A_121 = vector.broadcast %jit3A_119 : f32 to vector<16xf32>
    %select_n3A_122 = arith.select %eq3A_114, %broadcast_in_dim3A_120, %broadcast_in_dim3A_121 : vector<16xi1>, vector<16xf32>
    %add3A_123 = arith.addf %add3A_111, %select_n3A_122 : vector<16xf32>
    %eq3A_124 = arith.constant 7 : i32
    %eq3A_125 = vector.broadcast %eq3A_124 : i32 to vector<16xi32>
    %eq3A_126 = arith.cmpi eq, %iota3A, %eq3A_125 : vector<16xi32>
    %reduce_sum3A_127 = arith.constant true
    %reduce_sum3A_128 = vector.broadcast %reduce_sum3A_127 : i1 to vector<16xi1>
    %reduce_sum3A_129 = tpu.scan <sum>, %scan3A_40#7 masked %reduce_sum3A_128 : vector<16xf32>, vector<16xi1> -> vector<16xf32>
    %reduce_sum3A_130 = vector.extract %reduce_sum3A_129[15] : f32 from vector<16xf32>
    %jit3A_131 = arith.constant 0.000000e+00 : f32
    %broadcast_in_dim3A_132 = vector.broadcast %reduce_sum3A_130 : f32 to vector<16xf32>
    %broadcast_in_dim3A_133 = vector.broadcast %jit3A_131 : f32 to vector<16xf32>
    %select_n3A_134 = arith.select %eq3A_126, %broadcast_in_dim3A_132, %broadcast_in_dim3A_133 : vector<16xi1>, vector<16xf32>
    %add3A_135 = arith.addf %add3A_123, %select_n3A_134 : vector<16xf32>
    %swap3A = arith.constant 0 : index
    %swap3A_136 = tpu.vector_load %arg8[%swap3A] {strides = array<i32>} : memref<16xf32, #tpu.memory_space<vmem>>, vector<16xf32>,
    tpu.vector_store %arg8[%swap3A], %add3A_135 {strides = array<i32>} : memref<16xf32, #tpu.memory_space<vmem>>, vector<16xf32>,
    "tpu.region"() ({
      %run_scoped3A = tpu.sem_alloc : memref<!tpu.dma_semaphore, #tpu.memory_space<semaphore_mem>>
      %dma_start3A_563 = arith.constant 0 : i32
      %dma_start3A_564 = tpu.memref_slice %arg8[%dma_start3A_563] : memref<16xf32, #tpu.memory_space<vmem>> -> memref<8xf32, #tpu.memory_space<vmem>>
      %dma_start3A_565 = tpu.memref_slice %arg3[%add3A_4] : memref<1024xf32, #tpu.memory_space<hbm>> -> memref<8xf32, #tpu.memory_space<hbm>>
      %dma_start3A_566 = tpu.memref_slice %arg3[%add3A_4] : memref<1024xf32, #tpu.memory_space<hbm>> -> memref<8xf32, #tpu.memory_space<hbm>>
      %dma_start3A_567 = arith.constant 0 : i32
      %dma_start3A_568 = tpu.memref_slice %arg8[%dma_start3A_567] : memref<16xf32, #tpu.memory_space<vmem>> -> memref<8xf32, #tpu.memory_space<vmem>>
      tpu.enqueue_dma source(%dma_start3A_568 : memref<8xf32, #tpu.memory_space<vmem>>) target(%dma_start3A_566 : memref<8xf32, #tpu.memory_space<hbm>>) target_semaphore(%run_scoped3A : memref<!tpu.dma_semaphore, #tpu.memory_space<semaphore_mem>>)
      %dma_wait3A = arith.constant 0 : i32
      %dma_wait3A_569 = tpu.memref_slice %arg8[%dma_wait3A] : memref<16xf32, #tpu.memory_space<vmem>> -> memref<8xf32, #tpu.memory_space<vmem>>
      %dma_wait3A_570 = tpu.memref_slice %arg3[%add3A_4] : memref<1024xf32, #tpu.memory_space<hbm>> -> memref<8xf32, #tpu.memory_space<hbm>>
      %dma_wait3A_571 = tpu.memref_slice %arg3[%add3A_4] : memref<1024xf32, #tpu.memory_space<hbm>> -> memref<8xf32, #tpu.memory_space<hbm>>
      %dma_wait3A_572 = arith.constant 0 : i32
      %dma_wait3A_573 = tpu.memref_slice %arg8[%dma_wait3A_572] : memref<16xf32, #tpu.memory_space<vmem>> -> memref<8xf32, #tpu.memory_space<vmem>>
      tpu.wait_dma2 semaphore(%run_scoped3A : memref<!tpu.dma_semaphore, #tpu.memory_space<semaphore_mem>>) src(%dma_wait3A_573 : memref<8xf32, #tpu.memory_space<vmem>>) dst(%dma_wait3A_571 : memref<8xf32, #tpu.memory_space<hbm>>)
      tpu.yield
    }) : () -> ()
    %add3A_137 = arith.constant 8 : i32
    %add3A_138 = arith.addi %mul3A_2, %add3A_137 : i32
    %dma_start3A_139 = arith.constant 0 : i32
    %dma_start3A_140 = tpu.memref_slice %arg2[%add3A_138, %dma_start3A_139] : memref<1024x100000xf32, #tpu.memory_space<hbm>> -> memref<8x4096xf32, #tpu.memory_space<hbm>>
    %dma_start3A_141 = arith.constant 0 : i32
    %dma_start3A_142 = tpu.memref_slice %arg2[%add3A_138, %dma_start3A_141] : memref<1024x100000xf32, #tpu.memory_space<hbm>> -> memref<8x4096xf32, #tpu.memory_space<hbm>>
    tpu.enqueue_dma source(%dma_start3A_142 : memref<8x4096xf32, #tpu.memory_space<hbm>>) target(%arg4 : memref<8x4096xf32, #tpu.memory_space<vmem>>) target_semaphore(%arg9 : memref<!tpu.dma_semaphore, #tpu.memory_space<semaphore_mem>>)
    %dma_start3A_143 = arith.constant 4096 : i32
    %dma_start3A_144 = tpu.memref_slice %arg2[%add3A_138, %dma_start3A_143] : memref<1024x100000xf32, #tpu.memory_space<hbm>> -> memref<8x4096xf32, #tpu.memory_space<hbm>>
    %dma_start3A_145 = arith.constant 4096 : i32
    %dma_start3A_146 = tpu.memref_slice %arg2[%add3A_138, %dma_start3A_145] : memref<1024x100000xf32, #tpu.memory_space<hbm>> -> memref<8x4096xf32, #tpu.memory_space<hbm>>
    tpu.enqueue_dma source(%dma_start3A_146 : memref<8x4096xf32, #tpu.memory_space<hbm>>) target(%arg5 : memref<8x4096xf32, #tpu.memory_space<vmem>>) target_semaphore(%arg9 : memref<!tpu.dma_semaphore, #tpu.memory_space<semaphore_mem>>)
    %dma_start3A_147 = arith.constant 8192 : i32
    %dma_start3A_148 = tpu.memref_slice %arg2[%add3A_138, %dma_start3A_147] : memref<1024x100000xf32, #tpu.memory_space<hbm>> -> memref<8x4096xf32, #tpu.memory_space<hbm>>
    %dma_start3A_149 = arith.constant 8192 : i32
    %dma_start3A_150 = tpu.memref_slice %arg2[%add3A_138, %dma_start3A_149] : memref<1024x100000xf32, #tpu.memory_space<hbm>> -> memref<8x4096xf32, #tpu.memory_space<hbm>>
    tpu.enqueue_dma source(%dma_start3A_150 : memref<8x4096xf32, #tpu.memory_space<hbm>>) target(%arg6 : memref<8x4096xf32, #tpu.memory_space<vmem>>) target_semaphore(%arg9 : memref<!tpu.dma_semaphore, #tpu.memory_space<semaphore_mem>>)
    %broadcast_in_dim3A_151 = arith.constant 0.000000e+00 : f32
    %broadcast_in_dim3A_152 = vector.broadcast %broadcast_in_dim3A_151 : f32 to vector<16xf32>
    %broadcast_in_dim3A_153 = arith.constant 0.000000e+00 : f32
    %broadcast_in_dim3A_154 = vector.broadcast %broadcast_in_dim3A_153 : f32 to vector<16xf32>
    %broadcast_in_dim3A_155 = arith.constant 0.000000e+00 : f32
    %broadcast_in_dim3A_156 = vector.broadcast %broadcast_in_dim3A_155 : f32 to vector<16xf32>
    %broadcast_in_dim3A_157 = arith.constant 0.000000e+00 : f32
    %broadcast_in_dim3A_158 = vector.broadcast %broadcast_in_dim3A_157 : f32 to vector<16xf32>
    %broadcast_in_dim3A_159 = arith.constant 0.000000e+00 : f32
    %broadcast_in_dim3A_160 = vector.broadcast %broadcast_in_dim3A_159 : f32 to vector<16xf32>
    %broadcast_in_dim3A_161 = arith.constant 0.000000e+00 : f32
    %broadcast_in_dim3A_162 = vector.broadcast %broadcast_in_dim3A_161 : f32 to vector<16xf32>
    %broadcast_in_dim3A_163 = arith.constant 0.000000e+00 : f32
    %broadcast_in_dim3A_164 = vector.broadcast %broadcast_in_dim3A_163 : f32 to vector<16xf32>
    %broadcast_in_dim3A_165 = arith.constant 0.000000e+00 : f32
    %broadcast_in_dim3A_166 = vector.broadcast %broadcast_in_dim3A_165 : f32 to vector<16xf32>
    %scan3A_167 = arith.constant 0 : i32
    %scan3A_168 = arith.constant 8 : i32
    %scan3A_169 = arith.addi %scan3A_167, %scan3A_168 : i32
    %scan3A_170 = arith.constant 1 : i32
    %scan3A_171:8 = scf.for %scan3A_563 = %scan3A_167 to %scan3A_169 step %scan3A_170 iter_args(%scan3A_564 = %broadcast_in_dim3A_152, %scan3A_565 = %broadcast_in_dim3A_154, %scan3A_566 = %broadcast_in_dim3A_156, %scan3A_567 = %broadcast_in_dim3A_158, %scan3A_568 = %broadcast_in_dim3A_160, %scan3A_569 = %broadcast_in_dim3A_162, %scan3A_570 = %broadcast_in_dim3A_164, %scan3A_571 = %broadcast_in_dim3A_166) -> (vector<16xf32>, vector<16xf32>, vector<16xf32>, vector<16xf32>, vector<16xf32>, vector<16xf32>, vector<16xf32>, vector<16xf32>)  : i32 {
      %mul3A_572 = arith.constant 3 : i32
      %mul3A_573 = arith.muli %scan3A_563, %mul3A_572 : i32
      %add3A_574 = arith.constant 0 : i32
      %add3A_575 = arith.addi %mul3A_573, %add3A_574 : i32
      %dma_wait3A = arith.constant 0 : i32
      %dma_wait3A_576 = tpu.memref_slice %arg2[%add3A_138, %dma_wait3A] : memref<1024x100000xf32, #tpu.memory_space<hbm>> -> memref<8x4096xf32, #tpu.memory_space<hbm>>
      %dma_wait3A_577 = arith.constant 0 : i32
      %dma_wait3A_578 = tpu.memref_slice %arg2[%add3A_138, %dma_wait3A_577] : memref<1024x100000xf32, #tpu.memory_space<hbm>> -> memref<8x4096xf32, #tpu.memory_space<hbm>>
      tpu.wait_dma2 semaphore(%arg9 : memref<!tpu.dma_semaphore, #tpu.memory_space<semaphore_mem>>) src(%dma_wait3A_578 : memref<8x4096xf32, #tpu.memory_space<hbm>>) dst(%arg4 : memref<8x4096xf32, #tpu.memory_space<vmem>>)
      %scan3A_579 = arith.constant 0 : i32
      %scan3A_580 = arith.constant 64 : i32
      %scan3A_581 = arith.addi %scan3A_579, %scan3A_580 : i32
      %scan3A_582 = arith.constant 1 : i32
      %scan3A_583:8 = scf.for %scan3A_631 = %scan3A_579 to %scan3A_581 step %scan3A_582 iter_args(%scan3A_632 = %scan3A_564, %scan3A_633 = %scan3A_565, %scan3A_634 = %scan3A_566, %scan3A_635 = %scan3A_567, %scan3A_636 = %scan3A_568, %scan3A_637 = %scan3A_569, %scan3A_638 = %scan3A_570, %scan3A_639 = %scan3A_571) -> (vector<16xf32>, vector<16xf32>, vector<16xf32>, vector<16xf32>, vector<16xf32>, vector<16xf32>, vector<16xf32>, vector<16xf32>)  : i32 {
        %mul3A_640 = arith.constant 64 : i32
        %mul3A_641 = arith.muli %scan3A_631, %mul3A_640 : i32
        %add3A_642 = arith.constant 0 : i32
        %add3A_643 = arith.addi %mul3A_641, %add3A_642 : i32
        %get3A = arith.constant 0 : i32
        %get3A_644 = arith.index_cast %get3A : i32 to index
        %get3A_645 = arith.index_cast %add3A_643 : i32 to index
        %get3A_646 = tpu.vector_load %arg4[%get3A_644, %get3A_645] {strides = array<i32>} : memref<8x4096xf32, #tpu.memory_space<vmem>>, vector<16xf32>,
        %add3A_647 = arith.addf %scan3A_632, %get3A_646 : vector<16xf32>
        %add3A_648 = arith.constant 0 : i32
        %add3A_649 = arith.addi %mul3A_641, %add3A_648 : i32
        %get3A_650 = arith.constant 1 : i32
        %get3A_651 = arith.index_cast %get3A_650 : i32 to index
        %get3A_652 = arith.index_cast %add3A_649 : i32 to index
        %get3A_653 = tpu.vector_load %arg4[%get3A_651, %get3A_652] {strides = array<i32>} : memref<8x4096xf32, #tpu.memory_space<vmem>>, vector<16xf32>,
        %add3A_654 = arith.addf %scan3A_633, %get3A_653 : vector<16xf32>
        %add3A_655 = arith.constant 0 : i32
        %add3A_656 = arith.addi %mul3A_641, %add3A_655 : i32
        %get3A_657 = arith.constant 2 : i32
        %get3A_658 = arith.index_cast %get3A_657 : i32 to index
        %get3A_659 = arith.index_cast %add3A_656 : i32 to index
        %get3A_660 = tpu.vector_load %arg4[%get3A_658, %get3A_659] {strides = array<i32>} : memref<8x4096xf32, #tpu.memory_space<vmem>>, vector<16xf32>,
        %add3A_661 = arith.addf %scan3A_634, %get3A_660 : vector<16xf32>
        %add3A_662 = arith.constant 0 : i32
        %add3A_663 = arith.addi %mul3A_641, %add3A_662 : i32
        %get3A_664 = arith.constant 3 : i32
        %get3A_665 = arith.index_cast %get3A_664 : i32 to index
        %get3A_666 = arith.index_cast %add3A_663 : i32 to index
        %get3A_667 = tpu.vector_load %arg4[%get3A_665, %get3A_666] {strides = array<i32>} : memref<8x4096xf32, #tpu.memory_space<vmem>>, vector<16xf32>,
        %add3A_668 = arith.addf %scan3A_635, %get3A_667 : vector<16xf32>
        %add3A_669 = arith.constant 0 : i32
        %add3A_670 = arith.addi %mul3A_641, %add3A_669 : i32
        %get3A_671 = arith.constant 4 : i32
        %get3A_672 = arith.index_cast %get3A_671 : i32 to index
        %get3A_673 = arith.index_cast %add3A_670 : i32 to index
        %get3A_674 = tpu.vector_load %arg4[%get3A_672, %get3A_673] {strides = array<i32>} : memref<8x4096xf32, #tpu.memory_space<vmem>>, vector<16xf32>,
        %add3A_675 = arith.addf %scan3A_636, %get3A_674 : vector<16xf32>
        %add3A_676 = arith.constant 0 : i32
        %add3A_677 = arith.addi %mul3A_641, %add3A_676 : i32
        %get3A_678 = arith.constant 5 : i32
        %get3A_679 = arith.index_cast %get3A_678 : i32 to index
        %get3A_680 = arith.index_cast %add3A_677 : i32 to index
        %get3A_681 = tpu.vector_load %arg4[%get3A_679, %get3A_680] {strides = array<i32>} : memref<8x4096xf32, #tpu.memory_space<vmem>>, vector<16xf32>,
        %add3A_682 = arith.addf %scan3A_637, %get3A_681 : vector<16xf32>
        %add3A_683 = arith.constant 0 : i32
        %add3A_684 = arith.addi %mul3A_641, %add3A_683 : i32
        %get3A_685 = arith.constant 6 : i32
        %get3A_686 = arith.index_cast %get3A_685 : i32 to index
        %get3A_687 = arith.index_cast %add3A_684 : i32 to index
        %get3A_688 = tpu.vector_load %arg4[%get3A_686, %get3A_687] {strides = array<i32>} : memref<8x4096xf32, #tpu.memory_space<vmem>>, vector<16xf32>,
        %add3A_689 = arith.addf %scan3A_638, %get3A_688 : vector<16xf32>
        %add3A_690 = arith.constant 0 : i32
        %add3A_691 = arith.addi %mul3A_641, %add3A_690 : i32
        %get3A_692 = arith.constant 7 : i32
        %get3A_693 = arith.index_cast %get3A_692 : i32 to index
        %get3A_694 = arith.index_cast %add3A_691 : i32 to index
        %get3A_695 = tpu.vector_load %arg4[%get3A_693, %get3A_694] {strides = array<i32>} : memref<8x4096xf32, #tpu.memory_space<vmem>>, vector<16xf32>,
        %add3A_696 = arith.addf %scan3A_639, %get3A_695 : vector<16xf32>
        %add3A_697 = arith.constant 16 : i32
        %add3A_698 = arith.addi %mul3A_641, %add3A_697 : i32
        %get3A_699 = arith.constant 0 : i32
        %get3A_700 = arith.index_cast %get3A_699 : i32 to index
        %get3A_701 = arith.index_cast %add3A_698 : i32 to index
        %get3A_702 = tpu.vector_load %arg4[%get3A_700, %get3A_701] {strides = array<i32>} : memref<8x4096xf32, #tpu.memory_space<vmem>>, vector<16xf32>,
        %add3A_703 = arith.addf %add3A_647, %get3A_702 : vector<16xf32>
        %add3A_704 = arith.constant 16 : i32
        %add3A_705 = arith.addi %mul3A_641, %add3A_704 : i32
        %get3A_706 = arith.constant 1 : i32
        %get3A_707 = arith.index_cast %get3A_706 : i32 to index
        %get3A_708 = arith.index_cast %add3A_705 : i32 to index
        %get3A_709 = tpu.vector_load %arg4[%get3A_707, %get3A_708] {strides = array<i32>} : memref<8x4096xf32, #tpu.memory_space<vmem>>, vector<16xf32>,
        %add3A_710 = arith.addf %add3A_654, %get3A_709 : vector<16xf32>
        %add3A_711 = arith.constant 16 : i32
        %add3A_712 = arith.addi %mul3A_641, %add3A_711 : i32
        %get3A_713 = arith.constant 2 : i32
        %get3A_714 = arith.index_cast %get3A_713 : i32 to index
        %get3A_715 = arith.index_cast %add3A_712 : i32 to index
        %get3A_716 = tpu.vector_load %arg4[%get3A_714, %get3A_715] {strides = array<i32>} : memref<8x4096xf32, #tpu.memory_space<vmem>>, vector<16xf32>,
        %add3A_717 = arith.addf %add3A_661, %get3A_716 : vector<16xf32>
        %add3A_718 = arith.constant 16 : i32
        %add3A_719 = arith.addi %mul3A_641, %add3A_718 : i32
        %get3A_720 = arith.constant 3 : i32
        %get3A_721 = arith.index_cast %get3A_720 : i32 to index
        %get3A_722 = arith.index_cast %add3A_719 : i32 to index
        %get3A_723 = tpu.vector_load %arg4[%get3A_721, %get3A_722] {strides = array<i32>} : memref<8x4096xf32, #tpu.memory_space<vmem>>, vector<16xf32>,
        %add3A_724 = arith.addf %add3A_668, %get3A_723 : vector<16xf32>
        %add3A_725 = arith.constant 16 : i32
        %add3A_726 = arith.addi %mul3A_641, %add3A_725 : i32
        %get3A_727 = arith.constant 4 : i32
        %get3A_728 = arith.index_cast %get3A_727 : i32 to index
        %get3A_729 = arith.index_cast %add3A_726 : i32 to index
        %get3A_730 = tpu.vector_load %arg4[%get3A_728, %get3A_729] {strides = array<i32>} : memref<8x4096xf32, #tpu.memory_space<vmem>>, vector<16xf32>,
        %add3A_731 = arith.addf %add3A_675, %get3A_730 : vector<16xf32>
        %add3A_732 = arith.constant 16 : i32
        %add3A_733 = arith.addi %mul3A_641, %add3A_732 : i32
        %get3A_734 = arith.constant 5 : i32
        %get3A_735 = arith.index_cast %get3A_734 : i32 to index
        %get3A_736 = arith.index_cast %add3A_733 : i32 to index
        %get3A_737 = tpu.vector_load %arg4[%get3A_735, %get3A_736] {strides = array<i32>} : memref<8x4096xf32, #tpu.memory_space<vmem>>, vector<16xf32>,
        %add3A_738 = arith.addf %add3A_682, %get3A_737 : vector<16xf32>
        %add3A_739 = arith.constant 16 : i32
        %add3A_740 = arith.addi %mul3A_641, %add3A_739 : i32
        %get3A_741 = arith.constant 6 : i32
        %get3A_742 = arith.index_cast %get3A_741 : i32 to index
        %get3A_743 = arith.index_cast %add3A_740 : i32 to index
        %get3A_744 = tpu.vector_load %arg4[%get3A_742, %get3A_743] {strides = array<i32>} : memref<8x4096xf32, #tpu.memory_space<vmem>>, vector<16xf32>,
        %add3A_745 = arith.addf %add3A_689, %get3A_744 : vector<16xf32>
        %add3A_746 = arith.constant 16 : i32
        %add3A_747 = arith.addi %mul3A_641, %add3A_746 : i32
        %get3A_748 = arith.constant 7 : i32
        %get3A_749 = arith.index_cast %get3A_748 : i32 to index
        %get3A_750 = arith.index_cast %add3A_747 : i32 to index
        %get3A_751 = tpu.vector_load %arg4[%get3A_749, %get3A_750] {strides = array<i32>} : memref<8x4096xf32, #tpu.memory_space<vmem>>, vector<16xf32>,
        %add3A_752 = arith.addf %add3A_696, %get3A_751 : vector<16xf32>
        %add3A_753 = arith.constant 32 : i32
        %add3A_754 = arith.addi %mul3A_641, %add3A_753 : i32
        %get3A_755 = arith.constant 0 : i32
        %get3A_756 = arith.index_cast %get3A_755 : i32 to index
        %get3A_757 = arith.index_cast %add3A_754 : i32 to index
        %get3A_758 = tpu.vector_load %arg4[%get3A_756, %get3A_757] {strides = array<i32>} : memref<8x4096xf32, #tpu.memory_space<vmem>>, vector<16xf32>,
        %add3A_759 = arith.addf %add3A_703, %get3A_758 : vector<16xf32>
        %add3A_760 = arith.constant 32 : i32
        %add3A_761 = arith.addi %mul3A_641, %add3A_760 : i32
        %get3A_762 = arith.constant 1 : i32
        %get3A_763 = arith.index_cast %get3A_762 : i32 to index
        %get3A_764 = arith.index_cast %add3A_761 : i32 to index
        %get3A_765 = tpu.vector_load %arg4[%get3A_763, %get3A_764] {strides = array<i32>} : memref<8x4096xf32, #tpu.memory_space<vmem>>, vector<16xf32>,
        %add3A_766 = arith.addf %add3A_710, %get3A_765 : vector<16xf32>
        %add3A_767 = arith.constant 32 : i32
        %add3A_768 = arith.addi %mul3A_641, %add3A_767 : i32
        %get3A_769 = arith.constant 2 : i32
        %get3A_770 = arith.index_cast %get3A_769 : i32 to index
        %get3A_771 = arith.index_cast %add3A_768 : i32 to index
        %get3A_772 = tpu.vector_load %arg4[%get3A_770, %get3A_771] {strides = array<i32>} : memref<8x4096xf32, #tpu.memory_space<vmem>>, vector<16xf32>,
        %add3A_773 = arith.addf %add3A_717, %get3A_772 : vector<16xf32>
        %add3A_774 = arith.constant 32 : i32
        %add3A_775 = arith.addi %mul3A_641, %add3A_774 : i32
        %get3A_776 = arith.constant 3 : i32
        %get3A_777 = arith.index_cast %get3A_776 : i32 to index
        %get3A_778 = arith.index_cast %add3A_775 : i32 to index
        %get3A_779 = tpu.vector_load %arg4[%get3A_777, %get3A_778] {strides = array<i32>} : memref<8x4096xf32, #tpu.memory_space<vmem>>, vector<16xf32>,
        %add3A_780 = arith.addf %add3A_724, %get3A_779 : vector<16xf32>
        %add3A_781 = arith.constant 32 : i32
        %add3A_782 = arith.addi %mul3A_641, %add3A_781 : i32
        %get3A_783 = arith.constant 4 : i32
        %get3A_784 = arith.index_cast %get3A_783 : i32 to index
        %get3A_785 = arith.index_cast %add3A_782 : i32 to index
        %get3A_786 = tpu.vector_load %arg4[%get3A_784, %get3A_785] {strides = array<i32>} : memref<8x4096xf32, #tpu.memory_space<vmem>>, vector<16xf32>,
        %add3A_787 = arith.addf %add3A_731, %get3A_786 : vector<16xf32>
        %add3A_788 = arith.constant 32 : i32
        %add3A_789 = arith.addi %mul3A_641, %add3A_788 : i32
        %get3A_790 = arith.constant 5 : i32
        %get3A_791 = arith.index_cast %get3A_790 : i32 to index
        %get3A_792 = arith.index_cast %add3A_789 : i32 to index
        %get3A_793 = tpu.vector_load %arg4[%get3A_791, %get3A_792] {strides = array<i32>} : memref<8x4096xf32, #tpu.memory_space<vmem>>, vector<16xf32>,
        %add3A_794 = arith.addf %add3A_738, %get3A_793 : vector<16xf32>
        %add3A_795 = arith.constant 32 : i32
        %add3A_796 = arith.addi %mul3A_641, %add3A_795 : i32
        %get3A_797 = arith.constant 6 : i32
        %get3A_798 = arith.index_cast %get3A_797 : i32 to index
        %get3A_799 = arith.index_cast %add3A_796 : i32 to index
        %get3A_800 = tpu.vector_load %arg4[%get3A_798, %get3A_799] {strides = array<i32>} : memref<8x4096xf32, #tpu.memory_space<vmem>>, vector<16xf32>,
        %add3A_801 = arith.addf %add3A_745, %get3A_800 : vector<16xf32>
        %add3A_802 = arith.constant 32 : i32
        %add3A_803 = arith.addi %mul3A_641, %add3A_802 : i32
        %get3A_804 = arith.constant 7 : i32
        %get3A_805 = arith.index_cast %get3A_804 : i32 to index
        %get3A_806 = arith.index_cast %add3A_803 : i32 to index
        %get3A_807 = tpu.vector_load %arg4[%get3A_805, %get3A_806] {strides = array<i32>} : memref<8x4096xf32, #tpu.memory_space<vmem>>, vector<16xf32>,
        %add3A_808 = arith.addf %add3A_752, %get3A_807 : vector<16xf32>
        %add3A_809 = arith.constant 48 : i32
        %add3A_810 = arith.addi %mul3A_641, %add3A_809 : i32
        %get3A_811 = arith.constant 0 : i32
        %get3A_812 = arith.index_cast %get3A_811 : i32 to index
        %get3A_813 = arith.index_cast %add3A_810 : i32 to index
        %get3A_814 = tpu.vector_load %arg4[%get3A_812, %get3A_813] {strides = array<i32>} : memref<8x4096xf32, #tpu.memory_space<vmem>>, vector<16xf32>,
        %add3A_815 = arith.addf %add3A_759, %get3A_814 : vector<16xf32>
        %add3A_816 = arith.constant 48 : i32
        %add3A_817 = arith.addi %mul3A_641, %add3A_816 : i32
        %get3A_818 = arith.constant 1 : i32
        %get3A_819 = arith.index_cast %get3A_818 : i32 to index
        %get3A_820 = arith.index_cast %add3A_817 : i32 to index
        %get3A_821 = tpu.vector_load %arg4[%get3A_819, %get3A_820] {strides = array<i32>} : memref<8x4096xf32, #tpu.memory_space<vmem>>, vector<16xf32>,
        %add3A_822 = arith.addf %add3A_766, %get3A_821 : vector<16xf32>
        %add3A_823 = arith.constant 48 : i32
        %add3A_824 = arith.addi %mul3A_641, %add3A_823 : i32
        %get3A_825 = arith.constant 2 : i32
        %get3A_826 = arith.index_cast %get3A_825 : i32 to index
        %get3A_827 = arith.index_cast %add3A_824 : i32 to index
        %get3A_828 = tpu.vector_load %arg4[%get3A_826, %get3A_827] {strides = array<i32>} : memref<8x4096xf32, #tpu.memory_space<vmem>>, vector<16xf32>,
        %add3A_829 = arith.addf %add3A_773, %get3A_828 : vector<16xf32>
        %add3A_830 = arith.constant 48 : i32
        %add3A_831 = arith.addi %mul3A_641, %add3A_830 : i32
        %get3A_832 = arith.constant 3 : i32
        %get3A_833 = arith.index_cast %get3A_832 : i32 to index
        %get3A_834 = arith.index_cast %add3A_831 : i32 to index
        %get3A_835 = tpu.vector_load %arg4[%get3A_833, %get3A_834] {strides = array<i32>} : memref<8x4096xf32, #tpu.memory_space<vmem>>, vector<16xf32>,
        %add3A_836 = arith.addf %add3A_780, %get3A_835 : vector<16xf32>
        %add3A_837 = arith.constant 48 : i32
        %add3A_838 = arith.addi %mul3A_641, %add3A_837 : i32
        %get3A_839 = arith.constant 4 : i32
        %get3A_840 = arith.index_cast %get3A_839 : i32 to index
        %get3A_841 = arith.index_cast %add3A_838 : i32 to index
        %get3A_842 = tpu.vector_load %arg4[%get3A_840, %get3A_841] {strides = array<i32>} : memref<8x4096xf32, #tpu.memory_space<vmem>>, vector<16xf32>,
        %add3A_843 = arith.addf %add3A_787, %get3A_842 : vector<16xf32>
        %add3A_844 = arith.constant 48 : i32
        %add3A_845 = arith.addi %mul3A_641, %add3A_844 : i32
        %get3A_846 = arith.constant 5 : i32
        %get3A_847 = arith.index_cast %get3A_846 : i32 to index
        %get3A_848 = arith.index_cast %add3A_845 : i32 to index
        %get3A_849 = tpu.vector_load %arg4[%get3A_847, %get3A_848] {strides = array<i32>} : memref<8x4096xf32, #tpu.memory_space<vmem>>, vector<16xf32>,
        %add3A_850 = arith.addf %add3A_794, %get3A_849 : vector<16xf32>
        %add3A_851 = arith.constant 48 : i32
        %add3A_852 = arith.addi %mul3A_641, %add3A_851 : i32
        %get3A_853 = arith.constant 6 : i32
        %get3A_854 = arith.index_cast %get3A_853 : i32 to index
        %get3A_855 = arith.index_cast %add3A_852 : i32 to index
        %get3A_856 = tpu.vector_load %arg4[%get3A_854, %get3A_855] {strides = array<i32>} : memref<8x4096xf32, #tpu.memory_space<vmem>>, vector<16xf32>,
        %add3A_857 = arith.addf %add3A_801, %get3A_856 : vector<16xf32>
        %add3A_858 = arith.constant 48 : i32
        %add3A_859 = arith.addi %mul3A_641, %add3A_858 : i32
        %get3A_860 = arith.constant 7 : i32
        %get3A_861 = arith.index_cast %get3A_860 : i32 to index
        %get3A_862 = arith.index_cast %add3A_859 : i32 to index
        %get3A_863 = tpu.vector_load %arg4[%get3A_861, %get3A_862] {strides = array<i32>} : memref<8x4096xf32, #tpu.memory_space<vmem>>, vector<16xf32>,
        %add3A_864 = arith.addf %add3A_808, %get3A_863 : vector<16xf32>
        scf.yield %add3A_815, %add3A_822, %add3A_829, %add3A_836, %add3A_843, %add3A_850, %add3A_857, %add3A_864 : vector<16xf32>, vector<16xf32>, vector<16xf32>, vector<16xf32>, vector<16xf32>, vector<16xf32>, vector<16xf32>, vector<16xf32>
      }
      %scan3A_584 = arith.constant 64 : i32
      %add3A_585 = arith.constant 3 : i32
      %add3A_586 = arith.addi %add3A_575, %add3A_585 : i32
      %lt3A = arith.constant 24 : i32
      %lt3A_587 = arith.cmpi slt, %add3A_586, %lt3A : i32
      %convert_element_type3A = arith.extui %lt3A_587 : i1 to i32
      %cond3A = arith.constant 0 : i32
      %cond3A_588 = arith.cmpi ne, %convert_element_type3A, %cond3A : i32
      scf.if %cond3A_588 {
        %mul3A_631 = arith.constant 4096 : i32
        %mul3A_632 = arith.muli %add3A_586, %mul3A_631 : i32
        %dma_start3A_633 = tpu.memref_slice %arg2[%add3A_138, %mul3A_632] : memref<1024x100000xf32, #tpu.memory_space<hbm>> -> memref<8x4096xf32, #tpu.memory_space<hbm>>
        %dma_start3A_634 = tpu.memref_slice %arg2[%add3A_138, %mul3A_632] : memref<1024x100000xf32, #tpu.memory_space<hbm>> -> memref<8x4096xf32, #tpu.memory_space<hbm>>
        tpu.enqueue_dma source(%dma_start3A_634 : memref<8x4096xf32, #tpu.memory_space<hbm>>) target(%arg4 : memref<8x4096xf32, #tpu.memory_space<vmem>>) target_semaphore(%arg9 : memref<!tpu.dma_semaphore, #tpu.memory_space<semaphore_mem>>)
      } else {
      }
      %mul3A_589 = arith.constant 3 : i32
      %mul3A_590 = arith.muli %scan3A_563, %mul3A_589 : i32
      %add3A_591 = arith.constant 1 : i32
      %add3A_592 = arith.addi %mul3A_590, %add3A_591 : i32
      %dma_wait3A_593 = arith.constant 0 : i32
      %dma_wait3A_594 = tpu.memref_slice %arg2[%add3A_138, %dma_wait3A_593] : memref<1024x100000xf32, #tpu.memory_space<hbm>> -> memref<8x4096xf32, #tpu.memory_space<hbm>>
      %dma_wait3A_595 = arith.constant 0 : i32
      %dma_wait3A_596 = tpu.memref_slice %arg2[%add3A_138, %dma_wait3A_595] : memref<1024x100000xf32, #tpu.memory_space<hbm>> -> memref<8x4096xf32, #tpu.memory_space<hbm>>
      tpu.wait_dma2 semaphore(%arg9 : memref<!tpu.dma_semaphore, #tpu.memory_space<semaphore_mem>>) src(%dma_wait3A_596 : memref<8x4096xf32, #tpu.memory_space<hbm>>) dst(%arg5 : memref<8x4096xf32, #tpu.memory_space<vmem>>)
      %scan3A_597 = arith.constant 0 : i32
      %scan3A_598 = arith.constant 64 : i32
      %scan3A_599 = arith.addi %scan3A_597, %scan3A_598 : i32
      %scan3A_600 = arith.constant 1 : i32
      %scan3A_601:8 = scf.for %scan3A_631 = %scan3A_597 to %scan3A_599 step %scan3A_600 iter_args(%scan3A_632 = %scan3A_583#0, %scan3A_633 = %scan3A_583#1, %scan3A_634 = %scan3A_583#2, %scan3A_635 = %scan3A_583#3, %scan3A_636 = %scan3A_583#4, %scan3A_637 = %scan3A_583#5, %scan3A_638 = %scan3A_583#6, %scan3A_639 = %scan3A_583#7) -> (vector<16xf32>, vector<16xf32>, vector<16xf32>, vector<16xf32>, vector<16xf32>, vector<16xf32>, vector<16xf32>, vector<16xf32>)  : i32 {
        %mul3A_640 = arith.constant 64 : i32
        %mul3A_641 = arith.muli %scan3A_631, %mul3A_640 : i32
        %add3A_642 = arith.constant 0 : i32
        %add3A_643 = arith.addi %mul3A_641, %add3A_642 : i32
        %get3A = arith.constant 0 : i32
        %get3A_644 = arith.index_cast %get3A : i32 to index
        %get3A_645 = arith.index_cast %add3A_643 : i32 to index
        %get3A_646 = tpu.vector_load %arg5[%get3A_644, %get3A_645] {strides = array<i32>} : memref<8x4096xf32, #tpu.memory_space<vmem>>, vector<16xf32>,
        %add3A_647 = arith.addf %scan3A_632, %get3A_646 : vector<16xf32>
        %add3A_648 = arith.constant 0 : i32
        %add3A_649 = arith.addi %mul3A_641, %add3A_648 : i32
        %get3A_650 = arith.constant 1 : i32
        %get3A_651 = arith.index_cast %get3A_650 : i32 to index
        %get3A_652 = arith.index_cast %add3A_649 : i32 to index
        %get3A_653 = tpu.vector_load %arg5[%get3A_651, %get3A_652] {strides = array<i32>} : memref<8x4096xf32, #tpu.memory_space<vmem>>, vector<16xf32>,
        %add3A_654 = arith.addf %scan3A_633, %get3A_653 : vector<16xf32>
        %add3A_655 = arith.constant 0 : i32
        %add3A_656 = arith.addi %mul3A_641, %add3A_655 : i32
        %get3A_657 = arith.constant 2 : i32
        %get3A_658 = arith.index_cast %get3A_657 : i32 to index
        %get3A_659 = arith.index_cast %add3A_656 : i32 to index
        %get3A_660 = tpu.vector_load %arg5[%get3A_658, %get3A_659] {strides = array<i32>} : memref<8x4096xf32, #tpu.memory_space<vmem>>, vector<16xf32>,
        %add3A_661 = arith.addf %scan3A_634, %get3A_660 : vector<16xf32>
        %add3A_662 = arith.constant 0 : i32
        %add3A_663 = arith.addi %mul3A_641, %add3A_662 : i32
        %get3A_664 = arith.constant 3 : i32
        %get3A_665 = arith.index_cast %get3A_664 : i32 to index
        %get3A_666 = arith.index_cast %add3A_663 : i32 to index
        %get3A_667 = tpu.vector_load %arg5[%get3A_665, %get3A_666] {strides = array<i32>} : memref<8x4096xf32, #tpu.memory_space<vmem>>, vector<16xf32>,
        %add3A_668 = arith.addf %scan3A_635, %get3A_667 : vector<16xf32>
        %add3A_669 = arith.constant 0 : i32
        %add3A_670 = arith.addi %mul3A_641, %add3A_669 : i32
        %get3A_671 = arith.constant 4 : i32
        %get3A_672 = arith.index_cast %get3A_671 : i32 to index
        %get3A_673 = arith.index_cast %add3A_670 : i32 to index
        %get3A_674 = tpu.vector_load %arg5[%get3A_672, %get3A_673] {strides = array<i32>} : memref<8x4096xf32, #tpu.memory_space<vmem>>, vector<16xf32>,
        %add3A_675 = arith.addf %scan3A_636, %get3A_674 : vector<16xf32>
        %add3A_676 = arith.constant 0 : i32
        %add3A_677 = arith.addi %mul3A_641, %add3A_676 : i32
        %get3A_678 = arith.constant 5 : i32
        %get3A_679 = arith.index_cast %get3A_678 : i32 to index
        %get3A_680 = arith.index_cast %add3A_677 : i32 to index
        %get3A_681 = tpu.vector_load %arg5[%get3A_679, %get3A_680] {strides = array<i32>} : memref<8x4096xf32, #tpu.memory_space<vmem>>, vector<16xf32>,
        %add3A_682 = arith.addf %scan3A_637, %get3A_681 : vector<16xf32>
        %add3A_683 = arith.constant 0 : i32
        %add3A_684 = arith.addi %mul3A_641, %add3A_683 : i32
        %get3A_685 = arith.constant 6 : i32
        %get3A_686 = arith.index_cast %get3A_685 : i32 to index
        %get3A_687 = arith.index_cast %add3A_684 : i32 to index
        %get3A_688 = tpu.vector_load %arg5[%get3A_686, %get3A_687] {strides = array<i32>} : memref<8x4096xf32, #tpu.memory_space<vmem>>, vector<16xf32>,
        %add3A_689 = arith.addf %scan3A_638, %get3A_688 : vector<16xf32>
        %add3A_690 = arith.constant 0 : i32
        %add3A_691 = arith.addi %mul3A_641, %add3A_690 : i32
        %get3A_692 = arith.constant 7 : i32
        %get3A_693 = arith.index_cast %get3A_692 : i32 to index
        %get3A_694 = arith.index_cast %add3A_691 : i32 to index
        %get3A_695 = tpu.vector_load %arg5[%get3A_693, %get3A_694] {strides = array<i32>} : memref<8x4096xf32, #tpu.memory_space<vmem>>, vector<16xf32>,
        %add3A_696 = arith.addf %scan3A_639, %get3A_695 : vector<16xf32>
        %add3A_697 = arith.constant 16 : i32
        %add3A_698 = arith.addi %mul3A_641, %add3A_697 : i32
        %get3A_699 = arith.constant 0 : i32
        %get3A_700 = arith.index_cast %get3A_699 : i32 to index
        %get3A_701 = arith.index_cast %add3A_698 : i32 to index
        %get3A_702 = tpu.vector_load %arg5[%get3A_700, %get3A_701] {strides = array<i32>} : memref<8x4096xf32, #tpu.memory_space<vmem>>, vector<16xf32>,
        %add3A_703 = arith.addf %add3A_647, %get3A_702 : vector<16xf32>
        %add3A_704 = arith.constant 16 : i32
        %add3A_705 = arith.addi %mul3A_641, %add3A_704 : i32
        %get3A_706 = arith.constant 1 : i32
        %get3A_707 = arith.index_cast %get3A_706 : i32 to index
        %get3A_708 = arith.index_cast %add3A_705 : i32 to index
        %get3A_709 = tpu.vector_load %arg5[%get3A_707, %get3A_708] {strides = array<i32>} : memref<8x4096xf32, #tpu.memory_space<vmem>>, vector<16xf32>,
        %add3A_710 = arith.addf %add3A_654, %get3A_709 : vector<16xf32>
        %add3A_711 = arith.constant 16 : i32
        %add3A_712 = arith.addi %mul3A_641, %add3A_711 : i32
        %get3A_713 = arith.constant 2 : i32
        %get3A_714 = arith.index_cast %get3A_713 : i32 to index
        %get3A_715 = arith.index_cast %add3A_712 : i32 to index
        %get3A_716 = tpu.vector_load %arg5[%get3A_714, %get3A_715] {strides = array<i32>} : memref<8x4096xf32, #tpu.memory_space<vmem>>, vector<16xf32>,
        %add3A_717 = arith.addf %add3A_661, %get3A_716 : vector<16xf32>
        %add3A_718 = arith.constant 16 : i32
        %add3A_719 = arith.addi %mul3A_641, %add3A_718 : i32
        %get3A_720 = arith.constant 3 : i32
        %get3A_721 = arith.index_cast %get3A_720 : i32 to index
        %get3A_722 = arith.index_cast %add3A_719 : i32 to index
        %get3A_723 = tpu.vector_load %arg5[%get3A_721, %get3A_722] {strides = array<i32>} : memref<8x4096xf32, #tpu.memory_space<vmem>>, vector<16xf32>,
        %add3A_724 = arith.addf %add3A_668, %get3A_723 : vector<16xf32>
        %add3A_725 = arith.constant 16 : i32
        %add3A_726 = arith.addi %mul3A_641, %add3A_725 : i32
        %get3A_727 = arith.constant 4 : i32
        %get3A_728 = arith.index_cast %get3A_727 : i32 to index
        %get3A_729 = arith.index_cast %add3A_726 : i32 to index
        %get3A_730 = tpu.vector_load %arg5[%get3A_728, %get3A_729] {strides = array<i32>} : memref<8x4096xf32, #tpu.memory_space<vmem>>, vector<16xf32>,
        %add3A_731 = arith.addf %add3A_675, %get3A_730 : vector<16xf32>
        %add3A_732 = arith.constant 16 : i32
        %add3A_733 = arith.addi %mul3A_641, %add3A_732 : i32
        %get3A_734 = arith.constant 5 : i32
        %get3A_735 = arith.index_cast %get3A_734 : i32 to index
        %get3A_736 = arith.index_cast %add3A_733 : i32 to index
        %get3A_737 = tpu.vector_load %arg5[%get3A_735, %get3A_736] {strides = array<i32>} : memref<8x4096xf32, #tpu.memory_space<vmem>>, vector<16xf32>,
        %add3A_738 = arith.addf %add3A_682, %get3A_737 : vector<16xf32>
        %add3A_739 = arith.constant 16 : i32
        %add3A_740 = arith.addi %mul3A_641, %add3A_739 : i32
        %get3A_741 = arith.constant 6 : i32
        %get3A_742 = arith.index_cast %get3A_741 : i32 to index
        %get3A_743 = arith.index_cast %add3A_740 : i32 to index
        %get3A_744 = tpu.vector_load %arg5[%get3A_742, %get3A_743] {strides = array<i32>} : memref<8x4096xf32, #tpu.memory_space<vmem>>, vector<16xf32>,
        %add3A_745 = arith.addf %add3A_689, %get3A_744 : vector<16xf32>
        %add3A_746 = arith.constant 16 : i32
        %add3A_747 = arith.addi %mul3A_641, %add3A_746 : i32
        %get3A_748 = arith.constant 7 : i32
        %get3A_749 = arith.index_cast %get3A_748 : i32 to index
        %get3A_750 = arith.index_cast %add3A_747 : i32 to index
        %get3A_751 = tpu.vector_load %arg5[%get3A_749, %get3A_750] {strides = array<i32>} : memref<8x4096xf32, #tpu.memory_space<vmem>>, vector<16xf32>,
        %add3A_752 = arith.addf %add3A_696, %get3A_751 : vector<16xf32>
        %add3A_753 = arith.constant 32 : i32
        %add3A_754 = arith.addi %mul3A_641, %add3A_753 : i32
        %get3A_755 = arith.constant 0 : i32
        %get3A_756 = arith.index_cast %get3A_755 : i32 to index
        %get3A_757 = arith.index_cast %add3A_754 : i32 to index
        %get3A_758 = tpu.vector_load %arg5[%get3A_756, %get3A_757] {strides = array<i32>} : memref<8x4096xf32, #tpu.memory_space<vmem>>, vector<16xf32>,
        %add3A_759 = arith.addf %add3A_703, %get3A_758 : vector<16xf32>
        %add3A_760 = arith.constant 32 : i32
        %add3A_761 = arith.addi %mul3A_641, %add3A_760 : i32
        %get3A_762 = arith.constant 1 : i32
        %get3A_763 = arith.index_cast %get3A_762 : i32 to index
        %get3A_764 = arith.index_cast %add3A_761 : i32 to index
        %get3A_765 = tpu.vector_load %arg5[%get3A_763, %get3A_764] {strides = array<i32>} : memref<8x4096xf32, #tpu.memory_space<vmem>>, vector<16xf32>,
        %add3A_766 = arith.addf %add3A_710, %get3A_765 : vector<16xf32>
        %add3A_767 = arith.constant 32 : i32
        %add3A_768 = arith.addi %mul3A_641, %add3A_767 : i32
        %get3A_769 = arith.constant 2 : i32
        %get3A_770 = arith.index_cast %get3A_769 : i32 to index
        %get3A_771 = arith.index_cast %add3A_768 : i32 to index
        %get3A_772 = tpu.vector_load %arg5[%get3A_770, %get3A_771] {strides = array<i32>} : memref<8x4096xf32, #tpu.memory_space<vmem>>, vector<16xf32>,
        %add3A_773 = arith.addf %add3A_717, %get3A_772 : vector<16xf32>
        %add3A_774 = arith.constant 32 : i32
        %add3A_775 = arith.addi %mul3A_641, %add3A_774 : i32
        %get3A_776 = arith.constant 3 : i32
        %get3A_777 = arith.index_cast %get3A_776 : i32 to index
        %get3A_778 = arith.index_cast %add3A_775 : i32 to index
        %get3A_779 = tpu.vector_load %arg5[%get3A_777, %get3A_778] {strides = array<i32>} : memref<8x4096xf32, #tpu.memory_space<vmem>>, vector<16xf32>,
        %add3A_780 = arith.addf %add3A_724, %get3A_779 : vector<16xf32>
        %add3A_781 = arith.constant 32 : i32
        %add3A_782 = arith.addi %mul3A_641, %add3A_781 : i32
        %get3A_783 = arith.constant 4 : i32
        %get3A_784 = arith.index_cast %get3A_783 : i32 to index
        %get3A_785 = arith.index_cast %add3A_782 : i32 to index
        %get3A_786 = tpu.vector_load %arg5[%get3A_784, %get3A_785] {strides = array<i32>} : memref<8x4096xf32, #tpu.memory_space<vmem>>, vector<16xf32>,
        %add3A_787 = arith.addf %add3A_731, %get3A_786 : vector<16xf32>
        %add3A_788 = arith.constant 32 : i32
        %add3A_789 = arith.addi %mul3A_641, %add3A_788 : i32
        %get3A_790 = arith.constant 5 : i32
        %get3A_791 = arith.index_cast %get3A_790 : i32 to index
        %get3A_792 = arith.index_cast %add3A_789 : i32 to index
        %get3A_793 = tpu.vector_load %arg5[%get3A_791, %get3A_792] {strides = array<i32>} : memref<8x4096xf32, #tpu.memory_space<vmem>>, vector<16xf32>,
        %add3A_794 = arith.addf %add3A_738, %get3A_793 : vector<16xf32>
        %add3A_795 = arith.constant 32 : i32
        %add3A_796 = arith.addi %mul3A_641, %add3A_795 : i32
        %get3A_797 = arith.constant 6 : i32
        %get3A_798 = arith.index_cast %get3A_797 : i32 to index
        %get3A_799 = arith.index_cast %add3A_796 : i32 to index
        %get3A_800 = tpu.vector_load %arg5[%get3A_798, %get3A_799] {strides = array<i32>} : memref<8x4096xf32, #tpu.memory_space<vmem>>, vector<16xf32>,
        %add3A_801 = arith.addf %add3A_745, %get3A_800 : vector<16xf32>
        %add3A_802 = arith.constant 32 : i32
        %add3A_803 = arith.addi %mul3A_641, %add3A_802 : i32
        %get3A_804 = arith.constant 7 : i32
        %get3A_805 = arith.index_cast %get3A_804 : i32 to index
        %get3A_806 = arith.index_cast %add3A_803 : i32 to index
        %get3A_807 = tpu.vector_load %arg5[%get3A_805, %get3A_806] {strides = array<i32>} : memref<8x4096xf32, #tpu.memory_space<vmem>>, vector<16xf32>,
        %add3A_808 = arith.addf %add3A_752, %get3A_807 : vector<16xf32>
        %add3A_809 = arith.constant 48 : i32
        %add3A_810 = arith.addi %mul3A_641, %add3A_809 : i32
        %get3A_811 = arith.constant 0 : i32
        %get3A_812 = arith.index_cast %get3A_811 : i32 to index
        %get3A_813 = arith.index_cast %add3A_810 : i32 to index
        %get3A_814 = tpu.vector_load %arg5[%get3A_812, %get3A_813] {strides = array<i32>} : memref<8x4096xf32, #tpu.memory_space<vmem>>, vector<16xf32>,
        %add3A_815 = arith.addf %add3A_759, %get3A_814 : vector<16xf32>
        %add3A_816 = arith.constant 48 : i32
        %add3A_817 = arith.addi %mul3A_641, %add3A_816 : i32
        %get3A_818 = arith.constant 1 : i32
        %get3A_819 = arith.index_cast %get3A_818 : i32 to index
        %get3A_820 = arith.index_cast %add3A_817 : i32 to index
        %get3A_821 = tpu.vector_load %arg5[%get3A_819, %get3A_820] {strides = array<i32>} : memref<8x4096xf32, #tpu.memory_space<vmem>>, vector<16xf32>,
        %add3A_822 = arith.addf %add3A_766, %get3A_821 : vector<16xf32>
        %add3A_823 = arith.constant 48 : i32
        %add3A_824 = arith.addi %mul3A_641, %add3A_823 : i32
        %get3A_825 = arith.constant 2 : i32
        %get3A_826 = arith.index_cast %get3A_825 : i32 to index
        %get3A_827 = arith.index_cast %add3A_824 : i32 to index
        %get3A_828 = tpu.vector_load %arg5[%get3A_826, %get3A_827] {strides = array<i32>} : memref<8x4096xf32, #tpu.memory_space<vmem>>, vector<16xf32>,
        %add3A_829 = arith.addf %add3A_773, %get3A_828 : vector<16xf32>
        %add3A_830 = arith.constant 48 : i32
        %add3A_831 = arith.addi %mul3A_641, %add3A_830 : i32
        %get3A_832 = arith.constant 3 : i32
        %get3A_833 = arith.index_cast %get3A_832 : i32 to index
        %get3A_834 = arith.index_cast %add3A_831 : i32 to index
        %get3A_835 = tpu.vector_load %arg5[%get3A_833, %get3A_834] {strides = array<i32>} : memref<8x4096xf32, #tpu.memory_space<vmem>>, vector<16xf32>,
        %add3A_836 = arith.addf %add3A_780, %get3A_835 : vector<16xf32>
        %add3A_837 = arith.constant 48 : i32
        %add3A_838 = arith.addi %mul3A_641, %add3A_837 : i32
        %get3A_839 = arith.constant 4 : i32
        %get3A_840 = arith.index_cast %get3A_839 : i32 to index
        %get3A_841 = arith.index_cast %add3A_838 : i32 to index
        %get3A_842 = tpu.vector_load %arg5[%get3A_840, %get3A_841] {strides = array<i32>} : memref<8x4096xf32, #tpu.memory_space<vmem>>, vector<16xf32>,
        %add3A_843 = arith.addf %add3A_787, %get3A_842 : vector<16xf32>
        %add3A_844 = arith.constant 48 : i32
        %add3A_845 = arith.addi %mul3A_641, %add3A_844 : i32
        %get3A_846 = arith.constant 5 : i32
        %get3A_847 = arith.index_cast %get3A_846 : i32 to index
        %get3A_848 = arith.index_cast %add3A_845 : i32 to index
        %get3A_849 = tpu.vector_load %arg5[%get3A_847, %get3A_848] {strides = array<i32>} : memref<8x4096xf32, #tpu.memory_space<vmem>>, vector<16xf32>,
        %add3A_850 = arith.addf %add3A_794, %get3A_849 : vector<16xf32>
        %add3A_851 = arith.constant 48 : i32
        %add3A_852 = arith.addi %mul3A_641, %add3A_851 : i32
        %get3A_853 = arith.constant 6 : i32
        %get3A_854 = arith.index_cast %get3A_853 : i32 to index
        %get3A_855 = arith.index_cast %add3A_852 : i32 to index
        %get3A_856 = tpu.vector_load %arg5[%get3A_854, %get3A_855] {strides = array<i32>} : memref<8x4096xf32, #tpu.memory_space<vmem>>, vector<16xf32>,
        %add3A_857 = arith.addf %add3A_801, %get3A_856 : vector<16xf32>
        %add3A_858 = arith.constant 48 : i32
        %add3A_859 = arith.addi %mul3A_641, %add3A_858 : i32
        %get3A_860 = arith.constant 7 : i32
        %get3A_861 = arith.index_cast %get3A_860 : i32 to index
        %get3A_862 = arith.index_cast %add3A_859 : i32 to index
        %get3A_863 = tpu.vector_load %arg5[%get3A_861, %get3A_862] {strides = array<i32>} : memref<8x4096xf32, #tpu.memory_space<vmem>>, vector<16xf32>,
        %add3A_864 = arith.addf %add3A_808, %get3A_863 : vector<16xf32>
        scf.yield %add3A_815, %add3A_822, %add3A_829, %add3A_836, %add3A_843, %add3A_850, %add3A_857, %add3A_864 : vector<16xf32>, vector<16xf32>, vector<16xf32>, vector<16xf32>, vector<16xf32>, vector<16xf32>, vector<16xf32>, vector<16xf32>
      }
      %scan3A_602 = arith.constant 64 : i32
      %add3A_603 = arith.constant 3 : i32
      %add3A_604 = arith.addi %add3A_592, %add3A_603 : i32
      %lt3A_605 = arith.constant 24 : i32
      %lt3A_606 = arith.cmpi slt, %add3A_604, %lt3A_605 : i32
      %convert_element_type3A_607 = arith.extui %lt3A_606 : i1 to i32
      %cond3A_608 = arith.constant 0 : i32
      %cond3A_609 = arith.cmpi ne, %convert_element_type3A_607, %cond3A_608 : i32
      scf.if %cond3A_609 {
        %mul3A_631 = arith.constant 4096 : i32
        %mul3A_632 = arith.muli %add3A_604, %mul3A_631 : i32
        %dma_start3A_633 = tpu.memref_slice %arg2[%add3A_138, %mul3A_632] : memref<1024x100000xf32, #tpu.memory_space<hbm>> -> memref<8x4096xf32, #tpu.memory_space<hbm>>
        %dma_start3A_634 = tpu.memref_slice %arg2[%add3A_138, %mul3A_632] : memref<1024x100000xf32, #tpu.memory_space<hbm>> -> memref<8x4096xf32, #tpu.memory_space<hbm>>
        tpu.enqueue_dma source(%dma_start3A_634 : memref<8x4096xf32, #tpu.memory_space<hbm>>) target(%arg5 : memref<8x4096xf32, #tpu.memory_space<vmem>>) target_semaphore(%arg9 : memref<!tpu.dma_semaphore, #tpu.memory_space<semaphore_mem>>)
      } else {
      }
      %mul3A_610 = arith.constant 3 : i32
      %mul3A_611 = arith.muli %scan3A_563, %mul3A_610 : i32
      %add3A_612 = arith.constant 2 : i32
      %add3A_613 = arith.addi %mul3A_611, %add3A_612 : i32
      %dma_wait3A_614 = arith.constant 0 : i32
      %dma_wait3A_615 = tpu.memref_slice %arg2[%add3A_138, %dma_wait3A_614] : memref<1024x100000xf32, #tpu.memory_space<hbm>> -> memref<8x4096xf32, #tpu.memory_space<hbm>>
      %dma_wait3A_616 = arith.constant 0 : i32
      %dma_wait3A_617 = tpu.memref_slice %arg2[%add3A_138, %dma_wait3A_616] : memref<1024x100000xf32, #tpu.memory_space<hbm>> -> memref<8x4096xf32, #tpu.memory_space<hbm>>
      tpu.wait_dma2 semaphore(%arg9 : memref<!tpu.dma_semaphore, #tpu.memory_space<semaphore_mem>>) src(%dma_wait3A_617 : memref<8x4096xf32, #tpu.memory_space<hbm>>) dst(%arg6 : memref<8x4096xf32, #tpu.memory_space<vmem>>)
      %scan3A_618 = arith.constant 0 : i32
      %scan3A_619 = arith.constant 64 : i32
      %scan3A_620 = arith.addi %scan3A_618, %scan3A_619 : i32
      %scan3A_621 = arith.constant 1 : i32
      %scan3A_622:8 = scf.for %scan3A_631 = %scan3A_618 to %scan3A_620 step %scan3A_621 iter_args(%scan3A_632 = %scan3A_601#0, %scan3A_633 = %scan3A_601#1, %scan3A_634 = %scan3A_601#2, %scan3A_635 = %scan3A_601#3, %scan3A_636 = %scan3A_601#4, %scan3A_637 = %scan3A_601#5, %scan3A_638 = %scan3A_601#6, %scan3A_639 = %scan3A_601#7) -> (vector<16xf32>, vector<16xf32>, vector<16xf32>, vector<16xf32>, vector<16xf32>, vector<16xf32>, vector<16xf32>, vector<16xf32>)  : i32 {
        %mul3A_640 = arith.constant 64 : i32
        %mul3A_641 = arith.muli %scan3A_631, %mul3A_640 : i32
        %add3A_642 = arith.constant 0 : i32
        %add3A_643 = arith.addi %mul3A_641, %add3A_642 : i32
        %get3A = arith.constant 0 : i32
        %get3A_644 = arith.index_cast %get3A : i32 to index
        %get3A_645 = arith.index_cast %add3A_643 : i32 to index
        %get3A_646 = tpu.vector_load %arg6[%get3A_644, %get3A_645] {strides = array<i32>} : memref<8x4096xf32, #tpu.memory_space<vmem>>, vector<16xf32>,
        %add3A_647 = arith.addf %scan3A_632, %get3A_646 : vector<16xf32>
        %add3A_648 = arith.constant 0 : i32
        %add3A_649 = arith.addi %mul3A_641, %add3A_648 : i32
        %get3A_650 = arith.constant 1 : i32
        %get3A_651 = arith.index_cast %get3A_650 : i32 to index
        %get3A_652 = arith.index_cast %add3A_649 : i32 to index
        %get3A_653 = tpu.vector_load %arg6[%get3A_651, %get3A_652] {strides = array<i32>} : memref<8x4096xf32, #tpu.memory_space<vmem>>, vector<16xf32>,
        %add3A_654 = arith.addf %scan3A_633, %get3A_653 : vector<16xf32>
        %add3A_655 = arith.constant 0 : i32
        %add3A_656 = arith.addi %mul3A_641, %add3A_655 : i32
        %get3A_657 = arith.constant 2 : i32
        %get3A_658 = arith.index_cast %get3A_657 : i32 to index
        %get3A_659 = arith.index_cast %add3A_656 : i32 to index
        %get3A_660 = tpu.vector_load %arg6[%get3A_658, %get3A_659] {strides = array<i32>} : memref<8x4096xf32, #tpu.memory_space<vmem>>, vector<16xf32>,
        %add3A_661 = arith.addf %scan3A_634, %get3A_660 : vector<16xf32>
        %add3A_662 = arith.constant 0 : i32
        %add3A_663 = arith.addi %mul3A_641, %add3A_662 : i32
        %get3A_664 = arith.constant 3 : i32
        %get3A_665 = arith.index_cast %get3A_664 : i32 to index
        %get3A_666 = arith.index_cast %add3A_663 : i32 to index
        %get3A_667 = tpu.vector_load %arg6[%get3A_665, %get3A_666] {strides = array<i32>} : memref<8x4096xf32, #tpu.memory_space<vmem>>, vector<16xf32>,
        %add3A_668 = arith.addf %scan3A_635, %get3A_667 : vector<16xf32>
        %add3A_669 = arith.constant 0 : i32
        %add3A_670 = arith.addi %mul3A_641, %add3A_669 : i32
        %get3A_671 = arith.constant 4 : i32
        %get3A_672 = arith.index_cast %get3A_671 : i32 to index
        %get3A_673 = arith.index_cast %add3A_670 : i32 to index
        %get3A_674 = tpu.vector_load %arg6[%get3A_672, %get3A_673] {strides = array<i32>} : memref<8x4096xf32, #tpu.memory_space<vmem>>, vector<16xf32>,
        %add3A_675 = arith.addf %scan3A_636, %get3A_674 : vector<16xf32>
        %add3A_676 = arith.constant 0 : i32
        %add3A_677 = arith.addi %mul3A_641, %add3A_676 : i32
        %get3A_678 = arith.constant 5 : i32
        %get3A_679 = arith.index_cast %get3A_678 : i32 to index
        %get3A_680 = arith.index_cast %add3A_677 : i32 to index
        %get3A_681 = tpu.vector_load %arg6[%get3A_679, %get3A_680] {strides = array<i32>} : memref<8x4096xf32, #tpu.memory_space<vmem>>, vector<16xf32>,
        %add3A_682 = arith.addf %scan3A_637, %get3A_681 : vector<16xf32>
        %add3A_683 = arith.constant 0 : i32
        %add3A_684 = arith.addi %mul3A_641, %add3A_683 : i32
        %get3A_685 = arith.constant 6 : i32
        %get3A_686 = arith.index_cast %get3A_685 : i32 to index
        %get3A_687 = arith.index_cast %add3A_684 : i32 to index
        %get3A_688 = tpu.vector_load %arg6[%get3A_686, %get3A_687] {strides = array<i32>} : memref<8x4096xf32, #tpu.memory_space<vmem>>, vector<16xf32>,
        %add3A_689 = arith.addf %scan3A_638, %get3A_688 : vector<16xf32>
        %add3A_690 = arith.constant 0 : i32
        %add3A_691 = arith.addi %mul3A_641, %add3A_690 : i32
        %get3A_692 = arith.constant 7 : i32
        %get3A_693 = arith.index_cast %get3A_692 : i32 to index
        %get3A_694 = arith.index_cast %add3A_691 : i32 to index
        %get3A_695 = tpu.vector_load %arg6[%get3A_693, %get3A_694] {strides = array<i32>} : memref<8x4096xf32, #tpu.memory_space<vmem>>, vector<16xf32>,
        %add3A_696 = arith.addf %scan3A_639, %get3A_695 : vector<16xf32>
        %add3A_697 = arith.constant 16 : i32
        %add3A_698 = arith.addi %mul3A_641, %add3A_697 : i32
        %get3A_699 = arith.constant 0 : i32
        %get3A_700 = arith.index_cast %get3A_699 : i32 to index
        %get3A_701 = arith.index_cast %add3A_698 : i32 to index
        %get3A_702 = tpu.vector_load %arg6[%get3A_700, %get3A_701] {strides = array<i32>} : memref<8x4096xf32, #tpu.memory_space<vmem>>, vector<16xf32>,
        %add3A_703 = arith.addf %add3A_647, %get3A_702 : vector<16xf32>
        %add3A_704 = arith.constant 16 : i32
        %add3A_705 = arith.addi %mul3A_641, %add3A_704 : i32
        %get3A_706 = arith.constant 1 : i32
        %get3A_707 = arith.index_cast %get3A_706 : i32 to index
        %get3A_708 = arith.index_cast %add3A_705 : i32 to index
        %get3A_709 = tpu.vector_load %arg6[%get3A_707, %get3A_708] {strides = array<i32>} : memref<8x4096xf32, #tpu.memory_space<vmem>>, vector<16xf32>,
        %add3A_710 = arith.addf %add3A_654, %get3A_709 : vector<16xf32>
        %add3A_711 = arith.constant 16 : i32
        %add3A_712 = arith.addi %mul3A_641, %add3A_711 : i32
        %get3A_713 = arith.constant 2 : i32
        %get3A_714 = arith.index_cast %get3A_713 : i32 to index
        %get3A_715 = arith.index_cast %add3A_712 : i32 to index
        %get3A_716 = tpu.vector_load %arg6[%get3A_714, %get3A_715] {strides = array<i32>} : memref<8x4096xf32, #tpu.memory_space<vmem>>, vector<16xf32>,
        %add3A_717 = arith.addf %add3A_661, %get3A_716 : vector<16xf32>
        %add3A_718 = arith.constant 16 : i32
        %add3A_719 = arith.addi %mul3A_641, %add3A_718 : i32
        %get3A_720 = arith.constant 3 : i32
        %get3A_721 = arith.index_cast %get3A_720 : i32 to index
        %get3A_722 = arith.index_cast %add3A_719 : i32 to index
        %get3A_723 = tpu.vector_load %arg6[%get3A_721, %get3A_722] {strides = array<i32>} : memref<8x4096xf32, #tpu.memory_space<vmem>>, vector<16xf32>,
        %add3A_724 = arith.addf %add3A_668, %get3A_723 : vector<16xf32>
        %add3A_725 = arith.constant 16 : i32
        %add3A_726 = arith.addi %mul3A_641, %add3A_725 : i32
        %get3A_727 = arith.constant 4 : i32
        %get3A_728 = arith.index_cast %get3A_727 : i32 to index
        %get3A_729 = arith.index_cast %add3A_726 : i32 to index
        %get3A_730 = tpu.vector_load %arg6[%get3A_728, %get3A_729] {strides = array<i32>} : memref<8x4096xf32, #tpu.memory_space<vmem>>, vector<16xf32>,
        %add3A_731 = arith.addf %add3A_675, %get3A_730 : vector<16xf32>
        %add3A_732 = arith.constant 16 : i32
        %add3A_733 = arith.addi %mul3A_641, %add3A_732 : i32
        %get3A_734 = arith.constant 5 : i32
        %get3A_735 = arith.index_cast %get3A_734 : i32 to index
        %get3A_736 = arith.index_cast %add3A_733 : i32 to index
        %get3A_737 = tpu.vector_load %arg6[%get3A_735, %get3A_736] {strides = array<i32>} : memref<8x4096xf32, #tpu.memory_space<vmem>>, vector<16xf32>,
        %add3A_738 = arith.addf %add3A_682, %get3A_737 : vector<16xf32>
        %add3A_739 = arith.constant 16 : i32
        %add3A_740 = arith.addi %mul3A_641, %add3A_739 : i32
        %get3A_741 = arith.constant 6 : i32
        %get3A_742 = arith.index_cast %get3A_741 : i32 to index
        %get3A_743 = arith.index_cast %add3A_740 : i32 to index
        %get3A_744 = tpu.vector_load %arg6[%get3A_742, %get3A_743] {strides = array<i32>} : memref<8x4096xf32, #tpu.memory_space<vmem>>, vector<16xf32>,
        %add3A_745 = arith.addf %add3A_689, %get3A_744 : vector<16xf32>
        %add3A_746 = arith.constant 16 : i32
        %add3A_747 = arith.addi %mul3A_641, %add3A_746 : i32
        %get3A_748 = arith.constant 7 : i32
        %get3A_749 = arith.index_cast %get3A_748 : i32 to index
        %get3A_750 = arith.index_cast %add3A_747 : i32 to index
        %get3A_751 = tpu.vector_load %arg6[%get3A_749, %get3A_750] {strides = array<i32>} : memref<8x4096xf32, #tpu.memory_space<vmem>>, vector<16xf32>,
        %add3A_752 = arith.addf %add3A_696, %get3A_751 : vector<16xf32>
        %add3A_753 = arith.constant 32 : i32
        %add3A_754 = arith.addi %mul3A_641, %add3A_753 : i32
        %get3A_755 = arith.constant 0 : i32
        %get3A_756 = arith.index_cast %get3A_755 : i32 to index
        %get3A_757 = arith.index_cast %add3A_754 : i32 to index
        %get3A_758 = tpu.vector_load %arg6[%get3A_756, %get3A_757] {strides = array<i32>} : memref<8x4096xf32, #tpu.memory_space<vmem>>, vector<16xf32>,
        %add3A_759 = arith.addf %add3A_703, %get3A_758 : vector<16xf32>
        %add3A_760 = arith.constant 32 : i32
        %add3A_761 = arith.addi %mul3A_641, %add3A_760 : i32
        %get3A_762 = arith.constant 1 : i32
        %get3A_763 = arith.index_cast %get3A_762 : i32 to index
        %get3A_764 = arith.index_cast %add3A_761 : i32 to index
        %get3A_765 = tpu.vector_load %arg6[%get3A_763, %get3A_764] {strides = array<i32>} : memref<8x4096xf32, #tpu.memory_space<vmem>>, vector<16xf32>,
        %add3A_766 = arith.addf %add3A_710, %get3A_765 : vector<16xf32>
        %add3A_767 = arith.constant 32 : i32
        %add3A_768 = arith.addi %mul3A_641, %add3A_767 : i32
        %get3A_769 = arith.constant 2 : i32
        %get3A_770 = arith.index_cast %get3A_769 : i32 to index
        %get3A_771 = arith.index_cast %add3A_768 : i32 to index
        %get3A_772 = tpu.vector_load %arg6[%get3A_770, %get3A_771] {strides = array<i32>} : memref<8x4096xf32, #tpu.memory_space<vmem>>, vector<16xf32>,
        %add3A_773 = arith.addf %add3A_717, %get3A_772 : vector<16xf32>
        %add3A_774 = arith.constant 32 : i32
        %add3A_775 = arith.addi %mul3A_641, %add3A_774 : i32
        %get3A_776 = arith.constant 3 : i32
        %get3A_777 = arith.index_cast %get3A_776 : i32 to index
        %get3A_778 = arith.index_cast %add3A_775 : i32 to index
        %get3A_779 = tpu.vector_load %arg6[%get3A_777, %get3A_778] {strides = array<i32>} : memref<8x4096xf32, #tpu.memory_space<vmem>>, vector<16xf32>,
        %add3A_780 = arith.addf %add3A_724, %get3A_779 : vector<16xf32>
        %add3A_781 = arith.constant 32 : i32
        %add3A_782 = arith.addi %mul3A_641, %add3A_781 : i32
        %get3A_783 = arith.constant 4 : i32
        %get3A_784 = arith.index_cast %get3A_783 : i32 to index
        %get3A_785 = arith.index_cast %add3A_782 : i32 to index
        %get3A_786 = tpu.vector_load %arg6[%get3A_784, %get3A_785] {strides = array<i32>} : memref<8x4096xf32, #tpu.memory_space<vmem>>, vector<16xf32>,
        %add3A_787 = arith.addf %add3A_731, %get3A_786 : vector<16xf32>
        %add3A_788 = arith.constant 32 : i32
        %add3A_789 = arith.addi %mul3A_641, %add3A_788 : i32
        %get3A_790 = arith.constant 5 : i32
        %get3A_791 = arith.index_cast %get3A_790 : i32 to index
        %get3A_792 = arith.index_cast %add3A_789 : i32 to index
        %get3A_793 = tpu.vector_load %arg6[%get3A_791, %get3A_792] {strides = array<i32>} : memref<8x4096xf32, #tpu.memory_space<vmem>>, vector<16xf32>,
        %add3A_794 = arith.addf %add3A_738, %get3A_793 : vector<16xf32>
        %add3A_795 = arith.constant 32 : i32
        %add3A_796 = arith.addi %mul3A_641, %add3A_795 : i32
        %get3A_797 = arith.constant 6 : i32
        %get3A_798 = arith.index_cast %get3A_797 : i32 to index
        %get3A_799 = arith.index_cast %add3A_796 : i32 to index
        %get3A_800 = tpu.vector_load %arg6[%get3A_798, %get3A_799] {strides = array<i32>} : memref<8x4096xf32, #tpu.memory_space<vmem>>, vector<16xf32>,
        %add3A_801 = arith.addf %add3A_745, %get3A_800 : vector<16xf32>
        %add3A_802 = arith.constant 32 : i32
        %add3A_803 = arith.addi %mul3A_641, %add3A_802 : i32
        %get3A_804 = arith.constant 7 : i32
        %get3A_805 = arith.index_cast %get3A_804 : i32 to index
        %get3A_806 = arith.index_cast %add3A_803 : i32 to index
        %get3A_807 = tpu.vector_load %arg6[%get3A_805, %get3A_806] {strides = array<i32>} : memref<8x4096xf32, #tpu.memory_space<vmem>>, vector<16xf32>,
        %add3A_808 = arith.addf %add3A_752, %get3A_807 : vector<16xf32>
        %add3A_809 = arith.constant 48 : i32
        %add3A_810 = arith.addi %mul3A_641, %add3A_809 : i32
        %get3A_811 = arith.constant 0 : i32
        %get3A_812 = arith.index_cast %get3A_811 : i32 to index
        %get3A_813 = arith.index_cast %add3A_810 : i32 to index
        %get3A_814 = tpu.vector_load %arg6[%get3A_812, %get3A_813] {strides = array<i32>} : memref<8x4096xf32, #tpu.memory_space<vmem>>, vector<16xf32>,
        %add3A_815 = arith.addf %add3A_759, %get3A_814 : vector<16xf32>
        %add3A_816 = arith.constant 48 : i32
        %add3A_817 = arith.addi %mul3A_641, %add3A_816 : i32
        %get3A_818 = arith.constant 1 : i32
        %get3A_819 = arith.index_cast %get3A_818 : i32 to index
        %get3A_820 = arith.index_cast %add3A_817 : i32 to index
        %get3A_821 = tpu.vector_load %arg6[%get3A_819, %get3A_820] {strides = array<i32>} : memref<8x4096xf32, #tpu.memory_space<vmem>>, vector<16xf32>,
        %add3A_822 = arith.addf %add3A_766, %get3A_821 : vector<16xf32>
        %add3A_823 = arith.constant 48 : i32
        %add3A_824 = arith.addi %mul3A_641, %add3A_823 : i32
        %get3A_825 = arith.constant 2 : i32
        %get3A_826 = arith.index_cast %get3A_825 : i32 to index
        %get3A_827 = arith.index_cast %add3A_824 : i32 to index
        %get3A_828 = tpu.vector_load %arg6[%get3A_826, %get3A_827] {strides = array<i32>} : memref<8x4096xf32, #tpu.memory_space<vmem>>, vector<16xf32>,
        %add3A_829 = arith.addf %add3A_773, %get3A_828 : vector<16xf32>
        %add3A_830 = arith.constant 48 : i32
        %add3A_831 = arith.addi %mul3A_641, %add3A_830 : i32
        %get3A_832 = arith.constant 3 : i32
        %get3A_833 = arith.index_cast %get3A_832 : i32 to index
        %get3A_834 = arith.index_cast %add3A_831 : i32 to index
        %get3A_835 = tpu.vector_load %arg6[%get3A_833, %get3A_834] {strides = array<i32>} : memref<8x4096xf32, #tpu.memory_space<vmem>>, vector<16xf32>,
        %add3A_836 = arith.addf %add3A_780, %get3A_835 : vector<16xf32>
        %add3A_837 = arith.constant 48 : i32
        %add3A_838 = arith.addi %mul3A_641, %add3A_837 : i32
        %get3A_839 = arith.constant 4 : i32
        %get3A_840 = arith.index_cast %get3A_839 : i32 to index
        %get3A_841 = arith.index_cast %add3A_838 : i32 to index
        %get3A_842 = tpu.vector_load %arg6[%get3A_840, %get3A_841] {strides = array<i32>} : memref<8x4096xf32, #tpu.memory_space<vmem>>, vector<16xf32>,
        %add3A_843 = arith.addf %add3A_787, %get3A_842 : vector<16xf32>
        %add3A_844 = arith.constant 48 : i32
        %add3A_845 = arith.addi %mul3A_641, %add3A_844 : i32
        %get3A_846 = arith.constant 5 : i32
        %get3A_847 = arith.index_cast %get3A_846 : i32 to index
        %get3A_848 = arith.index_cast %add3A_845 : i32 to index
        %get3A_849 = tpu.vector_load %arg6[%get3A_847, %get3A_848] {strides = array<i32>} : memref<8x4096xf32, #tpu.memory_space<vmem>>, vector<16xf32>,
        %add3A_850 = arith.addf %add3A_794, %get3A_849 : vector<16xf32>
        %add3A_851 = arith.constant 48 : i32
        %add3A_852 = arith.addi %mul3A_641, %add3A_851 : i32
        %get3A_853 = arith.constant 6 : i32
        %get3A_854 = arith.index_cast %get3A_853 : i32 to index
        %get3A_855 = arith.index_cast %add3A_852 : i32 to index
        %get3A_856 = tpu.vector_load %arg6[%get3A_854, %get3A_855] {strides = array<i32>} : memref<8x4096xf32, #tpu.memory_space<vmem>>, vector<16xf32>,
        %add3A_857 = arith.addf %add3A_801, %get3A_856 : vector<16xf32>
        %add3A_858 = arith.constant 48 : i32
        %add3A_859 = arith.addi %mul3A_641, %add3A_858 : i32
        %get3A_860 = arith.constant 7 : i32
        %get3A_861 = arith.index_cast %get3A_860 : i32 to index
        %get3A_862 = arith.index_cast %add3A_859 : i32 to index
        %get3A_863 = tpu.vector_load %arg6[%get3A_861, %get3A_862] {strides = array<i32>} : memref<8x4096xf32, #tpu.memory_space<vmem>>, vector<16xf32>,
        %add3A_864 = arith.addf %add3A_808, %get3A_863 : vector<16xf32>
        scf.yield %add3A_815, %add3A_822, %add3A_829, %add3A_836, %add3A_843, %add3A_850, %add3A_857, %add3A_864 : vector<16xf32>, vector<16xf32>, vector<16xf32>, vector<16xf32>, vector<16xf32>, vector<16xf32>, vector<16xf32>, vector<16xf32>
      }
      %scan3A_623 = arith.constant 64 : i32
      %add3A_624 = arith.constant 3 : i32
      %add3A_625 = arith.addi %add3A_613, %add3A_624 : i32
      %lt3A_626 = arith.constant 24 : i32
      %lt3A_627 = arith.cmpi slt, %add3A_625, %lt3A_626 : i32
      %convert_element_type3A_628 = arith.extui %lt3A_627 : i1 to i32
      %cond3A_629 = arith.constant 0 : i32
      %cond3A_630 = arith.cmpi ne, %convert_element_type3A_628, %cond3A_629 : i32
      scf.if %cond3A_630 {
        %mul3A_631 = arith.constant 4096 : i32
        %mul3A_632 = arith.muli %add3A_625, %mul3A_631 : i32
        %dma_start3A_633 = tpu.memref_slice %arg2[%add3A_138, %mul3A_632] : memref<1024x100000xf32, #tpu.memory_space<hbm>> -> memref<8x4096xf32, #tpu.memory_space<hbm>>
        %dma_start3A_634 = tpu.memref_slice %arg2[%add3A_138, %mul3A_632] : memref<1024x100000xf32, #tpu.memory_space<hbm>> -> memref<8x4096xf32, #tpu.memory_space<hbm>>
        tpu.enqueue_dma source(%dma_start3A_634 : memref<8x4096xf32, #tpu.memory_space<hbm>>) target(%arg6 : memref<8x4096xf32, #tpu.memory_space<vmem>>) target_semaphore(%arg9 : memref<!tpu.dma_semaphore, #tpu.memory_space<semaphore_mem>>)
      } else {
      }
      scf.yield %scan3A_622#0, %scan3A_622#1, %scan3A_622#2, %scan3A_622#3, %scan3A_622#4, %scan3A_622#5, %scan3A_622#6, %scan3A_622#7 : vector<16xf32>, vector<16xf32>, vector<16xf32>, vector<16xf32>, vector<16xf32>, vector<16xf32>, vector<16xf32>, vector<16xf32>
    }
    %scan3A_172 = arith.constant 8 : i32
    "tpu.region"() ({
      %run_scoped3A = tpu.sem_alloc : memref<!tpu.dma_semaphore, #tpu.memory_space<semaphore_mem>>
      %dma_start3A_563 = arith.constant 98304 : i32
      %dma_start3A_564 = tpu.memref_slice %arg2[%add3A_138, %dma_start3A_563] : memref<1024x100000xf32, #tpu.memory_space<hbm>> -> memref<8x1696xf32, #tpu.memory_space<hbm>>
      %dma_start3A_565 = arith.constant 98304 : i32
      %dma_start3A_566 = tpu.memref_slice %arg2[%add3A_138, %dma_start3A_565] : memref<1024x100000xf32, #tpu.memory_space<hbm>> -> memref<8x1696xf32, #tpu.memory_space<hbm>>
      tpu.enqueue_dma source(%dma_start3A_566 : memref<8x1696xf32, #tpu.memory_space<hbm>>) target(%arg7 : memref<8x1696xf32, #tpu.memory_space<vmem>>) target_semaphore(%run_scoped3A : memref<!tpu.dma_semaphore, #tpu.memory_space<semaphore_mem>>)
      %dma_wait3A = arith.constant 98304 : i32
      %dma_wait3A_567 = tpu.memref_slice %arg2[%add3A_138, %dma_wait3A] : memref<1024x100000xf32, #tpu.memory_space<hbm>> -> memref<8x1696xf32, #tpu.memory_space<hbm>>
      %dma_wait3A_568 = arith.constant 98304 : i32
      %dma_wait3A_569 = tpu.memref_slice %arg2[%add3A_138, %dma_wait3A_568] : memref<1024x100000xf32, #tpu.memory_space<hbm>> -> memref<8x1696xf32, #tpu.memory_space<hbm>>
      tpu.wait_dma2 semaphore(%run_scoped3A : memref<!tpu.dma_semaphore, #tpu.memory_space<semaphore_mem>>) src(%dma_wait3A_569 : memref<8x1696xf32, #tpu.memory_space<hbm>>) dst(%arg7 : memref<8x1696xf32, #tpu.memory_space<vmem>>)
      tpu.yield
    }) : () -> ()
    %scan3A_173 = arith.constant 0 : i32
    %scan3A_174 = arith.constant 106 : i32
    %scan3A_175 = arith.addi %scan3A_173, %scan3A_174 : i32
    %scan3A_176 = arith.constant 1 : i32
    %scan3A_177:8 = scf.for %scan3A_563 = %scan3A_173 to %scan3A_175 step %scan3A_176 iter_args(%scan3A_564 = %scan3A_171#0, %scan3A_565 = %scan3A_171#1, %scan3A_566 = %scan3A_171#2, %scan3A_567 = %scan3A_171#3, %scan3A_568 = %scan3A_171#4, %scan3A_569 = %scan3A_171#5, %scan3A_570 = %scan3A_171#6, %scan3A_571 = %scan3A_171#7) -> (vector<16xf32>, vector<16xf32>, vector<16xf32>, vector<16xf32>, vector<16xf32>, vector<16xf32>, vector<16xf32>, vector<16xf32>)  : i32 {
      %mul3A_572 = arith.constant 16 : i32
      %mul3A_573 = arith.muli %scan3A_563, %mul3A_572 : i32
      %get3A = arith.constant 0 : i32
      %get3A_574 = arith.index_cast %get3A : i32 to index
      %get3A_575 = arith.index_cast %mul3A_573 : i32 to index
      %get3A_576 = tpu.vector_load %arg7[%get3A_574, %get3A_575] {strides = array<i32>} : memref<8x1696xf32, #tpu.memory_space<vmem>>, vector<16xf32>,
      %add3A_577 = arith.addf %scan3A_564, %get3A_576 : vector<16xf32>
      %mul3A_578 = arith.constant 16 : i32
      %mul3A_579 = arith.muli %scan3A_563, %mul3A_578 : i32
      %get3A_580 = arith.constant 1 : i32
      %get3A_581 = arith.index_cast %get3A_580 : i32 to index
      %get3A_582 = arith.index_cast %mul3A_579 : i32 to index
      %get3A_583 = tpu.vector_load %arg7[%get3A_581, %get3A_582] {strides = array<i32>} : memref<8x1696xf32, #tpu.memory_space<vmem>>, vector<16xf32>,
      %add3A_584 = arith.addf %scan3A_565, %get3A_583 : vector<16xf32>
      %mul3A_585 = arith.constant 16 : i32
      %mul3A_586 = arith.muli %scan3A_563, %mul3A_585 : i32
      %get3A_587 = arith.constant 2 : i32
      %get3A_588 = arith.index_cast %get3A_587 : i32 to index
      %get3A_589 = arith.index_cast %mul3A_586 : i32 to index
      %get3A_590 = tpu.vector_load %arg7[%get3A_588, %get3A_589] {strides = array<i32>} : memref<8x1696xf32, #tpu.memory_space<vmem>>, vector<16xf32>,
      %add3A_591 = arith.addf %scan3A_566, %get3A_590 : vector<16xf32>
      %mul3A_592 = arith.constant 16 : i32
      %mul3A_593 = arith.muli %scan3A_563, %mul3A_592 : i32
      %get3A_594 = arith.constant 3 : i32
      %get3A_595 = arith.index_cast %get3A_594 : i32 to index
      %get3A_596 = arith.index_cast %mul3A_593 : i32 to index
      %get3A_597 = tpu.vector_load %arg7[%get3A_595, %get3A_596] {strides = array<i32>} : memref<8x1696xf32, #tpu.memory_space<vmem>>, vector<16xf32>,
      %add3A_598 = arith.addf %scan3A_567, %get3A_597 : vector<16xf32>
      %mul3A_599 = arith.constant 16 : i32
      %mul3A_600 = arith.muli %scan3A_563, %mul3A_599 : i32
      %get3A_601 = arith.constant 4 : i32
      %get3A_602 = arith.index_cast %get3A_601 : i32 to index
      %get3A_603 = arith.index_cast %mul3A_600 : i32 to index
      %get3A_604 = tpu.vector_load %arg7[%get3A_602, %get3A_603] {strides = array<i32>} : memref<8x1696xf32, #tpu.memory_space<vmem>>, vector<16xf32>,
      %add3A_605 = arith.addf %scan3A_568, %get3A_604 : vector<16xf32>
      %mul3A_606 = arith.constant 16 : i32
      %mul3A_607 = arith.muli %scan3A_563, %mul3A_606 : i32
      %get3A_608 = arith.constant 5 : i32
      %get3A_609 = arith.index_cast %get3A_608 : i32 to index
      %get3A_610 = arith.index_cast %mul3A_607 : i32 to index
      %get3A_611 = tpu.vector_load %arg7[%get3A_609, %get3A_610] {strides = array<i32>} : memref<8x1696xf32, #tpu.memory_space<vmem>>, vector<16xf32>,
      %add3A_612 = arith.addf %scan3A_569, %get3A_611 : vector<16xf32>
      %mul3A_613 = arith.constant 16 : i32
      %mul3A_614 = arith.muli %scan3A_563, %mul3A_613 : i32
      %get3A_615 = arith.constant 6 : i32
      %get3A_616 = arith.index_cast %get3A_615 : i32 to index
      %get3A_617 = arith.index_cast %mul3A_614 : i32 to index
      %get3A_618 = tpu.vector_load %arg7[%get3A_616, %get3A_617] {strides = array<i32>} : memref<8x1696xf32, #tpu.memory_space<vmem>>, vector<16xf32>,
      %add3A_619 = arith.addf %scan3A_570, %get3A_618 : vector<16xf32>
      %mul3A_620 = arith.constant 16 : i32
      %mul3A_621 = arith.muli %scan3A_563, %mul3A_620 : i32
      %get3A_622 = arith.constant 7 : i32
      %get3A_623 = arith.index_cast %get3A_622 : i32 to index
      %get3A_624 = arith.index_cast %mul3A_621 : i32 to index
      %get3A_625 = tpu.vector_load %arg7[%get3A_623, %get3A_624] {strides = array<i32>} : memref<8x1696xf32, #tpu.memory_space<vmem>>, vector<16xf32>,
      %add3A_626 = arith.addf %scan3A_571, %get3A_625 : vector<16xf32>
      scf.yield %add3A_577, %add3A_584, %add3A_591, %add3A_598, %add3A_605, %add3A_612, %add3A_619, %add3A_626 : vector<16xf32>, vector<16xf32>, vector<16xf32>, vector<16xf32>, vector<16xf32>, vector<16xf32>, vector<16xf32>, vector<16xf32>
    }
    %scan3A_178 = arith.constant 106 : i32
    %broadcast_in_dim3A_179 = arith.constant 0.000000e+00 : f32
    %broadcast_in_dim3A_180 = vector.broadcast %broadcast_in_dim3A_179 : f32 to vector<16xf32>
    %eq3A_181 = arith.constant 0 : i32
    %eq3A_182 = vector.broadcast %eq3A_181 : i32 to vector<16xi32>
    %eq3A_183 = arith.cmpi eq, %iota3A, %eq3A_182 : vector<16xi32>
    %reduce_sum3A_184 = arith.constant true
    %reduce_sum3A_185 = vector.broadcast %reduce_sum3A_184 : i1 to vector<16xi1>
    %reduce_sum3A_186 = tpu.scan <sum>, %scan3A_177#0 masked %reduce_sum3A_185 : vector<16xf32>, vector<16xi1> -> vector<16xf32>
    %reduce_sum3A_187 = vector.extract %reduce_sum3A_186[15] : f32 from vector<16xf32>
    %jit3A_188 = arith.constant 0.000000e+00 : f32
    %broadcast_in_dim3A_189 = vector.broadcast %reduce_sum3A_187 : f32 to vector<16xf32>
    %broadcast_in_dim3A_190 = vector.broadcast %jit3A_188 : f32 to vector<16xf32>
    %select_n3A_191 = arith.select %eq3A_183, %broadcast_in_dim3A_189, %broadcast_in_dim3A_190 : vector<16xi1>, vector<16xf32>
    %add3A_192 = arith.addf %broadcast_in_dim3A_180, %select_n3A_191 : vector<16xf32>
    %eq3A_193 = arith.constant 1 : i32
    %eq3A_194 = vector.broadcast %eq3A_193 : i32 to vector<16xi32>
    %eq3A_195 = arith.cmpi eq, %iota3A, %eq3A_194 : vector<16xi32>
    %reduce_sum3A_196 = arith.constant true
    %reduce_sum3A_197 = vector.broadcast %reduce_sum3A_196 : i1 to vector<16xi1>
    %reduce_sum3A_198 = tpu.scan <sum>, %scan3A_177#1 masked %reduce_sum3A_197 : vector<16xf32>, vector<16xi1> -> vector<16xf32>
    %reduce_sum3A_199 = vector.extract %reduce_sum3A_198[15] : f32 from vector<16xf32>
    %jit3A_200 = arith.constant 0.000000e+00 : f32
    %broadcast_in_dim3A_201 = vector.broadcast %reduce_sum3A_199 : f32 to vector<16xf32>
    %broadcast_in_dim3A_202 = vector.broadcast %jit3A_200 : f32 to vector<16xf32>
    %select_n3A_203 = arith.select %eq3A_195, %broadcast_in_dim3A_201, %broadcast_in_dim3A_202 : vector<16xi1>, vector<16xf32>
    %add3A_204 = arith.addf %add3A_192, %select_n3A_203 : vector<16xf32>
    %eq3A_205 = arith.constant 2 : i32
    %eq3A_206 = vector.broadcast %eq3A_205 : i32 to vector<16xi32>
    %eq3A_207 = arith.cmpi eq, %iota3A, %eq3A_206 : vector<16xi32>
    %reduce_sum3A_208 = arith.constant true
    %reduce_sum3A_209 = vector.broadcast %reduce_sum3A_208 : i1 to vector<16xi1>
    %reduce_sum3A_210 = tpu.scan <sum>, %scan3A_177#2 masked %reduce_sum3A_209 : vector<16xf32>, vector<16xi1> -> vector<16xf32>
    %reduce_sum3A_211 = vector.extract %reduce_sum3A_210[15] : f32 from vector<16xf32>
    %jit3A_212 = arith.constant 0.000000e+00 : f32
    %broadcast_in_dim3A_213 = vector.broadcast %reduce_sum3A_211 : f32 to vector<16xf32>
    %broadcast_in_dim3A_214 = vector.broadcast %jit3A_212 : f32 to vector<16xf32>
    %select_n3A_215 = arith.select %eq3A_207, %broadcast_in_dim3A_213, %broadcast_in_dim3A_214 : vector<16xi1>, vector<16xf32>
    %add3A_216 = arith.addf %add3A_204, %select_n3A_215 : vector<16xf32>
    %eq3A_217 = arith.constant 3 : i32
    %eq3A_218 = vector.broadcast %eq3A_217 : i32 to vector<16xi32>
    %eq3A_219 = arith.cmpi eq, %iota3A, %eq3A_218 : vector<16xi32>
    %reduce_sum3A_220 = arith.constant true
    %reduce_sum3A_221 = vector.broadcast %reduce_sum3A_220 : i1 to vector<16xi1>
    %reduce_sum3A_222 = tpu.scan <sum>, %scan3A_177#3 masked %reduce_sum3A_221 : vector<16xf32>, vector<16xi1> -> vector<16xf32>
    %reduce_sum3A_223 = vector.extract %reduce_sum3A_222[15] : f32 from vector<16xf32>
    %jit3A_224 = arith.constant 0.000000e+00 : f32
    %broadcast_in_dim3A_225 = vector.broadcast %reduce_sum3A_223 : f32 to vector<16xf32>
    %broadcast_in_dim3A_226 = vector.broadcast %jit3A_224 : f32 to vector<16xf32>
    %select_n3A_227 = arith.select %eq3A_219, %broadcast_in_dim3A_225, %broadcast_in_dim3A_226 : vector<16xi1>, vector<16xf32>
    %add3A_228 = arith.addf %add3A_216, %select_n3A_227 : vector<16xf32>
    %eq3A_229 = arith.constant 4 : i32
    %eq3A_230 = vector.broadcast %eq3A_229 : i32 to vector<16xi32>
    %eq3A_231 = arith.cmpi eq, %iota3A, %eq3A_230 : vector<16xi32>
    %reduce_sum3A_232 = arith.constant true
    %reduce_sum3A_233 = vector.broadcast %reduce_sum3A_232 : i1 to vector<16xi1>
    %reduce_sum3A_234 = tpu.scan <sum>, %scan3A_177#4 masked %reduce_sum3A_233 : vector<16xf32>, vector<16xi1> -> vector<16xf32>
    %reduce_sum3A_235 = vector.extract %reduce_sum3A_234[15] : f32 from vector<16xf32>
    %jit3A_236 = arith.constant 0.000000e+00 : f32
    %broadcast_in_dim3A_237 = vector.broadcast %reduce_sum3A_235 : f32 to vector<16xf32>
    %broadcast_in_dim3A_238 = vector.broadcast %jit3A_236 : f32 to vector<16xf32>
    %select_n3A_239 = arith.select %eq3A_231, %broadcast_in_dim3A_237, %broadcast_in_dim3A_238 : vector<16xi1>, vector<16xf32>
    %add3A_240 = arith.addf %add3A_228, %select_n3A_239 : vector<16xf32>
    %eq3A_241 = arith.constant 5 : i32
    %eq3A_242 = vector.broadcast %eq3A_241 : i32 to vector<16xi32>
    %eq3A_243 = arith.cmpi eq, %iota3A, %eq3A_242 : vector<16xi32>
    %reduce_sum3A_244 = arith.constant true
    %reduce_sum3A_245 = vector.broadcast %reduce_sum3A_244 : i1 to vector<16xi1>
    %reduce_sum3A_246 = tpu.scan <sum>, %scan3A_177#5 masked %reduce_sum3A_245 : vector<16xf32>, vector<16xi1> -> vector<16xf32>
    %reduce_sum3A_247 = vector.extract %reduce_sum3A_246[15] : f32 from vector<16xf32>
    %jit3A_248 = arith.constant 0.000000e+00 : f32
    %broadcast_in_dim3A_249 = vector.broadcast %reduce_sum3A_247 : f32 to vector<16xf32>
    %broadcast_in_dim3A_250 = vector.broadcast %jit3A_248 : f32 to vector<16xf32>
    %select_n3A_251 = arith.select %eq3A_243, %broadcast_in_dim3A_249, %broadcast_in_dim3A_250 : vector<16xi1>, vector<16xf32>
    %add3A_252 = arith.addf %add3A_240, %select_n3A_251 : vector<16xf32>
    %eq3A_253 = arith.constant 6 : i32
    %eq3A_254 = vector.broadcast %eq3A_253 : i32 to vector<16xi32>
    %eq3A_255 = arith.cmpi eq, %iota3A, %eq3A_254 : vector<16xi32>
    %reduce_sum3A_256 = arith.constant true
    %reduce_sum3A_257 = vector.broadcast %reduce_sum3A_256 : i1 to vector<16xi1>
    %reduce_sum3A_258 = tpu.scan <sum>, %scan3A_177#6 masked %reduce_sum3A_257 : vector<16xf32>, vector<16xi1> -> vector<16xf32>
    %reduce_sum3A_259 = vector.extract %reduce_sum3A_258[15] : f32 from vector<16xf32>
    %jit3A_260 = arith.constant 0.000000e+00 : f32
    %broadcast_in_dim3A_261 = vector.broadcast %reduce_sum3A_259 : f32 to vector<16xf32>
    %broadcast_in_dim3A_262 = vector.broadcast %jit3A_260 : f32 to vector<16xf32>
    %select_n3A_263 = arith.select %eq3A_255, %broadcast_in_dim3A_261, %broadcast_in_dim3A_262 : vector<16xi1>, vector<16xf32>
    %add3A_264 = arith.addf %add3A_252, %select_n3A_263 : vector<16xf32>
    %eq3A_265 = arith.constant 7 : i32
    %eq3A_266 = vector.broadcast %eq3A_265 : i32 to vector<16xi32>
    %eq3A_267 = arith.cmpi eq, %iota3A, %eq3A_266 : vector<16xi32>
    %reduce_sum3A_268 = arith.constant true
    %reduce_sum3A_269 = vector.broadcast %reduce_sum3A_268 : i1 to vector<16xi1>
    %reduce_sum3A_270 = tpu.scan <sum>, %scan3A_177#7 masked %reduce_sum3A_269 : vector<16xf32>, vector<16xi1> -> vector<16xf32>
    %reduce_sum3A_271 = vector.extract %reduce_sum3A_270[15] : f32 from vector<16xf32>
    %jit3A_272 = arith.constant 0.000000e+00 : f32
    %broadcast_in_dim3A_273 = vector.broadcast %reduce_sum3A_271 : f32 to vector<16xf32>
    %broadcast_in_dim3A_274 = vector.broadcast %jit3A_272 : f32 to vector<16xf32>
    %select_n3A_275 = arith.select %eq3A_267, %broadcast_in_dim3A_273, %broadcast_in_dim3A_274 : vector<16xi1>, vector<16xf32>
    %add3A_276 = arith.addf %add3A_264, %select_n3A_275 : vector<16xf32>
    %swap3A_277 = arith.constant 0 : index
    %swap3A_278 = tpu.vector_load %arg8[%swap3A_277] {strides = array<i32>} : memref<16xf32, #tpu.memory_space<vmem>>, vector<16xf32>,
    tpu.vector_store %arg8[%swap3A_277], %add3A_276 {strides = array<i32>} : memref<16xf32, #tpu.memory_space<vmem>>, vector<16xf32>,
    "tpu.region"() ({
      %run_scoped3A = tpu.sem_alloc : memref<!tpu.dma_semaphore, #tpu.memory_space<semaphore_mem>>
      %dma_start3A_563 = arith.constant 0 : i32
      %dma_start3A_564 = tpu.memref_slice %arg8[%dma_start3A_563] : memref<16xf32, #tpu.memory_space<vmem>> -> memref<8xf32, #tpu.memory_space<vmem>>
      %dma_start3A_565 = tpu.memref_slice %arg3[%add3A_138] : memref<1024xf32, #tpu.memory_space<hbm>> -> memref<8xf32, #tpu.memory_space<hbm>>
      %dma_start3A_566 = tpu.memref_slice %arg3[%add3A_138] : memref<1024xf32, #tpu.memory_space<hbm>> -> memref<8xf32, #tpu.memory_space<hbm>>
      %dma_start3A_567 = arith.constant 0 : i32
      %dma_start3A_568 = tpu.memref_slice %arg8[%dma_start3A_567] : memref<16xf32, #tpu.memory_space<vmem>> -> memref<8xf32, #tpu.memory_space<vmem>>
      tpu.enqueue_dma source(%dma_start3A_568 : memref<8xf32, #tpu.memory_space<vmem>>) target(%dma_start3A_566 : memref<8xf32, #tpu.memory_space<hbm>>) target_semaphore(%run_scoped3A : memref<!tpu.dma_semaphore, #tpu.memory_space<semaphore_mem>>)
      %dma_wait3A = arith.constant 0 : i32
      %dma_wait3A_569 = tpu.memref_slice %arg8[%dma_wait3A] : memref<16xf32, #tpu.memory_space<vmem>> -> memref<8xf32, #tpu.memory_space<vmem>>
      %dma_wait3A_570 = tpu.memref_slice %arg3[%add3A_138] : memref<1024xf32, #tpu.memory_space<hbm>> -> memref<8xf32, #tpu.memory_space<hbm>>
      %dma_wait3A_571 = tpu.memref_slice %arg3[%add3A_138] : memref<1024xf32, #tpu.memory_space<hbm>> -> memref<8xf32, #tpu.memory_space<hbm>>
      %dma_wait3A_572 = arith.constant 0 : i32
      %dma_wait3A_573 = tpu.memref_slice %arg8[%dma_wait3A_572] : memref<16xf32, #tpu.memory_space<vmem>> -> memref<8xf32, #tpu.memory_space<vmem>>
      tpu.wait_dma2 semaphore(%run_scoped3A : memref<!tpu.dma_semaphore, #tpu.memory_space<semaphore_mem>>) src(%dma_wait3A_573 : memref<8xf32, #tpu.memory_space<vmem>>) dst(%dma_wait3A_571 : memref<8xf32, #tpu.memory_space<hbm>>)
      tpu.yield
    }) : () -> ()
    %add3A_279 = arith.constant 16 : i32
    %add3A_280 = arith.addi %mul3A_2, %add3A_279 : i32
    %dma_start3A_281 = arith.constant 0 : i32
    %dma_start3A_282 = tpu.memref_slice %arg2[%add3A_280, %dma_start3A_281] : memref<1024x100000xf32, #tpu.memory_space<hbm>> -> memref<8x4096xf32, #tpu.memory_space<hbm>>
    %dma_start3A_283 = arith.constant 0 : i32
    %dma_start3A_284 = tpu.memref_slice %arg2[%add3A_280, %dma_start3A_283] : memref<1024x100000xf32, #tpu.memory_space<hbm>> -> memref<8x4096xf32, #tpu.memory_space<hbm>>
    tpu.enqueue_dma source(%dma_start3A_284 : memref<8x4096xf32, #tpu.memory_space<hbm>>) target(%arg4 : memref<8x4096xf32, #tpu.memory_space<vmem>>) target_semaphore(%arg9 : memref<!tpu.dma_semaphore, #tpu.memory_space<semaphore_mem>>)
    %dma_start3A_285 = arith.constant 4096 : i32
    %dma_start3A_286 = tpu.memref_slice %arg2[%add3A_280, %dma_start3A_285] : memref<1024x100000xf32, #tpu.memory_space<hbm>> -> memref<8x4096xf32, #tpu.memory_space<hbm>>
    %dma_start3A_287 = arith.constant 4096 : i32
    %dma_start3A_288 = tpu.memref_slice %arg2[%add3A_280, %dma_start3A_287] : memref<1024x100000xf32, #tpu.memory_space<hbm>> -> memref<8x4096xf32, #tpu.memory_space<hbm>>
    tpu.enqueue_dma source(%dma_start3A_288 : memref<8x4096xf32, #tpu.memory_space<hbm>>) target(%arg5 : memref<8x4096xf32, #tpu.memory_space<vmem>>) target_semaphore(%arg9 : memref<!tpu.dma_semaphore, #tpu.memory_space<semaphore_mem>>)
    %dma_start3A_289 = arith.constant 8192 : i32
    %dma_start3A_290 = tpu.memref_slice %arg2[%add3A_280, %dma_start3A_289] : memref<1024x100000xf32, #tpu.memory_space<hbm>> -> memref<8x4096xf32, #tpu.memory_space<hbm>>
    %dma_start3A_291 = arith.constant 8192 : i32
    %dma_start3A_292 = tpu.memref_slice %arg2[%add3A_280, %dma_start3A_291] : memref<1024x100000xf32, #tpu.memory_space<hbm>> -> memref<8x4096xf32, #tpu.memory_space<hbm>>
    tpu.enqueue_dma source(%dma_start3A_292 : memref<8x4096xf32, #tpu.memory_space<hbm>>) target(%arg6 : memref<8x4096xf32, #tpu.memory_space<vmem>>) target_semaphore(%arg9 : memref<!tpu.dma_semaphore, #tpu.memory_space<semaphore_mem>>)
    %broadcast_in_dim3A_293 = arith.constant 0.000000e+00 : f32
    %broadcast_in_dim3A_294 = vector.broadcast %broadcast_in_dim3A_293 : f32 to vector<16xf32>
    %broadcast_in_dim3A_295 = arith.constant 0.000000e+00 : f32
    %broadcast_in_dim3A_296 = vector.broadcast %broadcast_in_dim3A_295 : f32 to vector<16xf32>
    %broadcast_in_dim3A_297 = arith.constant 0.000000e+00 : f32
    %broadcast_in_dim3A_298 = vector.broadcast %broadcast_in_dim3A_297 : f32 to vector<16xf32>
    %broadcast_in_dim3A_299 = arith.constant 0.000000e+00 : f32
    %broadcast_in_dim3A_300 = vector.broadcast %broadcast_in_dim3A_299 : f32 to vector<16xf32>
    %broadcast_in_dim3A_301 = arith.constant 0.000000e+00 : f32
    %broadcast_in_dim3A_302 = vector.broadcast %broadcast_in_dim3A_301 : f32 to vector<16xf32>
    %broadcast_in_dim3A_303 = arith.constant 0.000000e+00 : f32
    %broadcast_in_dim3A_304 = vector.broadcast %broadcast_in_dim3A_303 : f32 to vector<16xf32>
    %broadcast_in_dim3A_305 = arith.constant 0.000000e+00 : f32
    %broadcast_in_dim3A_306 = vector.broadcast %broadcast_in_dim3A_305 : f32 to vector<16xf32>
    %broadcast_in_dim3A_307 = arith.constant 0.000000e+00 : f32
    %broadcast_in_dim3A_308 = vector.broadcast %broadcast_in_dim3A_307 : f32 to vector<16xf32>
    %scan3A_309 = arith.constant 0 : i32
    %scan3A_310 = arith.constant 8 : i32
    %scan3A_311 = arith.addi %scan3A_309, %scan3A_310 : i32
    %scan3A_312 = arith.constant 1 : i32
    %scan3A_313:8 = scf.for %scan3A_563 = %scan3A_309 to %scan3A_311 step %scan3A_312 iter_args(%scan3A_564 = %broadcast_in_dim3A_294, %scan3A_565 = %broadcast_in_dim3A_296, %scan3A_566 = %broadcast_in_dim3A_298, %scan3A_567 = %broadcast_in_dim3A_300, %scan3A_568 = %broadcast_in_dim3A_302, %scan3A_569 = %broadcast_in_dim3A_304, %scan3A_570 = %broadcast_in_dim3A_306, %scan3A_571 = %broadcast_in_dim3A_308) -> (vector<16xf32>, vector<16xf32>, vector<16xf32>, vector<16xf32>, vector<16xf32>, vector<16xf32>, vector<16xf32>, vector<16xf32>)  : i32 {
      %mul3A_572 = arith.constant 3 : i32
      %mul3A_573 = arith.muli %scan3A_563, %mul3A_572 : i32
      %add3A_574 = arith.constant 0 : i32
      %add3A_575 = arith.addi %mul3A_573, %add3A_574 : i32
      %dma_wait3A = arith.constant 0 : i32
      %dma_wait3A_576 = tpu.memref_slice %arg2[%add3A_280, %dma_wait3A] : memref<1024x100000xf32, #tpu.memory_space<hbm>> -> memref<8x4096xf32, #tpu.memory_space<hbm>>
      %dma_wait3A_577 = arith.constant 0 : i32
      %dma_wait3A_578 = tpu.memref_slice %arg2[%add3A_280, %dma_wait3A_577] : memref<1024x100000xf32, #tpu.memory_space<hbm>> -> memref<8x4096xf32, #tpu.memory_space<hbm>>
      tpu.wait_dma2 semaphore(%arg9 : memref<!tpu.dma_semaphore, #tpu.memory_space<semaphore_mem>>) src(%dma_wait3A_578 : memref<8x4096xf32, #tpu.memory_space<hbm>>) dst(%arg4 : memref<8x4096xf32, #tpu.memory_space<vmem>>)
      %scan3A_579 = arith.constant 0 : i32
      %scan3A_580 = arith.constant 64 : i32
      %scan3A_581 = arith.addi %scan3A_579, %scan3A_580 : i32
      %scan3A_582 = arith.constant 1 : i32
      %scan3A_583:8 = scf.for %scan3A_631 = %scan3A_579 to %scan3A_581 step %scan3A_582 iter_args(%scan3A_632 = %scan3A_564, %scan3A_633 = %scan3A_565, %scan3A_634 = %scan3A_566, %scan3A_635 = %scan3A_567, %scan3A_636 = %scan3A_568, %scan3A_637 = %scan3A_569, %scan3A_638 = %scan3A_570, %scan3A_639 = %scan3A_571) -> (vector<16xf32>, vector<16xf32>, vector<16xf32>, vector<16xf32>, vector<16xf32>, vector<16xf32>, vector<16xf32>, vector<16xf32>)  : i32 {
        %mul3A_640 = arith.constant 64 : i32
        %mul3A_641 = arith.muli %scan3A_631, %mul3A_640 : i32
        %add3A_642 = arith.constant 0 : i32
        %add3A_643 = arith.addi %mul3A_641, %add3A_642 : i32
        %get3A = arith.constant 0 : i32
        %get3A_644 = arith.index_cast %get3A : i32 to index
        %get3A_645 = arith.index_cast %add3A_643 : i32 to index
        %get3A_646 = tpu.vector_load %arg4[%get3A_644, %get3A_645] {strides = array<i32>} : memref<8x4096xf32, #tpu.memory_space<vmem>>, vector<16xf32>,
        %add3A_647 = arith.addf %scan3A_632, %get3A_646 : vector<16xf32>
        %add3A_648 = arith.constant 0 : i32
        %add3A_649 = arith.addi %mul3A_641, %add3A_648 : i32
        %get3A_650 = arith.constant 1 : i32
        %get3A_651 = arith.index_cast %get3A_650 : i32 to index
        %get3A_652 = arith.index_cast %add3A_649 : i32 to index
        %get3A_653 = tpu.vector_load %arg4[%get3A_651, %get3A_652] {strides = array<i32>} : memref<8x4096xf32, #tpu.memory_space<vmem>>, vector<16xf32>,
        %add3A_654 = arith.addf %scan3A_633, %get3A_653 : vector<16xf32>
        %add3A_655 = arith.constant 0 : i32
        %add3A_656 = arith.addi %mul3A_641, %add3A_655 : i32
        %get3A_657 = arith.constant 2 : i32
        %get3A_658 = arith.index_cast %get3A_657 : i32 to index
        %get3A_659 = arith.index_cast %add3A_656 : i32 to index
        %get3A_660 = tpu.vector_load %arg4[%get3A_658, %get3A_659] {strides = array<i32>} : memref<8x4096xf32, #tpu.memory_space<vmem>>, vector<16xf32>,
        %add3A_661 = arith.addf %scan3A_634, %get3A_660 : vector<16xf32>
        %add3A_662 = arith.constant 0 : i32
        %add3A_663 = arith.addi %mul3A_641, %add3A_662 : i32
        %get3A_664 = arith.constant 3 : i32
        %get3A_665 = arith.index_cast %get3A_664 : i32 to index
        %get3A_666 = arith.index_cast %add3A_663 : i32 to index
        %get3A_667 = tpu.vector_load %arg4[%get3A_665, %get3A_666] {strides = array<i32>} : memref<8x4096xf32, #tpu.memory_space<vmem>>, vector<16xf32>,
        %add3A_668 = arith.addf %scan3A_635, %get3A_667 : vector<16xf32>
        %add3A_669 = arith.constant 0 : i32
        %add3A_670 = arith.addi %mul3A_641, %add3A_669 : i32
        %get3A_671 = arith.constant 4 : i32
        %get3A_672 = arith.index_cast %get3A_671 : i32 to index
        %get3A_673 = arith.index_cast %add3A_670 : i32 to index
        %get3A_674 = tpu.vector_load %arg4[%get3A_672, %get3A_673] {strides = array<i32>} : memref<8x4096xf32, #tpu.memory_space<vmem>>, vector<16xf32>,
        %add3A_675 = arith.addf %scan3A_636, %get3A_674 : vector<16xf32>
        %add3A_676 = arith.constant 0 : i32
        %add3A_677 = arith.addi %mul3A_641, %add3A_676 : i32
        %get3A_678 = arith.constant 5 : i32
        %get3A_679 = arith.index_cast %get3A_678 : i32 to index
        %get3A_680 = arith.index_cast %add3A_677 : i32 to index
        %get3A_681 = tpu.vector_load %arg4[%get3A_679, %get3A_680] {strides = array<i32>} : memref<8x4096xf32, #tpu.memory_space<vmem>>, vector<16xf32>,
        %add3A_682 = arith.addf %scan3A_637, %get3A_681 : vector<16xf32>
        %add3A_683 = arith.constant 0 : i32
        %add3A_684 = arith.addi %mul3A_641, %add3A_683 : i32
        %get3A_685 = arith.constant 6 : i32
        %get3A_686 = arith.index_cast %get3A_685 : i32 to index
        %get3A_687 = arith.index_cast %add3A_684 : i32 to index
        %get3A_688 = tpu.vector_load %arg4[%get3A_686, %get3A_687] {strides = array<i32>} : memref<8x4096xf32, #tpu.memory_space<vmem>>, vector<16xf32>,
        %add3A_689 = arith.addf %scan3A_638, %get3A_688 : vector<16xf32>
        %add3A_690 = arith.constant 0 : i32
        %add3A_691 = arith.addi %mul3A_641, %add3A_690 : i32
        %get3A_692 = arith.constant 7 : i32
        %get3A_693 = arith.index_cast %get3A_692 : i32 to index
        %get3A_694 = arith.index_cast %add3A_691 : i32 to index
        %get3A_695 = tpu.vector_load %arg4[%get3A_693, %get3A_694] {strides = array<i32>} : memref<8x4096xf32, #tpu.memory_space<vmem>>, vector<16xf32>,
        %add3A_696 = arith.addf %scan3A_639, %get3A_695 : vector<16xf32>
        %add3A_697 = arith.constant 16 : i32
        %add3A_698 = arith.addi %mul3A_641, %add3A_697 : i32
        %get3A_699 = arith.constant 0 : i32
        %get3A_700 = arith.index_cast %get3A_699 : i32 to index
        %get3A_701 = arith.index_cast %add3A_698 : i32 to index
        %get3A_702 = tpu.vector_load %arg4[%get3A_700, %get3A_701] {strides = array<i32>} : memref<8x4096xf32, #tpu.memory_space<vmem>>, vector<16xf32>,
        %add3A_703 = arith.addf %add3A_647, %get3A_702 : vector<16xf32>
        %add3A_704 = arith.constant 16 : i32
        %add3A_705 = arith.addi %mul3A_641, %add3A_704 : i32
        %get3A_706 = arith.constant 1 : i32
        %get3A_707 = arith.index_cast %get3A_706 : i32 to index
        %get3A_708 = arith.index_cast %add3A_705 : i32 to index
        %get3A_709 = tpu.vector_load %arg4[%get3A_707, %get3A_708] {strides = array<i32>} : memref<8x4096xf32, #tpu.memory_space<vmem>>, vector<16xf32>,
        %add3A_710 = arith.addf %add3A_654, %get3A_709 : vector<16xf32>
        %add3A_711 = arith.constant 16 : i32
        %add3A_712 = arith.addi %mul3A_641, %add3A_711 : i32
        %get3A_713 = arith.constant 2 : i32
        %get3A_714 = arith.index_cast %get3A_713 : i32 to index
        %get3A_715 = arith.index_cast %add3A_712 : i32 to index
        %get3A_716 = tpu.vector_load %arg4[%get3A_714, %get3A_715] {strides = array<i32>} : memref<8x4096xf32, #tpu.memory_space<vmem>>, vector<16xf32>,
        %add3A_717 = arith.addf %add3A_661, %get3A_716 : vector<16xf32>
        %add3A_718 = arith.constant 16 : i32
        %add3A_719 = arith.addi %mul3A_641, %add3A_718 : i32
        %get3A_720 = arith.constant 3 : i32
        %get3A_721 = arith.index_cast %get3A_720 : i32 to index
        %get3A_722 = arith.index_cast %add3A_719 : i32 to index
        %get3A_723 = tpu.vector_load %arg4[%get3A_721, %get3A_722] {strides = array<i32>} : memref<8x4096xf32, #tpu.memory_space<vmem>>, vector<16xf32>,
        %add3A_724 = arith.addf %add3A_668, %get3A_723 : vector<16xf32>
        %add3A_725 = arith.constant 16 : i32
        %add3A_726 = arith.addi %mul3A_641, %add3A_725 : i32
        %get3A_727 = arith.constant 4 : i32
        %get3A_728 = arith.index_cast %get3A_727 : i32 to index
        %get3A_729 = arith.index_cast %add3A_726 : i32 to index
        %get3A_730 = tpu.vector_load %arg4[%get3A_728, %get3A_729] {strides = array<i32>} : memref<8x4096xf32, #tpu.memory_space<vmem>>, vector<16xf32>,
        %add3A_731 = arith.addf %add3A_675, %get3A_730 : vector<16xf32>
        %add3A_732 = arith.constant 16 : i32
        %add3A_733 = arith.addi %mul3A_641, %add3A_732 : i32
        %get3A_734 = arith.constant 5 : i32
        %get3A_735 = arith.index_cast %get3A_734 : i32 to index
        %get3A_736 = arith.index_cast %add3A_733 : i32 to index
        %get3A_737 = tpu.vector_load %arg4[%get3A_735, %get3A_736] {strides = array<i32>} : memref<8x4096xf32, #tpu.memory_space<vmem>>, vector<16xf32>,
        %add3A_738 = arith.addf %add3A_682, %get3A_737 : vector<16xf32>
        %add3A_739 = arith.constant 16 : i32
        %add3A_740 = arith.addi %mul3A_641, %add3A_739 : i32
        %get3A_741 = arith.constant 6 : i32
        %get3A_742 = arith.index_cast %get3A_741 : i32 to index
        %get3A_743 = arith.index_cast %add3A_740 : i32 to index
        %get3A_744 = tpu.vector_load %arg4[%get3A_742, %get3A_743] {strides = array<i32>} : memref<8x4096xf32, #tpu.memory_space<vmem>>, vector<16xf32>,
        %add3A_745 = arith.addf %add3A_689, %get3A_744 : vector<16xf32>
        %add3A_746 = arith.constant 16 : i32
        %add3A_747 = arith.addi %mul3A_641, %add3A_746 : i32
        %get3A_748 = arith.constant 7 : i32
        %get3A_749 = arith.index_cast %get3A_748 : i32 to index
        %get3A_750 = arith.index_cast %add3A_747 : i32 to index
        %get3A_751 = tpu.vector_load %arg4[%get3A_749, %get3A_750] {strides = array<i32>} : memref<8x4096xf32, #tpu.memory_space<vmem>>, vector<16xf32>,
        %add3A_752 = arith.addf %add3A_696, %get3A_751 : vector<16xf32>
        %add3A_753 = arith.constant 32 : i32
        %add3A_754 = arith.addi %mul3A_641, %add3A_753 : i32
        %get3A_755 = arith.constant 0 : i32
        %get3A_756 = arith.index_cast %get3A_755 : i32 to index
        %get3A_757 = arith.index_cast %add3A_754 : i32 to index
        %get3A_758 = tpu.vector_load %arg4[%get3A_756, %get3A_757] {strides = array<i32>} : memref<8x4096xf32, #tpu.memory_space<vmem>>, vector<16xf32>,
        %add3A_759 = arith.addf %add3A_703, %get3A_758 : vector<16xf32>
        %add3A_760 = arith.constant 32 : i32
        %add3A_761 = arith.addi %mul3A_641, %add3A_760 : i32
        %get3A_762 = arith.constant 1 : i32
        %get3A_763 = arith.index_cast %get3A_762 : i32 to index
        %get3A_764 = arith.index_cast %add3A_761 : i32 to index
        %get3A_765 = tpu.vector_load %arg4[%get3A_763, %get3A_764] {strides = array<i32>} : memref<8x4096xf32, #tpu.memory_space<vmem>>, vector<16xf32>,
        %add3A_766 = arith.addf %add3A_710, %get3A_765 : vector<16xf32>
        %add3A_767 = arith.constant 32 : i32
        %add3A_768 = arith.addi %mul3A_641, %add3A_767 : i32
        %get3A_769 = arith.constant 2 : i32
        %get3A_770 = arith.index_cast %get3A_769 : i32 to index
        %get3A_771 = arith.index_cast %add3A_768 : i32 to index
        %get3A_772 = tpu.vector_load %arg4[%get3A_770, %get3A_771] {strides = array<i32>} : memref<8x4096xf32, #tpu.memory_space<vmem>>, vector<16xf32>,
        %add3A_773 = arith.addf %add3A_717, %get3A_772 : vector<16xf32>
        %add3A_774 = arith.constant 32 : i32
        %add3A_775 = arith.addi %mul3A_641, %add3A_774 : i32
        %get3A_776 = arith.constant 3 : i32
        %get3A_777 = arith.index_cast %get3A_776 : i32 to index
        %get3A_778 = arith.index_cast %add3A_775 : i32 to index
        %get3A_779 = tpu.vector_load %arg4[%get3A_777, %get3A_778] {strides = array<i32>} : memref<8x4096xf32, #tpu.memory_space<vmem>>, vector<16xf32>,
        %add3A_780 = arith.addf %add3A_724, %get3A_779 : vector<16xf32>
        %add3A_781 = arith.constant 32 : i32
        %add3A_782 = arith.addi %mul3A_641, %add3A_781 : i32
        %get3A_783 = arith.constant 4 : i32
        %get3A_784 = arith.index_cast %get3A_783 : i32 to index
        %get3A_785 = arith.index_cast %add3A_782 : i32 to index
        %get3A_786 = tpu.vector_load %arg4[%get3A_784, %get3A_785] {strides = array<i32>} : memref<8x4096xf32, #tpu.memory_space<vmem>>, vector<16xf32>,
        %add3A_787 = arith.addf %add3A_731, %get3A_786 : vector<16xf32>
        %add3A_788 = arith.constant 32 : i32
        %add3A_789 = arith.addi %mul3A_641, %add3A_788 : i32
        %get3A_790 = arith.constant 5 : i32
        %get3A_791 = arith.index_cast %get3A_790 : i32 to index
        %get3A_792 = arith.index_cast %add3A_789 : i32 to index
        %get3A_793 = tpu.vector_load %arg4[%get3A_791, %get3A_792] {strides = array<i32>} : memref<8x4096xf32, #tpu.memory_space<vmem>>, vector<16xf32>,
        %add3A_794 = arith.addf %add3A_738, %get3A_793 : vector<16xf32>
        %add3A_795 = arith.constant 32 : i32
        %add3A_796 = arith.addi %mul3A_641, %add3A_795 : i32
        %get3A_797 = arith.constant 6 : i32
        %get3A_798 = arith.index_cast %get3A_797 : i32 to index
        %get3A_799 = arith.index_cast %add3A_796 : i32 to index
        %get3A_800 = tpu.vector_load %arg4[%get3A_798, %get3A_799] {strides = array<i32>} : memref<8x4096xf32, #tpu.memory_space<vmem>>, vector<16xf32>,
        %add3A_801 = arith.addf %add3A_745, %get3A_800 : vector<16xf32>
        %add3A_802 = arith.constant 32 : i32
        %add3A_803 = arith.addi %mul3A_641, %add3A_802 : i32
        %get3A_804 = arith.constant 7 : i32
        %get3A_805 = arith.index_cast %get3A_804 : i32 to index
        %get3A_806 = arith.index_cast %add3A_803 : i32 to index
        %get3A_807 = tpu.vector_load %arg4[%get3A_805, %get3A_806] {strides = array<i32>} : memref<8x4096xf32, #tpu.memory_space<vmem>>, vector<16xf32>,
        %add3A_808 = arith.addf %add3A_752, %get3A_807 : vector<16xf32>
        %add3A_809 = arith.constant 48 : i32
        %add3A_810 = arith.addi %mul3A_641, %add3A_809 : i32
        %get3A_811 = arith.constant 0 : i32
        %get3A_812 = arith.index_cast %get3A_811 : i32 to index
        %get3A_813 = arith.index_cast %add3A_810 : i32 to index
        %get3A_814 = tpu.vector_load %arg4[%get3A_812, %get3A_813] {strides = array<i32>} : memref<8x4096xf32, #tpu.memory_space<vmem>>, vector<16xf32>,
        %add3A_815 = arith.addf %add3A_759, %get3A_814 : vector<16xf32>
        %add3A_816 = arith.constant 48 : i32
        %add3A_817 = arith.addi %mul3A_641, %add3A_816 : i32
        %get3A_818 = arith.constant 1 : i32
        %get3A_819 = arith.index_cast %get3A_818 : i32 to index
        %get3A_820 = arith.index_cast %add3A_817 : i32 to index
        %get3A_821 = tpu.vector_load %arg4[%get3A_819, %get3A_820] {strides = array<i32>} : memref<8x4096xf32, #tpu.memory_space<vmem>>, vector<16xf32>,
        %add3A_822 = arith.addf %add3A_766, %get3A_821 : vector<16xf32>
        %add3A_823 = arith.constant 48 : i32
        %add3A_824 = arith.addi %mul3A_641, %add3A_823 : i32
        %get3A_825 = arith.constant 2 : i32
        %get3A_826 = arith.index_cast %get3A_825 : i32 to index
        %get3A_827 = arith.index_cast %add3A_824 : i32 to index
        %get3A_828 = tpu.vector_load %arg4[%get3A_826, %get3A_827] {strides = array<i32>} : memref<8x4096xf32, #tpu.memory_space<vmem>>, vector<16xf32>,
        %add3A_829 = arith.addf %add3A_773, %get3A_828 : vector<16xf32>
        %add3A_830 = arith.constant 48 : i32
        %add3A_831 = arith.addi %mul3A_641, %add3A_830 : i32
        %get3A_832 = arith.constant 3 : i32
        %get3A_833 = arith.index_cast %get3A_832 : i32 to index
        %get3A_834 = arith.index_cast %add3A_831 : i32 to index
        %get3A_835 = tpu.vector_load %arg4[%get3A_833, %get3A_834] {strides = array<i32>} : memref<8x4096xf32, #tpu.memory_space<vmem>>, vector<16xf32>,
        %add3A_836 = arith.addf %add3A_780, %get3A_835 : vector<16xf32>
        %add3A_837 = arith.constant 48 : i32
        %add3A_838 = arith.addi %mul3A_641, %add3A_837 : i32
        %get3A_839 = arith.constant 4 : i32
        %get3A_840 = arith.index_cast %get3A_839 : i32 to index
        %get3A_841 = arith.index_cast %add3A_838 : i32 to index
        %get3A_842 = tpu.vector_load %arg4[%get3A_840, %get3A_841] {strides = array<i32>} : memref<8x4096xf32, #tpu.memory_space<vmem>>, vector<16xf32>,
        %add3A_843 = arith.addf %add3A_787, %get3A_842 : vector<16xf32>
        %add3A_844 = arith.constant 48 : i32
        %add3A_845 = arith.addi %mul3A_641, %add3A_844 : i32
        %get3A_846 = arith.constant 5 : i32
        %get3A_847 = arith.index_cast %get3A_846 : i32 to index
        %get3A_848 = arith.index_cast %add3A_845 : i32 to index
        %get3A_849 = tpu.vector_load %arg4[%get3A_847, %get3A_848] {strides = array<i32>} : memref<8x4096xf32, #tpu.memory_space<vmem>>, vector<16xf32>,
        %add3A_850 = arith.addf %add3A_794, %get3A_849 : vector<16xf32>
        %add3A_851 = arith.constant 48 : i32
        %add3A_852 = arith.addi %mul3A_641, %add3A_851 : i32
        %get3A_853 = arith.constant 6 : i32
        %get3A_854 = arith.index_cast %get3A_853 : i32 to index
        %get3A_855 = arith.index_cast %add3A_852 : i32 to index
        %get3A_856 = tpu.vector_load %arg4[%get3A_854, %get3A_855] {strides = array<i32>} : memref<8x4096xf32, #tpu.memory_space<vmem>>, vector<16xf32>,
        %add3A_857 = arith.addf %add3A_801, %get3A_856 : vector<16xf32>
        %add3A_858 = arith.constant 48 : i32
        %add3A_859 = arith.addi %mul3A_641, %add3A_858 : i32
        %get3A_860 = arith.constant 7 : i32
        %get3A_861 = arith.index_cast %get3A_860 : i32 to index
        %get3A_862 = arith.index_cast %add3A_859 : i32 to index
        %get3A_863 = tpu.vector_load %arg4[%get3A_861, %get3A_862] {strides = array<i32>} : memref<8x4096xf32, #tpu.memory_space<vmem>>, vector<16xf32>,
        %add3A_864 = arith.addf %add3A_808, %get3A_863 : vector<16xf32>
        scf.yield %add3A_815, %add3A_822, %add3A_829, %add3A_836, %add3A_843, %add3A_850, %add3A_857, %add3A_864 : vector<16xf32>, vector<16xf32>, vector<16xf32>, vector<16xf32>, vector<16xf32>, vector<16xf32>, vector<16xf32>, vector<16xf32>
      }
      %scan3A_584 = arith.constant 64 : i32
      %add3A_585 = arith.constant 3 : i32
      %add3A_586 = arith.addi %add3A_575, %add3A_585 : i32
      %lt3A = arith.constant 24 : i32
      %lt3A_587 = arith.cmpi slt, %add3A_586, %lt3A : i32
      %convert_element_type3A = arith.extui %lt3A_587 : i1 to i32
      %cond3A = arith.constant 0 : i32
      %cond3A_588 = arith.cmpi ne, %convert_element_type3A, %cond3A : i32
      scf.if %cond3A_588 {
        %mul3A_631 = arith.constant 4096 : i32
        %mul3A_632 = arith.muli %add3A_586, %mul3A_631 : i32
        %dma_start3A_633 = tpu.memref_slice %arg2[%add3A_280, %mul3A_632] : memref<1024x100000xf32, #tpu.memory_space<hbm>> -> memref<8x4096xf32, #tpu.memory_space<hbm>>
        %dma_start3A_634 = tpu.memref_slice %arg2[%add3A_280, %mul3A_632] : memref<1024x100000xf32, #tpu.memory_space<hbm>> -> memref<8x4096xf32, #tpu.memory_space<hbm>>
        tpu.enqueue_dma source(%dma_start3A_634 : memref<8x4096xf32, #tpu.memory_space<hbm>>) target(%arg4 : memref<8x4096xf32, #tpu.memory_space<vmem>>) target_semaphore(%arg9 : memref<!tpu.dma_semaphore, #tpu.memory_space<semaphore_mem>>)
      } else {
      }
      %mul3A_589 = arith.constant 3 : i32
      %mul3A_590 = arith.muli %scan3A_563, %mul3A_589 : i32
      %add3A_591 = arith.constant 1 : i32
      %add3A_592 = arith.addi %mul3A_590, %add3A_591 : i32
      %dma_wait3A_593 = arith.constant 0 : i32
      %dma_wait3A_594 = tpu.memref_slice %arg2[%add3A_280, %dma_wait3A_593] : memref<1024x100000xf32, #tpu.memory_space<hbm>> -> memref<8x4096xf32, #tpu.memory_space<hbm>>
      %dma_wait3A_595 = arith.constant 0 : i32
      %dma_wait3A_596 = tpu.memref_slice %arg2[%add3A_280, %dma_wait3A_595] : memref<1024x100000xf32, #tpu.memory_space<hbm>> -> memref<8x4096xf32, #tpu.memory_space<hbm>>
      tpu.wait_dma2 semaphore(%arg9 : memref<!tpu.dma_semaphore, #tpu.memory_space<semaphore_mem>>) src(%dma_wait3A_596 : memref<8x4096xf32, #tpu.memory_space<hbm>>) dst(%arg5 : memref<8x4096xf32, #tpu.memory_space<vmem>>)
      %scan3A_597 = arith.constant 0 : i32
      %scan3A_598 = arith.constant 64 : i32
      %scan3A_599 = arith.addi %scan3A_597, %scan3A_598 : i32
      %scan3A_600 = arith.constant 1 : i32
      %scan3A_601:8 = scf.for %scan3A_631 = %scan3A_597 to %scan3A_599 step %scan3A_600 iter_args(%scan3A_632 = %scan3A_583#0, %scan3A_633 = %scan3A_583#1, %scan3A_634 = %scan3A_583#2, %scan3A_635 = %scan3A_583#3, %scan3A_636 = %scan3A_583#4, %scan3A_637 = %scan3A_583#5, %scan3A_638 = %scan3A_583#6, %scan3A_639 = %scan3A_583#7) -> (vector<16xf32>, vector<16xf32>, vector<16xf32>, vector<16xf32>, vector<16xf32>, vector<16xf32>, vector<16xf32>, vector<16xf32>)  : i32 {
        %mul3A_640 = arith.constant 64 : i32
        %mul3A_641 = arith.muli %scan3A_631, %mul3A_640 : i32
        %add3A_642 = arith.constant 0 : i32
        %add3A_643 = arith.addi %mul3A_641, %add3A_642 : i32
        %get3A = arith.constant 0 : i32
        %get3A_644 = arith.index_cast %get3A : i32 to index
        %get3A_645 = arith.index_cast %add3A_643 : i32 to index
        %get3A_646 = tpu.vector_load %arg5[%get3A_644, %get3A_645] {strides = array<i32>} : memref<8x4096xf32, #tpu.memory_space<vmem>>, vector<16xf32>,
        %add3A_647 = arith.addf %scan3A_632, %get3A_646 : vector<16xf32>
        %add3A_648 = arith.constant 0 : i32
        %add3A_649 = arith.addi %mul3A_641, %add3A_648 : i32
        %get3A_650 = arith.constant 1 : i32
        %get3A_651 = arith.index_cast %get3A_650 : i32 to index
        %get3A_652 = arith.index_cast %add3A_649 : i32 to index
        %get3A_653 = tpu.vector_load %arg5[%get3A_651, %get3A_652] {strides = array<i32>} : memref<8x4096xf32, #tpu.memory_space<vmem>>, vector<16xf32>,
        %add3A_654 = arith.addf %scan3A_633, %get3A_653 : vector<16xf32>
        %add3A_655 = arith.constant 0 : i32
        %add3A_656 = arith.addi %mul3A_641, %add3A_655 : i32
        %get3A_657 = arith.constant 2 : i32
        %get3A_658 = arith.index_cast %get3A_657 : i32 to index
        %get3A_659 = arith.index_cast %add3A_656 : i32 to index
        %get3A_660 = tpu.vector_load %arg5[%get3A_658, %get3A_659] {strides = array<i32>} : memref<8x4096xf32, #tpu.memory_space<vmem>>, vector<16xf32>,
        %add3A_661 = arith.addf %scan3A_634, %get3A_660 : vector<16xf32>
        %add3A_662 = arith.constant 0 : i32
        %add3A_663 = arith.addi %mul3A_641, %add3A_662 : i32
        %get3A_664 = arith.constant 3 : i32
        %get3A_665 = arith.index_cast %get3A_664 : i32 to index
        %get3A_666 = arith.index_cast %add3A_663 : i32 to index
        %get3A_667 = tpu.vector_load %arg5[%get3A_665, %get3A_666] {strides = array<i32>} : memref<8x4096xf32, #tpu.memory_space<vmem>>, vector<16xf32>,
        %add3A_668 = arith.addf %scan3A_635, %get3A_667 : vector<16xf32>
        %add3A_669 = arith.constant 0 : i32
        %add3A_670 = arith.addi %mul3A_641, %add3A_669 : i32
        %get3A_671 = arith.constant 4 : i32
        %get3A_672 = arith.index_cast %get3A_671 : i32 to index
        %get3A_673 = arith.index_cast %add3A_670 : i32 to index
        %get3A_674 = tpu.vector_load %arg5[%get3A_672, %get3A_673] {strides = array<i32>} : memref<8x4096xf32, #tpu.memory_space<vmem>>, vector<16xf32>,
        %add3A_675 = arith.addf %scan3A_636, %get3A_674 : vector<16xf32>
        %add3A_676 = arith.constant 0 : i32
        %add3A_677 = arith.addi %mul3A_641, %add3A_676 : i32
        %get3A_678 = arith.constant 5 : i32
        %get3A_679 = arith.index_cast %get3A_678 : i32 to index
        %get3A_680 = arith.index_cast %add3A_677 : i32 to index
        %get3A_681 = tpu.vector_load %arg5[%get3A_679, %get3A_680] {strides = array<i32>} : memref<8x4096xf32, #tpu.memory_space<vmem>>, vector<16xf32>,
        %add3A_682 = arith.addf %scan3A_637, %get3A_681 : vector<16xf32>
        %add3A_683 = arith.constant 0 : i32
        %add3A_684 = arith.addi %mul3A_641, %add3A_683 : i32
        %get3A_685 = arith.constant 6 : i32
        %get3A_686 = arith.index_cast %get3A_685 : i32 to index
        %get3A_687 = arith.index_cast %add3A_684 : i32 to index
        %get3A_688 = tpu.vector_load %arg5[%get3A_686, %get3A_687] {strides = array<i32>} : memref<8x4096xf32, #tpu.memory_space<vmem>>, vector<16xf32>,
        %add3A_689 = arith.addf %scan3A_638, %get3A_688 : vector<16xf32>
        %add3A_690 = arith.constant 0 : i32
        %add3A_691 = arith.addi %mul3A_641, %add3A_690 : i32
        %get3A_692 = arith.constant 7 : i32
        %get3A_693 = arith.index_cast %get3A_692 : i32 to index
        %get3A_694 = arith.index_cast %add3A_691 : i32 to index
        %get3A_695 = tpu.vector_load %arg5[%get3A_693, %get3A_694] {strides = array<i32>} : memref<8x4096xf32, #tpu.memory_space<vmem>>, vector<16xf32>,
        %add3A_696 = arith.addf %scan3A_639, %get3A_695 : vector<16xf32>
        %add3A_697 = arith.constant 16 : i32
        %add3A_698 = arith.addi %mul3A_641, %add3A_697 : i32
        %get3A_699 = arith.constant 0 : i32
        %get3A_700 = arith.index_cast %get3A_699 : i32 to index
        %get3A_701 = arith.index_cast %add3A_698 : i32 to index
        %get3A_702 = tpu.vector_load %arg5[%get3A_700, %get3A_701] {strides = array<i32>} : memref<8x4096xf32, #tpu.memory_space<vmem>>, vector<16xf32>,
        %add3A_703 = arith.addf %add3A_647, %get3A_702 : vector<16xf32>
        %add3A_704 = arith.constant 16 : i32
        %add3A_705 = arith.addi %mul3A_641, %add3A_704 : i32
        %get3A_706 = arith.constant 1 : i32
        %get3A_707 = arith.index_cast %get3A_706 : i32 to index
        %get3A_708 = arith.index_cast %add3A_705 : i32 to index
        %get3A_709 = tpu.vector_load %arg5[%get3A_707, %get3A_708] {strides = array<i32>} : memref<8x4096xf32, #tpu.memory_space<vmem>>, vector<16xf32>,
        %add3A_710 = arith.addf %add3A_654, %get3A_709 : vector<16xf32>
        %add3A_711 = arith.constant 16 : i32
        %add3A_712 = arith.addi %mul3A_641, %add3A_711 : i32
        %get3A_713 = arith.constant 2 : i32
        %get3A_714 = arith.index_cast %get3A_713 : i32 to index
        %get3A_715 = arith.index_cast %add3A_712 : i32 to index
        %get3A_716 = tpu.vector_load %arg5[%get3A_714, %get3A_715] {strides = array<i32>} : memref<8x4096xf32, #tpu.memory_space<vmem>>, vector<16xf32>,
        %add3A_717 = arith.addf %add3A_661, %get3A_716 : vector<16xf32>
        %add3A_718 = arith.constant 16 : i32
        %add3A_719 = arith.addi %mul3A_641, %add3A_718 : i32
        %get3A_720 = arith.constant 3 : i32
        %get3A_721 = arith.index_cast %get3A_720 : i32 to index
        %get3A_722 = arith.index_cast %add3A_719 : i32 to index
        %get3A_723 = tpu.vector_load %arg5[%get3A_721, %get3A_722] {strides = array<i32>} : memref<8x4096xf32, #tpu.memory_space<vmem>>, vector<16xf32>,
        %add3A_724 = arith.addf %add3A_668, %get3A_723 : vector<16xf32>
        %add3A_725 = arith.constant 16 : i32
        %add3A_726 = arith.addi %mul3A_641, %add3A_725 : i32
        %get3A_727 = arith.constant 4 : i32
        %get3A_728 = arith.index_cast %get3A_727 : i32 to index
        %get3A_729 = arith.index_cast %add3A_726 : i32 to index
        %get3A_730 = tpu.vector_load %arg5[%get3A_728, %get3A_729] {strides = array<i32>} : memref<8x4096xf32, #tpu.memory_space<vmem>>, vector<16xf32>,
        %add3A_731 = arith.addf %add3A_675, %get3A_730 : vector<16xf32>
        %add3A_732 = arith.constant 16 : i32
        %add3A_733 = arith.addi %mul3A_641, %add3A_732 : i32
        %get3A_734 = arith.constant 5 : i32
        %get3A_735 = arith.index_cast %get3A_734 : i32 to index
        %get3A_736 = arith.index_cast %add3A_733 : i32 to index
        %get3A_737 = tpu.vector_load %arg5[%get3A_735, %get3A_736] {strides = array<i32>} : memref<8x4096xf32, #tpu.memory_space<vmem>>, vector<16xf32>,
        %add3A_738 = arith.addf %add3A_682, %get3A_737 : vector<16xf32>
        %add3A_739 = arith.constant 16 : i32
        %add3A_740 = arith.addi %mul3A_641, %add3A_739 : i32
        %get3A_741 = arith.constant 6 : i32
        %get3A_742 = arith.index_cast %get3A_741 : i32 to index
        %get3A_743 = arith.index_cast %add3A_740 : i32 to index
        %get3A_744 = tpu.vector_load %arg5[%get3A_742, %get3A_743] {strides = array<i32>} : memref<8x4096xf32, #tpu.memory_space<vmem>>, vector<16xf32>,
        %add3A_745 = arith.addf %add3A_689, %get3A_744 : vector<16xf32>
        %add3A_746 = arith.constant 16 : i32
        %add3A_747 = arith.addi %mul3A_641, %add3A_746 : i32
        %get3A_748 = arith.constant 7 : i32
        %get3A_749 = arith.index_cast %get3A_748 : i32 to index
        %get3A_750 = arith.index_cast %add3A_747 : i32 to index
        %get3A_751 = tpu.vector_load %arg5[%get3A_749, %get3A_750] {strides = array<i32>} : memref<8x4096xf32, #tpu.memory_space<vmem>>, vector<16xf32>,
        %add3A_752 = arith.addf %add3A_696, %get3A_751 : vector<16xf32>
        %add3A_753 = arith.constant 32 : i32
        %add3A_754 = arith.addi %mul3A_641, %add3A_753 : i32
        %get3A_755 = arith.constant 0 : i32
        %get3A_756 = arith.index_cast %get3A_755 : i32 to index
        %get3A_757 = arith.index_cast %add3A_754 : i32 to index
        %get3A_758 = tpu.vector_load %arg5[%get3A_756, %get3A_757] {strides = array<i32>} : memref<8x4096xf32, #tpu.memory_space<vmem>>, vector<16xf32>,
        %add3A_759 = arith.addf %add3A_703, %get3A_758 : vector<16xf32>
        %add3A_760 = arith.constant 32 : i32
        %add3A_761 = arith.addi %mul3A_641, %add3A_760 : i32
        %get3A_762 = arith.constant 1 : i32
        %get3A_763 = arith.index_cast %get3A_762 : i32 to index
        %get3A_764 = arith.index_cast %add3A_761 : i32 to index
        %get3A_765 = tpu.vector_load %arg5[%get3A_763, %get3A_764] {strides = array<i32>} : memref<8x4096xf32, #tpu.memory_space<vmem>>, vector<16xf32>,
        %add3A_766 = arith.addf %add3A_710, %get3A_765 : vector<16xf32>
        %add3A_767 = arith.constant 32 : i32
        %add3A_768 = arith.addi %mul3A_641, %add3A_767 : i32
        %get3A_769 = arith.constant 2 : i32
        %get3A_770 = arith.index_cast %get3A_769 : i32 to index
        %get3A_771 = arith.index_cast %add3A_768 : i32 to index
        %get3A_772 = tpu.vector_load %arg5[%get3A_770, %get3A_771] {strides = array<i32>} : memref<8x4096xf32, #tpu.memory_space<vmem>>, vector<16xf32>,
        %add3A_773 = arith.addf %add3A_717, %get3A_772 : vector<16xf32>
        %add3A_774 = arith.constant 32 : i32
        %add3A_775 = arith.addi %mul3A_641, %add3A_774 : i32
        %get3A_776 = arith.constant 3 : i32
        %get3A_777 = arith.index_cast %get3A_776 : i32 to index
        %get3A_778 = arith.index_cast %add3A_775 : i32 to index
        %get3A_779 = tpu.vector_load %arg5[%get3A_777, %get3A_778] {strides = array<i32>} : memref<8x4096xf32, #tpu.memory_space<vmem>>, vector<16xf32>,
        %add3A_780 = arith.addf %add3A_724, %get3A_779 : vector<16xf32>
        %add3A_781 = arith.constant 32 : i32
        %add3A_782 = arith.addi %mul3A_641, %add3A_781 : i32
        %get3A_783 = arith.constant 4 : i32
        %get3A_784 = arith.index_cast %get3A_783 : i32 to index
        %get3A_785 = arith.index_cast %add3A_782 : i32 to index
        %get3A_786 = tpu.vector_load %arg5[%get3A_784, %get3A_785] {strides = array<i32>} : memref<8x4096xf32, #tpu.memory_space<vmem>>, vector<16xf32>,
        %add3A_787 = arith.addf %add3A_731, %get3A_786 : vector<16xf32>
        %add3A_788 = arith.constant 32 : i32
        %add3A_789 = arith.addi %mul3A_641, %add3A_788 : i32
        %get3A_790 = arith.constant 5 : i32
        %get3A_791 = arith.index_cast %get3A_790 : i32 to index
        %get3A_792 = arith.index_cast %add3A_789 : i32 to index
        %get3A_793 = tpu.vector_load %arg5[%get3A_791, %get3A_792] {strides = array<i32>} : memref<8x4096xf32, #tpu.memory_space<vmem>>, vector<16xf32>,
        %add3A_794 = arith.addf %add3A_738, %get3A_793 : vector<16xf32>
        %add3A_795 = arith.constant 32 : i32
        %add3A_796 = arith.addi %mul3A_641, %add3A_795 : i32
        %get3A_797 = arith.constant 6 : i32
        %get3A_798 = arith.index_cast %get3A_797 : i32 to index
        %get3A_799 = arith.index_cast %add3A_796 : i32 to index
        %get3A_800 = tpu.vector_load %arg5[%get3A_798, %get3A_799] {strides = array<i32>} : memref<8x4096xf32, #tpu.memory_space<vmem>>, vector<16xf32>,
        %add3A_801 = arith.addf %add3A_745, %get3A_800 : vector<16xf32>
        %add3A_802 = arith.constant 32 : i32
        %add3A_803 = arith.addi %mul3A_641, %add3A_802 : i32
        %get3A_804 = arith.constant 7 : i32
        %get3A_805 = arith.index_cast %get3A_804 : i32 to index
        %get3A_806 = arith.index_cast %add3A_803 : i32 to index
        %get3A_807 = tpu.vector_load %arg5[%get3A_805, %get3A_806] {strides = array<i32>} : memref<8x4096xf32, #tpu.memory_space<vmem>>, vector<16xf32>,
        %add3A_808 = arith.addf %add3A_752, %get3A_807 : vector<16xf32>
        %add3A_809 = arith.constant 48 : i32
        %add3A_810 = arith.addi %mul3A_641, %add3A_809 : i32
        %get3A_811 = arith.constant 0 : i32
        %get3A_812 = arith.index_cast %get3A_811 : i32 to index
        %get3A_813 = arith.index_cast %add3A_810 : i32 to index
        %get3A_814 = tpu.vector_load %arg5[%get3A_812, %get3A_813] {strides = array<i32>} : memref<8x4096xf32, #tpu.memory_space<vmem>>, vector<16xf32>,
        %add3A_815 = arith.addf %add3A_759, %get3A_814 : vector<16xf32>
        %add3A_816 = arith.constant 48 : i32
        %add3A_817 = arith.addi %mul3A_641, %add3A_816 : i32
        %get3A_818 = arith.constant 1 : i32
        %get3A_819 = arith.index_cast %get3A_818 : i32 to index
        %get3A_820 = arith.index_cast %add3A_817 : i32 to index
        %get3A_821 = tpu.vector_load %arg5[%get3A_819, %get3A_820] {strides = array<i32>} : memref<8x4096xf32, #tpu.memory_space<vmem>>, vector<16xf32>,
        %add3A_822 = arith.addf %add3A_766, %get3A_821 : vector<16xf32>
        %add3A_823 = arith.constant 48 : i32
        %add3A_824 = arith.addi %mul3A_641, %add3A_823 : i32
        %get3A_825 = arith.constant 2 : i32
        %get3A_826 = arith.index_cast %get3A_825 : i32 to index
        %get3A_827 = arith.index_cast %add3A_824 : i32 to index
        %get3A_828 = tpu.vector_load %arg5[%get3A_826, %get3A_827] {strides = array<i32>} : memref<8x4096xf32, #tpu.memory_space<vmem>>, vector<16xf32>,
        %add3A_829 = arith.addf %add3A_773, %get3A_828 : vector<16xf32>
        %add3A_830 = arith.constant 48 : i32
        %add3A_831 = arith.addi %mul3A_641, %add3A_830 : i32
        %get3A_832 = arith.constant 3 : i32
        %get3A_833 = arith.index_cast %get3A_832 : i32 to index
        %get3A_834 = arith.index_cast %add3A_831 : i32 to index
        %get3A_835 = tpu.vector_load %arg5[%get3A_833, %get3A_834] {strides = array<i32>} : memref<8x4096xf32, #tpu.memory_space<vmem>>, vector<16xf32>,
        %add3A_836 = arith.addf %add3A_780, %get3A_835 : vector<16xf32>
        %add3A_837 = arith.constant 48 : i32
        %add3A_838 = arith.addi %mul3A_641, %add3A_837 : i32
        %get3A_839 = arith.constant 4 : i32
        %get3A_840 = arith.index_cast %get3A_839 : i32 to index
        %get3A_841 = arith.index_cast %add3A_838 : i32 to index
        %get3A_842 = tpu.vector_load %arg5[%get3A_840, %get3A_841] {strides = array<i32>} : memref<8x4096xf32, #tpu.memory_space<vmem>>, vector<16xf32>,
        %add3A_843 = arith.addf %add3A_787, %get3A_842 : vector<16xf32>
        %add3A_844 = arith.constant 48 : i32
        %add3A_845 = arith.addi %mul3A_641, %add3A_844 : i32
        %get3A_846 = arith.constant 5 : i32
        %get3A_847 = arith.index_cast %get3A_846 : i32 to index
        %get3A_848 = arith.index_cast %add3A_845 : i32 to index
        %get3A_849 = tpu.vector_load %arg5[%get3A_847, %get3A_848] {strides = array<i32>} : memref<8x4096xf32, #tpu.memory_space<vmem>>, vector<16xf32>,
        %add3A_850 = arith.addf %add3A_794, %get3A_849 : vector<16xf32>
        %add3A_851 = arith.constant 48 : i32
        %add3A_852 = arith.addi %mul3A_641, %add3A_851 : i32
        %get3A_853 = arith.constant 6 : i32
        %get3A_854 = arith.index_cast %get3A_853 : i32 to index
        %get3A_855 = arith.index_cast %add3A_852 : i32 to index
        %get3A_856 = tpu.vector_load %arg5[%get3A_854, %get3A_855] {strides = array<i32>} : memref<8x4096xf32, #tpu.memory_space<vmem>>, vector<16xf32>,
        %add3A_857 = arith.addf %add3A_801, %get3A_856 : vector<16xf32>
        %add3A_858 = arith.constant 48 : i32
        %add3A_859 = arith.addi %mul3A_641, %add3A_858 : i32
        %get3A_860 = arith.constant 7 : i32
        %get3A_861 = arith.index_cast %get3A_860 : i32 to index
        %get3A_862 = arith.index_cast %add3A_859 : i32 to index
        %get3A_863 = tpu.vector_load %arg5[%get3A_861, %get3A_862] {strides = array<i32>} : memref<8x4096xf32, #tpu.memory_space<vmem>>, vector<16xf32>,
        %add3A_864 = arith.addf %add3A_808, %get3A_863 : vector<16xf32>
        scf.yield %add3A_815, %add3A_822, %add3A_829, %add3A_836, %add3A_843, %add3A_850, %add3A_857, %add3A_864 : vector<16xf32>, vector<16xf32>, vector<16xf32>, vector<16xf32>, vector<16xf32>, vector<16xf32>, vector<16xf32>, vector<16xf32>
      }
      %scan3A_602 = arith.constant 64 : i32
      %add3A_603 = arith.constant 3 : i32
      %add3A_604 = arith.addi %add3A_592, %add3A_603 : i32
      %lt3A_605 = arith.constant 24 : i32
      %lt3A_606 = arith.cmpi slt, %add3A_604, %lt3A_605 : i32
      %convert_element_type3A_607 = arith.extui %lt3A_606 : i1 to i32
      %cond3A_608 = arith.constant 0 : i32
      %cond3A_609 = arith.cmpi ne, %convert_element_type3A_607, %cond3A_608 : i32
      scf.if %cond3A_609 {
        %mul3A_631 = arith.constant 4096 : i32
        %mul3A_632 = arith.muli %add3A_604, %mul3A_631 : i32
        %dma_start3A_633 = tpu.memref_slice %arg2[%add3A_280, %mul3A_632] : memref<1024x100000xf32, #tpu.memory_space<hbm>> -> memref<8x4096xf32, #tpu.memory_space<hbm>>
        %dma_start3A_634 = tpu.memref_slice %arg2[%add3A_280, %mul3A_632] : memref<1024x100000xf32, #tpu.memory_space<hbm>> -> memref<8x4096xf32, #tpu.memory_space<hbm>>
        tpu.enqueue_dma source(%dma_start3A_634 : memref<8x4096xf32, #tpu.memory_space<hbm>>) target(%arg5 : memref<8x4096xf32, #tpu.memory_space<vmem>>) target_semaphore(%arg9 : memref<!tpu.dma_semaphore, #tpu.memory_space<semaphore_mem>>)
      } else {
      }
      %mul3A_610 = arith.constant 3 : i32
      %mul3A_611 = arith.muli %scan3A_563, %mul3A_610 : i32
      %add3A_612 = arith.constant 2 : i32
      %add3A_613 = arith.addi %mul3A_611, %add3A_612 : i32
      %dma_wait3A_614 = arith.constant 0 : i32
      %dma_wait3A_615 = tpu.memref_slice %arg2[%add3A_280, %dma_wait3A_614] : memref<1024x100000xf32, #tpu.memory_space<hbm>> -> memref<8x4096xf32, #tpu.memory_space<hbm>>
      %dma_wait3A_616 = arith.constant 0 : i32
      %dma_wait3A_617 = tpu.memref_slice %arg2[%add3A_280, %dma_wait3A_616] : memref<1024x100000xf32, #tpu.memory_space<hbm>> -> memref<8x4096xf32, #tpu.memory_space<hbm>>
      tpu.wait_dma2 semaphore(%arg9 : memref<!tpu.dma_semaphore, #tpu.memory_space<semaphore_mem>>) src(%dma_wait3A_617 : memref<8x4096xf32, #tpu.memory_space<hbm>>) dst(%arg6 : memref<8x4096xf32, #tpu.memory_space<vmem>>)
      %scan3A_618 = arith.constant 0 : i32
      %scan3A_619 = arith.constant 64 : i32
      %scan3A_620 = arith.addi %scan3A_618, %scan3A_619 : i32
      %scan3A_621 = arith.constant 1 : i32
      %scan3A_622:8 = scf.for %scan3A_631 = %scan3A_618 to %scan3A_620 step %scan3A_621 iter_args(%scan3A_632 = %scan3A_601#0, %scan3A_633 = %scan3A_601#1, %scan3A_634 = %scan3A_601#2, %scan3A_635 = %scan3A_601#3, %scan3A_636 = %scan3A_601#4, %scan3A_637 = %scan3A_601#5, %scan3A_638 = %scan3A_601#6, %scan3A_639 = %scan3A_601#7) -> (vector<16xf32>, vector<16xf32>, vector<16xf32>, vector<16xf32>, vector<16xf32>, vector<16xf32>, vector<16xf32>, vector<16xf32>)  : i32 {
        %mul3A_640 = arith.constant 64 : i32
        %mul3A_641 = arith.muli %scan3A_631, %mul3A_640 : i32
        %add3A_642 = arith.constant 0 : i32
        %add3A_643 = arith.addi %mul3A_641, %add3A_642 : i32
        %get3A = arith.constant 0 : i32
        %get3A_644 = arith.index_cast %get3A : i32 to index
        %get3A_645 = arith.index_cast %add3A_643 : i32 to index
        %get3A_646 = tpu.vector_load %arg6[%get3A_644, %get3A_645] {strides = array<i32>} : memref<8x4096xf32, #tpu.memory_space<vmem>>, vector<16xf32>,
        %add3A_647 = arith.addf %scan3A_632, %get3A_646 : vector<16xf32>
        %add3A_648 = arith.constant 0 : i32
        %add3A_649 = arith.addi %mul3A_641, %add3A_648 : i32
        %get3A_650 = arith.constant 1 : i32
        %get3A_651 = arith.index_cast %get3A_650 : i32 to index
        %get3A_652 = arith.index_cast %add3A_649 : i32 to index
        %get3A_653 = tpu.vector_load %arg6[%get3A_651, %get3A_652] {strides = array<i32>} : memref<8x4096xf32, #tpu.memory_space<vmem>>, vector<16xf32>,
        %add3A_654 = arith.addf %scan3A_633, %get3A_653 : vector<16xf32>
        %add3A_655 = arith.constant 0 : i32
        %add3A_656 = arith.addi %mul3A_641, %add3A_655 : i32
        %get3A_657 = arith.constant 2 : i32
        %get3A_658 = arith.index_cast %get3A_657 : i32 to index
        %get3A_659 = arith.index_cast %add3A_656 : i32 to index
        %get3A_660 = tpu.vector_load %arg6[%get3A_658, %get3A_659] {strides = array<i32>} : memref<8x4096xf32, #tpu.memory_space<vmem>>, vector<16xf32>,
        %add3A_661 = arith.addf %scan3A_634, %get3A_660 : vector<16xf32>
        %add3A_662 = arith.constant 0 : i32
        %add3A_663 = arith.addi %mul3A_641, %add3A_662 : i32
        %get3A_664 = arith.constant 3 : i32
        %get3A_665 = arith.index_cast %get3A_664 : i32 to index
        %get3A_666 = arith.index_cast %add3A_663 : i32 to index
        %get3A_667 = tpu.vector_load %arg6[%get3A_665, %get3A_666] {strides = array<i32>} : memref<8x4096xf32, #tpu.memory_space<vmem>>, vector<16xf32>,
        %add3A_668 = arith.addf %scan3A_635, %get3A_667 : vector<16xf32>
        %add3A_669 = arith.constant 0 : i32
        %add3A_670 = arith.addi %mul3A_641, %add3A_669 : i32
        %get3A_671 = arith.constant 4 : i32
        %get3A_672 = arith.index_cast %get3A_671 : i32 to index
        %get3A_673 = arith.index_cast %add3A_670 : i32 to index
        %get3A_674 = tpu.vector_load %arg6[%get3A_672, %get3A_673] {strides = array<i32>} : memref<8x4096xf32, #tpu.memory_space<vmem>>, vector<16xf32>,
        %add3A_675 = arith.addf %scan3A_636, %get3A_674 : vector<16xf32>
        %add3A_676 = arith.constant 0 : i32
        %add3A_677 = arith.addi %mul3A_641, %add3A_676 : i32
        %get3A_678 = arith.constant 5 : i32
        %get3A_679 = arith.index_cast %get3A_678 : i32 to index
        %get3A_680 = arith.index_cast %add3A_677 : i32 to index
        %get3A_681 = tpu.vector_load %arg6[%get3A_679, %get3A_680] {strides = array<i32>} : memref<8x4096xf32, #tpu.memory_space<vmem>>, vector<16xf32>,
        %add3A_682 = arith.addf %scan3A_637, %get3A_681 : vector<16xf32>
        %add3A_683 = arith.constant 0 : i32
        %add3A_684 = arith.addi %mul3A_641, %add3A_683 : i32
        %get3A_685 = arith.constant 6 : i32
        %get3A_686 = arith.index_cast %get3A_685 : i32 to index
        %get3A_687 = arith.index_cast %add3A_684 : i32 to index
        %get3A_688 = tpu.vector_load %arg6[%get3A_686, %get3A_687] {strides = array<i32>} : memref<8x4096xf32, #tpu.memory_space<vmem>>, vector<16xf32>,
        %add3A_689 = arith.addf %scan3A_638, %get3A_688 : vector<16xf32>
        %add3A_690 = arith.constant 0 : i32
        %add3A_691 = arith.addi %mul3A_641, %add3A_690 : i32
        %get3A_692 = arith.constant 7 : i32
        %get3A_693 = arith.index_cast %get3A_692 : i32 to index
        %get3A_694 = arith.index_cast %add3A_691 : i32 to index
        %get3A_695 = tpu.vector_load %arg6[%get3A_693, %get3A_694] {strides = array<i32>} : memref<8x4096xf32, #tpu.memory_space<vmem>>, vector<16xf32>,
        %add3A_696 = arith.addf %scan3A_639, %get3A_695 : vector<16xf32>
        %add3A_697 = arith.constant 16 : i32
        %add3A_698 = arith.addi %mul3A_641, %add3A_697 : i32
        %get3A_699 = arith.constant 0 : i32
        %get3A_700 = arith.index_cast %get3A_699 : i32 to index
        %get3A_701 = arith.index_cast %add3A_698 : i32 to index
        %get3A_702 = tpu.vector_load %arg6[%get3A_700, %get3A_701] {strides = array<i32>} : memref<8x4096xf32, #tpu.memory_space<vmem>>, vector<16xf32>,
        %add3A_703 = arith.addf %add3A_647, %get3A_702 : vector<16xf32>
        %add3A_704 = arith.constant 16 : i32
        %add3A_705 = arith.addi %mul3A_641, %add3A_704 : i32
        %get3A_706 = arith.constant 1 : i32
        %get3A_707 = arith.index_cast %get3A_706 : i32 to index
        %get3A_708 = arith.index_cast %add3A_705 : i32 to index
        %get3A_709 = tpu.vector_load %arg6[%get3A_707, %get3A_708] {strides = array<i32>} : memref<8x4096xf32, #tpu.memory_space<vmem>>, vector<16xf32>,
        %add3A_710 = arith.addf %add3A_654, %get3A_709 : vector<16xf32>
        %add3A_711 = arith.constant 16 : i32
        %add3A_712 = arith.addi %mul3A_641, %add3A_711 : i32
        %get3A_713 = arith.constant 2 : i32
        %get3A_714 = arith.index_cast %get3A_713 : i32 to index
        %get3A_715 = arith.index_cast %add3A_712 : i32 to index
        %get3A_716 = tpu.vector_load %arg6[%get3A_714, %get3A_715] {strides = array<i32>} : memref<8x4096xf32, #tpu.memory_space<vmem>>, vector<16xf32>,
        %add3A_717 = arith.addf %add3A_661, %get3A_716 : vector<16xf32>
        %add3A_718 = arith.constant 16 : i32
        %add3A_719 = arith.addi %mul3A_641, %add3A_718 : i32
        %get3A_720 = arith.constant 3 : i32
        %get3A_721 = arith.index_cast %get3A_720 : i32 to index
        %get3A_722 = arith.index_cast %add3A_719 : i32 to index
        %get3A_723 = tpu.vector_load %arg6[%get3A_721, %get3A_722] {strides = array<i32>} : memref<8x4096xf32, #tpu.memory_space<vmem>>, vector<16xf32>,
        %add3A_724 = arith.addf %add3A_668, %get3A_723 : vector<16xf32>
        %add3A_725 = arith.constant 16 : i32
        %add3A_726 = arith.addi %mul3A_641, %add3A_725 : i32
        %get3A_727 = arith.constant 4 : i32
        %get3A_728 = arith.index_cast %get3A_727 : i32 to index
        %get3A_729 = arith.index_cast %add3A_726 : i32 to index
        %get3A_730 = tpu.vector_load %arg6[%get3A_728, %get3A_729] {strides = array<i32>} : memref<8x4096xf32, #tpu.memory_space<vmem>>, vector<16xf32>,
        %add3A_731 = arith.addf %add3A_675, %get3A_730 : vector<16xf32>
        %add3A_732 = arith.constant 16 : i32
        %add3A_733 = arith.addi %mul3A_641, %add3A_732 : i32
        %get3A_734 = arith.constant 5 : i32
        %get3A_735 = arith.index_cast %get3A_734 : i32 to index
        %get3A_736 = arith.index_cast %add3A_733 : i32 to index
        %get3A_737 = tpu.vector_load %arg6[%get3A_735, %get3A_736] {strides = array<i32>} : memref<8x4096xf32, #tpu.memory_space<vmem>>, vector<16xf32>,
        %add3A_738 = arith.addf %add3A_682, %get3A_737 : vector<16xf32>
        %add3A_739 = arith.constant 16 : i32
        %add3A_740 = arith.addi %mul3A_641, %add3A_739 : i32
        %get3A_741 = arith.constant 6 : i32
        %get3A_742 = arith.index_cast %get3A_741 : i32 to index
        %get3A_743 = arith.index_cast %add3A_740 : i32 to index
        %get3A_744 = tpu.vector_load %arg6[%get3A_742, %get3A_743] {strides = array<i32>} : memref<8x4096xf32, #tpu.memory_space<vmem>>, vector<16xf32>,
        %add3A_745 = arith.addf %add3A_689, %get3A_744 : vector<16xf32>
        %add3A_746 = arith.constant 16 : i32
        %add3A_747 = arith.addi %mul3A_641, %add3A_746 : i32
        %get3A_748 = arith.constant 7 : i32
        %get3A_749 = arith.index_cast %get3A_748 : i32 to index
        %get3A_750 = arith.index_cast %add3A_747 : i32 to index
        %get3A_751 = tpu.vector_load %arg6[%get3A_749, %get3A_750] {strides = array<i32>} : memref<8x4096xf32, #tpu.memory_space<vmem>>, vector<16xf32>,
        %add3A_752 = arith.addf %add3A_696, %get3A_751 : vector<16xf32>
        %add3A_753 = arith.constant 32 : i32
        %add3A_754 = arith.addi %mul3A_641, %add3A_753 : i32
        %get3A_755 = arith.constant 0 : i32
        %get3A_756 = arith.index_cast %get3A_755 : i32 to index
        %get3A_757 = arith.index_cast %add3A_754 : i32 to index
        %get3A_758 = tpu.vector_load %arg6[%get3A_756, %get3A_757] {strides = array<i32>} : memref<8x4096xf32, #tpu.memory_space<vmem>>, vector<16xf32>,
        %add3A_759 = arith.addf %add3A_703, %get3A_758 : vector<16xf32>
        %add3A_760 = arith.constant 32 : i32
        %add3A_761 = arith.addi %mul3A_641, %add3A_760 : i32
        %get3A_762 = arith.constant 1 : i32
        %get3A_763 = arith.index_cast %get3A_762 : i32 to index
        %get3A_764 = arith.index_cast %add3A_761 : i32 to index
        %get3A_765 = tpu.vector_load %arg6[%get3A_763, %get3A_764] {strides = array<i32>} : memref<8x4096xf32, #tpu.memory_space<vmem>>, vector<16xf32>,
        %add3A_766 = arith.addf %add3A_710, %get3A_765 : vector<16xf32>
        %add3A_767 = arith.constant 32 : i32
        %add3A_768 = arith.addi %mul3A_641, %add3A_767 : i32
        %get3A_769 = arith.constant 2 : i32
        %get3A_770 = arith.index_cast %get3A_769 : i32 to index
        %get3A_771 = arith.index_cast %add3A_768 : i32 to index
        %get3A_772 = tpu.vector_load %arg6[%get3A_770, %get3A_771] {strides = array<i32>} : memref<8x4096xf32, #tpu.memory_space<vmem>>, vector<16xf32>,
        %add3A_773 = arith.addf %add3A_717, %get3A_772 : vector<16xf32>
        %add3A_774 = arith.constant 32 : i32
        %add3A_775 = arith.addi %mul3A_641, %add3A_774 : i32
        %get3A_776 = arith.constant 3 : i32
        %get3A_777 = arith.index_cast %get3A_776 : i32 to index
        %get3A_778 = arith.index_cast %add3A_775 : i32 to index
        %get3A_779 = tpu.vector_load %arg6[%get3A_777, %get3A_778] {strides = array<i32>} : memref<8x4096xf32, #tpu.memory_space<vmem>>, vector<16xf32>,
        %add3A_780 = arith.addf %add3A_724, %get3A_779 : vector<16xf32>
        %add3A_781 = arith.constant 32 : i32
        %add3A_782 = arith.addi %mul3A_641, %add3A_781 : i32
        %get3A_783 = arith.constant 4 : i32
        %get3A_784 = arith.index_cast %get3A_783 : i32 to index
        %get3A_785 = arith.index_cast %add3A_782 : i32 to index
        %get3A_786 = tpu.vector_load %arg6[%get3A_784, %get3A_785] {strides = array<i32>} : memref<8x4096xf32, #tpu.memory_space<vmem>>, vector<16xf32>,
        %add3A_787 = arith.addf %add3A_731, %get3A_786 : vector<16xf32>
        %add3A_788 = arith.constant 32 : i32
        %add3A_789 = arith.addi %mul3A_641, %add3A_788 : i32
        %get3A_790 = arith.constant 5 : i32
        %get3A_791 = arith.index_cast %get3A_790 : i32 to index
        %get3A_792 = arith.index_cast %add3A_789 : i32 to index
        %get3A_793 = tpu.vector_load %arg6[%get3A_791, %get3A_792] {strides = array<i32>} : memref<8x4096xf32, #tpu.memory_space<vmem>>, vector<16xf32>,
        %add3A_794 = arith.addf %add3A_738, %get3A_793 : vector<16xf32>
        %add3A_795 = arith.constant 32 : i32
        %add3A_796 = arith.addi %mul3A_641, %add3A_795 : i32
        %get3A_797 = arith.constant 6 : i32
        %get3A_798 = arith.index_cast %get3A_797 : i32 to index
        %get3A_799 = arith.index_cast %add3A_796 : i32 to index
        %get3A_800 = tpu.vector_load %arg6[%get3A_798, %get3A_799] {strides = array<i32>} : memref<8x4096xf32, #tpu.memory_space<vmem>>, vector<16xf32>,
        %add3A_801 = arith.addf %add3A_745, %get3A_800 : vector<16xf32>
        %add3A_802 = arith.constant 32 : i32
        %add3A_803 = arith.addi %mul3A_641, %add3A_802 : i32
        %get3A_804 = arith.constant 7 : i32
        %get3A_805 = arith.index_cast %get3A_804 : i32 to index
        %get3A_806 = arith.index_cast %add3A_803 : i32 to index
        %get3A_807 = tpu.vector_load %arg6[%get3A_805, %get3A_806] {strides = array<i32>} : memref<8x4096xf32, #tpu.memory_space<vmem>>, vector<16xf32>,
        %add3A_808 = arith.addf %add3A_752, %get3A_807 : vector<16xf32>
        %add3A_809 = arith.constant 48 : i32
        %add3A_810 = arith.addi %mul3A_641, %add3A_809 : i32
        %get3A_811 = arith.constant 0 : i32
        %get3A_812 = arith.index_cast %get3A_811 : i32 to index
        %get3A_813 = arith.index_cast %add3A_810 : i32 to index
        %get3A_814 = tpu.vector_load %arg6[%get3A_812, %get3A_813] {strides = array<i32>} : memref<8x4096xf32, #tpu.memory_space<vmem>>, vector<16xf32>,
        %add3A_815 = arith.addf %add3A_759, %get3A_814 : vector<16xf32>
        %add3A_816 = arith.constant 48 : i32
        %add3A_817 = arith.addi %mul3A_641, %add3A_816 : i32
        %get3A_818 = arith.constant 1 : i32
        %get3A_819 = arith.index_cast %get3A_818 : i32 to index
        %get3A_820 = arith.index_cast %add3A_817 : i32 to index
        %get3A_821 = tpu.vector_load %arg6[%get3A_819, %get3A_820] {strides = array<i32>} : memref<8x4096xf32, #tpu.memory_space<vmem>>, vector<16xf32>,
        %add3A_822 = arith.addf %add3A_766, %get3A_821 : vector<16xf32>
        %add3A_823 = arith.constant 48 : i32
        %add3A_824 = arith.addi %mul3A_641, %add3A_823 : i32
        %get3A_825 = arith.constant 2 : i32
        %get3A_826 = arith.index_cast %get3A_825 : i32 to index
        %get3A_827 = arith.index_cast %add3A_824 : i32 to index
        %get3A_828 = tpu.vector_load %arg6[%get3A_826, %get3A_827] {strides = array<i32>} : memref<8x4096xf32, #tpu.memory_space<vmem>>, vector<16xf32>,
        %add3A_829 = arith.addf %add3A_773, %get3A_828 : vector<16xf32>
        %add3A_830 = arith.constant 48 : i32
        %add3A_831 = arith.addi %mul3A_641, %add3A_830 : i32
        %get3A_832 = arith.constant 3 : i32
        %get3A_833 = arith.index_cast %get3A_832 : i32 to index
        %get3A_834 = arith.index_cast %add3A_831 : i32 to index
        %get3A_835 = tpu.vector_load %arg6[%get3A_833, %get3A_834] {strides = array<i32>} : memref<8x4096xf32, #tpu.memory_space<vmem>>, vector<16xf32>,
        %add3A_836 = arith.addf %add3A_780, %get3A_835 : vector<16xf32>
        %add3A_837 = arith.constant 48 : i32
        %add3A_838 = arith.addi %mul3A_641, %add3A_837 : i32
        %get3A_839 = arith.constant 4 : i32
        %get3A_840 = arith.index_cast %get3A_839 : i32 to index
        %get3A_841 = arith.index_cast %add3A_838 : i32 to index
        %get3A_842 = tpu.vector_load %arg6[%get3A_840, %get3A_841] {strides = array<i32>} : memref<8x4096xf32, #tpu.memory_space<vmem>>, vector<16xf32>,
        %add3A_843 = arith.addf %add3A_787, %get3A_842 : vector<16xf32>
        %add3A_844 = arith.constant 48 : i32
        %add3A_845 = arith.addi %mul3A_641, %add3A_844 : i32
        %get3A_846 = arith.constant 5 : i32
        %get3A_847 = arith.index_cast %get3A_846 : i32 to index
        %get3A_848 = arith.index_cast %add3A_845 : i32 to index
        %get3A_849 = tpu.vector_load %arg6[%get3A_847, %get3A_848] {strides = array<i32>} : memref<8x4096xf32, #tpu.memory_space<vmem>>, vector<16xf32>,
        %add3A_850 = arith.addf %add3A_794, %get3A_849 : vector<16xf32>
        %add3A_851 = arith.constant 48 : i32
        %add3A_852 = arith.addi %mul3A_641, %add3A_851 : i32
        %get3A_853 = arith.constant 6 : i32
        %get3A_854 = arith.index_cast %get3A_853 : i32 to index
        %get3A_855 = arith.index_cast %add3A_852 : i32 to index
        %get3A_856 = tpu.vector_load %arg6[%get3A_854, %get3A_855] {strides = array<i32>} : memref<8x4096xf32, #tpu.memory_space<vmem>>, vector<16xf32>,
        %add3A_857 = arith.addf %add3A_801, %get3A_856 : vector<16xf32>
        %add3A_858 = arith.constant 48 : i32
        %add3A_859 = arith.addi %mul3A_641, %add3A_858 : i32
        %get3A_860 = arith.constant 7 : i32
        %get3A_861 = arith.index_cast %get3A_860 : i32 to index
        %get3A_862 = arith.index_cast %add3A_859 : i32 to index
        %get3A_863 = tpu.vector_load %arg6[%get3A_861, %get3A_862] {strides = array<i32>} : memref<8x4096xf32, #tpu.memory_space<vmem>>, vector<16xf32>,
        %add3A_864 = arith.addf %add3A_808, %get3A_863 : vector<16xf32>
        scf.yield %add3A_815, %add3A_822, %add3A_829, %add3A_836, %add3A_843, %add3A_850, %add3A_857, %add3A_864 : vector<16xf32>, vector<16xf32>, vector<16xf32>, vector<16xf32>, vector<16xf32>, vector<16xf32>, vector<16xf32>, vector<16xf32>
      }
      %scan3A_623 = arith.constant 64 : i32
      %add3A_624 = arith.constant 3 : i32
      %add3A_625 = arith.addi %add3A_613, %add3A_624 : i32
      %lt3A_626 = arith.constant 24 : i32
      %lt3A_627 = arith.cmpi slt, %add3A_625, %lt3A_626 : i32
      %convert_element_type3A_628 = arith.extui %lt3A_627 : i1 to i32
      %cond3A_629 = arith.constant 0 : i32
      %cond3A_630 = arith.cmpi ne, %convert_element_type3A_628, %cond3A_629 : i32
      scf.if %cond3A_630 {
        %mul3A_631 = arith.constant 4096 : i32
        %mul3A_632 = arith.muli %add3A_625, %mul3A_631 : i32
        %dma_start3A_633 = tpu.memref_slice %arg2[%add3A_280, %mul3A_632] : memref<1024x100000xf32, #tpu.memory_space<hbm>> -> memref<8x4096xf32, #tpu.memory_space<hbm>>
        %dma_start3A_634 = tpu.memref_slice %arg2[%add3A_280, %mul3A_632] : memref<1024x100000xf32, #tpu.memory_space<hbm>> -> memref<8x4096xf32, #tpu.memory_space<hbm>>
        tpu.enqueue_dma source(%dma_start3A_634 : memref<8x4096xf32, #tpu.memory_space<hbm>>) target(%arg6 : memref<8x4096xf32, #tpu.memory_space<vmem>>) target_semaphore(%arg9 : memref<!tpu.dma_semaphore, #tpu.memory_space<semaphore_mem>>)
      } else {
      }
      scf.yield %scan3A_622#0, %scan3A_622#1, %scan3A_622#2, %scan3A_622#3, %scan3A_622#4, %scan3A_622#5, %scan3A_622#6, %scan3A_622#7 : vector<16xf32>, vector<16xf32>, vector<16xf32>, vector<16xf32>, vector<16xf32>, vector<16xf32>, vector<16xf32>, vector<16xf32>
    }
    %scan3A_314 = arith.constant 8 : i32
    "tpu.region"() ({
      %run_scoped3A = tpu.sem_alloc : memref<!tpu.dma_semaphore, #tpu.memory_space<semaphore_mem>>
      %dma_start3A_563 = arith.constant 98304 : i32
      %dma_start3A_564 = tpu.memref_slice %arg2[%add3A_280, %dma_start3A_563] : memref<1024x100000xf32, #tpu.memory_space<hbm>> -> memref<8x1696xf32, #tpu.memory_space<hbm>>
      %dma_start3A_565 = arith.constant 98304 : i32
      %dma_start3A_566 = tpu.memref_slice %arg2[%add3A_280, %dma_start3A_565] : memref<1024x100000xf32, #tpu.memory_space<hbm>> -> memref<8x1696xf32, #tpu.memory_space<hbm>>
      tpu.enqueue_dma source(%dma_start3A_566 : memref<8x1696xf32, #tpu.memory_space<hbm>>) target(%arg7 : memref<8x1696xf32, #tpu.memory_space<vmem>>) target_semaphore(%run_scoped3A : memref<!tpu.dma_semaphore, #tpu.memory_space<semaphore_mem>>)
      %dma_wait3A = arith.constant 98304 : i32
      %dma_wait3A_567 = tpu.memref_slice %arg2[%add3A_280, %dma_wait3A] : memref<1024x100000xf32, #tpu.memory_space<hbm>> -> memref<8x1696xf32, #tpu.memory_space<hbm>>
      %dma_wait3A_568 = arith.constant 98304 : i32
      %dma_wait3A_569 = tpu.memref_slice %arg2[%add3A_280, %dma_wait3A_568] : memref<1024x100000xf32, #tpu.memory_space<hbm>> -> memref<8x1696xf32, #tpu.memory_space<hbm>>
      tpu.wait_dma2 semaphore(%run_scoped3A : memref<!tpu.dma_semaphore, #tpu.memory_space<semaphore_mem>>) src(%dma_wait3A_569 : memref<8x1696xf32, #tpu.memory_space<hbm>>) dst(%arg7 : memref<8x1696xf32, #tpu.memory_space<vmem>>)
      tpu.yield
    }) : () -> ()
    %scan3A_315 = arith.constant 0 : i32
    %scan3A_316 = arith.constant 106 : i32
    %scan3A_317 = arith.addi %scan3A_315, %scan3A_316 : i32
    %scan3A_318 = arith.constant 1 : i32
    %scan3A_319:8 = scf.for %scan3A_563 = %scan3A_315 to %scan3A_317 step %scan3A_318 iter_args(%scan3A_564 = %scan3A_313#0, %scan3A_565 = %scan3A_313#1, %scan3A_566 = %scan3A_313#2, %scan3A_567 = %scan3A_313#3, %scan3A_568 = %scan3A_313#4, %scan3A_569 = %scan3A_313#5, %scan3A_570 = %scan3A_313#6, %scan3A_571 = %scan3A_313#7) -> (vector<16xf32>, vector<16xf32>, vector<16xf32>, vector<16xf32>, vector<16xf32>, vector<16xf32>, vector<16xf32>, vector<16xf32>)  : i32 {
      %mul3A_572 = arith.constant 16 : i32
      %mul3A_573 = arith.muli %scan3A_563, %mul3A_572 : i32
      %get3A = arith.constant 0 : i32
      %get3A_574 = arith.index_cast %get3A : i32 to index
      %get3A_575 = arith.index_cast %mul3A_573 : i32 to index
      %get3A_576 = tpu.vector_load %arg7[%get3A_574, %get3A_575] {strides = array<i32>} : memref<8x1696xf32, #tpu.memory_space<vmem>>, vector<16xf32>,
      %add3A_577 = arith.addf %scan3A_564, %get3A_576 : vector<16xf32>
      %mul3A_578 = arith.constant 16 : i32
      %mul3A_579 = arith.muli %scan3A_563, %mul3A_578 : i32
      %get3A_580 = arith.constant 1 : i32
      %get3A_581 = arith.index_cast %get3A_580 : i32 to index
      %get3A_582 = arith.index_cast %mul3A_579 : i32 to index
      %get3A_583 = tpu.vector_load %arg7[%get3A_581, %get3A_582] {strides = array<i32>} : memref<8x1696xf32, #tpu.memory_space<vmem>>, vector<16xf32>,
      %add3A_584 = arith.addf %scan3A_565, %get3A_583 : vector<16xf32>
      %mul3A_585 = arith.constant 16 : i32
      %mul3A_586 = arith.muli %scan3A_563, %mul3A_585 : i32
      %get3A_587 = arith.constant 2 : i32
      %get3A_588 = arith.index_cast %get3A_587 : i32 to index
      %get3A_589 = arith.index_cast %mul3A_586 : i32 to index
      %get3A_590 = tpu.vector_load %arg7[%get3A_588, %get3A_589] {strides = array<i32>} : memref<8x1696xf32, #tpu.memory_space<vmem>>, vector<16xf32>,
      %add3A_591 = arith.addf %scan3A_566, %get3A_590 : vector<16xf32>
      %mul3A_592 = arith.constant 16 : i32
      %mul3A_593 = arith.muli %scan3A_563, %mul3A_592 : i32
      %get3A_594 = arith.constant 3 : i32
      %get3A_595 = arith.index_cast %get3A_594 : i32 to index
      %get3A_596 = arith.index_cast %mul3A_593 : i32 to index
      %get3A_597 = tpu.vector_load %arg7[%get3A_595, %get3A_596] {strides = array<i32>} : memref<8x1696xf32, #tpu.memory_space<vmem>>, vector<16xf32>,
      %add3A_598 = arith.addf %scan3A_567, %get3A_597 : vector<16xf32>
      %mul3A_599 = arith.constant 16 : i32
      %mul3A_600 = arith.muli %scan3A_563, %mul3A_599 : i32
      %get3A_601 = arith.constant 4 : i32
      %get3A_602 = arith.index_cast %get3A_601 : i32 to index
      %get3A_603 = arith.index_cast %mul3A_600 : i32 to index
      %get3A_604 = tpu.vector_load %arg7[%get3A_602, %get3A_603] {strides = array<i32>} : memref<8x1696xf32, #tpu.memory_space<vmem>>, vector<16xf32>,
      %add3A_605 = arith.addf %scan3A_568, %get3A_604 : vector<16xf32>
      %mul3A_606 = arith.constant 16 : i32
      %mul3A_607 = arith.muli %scan3A_563, %mul3A_606 : i32
      %get3A_608 = arith.constant 5 : i32
      %get3A_609 = arith.index_cast %get3A_608 : i32 to index
      %get3A_610 = arith.index_cast %mul3A_607 : i32 to index
      %get3A_611 = tpu.vector_load %arg7[%get3A_609, %get3A_610] {strides = array<i32>} : memref<8x1696xf32, #tpu.memory_space<vmem>>, vector<16xf32>,
      %add3A_612 = arith.addf %scan3A_569, %get3A_611 : vector<16xf32>
      %mul3A_613 = arith.constant 16 : i32
      %mul3A_614 = arith.muli %scan3A_563, %mul3A_613 : i32
      %get3A_615 = arith.constant 6 : i32
      %get3A_616 = arith.index_cast %get3A_615 : i32 to index
      %get3A_617 = arith.index_cast %mul3A_614 : i32 to index
      %get3A_618 = tpu.vector_load %arg7[%get3A_616, %get3A_617] {strides = array<i32>} : memref<8x1696xf32, #tpu.memory_space<vmem>>, vector<16xf32>,
      %add3A_619 = arith.addf %scan3A_570, %get3A_618 : vector<16xf32>
      %mul3A_620 = arith.constant 16 : i32
      %mul3A_621 = arith.muli %scan3A_563, %mul3A_620 : i32
      %get3A_622 = arith.constant 7 : i32
      %get3A_623 = arith.index_cast %get3A_622 : i32 to index
      %get3A_624 = arith.index_cast %mul3A_621 : i32 to index
      %get3A_625 = tpu.vector_load %arg7[%get3A_623, %get3A_624] {strides = array<i32>} : memref<8x1696xf32, #tpu.memory_space<vmem>>, vector<16xf32>,
      %add3A_626 = arith.addf %scan3A_571, %get3A_625 : vector<16xf32>
      scf.yield %add3A_577, %add3A_584, %add3A_591, %add3A_598, %add3A_605, %add3A_612, %add3A_619, %add3A_626 : vector<16xf32>, vector<16xf32>, vector<16xf32>, vector<16xf32>, vector<16xf32>, vector<16xf32>, vector<16xf32>, vector<16xf32>
    }
    %scan3A_320 = arith.constant 106 : i32
    %broadcast_in_dim3A_321 = arith.constant 0.000000e+00 : f32
    %broadcast_in_dim3A_322 = vector.broadcast %broadcast_in_dim3A_321 : f32 to vector<16xf32>
    %eq3A_323 = arith.constant 0 : i32
    %eq3A_324 = vector.broadcast %eq3A_323 : i32 to vector<16xi32>
    %eq3A_325 = arith.cmpi eq, %iota3A, %eq3A_324 : vector<16xi32>
    %reduce_sum3A_326 = arith.constant true
    %reduce_sum3A_327 = vector.broadcast %reduce_sum3A_326 : i1 to vector<16xi1>
    %reduce_sum3A_328 = tpu.scan <sum>, %scan3A_319#0 masked %reduce_sum3A_327 : vector<16xf32>, vector<16xi1> -> vector<16xf32>
    %reduce_sum3A_329 = vector.extract %reduce_sum3A_328[15] : f32 from vector<16xf32>
    %jit3A_330 = arith.constant 0.000000e+00 : f32
    %broadcast_in_dim3A_331 = vector.broadcast %reduce_sum3A_329 : f32 to vector<16xf32>
    %broadcast_in_dim3A_332 = vector.broadcast %jit3A_330 : f32 to vector<16xf32>
    %select_n3A_333 = arith.select %eq3A_325, %broadcast_in_dim3A_331, %broadcast_in_dim3A_332 : vector<16xi1>, vector<16xf32>
    %add3A_334 = arith.addf %broadcast_in_dim3A_322, %select_n3A_333 : vector<16xf32>
    %eq3A_335 = arith.constant 1 : i32
    %eq3A_336 = vector.broadcast %eq3A_335 : i32 to vector<16xi32>
    %eq3A_337 = arith.cmpi eq, %iota3A, %eq3A_336 : vector<16xi32>
    %reduce_sum3A_338 = arith.constant true
    %reduce_sum3A_339 = vector.broadcast %reduce_sum3A_338 : i1 to vector<16xi1>
    %reduce_sum3A_340 = tpu.scan <sum>, %scan3A_319#1 masked %reduce_sum3A_339 : vector<16xf32>, vector<16xi1> -> vector<16xf32>
    %reduce_sum3A_341 = vector.extract %reduce_sum3A_340[15] : f32 from vector<16xf32>
    %jit3A_342 = arith.constant 0.000000e+00 : f32
    %broadcast_in_dim3A_343 = vector.broadcast %reduce_sum3A_341 : f32 to vector<16xf32>
    %broadcast_in_dim3A_344 = vector.broadcast %jit3A_342 : f32 to vector<16xf32>
    %select_n3A_345 = arith.select %eq3A_337, %broadcast_in_dim3A_343, %broadcast_in_dim3A_344 : vector<16xi1>, vector<16xf32>
    %add3A_346 = arith.addf %add3A_334, %select_n3A_345 : vector<16xf32>
    %eq3A_347 = arith.constant 2 : i32
    %eq3A_348 = vector.broadcast %eq3A_347 : i32 to vector<16xi32>
    %eq3A_349 = arith.cmpi eq, %iota3A, %eq3A_348 : vector<16xi32>
    %reduce_sum3A_350 = arith.constant true
    %reduce_sum3A_351 = vector.broadcast %reduce_sum3A_350 : i1 to vector<16xi1>
    %reduce_sum3A_352 = tpu.scan <sum>, %scan3A_319#2 masked %reduce_sum3A_351 : vector<16xf32>, vector<16xi1> -> vector<16xf32>
    %reduce_sum3A_353 = vector.extract %reduce_sum3A_352[15] : f32 from vector<16xf32>
    %jit3A_354 = arith.constant 0.000000e+00 : f32
    %broadcast_in_dim3A_355 = vector.broadcast %reduce_sum3A_353 : f32 to vector<16xf32>
    %broadcast_in_dim3A_356 = vector.broadcast %jit3A_354 : f32 to vector<16xf32>
    %select_n3A_357 = arith.select %eq3A_349, %broadcast_in_dim3A_355, %broadcast_in_dim3A_356 : vector<16xi1>, vector<16xf32>
    %add3A_358 = arith.addf %add3A_346, %select_n3A_357 : vector<16xf32>
    %eq3A_359 = arith.constant 3 : i32
    %eq3A_360 = vector.broadcast %eq3A_359 : i32 to vector<16xi32>
    %eq3A_361 = arith.cmpi eq, %iota3A, %eq3A_360 : vector<16xi32>
    %reduce_sum3A_362 = arith.constant true
    %reduce_sum3A_363 = vector.broadcast %reduce_sum3A_362 : i1 to vector<16xi1>
    %reduce_sum3A_364 = tpu.scan <sum>, %scan3A_319#3 masked %reduce_sum3A_363 : vector<16xf32>, vector<16xi1> -> vector<16xf32>
    %reduce_sum3A_365 = vector.extract %reduce_sum3A_364[15] : f32 from vector<16xf32>
    %jit3A_366 = arith.constant 0.000000e+00 : f32
    %broadcast_in_dim3A_367 = vector.broadcast %reduce_sum3A_365 : f32 to vector<16xf32>
    %broadcast_in_dim3A_368 = vector.broadcast %jit3A_366 : f32 to vector<16xf32>
    %select_n3A_369 = arith.select %eq3A_361, %broadcast_in_dim3A_367, %broadcast_in_dim3A_368 : vector<16xi1>, vector<16xf32>
    %add3A_370 = arith.addf %add3A_358, %select_n3A_369 : vector<16xf32>
    %eq3A_371 = arith.constant 4 : i32
    %eq3A_372 = vector.broadcast %eq3A_371 : i32 to vector<16xi32>
    %eq3A_373 = arith.cmpi eq, %iota3A, %eq3A_372 : vector<16xi32>
    %reduce_sum3A_374 = arith.constant true
    %reduce_sum3A_375 = vector.broadcast %reduce_sum3A_374 : i1 to vector<16xi1>
    %reduce_sum3A_376 = tpu.scan <sum>, %scan3A_319#4 masked %reduce_sum3A_375 : vector<16xf32>, vector<16xi1> -> vector<16xf32>
    %reduce_sum3A_377 = vector.extract %reduce_sum3A_376[15] : f32 from vector<16xf32>
    %jit3A_378 = arith.constant 0.000000e+00 : f32
    %broadcast_in_dim3A_379 = vector.broadcast %reduce_sum3A_377 : f32 to vector<16xf32>
    %broadcast_in_dim3A_380 = vector.broadcast %jit3A_378 : f32 to vector<16xf32>
    %select_n3A_381 = arith.select %eq3A_373, %broadcast_in_dim3A_379, %broadcast_in_dim3A_380 : vector<16xi1>, vector<16xf32>
    %add3A_382 = arith.addf %add3A_370, %select_n3A_381 : vector<16xf32>
    %eq3A_383 = arith.constant 5 : i32
    %eq3A_384 = vector.broadcast %eq3A_383 : i32 to vector<16xi32>
    %eq3A_385 = arith.cmpi eq, %iota3A, %eq3A_384 : vector<16xi32>
    %reduce_sum3A_386 = arith.constant true
    %reduce_sum3A_387 = vector.broadcast %reduce_sum3A_386 : i1 to vector<16xi1>
    %reduce_sum3A_388 = tpu.scan <sum>, %scan3A_319#5 masked %reduce_sum3A_387 : vector<16xf32>, vector<16xi1> -> vector<16xf32>
    %reduce_sum3A_389 = vector.extract %reduce_sum3A_388[15] : f32 from vector<16xf32>
    %jit3A_390 = arith.constant 0.000000e+00 : f32
    %broadcast_in_dim3A_391 = vector.broadcast %reduce_sum3A_389 : f32 to vector<16xf32>
    %broadcast_in_dim3A_392 = vector.broadcast %jit3A_390 : f32 to vector<16xf32>
    %select_n3A_393 = arith.select %eq3A_385, %broadcast_in_dim3A_391, %broadcast_in_dim3A_392 : vector<16xi1>, vector<16xf32>
    %add3A_394 = arith.addf %add3A_382, %select_n3A_393 : vector<16xf32>
    %eq3A_395 = arith.constant 6 : i32
    %eq3A_396 = vector.broadcast %eq3A_395 : i32 to vector<16xi32>
    %eq3A_397 = arith.cmpi eq, %iota3A, %eq3A_396 : vector<16xi32>
    %reduce_sum3A_398 = arith.constant true
    %reduce_sum3A_399 = vector.broadcast %reduce_sum3A_398 : i1 to vector<16xi1>
    %reduce_sum3A_400 = tpu.scan <sum>, %scan3A_319#6 masked %reduce_sum3A_399 : vector<16xf32>, vector<16xi1> -> vector<16xf32>
    %reduce_sum3A_401 = vector.extract %reduce_sum3A_400[15] : f32 from vector<16xf32>
    %jit3A_402 = arith.constant 0.000000e+00 : f32
    %broadcast_in_dim3A_403 = vector.broadcast %reduce_sum3A_401 : f32 to vector<16xf32>
    %broadcast_in_dim3A_404 = vector.broadcast %jit3A_402 : f32 to vector<16xf32>
    %select_n3A_405 = arith.select %eq3A_397, %broadcast_in_dim3A_403, %broadcast_in_dim3A_404 : vector<16xi1>, vector<16xf32>
    %add3A_406 = arith.addf %add3A_394, %select_n3A_405 : vector<16xf32>
    %eq3A_407 = arith.constant 7 : i32
    %eq3A_408 = vector.broadcast %eq3A_407 : i32 to vector<16xi32>
    %eq3A_409 = arith.cmpi eq, %iota3A, %eq3A_408 : vector<16xi32>
    %reduce_sum3A_410 = arith.constant true
    %reduce_sum3A_411 = vector.broadcast %reduce_sum3A_410 : i1 to vector<16xi1>
    %reduce_sum3A_412 = tpu.scan <sum>, %scan3A_319#7 masked %reduce_sum3A_411 : vector<16xf32>, vector<16xi1> -> vector<16xf32>
    %reduce_sum3A_413 = vector.extract %reduce_sum3A_412[15] : f32 from vector<16xf32>
    %jit3A_414 = arith.constant 0.000000e+00 : f32
    %broadcast_in_dim3A_415 = vector.broadcast %reduce_sum3A_413 : f32 to vector<16xf32>
    %broadcast_in_dim3A_416 = vector.broadcast %jit3A_414 : f32 to vector<16xf32>
    %select_n3A_417 = arith.select %eq3A_409, %broadcast_in_dim3A_415, %broadcast_in_dim3A_416 : vector<16xi1>, vector<16xf32>
    %add3A_418 = arith.addf %add3A_406, %select_n3A_417 : vector<16xf32>
    %swap3A_419 = arith.constant 0 : index
    %swap3A_420 = tpu.vector_load %arg8[%swap3A_419] {strides = array<i32>} : memref<16xf32, #tpu.memory_space<vmem>>, vector<16xf32>,
    tpu.vector_store %arg8[%swap3A_419], %add3A_418 {strides = array<i32>} : memref<16xf32, #tpu.memory_space<vmem>>, vector<16xf32>,
    "tpu.region"() ({
      %run_scoped3A = tpu.sem_alloc : memref<!tpu.dma_semaphore, #tpu.memory_space<semaphore_mem>>
      %dma_start3A_563 = arith.constant 0 : i32
      %dma_start3A_564 = tpu.memref_slice %arg8[%dma_start3A_563] : memref<16xf32, #tpu.memory_space<vmem>> -> memref<8xf32, #tpu.memory_space<vmem>>
      %dma_start3A_565 = tpu.memref_slice %arg3[%add3A_280] : memref<1024xf32, #tpu.memory_space<hbm>> -> memref<8xf32, #tpu.memory_space<hbm>>
      %dma_start3A_566 = tpu.memref_slice %arg3[%add3A_280] : memref<1024xf32, #tpu.memory_space<hbm>> -> memref<8xf32, #tpu.memory_space<hbm>>
      %dma_start3A_567 = arith.constant 0 : i32
      %dma_start3A_568 = tpu.memref_slice %arg8[%dma_start3A_567] : memref<16xf32, #tpu.memory_space<vmem>> -> memref<8xf32, #tpu.memory_space<vmem>>
      tpu.enqueue_dma source(%dma_start3A_568 : memref<8xf32, #tpu.memory_space<vmem>>) target(%dma_start3A_566 : memref<8xf32, #tpu.memory_space<hbm>>) target_semaphore(%run_scoped3A : memref<!tpu.dma_semaphore, #tpu.memory_space<semaphore_mem>>)
      %dma_wait3A = arith.constant 0 : i32
      %dma_wait3A_569 = tpu.memref_slice %arg8[%dma_wait3A] : memref<16xf32, #tpu.memory_space<vmem>> -> memref<8xf32, #tpu.memory_space<vmem>>
      %dma_wait3A_570 = tpu.memref_slice %arg3[%add3A_280] : memref<1024xf32, #tpu.memory_space<hbm>> -> memref<8xf32, #tpu.memory_space<hbm>>
      %dma_wait3A_571 = tpu.memref_slice %arg3[%add3A_280] : memref<1024xf32, #tpu.memory_space<hbm>> -> memref<8xf32, #tpu.memory_space<hbm>>
      %dma_wait3A_572 = arith.constant 0 : i32
      %dma_wait3A_573 = tpu.memref_slice %arg8[%dma_wait3A_572] : memref<16xf32, #tpu.memory_space<vmem>> -> memref<8xf32, #tpu.memory_space<vmem>>
      tpu.wait_dma2 semaphore(%run_scoped3A : memref<!tpu.dma_semaphore, #tpu.memory_space<semaphore_mem>>) src(%dma_wait3A_573 : memref<8xf32, #tpu.memory_space<vmem>>) dst(%dma_wait3A_571 : memref<8xf32, #tpu.memory_space<hbm>>)
      tpu.yield
    }) : () -> ()
    %add3A_421 = arith.constant 24 : i32
    %add3A_422 = arith.addi %mul3A_2, %add3A_421 : i32
    %dma_start3A_423 = arith.constant 0 : i32
    %dma_start3A_424 = tpu.memref_slice %arg2[%add3A_422, %dma_start3A_423] : memref<1024x100000xf32, #tpu.memory_space<hbm>> -> memref<8x4096xf32, #tpu.memory_space<hbm>>
    %dma_start3A_425 = arith.constant 0 : i32
    %dma_start3A_426 = tpu.memref_slice %arg2[%add3A_422, %dma_start3A_425] : memref<1024x100000xf32, #tpu.memory_space<hbm>> -> memref<8x4096xf32, #tpu.memory_space<hbm>>
    tpu.enqueue_dma source(%dma_start3A_426 : memref<8x4096xf32, #tpu.memory_space<hbm>>) target(%arg4 : memref<8x4096xf32, #tpu.memory_space<vmem>>) target_semaphore(%arg9 : memref<!tpu.dma_semaphore, #tpu.memory_space<semaphore_mem>>)
    %dma_start3A_427 = arith.constant 4096 : i32
    %dma_start3A_428 = tpu.memref_slice %arg2[%add3A_422, %dma_start3A_427] : memref<1024x100000xf32, #tpu.memory_space<hbm>> -> memref<8x4096xf32, #tpu.memory_space<hbm>>
    %dma_start3A_429 = arith.constant 4096 : i32
    %dma_start3A_430 = tpu.memref_slice %arg2[%add3A_422, %dma_start3A_429] : memref<1024x100000xf32, #tpu.memory_space<hbm>> -> memref<8x4096xf32, #tpu.memory_space<hbm>>
    tpu.enqueue_dma source(%dma_start3A_430 : memref<8x4096xf32, #tpu.memory_space<hbm>>) target(%arg5 : memref<8x4096xf32, #tpu.memory_space<vmem>>) target_semaphore(%arg9 : memref<!tpu.dma_semaphore, #tpu.memory_space<semaphore_mem>>)
    %dma_start3A_431 = arith.constant 8192 : i32
    %dma_start3A_432 = tpu.memref_slice %arg2[%add3A_422, %dma_start3A_431] : memref<1024x100000xf32, #tpu.memory_space<hbm>> -> memref<8x4096xf32, #tpu.memory_space<hbm>>
    %dma_start3A_433 = arith.constant 8192 : i32
    %dma_start3A_434 = tpu.memref_slice %arg2[%add3A_422, %dma_start3A_433] : memref<1024x100000xf32, #tpu.memory_space<hbm>> -> memref<8x4096xf32, #tpu.memory_space<hbm>>
    tpu.enqueue_dma source(%dma_start3A_434 : memref<8x4096xf32, #tpu.memory_space<hbm>>) target(%arg6 : memref<8x4096xf32, #tpu.memory_space<vmem>>) target_semaphore(%arg9 : memref<!tpu.dma_semaphore, #tpu.memory_space<semaphore_mem>>)
    %broadcast_in_dim3A_435 = arith.constant 0.000000e+00 : f32
    %broadcast_in_dim3A_436 = vector.broadcast %broadcast_in_dim3A_435 : f32 to vector<16xf32>
    %broadcast_in_dim3A_437 = arith.constant 0.000000e+00 : f32
    %broadcast_in_dim3A_438 = vector.broadcast %broadcast_in_dim3A_437 : f32 to vector<16xf32>
    %broadcast_in_dim3A_439 = arith.constant 0.000000e+00 : f32
    %broadcast_in_dim3A_440 = vector.broadcast %broadcast_in_dim3A_439 : f32 to vector<16xf32>
    %broadcast_in_dim3A_441 = arith.constant 0.000000e+00 : f32
    %broadcast_in_dim3A_442 = vector.broadcast %broadcast_in_dim3A_441 : f32 to vector<16xf32>
    %broadcast_in_dim3A_443 = arith.constant 0.000000e+00 : f32
    %broadcast_in_dim3A_444 = vector.broadcast %broadcast_in_dim3A_443 : f32 to vector<16xf32>
    %broadcast_in_dim3A_445 = arith.constant 0.000000e+00 : f32
    %broadcast_in_dim3A_446 = vector.broadcast %broadcast_in_dim3A_445 : f32 to vector<16xf32>
    %broadcast_in_dim3A_447 = arith.constant 0.000000e+00 : f32
    %broadcast_in_dim3A_448 = vector.broadcast %broadcast_in_dim3A_447 : f32 to vector<16xf32>
    %broadcast_in_dim3A_449 = arith.constant 0.000000e+00 : f32
    %broadcast_in_dim3A_450 = vector.broadcast %broadcast_in_dim3A_449 : f32 to vector<16xf32>
    %scan3A_451 = arith.constant 0 : i32
    %scan3A_452 = arith.constant 8 : i32
    %scan3A_453 = arith.addi %scan3A_451, %scan3A_452 : i32
    %scan3A_454 = arith.constant 1 : i32
    %scan3A_455:8 = scf.for %scan3A_563 = %scan3A_451 to %scan3A_453 step %scan3A_454 iter_args(%scan3A_564 = %broadcast_in_dim3A_436, %scan3A_565 = %broadcast_in_dim3A_438, %scan3A_566 = %broadcast_in_dim3A_440, %scan3A_567 = %broadcast_in_dim3A_442, %scan3A_568 = %broadcast_in_dim3A_444, %scan3A_569 = %broadcast_in_dim3A_446, %scan3A_570 = %broadcast_in_dim3A_448, %scan3A_571 = %broadcast_in_dim3A_450) -> (vector<16xf32>, vector<16xf32>, vector<16xf32>, vector<16xf32>, vector<16xf32>, vector<16xf32>, vector<16xf32>, vector<16xf32>)  : i32 {
      %mul3A_572 = arith.constant 3 : i32
      %mul3A_573 = arith.muli %scan3A_563, %mul3A_572 : i32
      %add3A_574 = arith.constant 0 : i32
      %add3A_575 = arith.addi %mul3A_573, %add3A_574 : i32
      %dma_wait3A = arith.constant 0 : i32
      %dma_wait3A_576 = tpu.memref_slice %arg2[%add3A_422, %dma_wait3A] : memref<1024x100000xf32, #tpu.memory_space<hbm>> -> memref<8x4096xf32, #tpu.memory_space<hbm>>
      %dma_wait3A_577 = arith.constant 0 : i32
      %dma_wait3A_578 = tpu.memref_slice %arg2[%add3A_422, %dma_wait3A_577] : memref<1024x100000xf32, #tpu.memory_space<hbm>> -> memref<8x4096xf32, #tpu.memory_space<hbm>>
      tpu.wait_dma2 semaphore(%arg9 : memref<!tpu.dma_semaphore, #tpu.memory_space<semaphore_mem>>) src(%dma_wait3A_578 : memref<8x4096xf32, #tpu.memory_space<hbm>>) dst(%arg4 : memref<8x4096xf32, #tpu.memory_space<vmem>>)
      %scan3A_579 = arith.constant 0 : i32
      %scan3A_580 = arith.constant 64 : i32
      %scan3A_581 = arith.addi %scan3A_579, %scan3A_580 : i32
      %scan3A_582 = arith.constant 1 : i32
      %scan3A_583:8 = scf.for %scan3A_631 = %scan3A_579 to %scan3A_581 step %scan3A_582 iter_args(%scan3A_632 = %scan3A_564, %scan3A_633 = %scan3A_565, %scan3A_634 = %scan3A_566, %scan3A_635 = %scan3A_567, %scan3A_636 = %scan3A_568, %scan3A_637 = %scan3A_569, %scan3A_638 = %scan3A_570, %scan3A_639 = %scan3A_571) -> (vector<16xf32>, vector<16xf32>, vector<16xf32>, vector<16xf32>, vector<16xf32>, vector<16xf32>, vector<16xf32>, vector<16xf32>)  : i32 {
        %mul3A_640 = arith.constant 64 : i32
        %mul3A_641 = arith.muli %scan3A_631, %mul3A_640 : i32
        %add3A_642 = arith.constant 0 : i32
        %add3A_643 = arith.addi %mul3A_641, %add3A_642 : i32
        %get3A = arith.constant 0 : i32
        %get3A_644 = arith.index_cast %get3A : i32 to index
        %get3A_645 = arith.index_cast %add3A_643 : i32 to index
        %get3A_646 = tpu.vector_load %arg4[%get3A_644, %get3A_645] {strides = array<i32>} : memref<8x4096xf32, #tpu.memory_space<vmem>>, vector<16xf32>,
        %add3A_647 = arith.addf %scan3A_632, %get3A_646 : vector<16xf32>
        %add3A_648 = arith.constant 0 : i32
        %add3A_649 = arith.addi %mul3A_641, %add3A_648 : i32
        %get3A_650 = arith.constant 1 : i32
        %get3A_651 = arith.index_cast %get3A_650 : i32 to index
        %get3A_652 = arith.index_cast %add3A_649 : i32 to index
        %get3A_653 = tpu.vector_load %arg4[%get3A_651, %get3A_652] {strides = array<i32>} : memref<8x4096xf32, #tpu.memory_space<vmem>>, vector<16xf32>,
        %add3A_654 = arith.addf %scan3A_633, %get3A_653 : vector<16xf32>
        %add3A_655 = arith.constant 0 : i32
        %add3A_656 = arith.addi %mul3A_641, %add3A_655 : i32
        %get3A_657 = arith.constant 2 : i32
        %get3A_658 = arith.index_cast %get3A_657 : i32 to index
        %get3A_659 = arith.index_cast %add3A_656 : i32 to index
        %get3A_660 = tpu.vector_load %arg4[%get3A_658, %get3A_659] {strides = array<i32>} : memref<8x4096xf32, #tpu.memory_space<vmem>>, vector<16xf32>,
        %add3A_661 = arith.addf %scan3A_634, %get3A_660 : vector<16xf32>
        %add3A_662 = arith.constant 0 : i32
        %add3A_663 = arith.addi %mul3A_641, %add3A_662 : i32
        %get3A_664 = arith.constant 3 : i32
        %get3A_665 = arith.index_cast %get3A_664 : i32 to index
        %get3A_666 = arith.index_cast %add3A_663 : i32 to index
        %get3A_667 = tpu.vector_load %arg4[%get3A_665, %get3A_666] {strides = array<i32>} : memref<8x4096xf32, #tpu.memory_space<vmem>>, vector<16xf32>,
        %add3A_668 = arith.addf %scan3A_635, %get3A_667 : vector<16xf32>
        %add3A_669 = arith.constant 0 : i32
        %add3A_670 = arith.addi %mul3A_641, %add3A_669 : i32
        %get3A_671 = arith.constant 4 : i32
        %get3A_672 = arith.index_cast %get3A_671 : i32 to index
        %get3A_673 = arith.index_cast %add3A_670 : i32 to index
        %get3A_674 = tpu.vector_load %arg4[%get3A_672, %get3A_673] {strides = array<i32>} : memref<8x4096xf32, #tpu.memory_space<vmem>>, vector<16xf32>,
        %add3A_675 = arith.addf %scan3A_636, %get3A_674 : vector<16xf32>
        %add3A_676 = arith.constant 0 : i32
        %add3A_677 = arith.addi %mul3A_641, %add3A_676 : i32
        %get3A_678 = arith.constant 5 : i32
        %get3A_679 = arith.index_cast %get3A_678 : i32 to index
        %get3A_680 = arith.index_cast %add3A_677 : i32 to index
        %get3A_681 = tpu.vector_load %arg4[%get3A_679, %get3A_680] {strides = array<i32>} : memref<8x4096xf32, #tpu.memory_space<vmem>>, vector<16xf32>,
        %add3A_682 = arith.addf %scan3A_637, %get3A_681 : vector<16xf32>
        %add3A_683 = arith.constant 0 : i32
        %add3A_684 = arith.addi %mul3A_641, %add3A_683 : i32
        %get3A_685 = arith.constant 6 : i32
        %get3A_686 = arith.index_cast %get3A_685 : i32 to index
        %get3A_687 = arith.index_cast %add3A_684 : i32 to index
        %get3A_688 = tpu.vector_load %arg4[%get3A_686, %get3A_687] {strides = array<i32>} : memref<8x4096xf32, #tpu.memory_space<vmem>>, vector<16xf32>,
        %add3A_689 = arith.addf %scan3A_638, %get3A_688 : vector<16xf32>
        %add3A_690 = arith.constant 0 : i32
        %add3A_691 = arith.addi %mul3A_641, %add3A_690 : i32
        %get3A_692 = arith.constant 7 : i32
        %get3A_693 = arith.index_cast %get3A_692 : i32 to index
        %get3A_694 = arith.index_cast %add3A_691 : i32 to index
        %get3A_695 = tpu.vector_load %arg4[%get3A_693, %get3A_694] {strides = array<i32>} : memref<8x4096xf32, #tpu.memory_space<vmem>>, vector<16xf32>,
        %add3A_696 = arith.addf %scan3A_639, %get3A_695 : vector<16xf32>
        %add3A_697 = arith.constant 16 : i32
        %add3A_698 = arith.addi %mul3A_641, %add3A_697 : i32
        %get3A_699 = arith.constant 0 : i32
        %get3A_700 = arith.index_cast %get3A_699 : i32 to index
        %get3A_701 = arith.index_cast %add3A_698 : i32 to index
        %get3A_702 = tpu.vector_load %arg4[%get3A_700, %get3A_701] {strides = array<i32>} : memref<8x4096xf32, #tpu.memory_space<vmem>>, vector<16xf32>,
        %add3A_703 = arith.addf %add3A_647, %get3A_702 : vector<16xf32>
        %add3A_704 = arith.constant 16 : i32
        %add3A_705 = arith.addi %mul3A_641, %add3A_704 : i32
        %get3A_706 = arith.constant 1 : i32
        %get3A_707 = arith.index_cast %get3A_706 : i32 to index
        %get3A_708 = arith.index_cast %add3A_705 : i32 to index
        %get3A_709 = tpu.vector_load %arg4[%get3A_707, %get3A_708] {strides = array<i32>} : memref<8x4096xf32, #tpu.memory_space<vmem>>, vector<16xf32>,
        %add3A_710 = arith.addf %add3A_654, %get3A_709 : vector<16xf32>
        %add3A_711 = arith.constant 16 : i32
        %add3A_712 = arith.addi %mul3A_641, %add3A_711 : i32
        %get3A_713 = arith.constant 2 : i32
        %get3A_714 = arith.index_cast %get3A_713 : i32 to index
        %get3A_715 = arith.index_cast %add3A_712 : i32 to index
        %get3A_716 = tpu.vector_load %arg4[%get3A_714, %get3A_715] {strides = array<i32>} : memref<8x4096xf32, #tpu.memory_space<vmem>>, vector<16xf32>,
        %add3A_717 = arith.addf %add3A_661, %get3A_716 : vector<16xf32>
        %add3A_718 = arith.constant 16 : i32
        %add3A_719 = arith.addi %mul3A_641, %add3A_718 : i32
        %get3A_720 = arith.constant 3 : i32
        %get3A_721 = arith.index_cast %get3A_720 : i32 to index
        %get3A_722 = arith.index_cast %add3A_719 : i32 to index
        %get3A_723 = tpu.vector_load %arg4[%get3A_721, %get3A_722] {strides = array<i32>} : memref<8x4096xf32, #tpu.memory_space<vmem>>, vector<16xf32>,
        %add3A_724 = arith.addf %add3A_668, %get3A_723 : vector<16xf32>
        %add3A_725 = arith.constant 16 : i32
        %add3A_726 = arith.addi %mul3A_641, %add3A_725 : i32
        %get3A_727 = arith.constant 4 : i32
        %get3A_728 = arith.index_cast %get3A_727 : i32 to index
        %get3A_729 = arith.index_cast %add3A_726 : i32 to index
        %get3A_730 = tpu.vector_load %arg4[%get3A_728, %get3A_729] {strides = array<i32>} : memref<8x4096xf32, #tpu.memory_space<vmem>>, vector<16xf32>,
        %add3A_731 = arith.addf %add3A_675, %get3A_730 : vector<16xf32>
        %add3A_732 = arith.constant 16 : i32
        %add3A_733 = arith.addi %mul3A_641, %add3A_732 : i32
        %get3A_734 = arith.constant 5 : i32
        %get3A_735 = arith.index_cast %get3A_734 : i32 to index
        %get3A_736 = arith.index_cast %add3A_733 : i32 to index
        %get3A_737 = tpu.vector_load %arg4[%get3A_735, %get3A_736] {strides = array<i32>} : memref<8x4096xf32, #tpu.memory_space<vmem>>, vector<16xf32>,
        %add3A_738 = arith.addf %add3A_682, %get3A_737 : vector<16xf32>
        %add3A_739 = arith.constant 16 : i32
        %add3A_740 = arith.addi %mul3A_641, %add3A_739 : i32
        %get3A_741 = arith.constant 6 : i32
        %get3A_742 = arith.index_cast %get3A_741 : i32 to index
        %get3A_743 = arith.index_cast %add3A_740 : i32 to index
        %get3A_744 = tpu.vector_load %arg4[%get3A_742, %get3A_743] {strides = array<i32>} : memref<8x4096xf32, #tpu.memory_space<vmem>>, vector<16xf32>,
        %add3A_745 = arith.addf %add3A_689, %get3A_744 : vector<16xf32>
        %add3A_746 = arith.constant 16 : i32
        %add3A_747 = arith.addi %mul3A_641, %add3A_746 : i32
        %get3A_748 = arith.constant 7 : i32
        %get3A_749 = arith.index_cast %get3A_748 : i32 to index
        %get3A_750 = arith.index_cast %add3A_747 : i32 to index
        %get3A_751 = tpu.vector_load %arg4[%get3A_749, %get3A_750] {strides = array<i32>} : memref<8x4096xf32, #tpu.memory_space<vmem>>, vector<16xf32>,
        %add3A_752 = arith.addf %add3A_696, %get3A_751 : vector<16xf32>
        %add3A_753 = arith.constant 32 : i32
        %add3A_754 = arith.addi %mul3A_641, %add3A_753 : i32
        %get3A_755 = arith.constant 0 : i32
        %get3A_756 = arith.index_cast %get3A_755 : i32 to index
        %get3A_757 = arith.index_cast %add3A_754 : i32 to index
        %get3A_758 = tpu.vector_load %arg4[%get3A_756, %get3A_757] {strides = array<i32>} : memref<8x4096xf32, #tpu.memory_space<vmem>>, vector<16xf32>,
        %add3A_759 = arith.addf %add3A_703, %get3A_758 : vector<16xf32>
        %add3A_760 = arith.constant 32 : i32
        %add3A_761 = arith.addi %mul3A_641, %add3A_760 : i32
        %get3A_762 = arith.constant 1 : i32
        %get3A_763 = arith.index_cast %get3A_762 : i32 to index
        %get3A_764 = arith.index_cast %add3A_761 : i32 to index
        %get3A_765 = tpu.vector_load %arg4[%get3A_763, %get3A_764] {strides = array<i32>} : memref<8x4096xf32, #tpu.memory_space<vmem>>, vector<16xf32>,
        %add3A_766 = arith.addf %add3A_710, %get3A_765 : vector<16xf32>
        %add3A_767 = arith.constant 32 : i32
        %add3A_768 = arith.addi %mul3A_641, %add3A_767 : i32
        %get3A_769 = arith.constant 2 : i32
        %get3A_770 = arith.index_cast %get3A_769 : i32 to index
        %get3A_771 = arith.index_cast %add3A_768 : i32 to index
        %get3A_772 = tpu.vector_load %arg4[%get3A_770, %get3A_771] {strides = array<i32>} : memref<8x4096xf32, #tpu.memory_space<vmem>>, vector<16xf32>,
        %add3A_773 = arith.addf %add3A_717, %get3A_772 : vector<16xf32>
        %add3A_774 = arith.constant 32 : i32
        %add3A_775 = arith.addi %mul3A_641, %add3A_774 : i32
        %get3A_776 = arith.constant 3 : i32
        %get3A_777 = arith.index_cast %get3A_776 : i32 to index
        %get3A_778 = arith.index_cast %add3A_775 : i32 to index
        %get3A_779 = tpu.vector_load %arg4[%get3A_777, %get3A_778] {strides = array<i32>} : memref<8x4096xf32, #tpu.memory_space<vmem>>, vector<16xf32>,
        %add3A_780 = arith.addf %add3A_724, %get3A_779 : vector<16xf32>
        %add3A_781 = arith.constant 32 : i32
        %add3A_782 = arith.addi %mul3A_641, %add3A_781 : i32
        %get3A_783 = arith.constant 4 : i32
        %get3A_784 = arith.index_cast %get3A_783 : i32 to index
        %get3A_785 = arith.index_cast %add3A_782 : i32 to index
        %get3A_786 = tpu.vector_load %arg4[%get3A_784, %get3A_785] {strides = array<i32>} : memref<8x4096xf32, #tpu.memory_space<vmem>>, vector<16xf32>,
        %add3A_787 = arith.addf %add3A_731, %get3A_786 : vector<16xf32>
        %add3A_788 = arith.constant 32 : i32
        %add3A_789 = arith.addi %mul3A_641, %add3A_788 : i32
        %get3A_790 = arith.constant 5 : i32
        %get3A_791 = arith.index_cast %get3A_790 : i32 to index
        %get3A_792 = arith.index_cast %add3A_789 : i32 to index
        %get3A_793 = tpu.vector_load %arg4[%get3A_791, %get3A_792] {strides = array<i32>} : memref<8x4096xf32, #tpu.memory_space<vmem>>, vector<16xf32>,
        %add3A_794 = arith.addf %add3A_738, %get3A_793 : vector<16xf32>
        %add3A_795 = arith.constant 32 : i32
        %add3A_796 = arith.addi %mul3A_641, %add3A_795 : i32
        %get3A_797 = arith.constant 6 : i32
        %get3A_798 = arith.index_cast %get3A_797 : i32 to index
        %get3A_799 = arith.index_cast %add3A_796 : i32 to index
        %get3A_800 = tpu.vector_load %arg4[%get3A_798, %get3A_799] {strides = array<i32>} : memref<8x4096xf32, #tpu.memory_space<vmem>>, vector<16xf32>,
        %add3A_801 = arith.addf %add3A_745, %get3A_800 : vector<16xf32>
        %add3A_802 = arith.constant 32 : i32
        %add3A_803 = arith.addi %mul3A_641, %add3A_802 : i32
        %get3A_804 = arith.constant 7 : i32
        %get3A_805 = arith.index_cast %get3A_804 : i32 to index
        %get3A_806 = arith.index_cast %add3A_803 : i32 to index
        %get3A_807 = tpu.vector_load %arg4[%get3A_805, %get3A_806] {strides = array<i32>} : memref<8x4096xf32, #tpu.memory_space<vmem>>, vector<16xf32>,
        %add3A_808 = arith.addf %add3A_752, %get3A_807 : vector<16xf32>
        %add3A_809 = arith.constant 48 : i32
        %add3A_810 = arith.addi %mul3A_641, %add3A_809 : i32
        %get3A_811 = arith.constant 0 : i32
        %get3A_812 = arith.index_cast %get3A_811 : i32 to index
        %get3A_813 = arith.index_cast %add3A_810 : i32 to index
        %get3A_814 = tpu.vector_load %arg4[%get3A_812, %get3A_813] {strides = array<i32>} : memref<8x4096xf32, #tpu.memory_space<vmem>>, vector<16xf32>,
        %add3A_815 = arith.addf %add3A_759, %get3A_814 : vector<16xf32>
        %add3A_816 = arith.constant 48 : i32
        %add3A_817 = arith.addi %mul3A_641, %add3A_816 : i32
        %get3A_818 = arith.constant 1 : i32
        %get3A_819 = arith.index_cast %get3A_818 : i32 to index
        %get3A_820 = arith.index_cast %add3A_817 : i32 to index
        %get3A_821 = tpu.vector_load %arg4[%get3A_819, %get3A_820] {strides = array<i32>} : memref<8x4096xf32, #tpu.memory_space<vmem>>, vector<16xf32>,
        %add3A_822 = arith.addf %add3A_766, %get3A_821 : vector<16xf32>
        %add3A_823 = arith.constant 48 : i32
        %add3A_824 = arith.addi %mul3A_641, %add3A_823 : i32
        %get3A_825 = arith.constant 2 : i32
        %get3A_826 = arith.index_cast %get3A_825 : i32 to index
        %get3A_827 = arith.index_cast %add3A_824 : i32 to index
        %get3A_828 = tpu.vector_load %arg4[%get3A_826, %get3A_827] {strides = array<i32>} : memref<8x4096xf32, #tpu.memory_space<vmem>>, vector<16xf32>,
        %add3A_829 = arith.addf %add3A_773, %get3A_828 : vector<16xf32>
        %add3A_830 = arith.constant 48 : i32
        %add3A_831 = arith.addi %mul3A_641, %add3A_830 : i32
        %get3A_832 = arith.constant 3 : i32
        %get3A_833 = arith.index_cast %get3A_832 : i32 to index
        %get3A_834 = arith.index_cast %add3A_831 : i32 to index
        %get3A_835 = tpu.vector_load %arg4[%get3A_833, %get3A_834] {strides = array<i32>} : memref<8x4096xf32, #tpu.memory_space<vmem>>, vector<16xf32>,
        %add3A_836 = arith.addf %add3A_780, %get3A_835 : vector<16xf32>
        %add3A_837 = arith.constant 48 : i32
        %add3A_838 = arith.addi %mul3A_641, %add3A_837 : i32
        %get3A_839 = arith.constant 4 : i32
        %get3A_840 = arith.index_cast %get3A_839 : i32 to index
        %get3A_841 = arith.index_cast %add3A_838 : i32 to index
        %get3A_842 = tpu.vector_load %arg4[%get3A_840, %get3A_841] {strides = array<i32>} : memref<8x4096xf32, #tpu.memory_space<vmem>>, vector<16xf32>,
        %add3A_843 = arith.addf %add3A_787, %get3A_842 : vector<16xf32>
        %add3A_844 = arith.constant 48 : i32
        %add3A_845 = arith.addi %mul3A_641, %add3A_844 : i32
        %get3A_846 = arith.constant 5 : i32
        %get3A_847 = arith.index_cast %get3A_846 : i32 to index
        %get3A_848 = arith.index_cast %add3A_845 : i32 to index
        %get3A_849 = tpu.vector_load %arg4[%get3A_847, %get3A_848] {strides = array<i32>} : memref<8x4096xf32, #tpu.memory_space<vmem>>, vector<16xf32>,
        %add3A_850 = arith.addf %add3A_794, %get3A_849 : vector<16xf32>
        %add3A_851 = arith.constant 48 : i32
        %add3A_852 = arith.addi %mul3A_641, %add3A_851 : i32
        %get3A_853 = arith.constant 6 : i32
        %get3A_854 = arith.index_cast %get3A_853 : i32 to index
        %get3A_855 = arith.index_cast %add3A_852 : i32 to index
        %get3A_856 = tpu.vector_load %arg4[%get3A_854, %get3A_855] {strides = array<i32>} : memref<8x4096xf32, #tpu.memory_space<vmem>>, vector<16xf32>,
        %add3A_857 = arith.addf %add3A_801, %get3A_856 : vector<16xf32>
        %add3A_858 = arith.constant 48 : i32
        %add3A_859 = arith.addi %mul3A_641, %add3A_858 : i32
        %get3A_860 = arith.constant 7 : i32
        %get3A_861 = arith.index_cast %get3A_860 : i32 to index
        %get3A_862 = arith.index_cast %add3A_859 : i32 to index
        %get3A_863 = tpu.vector_load %arg4[%get3A_861, %get3A_862] {strides = array<i32>} : memref<8x4096xf32, #tpu.memory_space<vmem>>, vector<16xf32>,
        %add3A_864 = arith.addf %add3A_808, %get3A_863 : vector<16xf32>
        scf.yield %add3A_815, %add3A_822, %add3A_829, %add3A_836, %add3A_843, %add3A_850, %add3A_857, %add3A_864 : vector<16xf32>, vector<16xf32>, vector<16xf32>, vector<16xf32>, vector<16xf32>, vector<16xf32>, vector<16xf32>, vector<16xf32>
      }
      %scan3A_584 = arith.constant 64 : i32
      %add3A_585 = arith.constant 3 : i32
      %add3A_586 = arith.addi %add3A_575, %add3A_585 : i32
      %lt3A = arith.constant 24 : i32
      %lt3A_587 = arith.cmpi slt, %add3A_586, %lt3A : i32
      %convert_element_type3A = arith.extui %lt3A_587 : i1 to i32
      %cond3A = arith.constant 0 : i32
      %cond3A_588 = arith.cmpi ne, %convert_element_type3A, %cond3A : i32
      scf.if %cond3A_588 {
        %mul3A_631 = arith.constant 4096 : i32
        %mul3A_632 = arith.muli %add3A_586, %mul3A_631 : i32
        %dma_start3A_633 = tpu.memref_slice %arg2[%add3A_422, %mul3A_632] : memref<1024x100000xf32, #tpu.memory_space<hbm>> -> memref<8x4096xf32, #tpu.memory_space<hbm>>
        %dma_start3A_634 = tpu.memref_slice %arg2[%add3A_422, %mul3A_632] : memref<1024x100000xf32, #tpu.memory_space<hbm>> -> memref<8x4096xf32, #tpu.memory_space<hbm>>
        tpu.enqueue_dma source(%dma_start3A_634 : memref<8x4096xf32, #tpu.memory_space<hbm>>) target(%arg4 : memref<8x4096xf32, #tpu.memory_space<vmem>>) target_semaphore(%arg9 : memref<!tpu.dma_semaphore, #tpu.memory_space<semaphore_mem>>)
      } else {
      }
      %mul3A_589 = arith.constant 3 : i32
      %mul3A_590 = arith.muli %scan3A_563, %mul3A_589 : i32
      %add3A_591 = arith.constant 1 : i32
      %add3A_592 = arith.addi %mul3A_590, %add3A_591 : i32
      %dma_wait3A_593 = arith.constant 0 : i32
      %dma_wait3A_594 = tpu.memref_slice %arg2[%add3A_422, %dma_wait3A_593] : memref<1024x100000xf32, #tpu.memory_space<hbm>> -> memref<8x4096xf32, #tpu.memory_space<hbm>>
      %dma_wait3A_595 = arith.constant 0 : i32
      %dma_wait3A_596 = tpu.memref_slice %arg2[%add3A_422, %dma_wait3A_595] : memref<1024x100000xf32, #tpu.memory_space<hbm>> -> memref<8x4096xf32, #tpu.memory_space<hbm>>
      tpu.wait_dma2 semaphore(%arg9 : memref<!tpu.dma_semaphore, #tpu.memory_space<semaphore_mem>>) src(%dma_wait3A_596 : memref<8x4096xf32, #tpu.memory_space<hbm>>) dst(%arg5 : memref<8x4096xf32, #tpu.memory_space<vmem>>)
      %scan3A_597 = arith.constant 0 : i32
      %scan3A_598 = arith.constant 64 : i32
      %scan3A_599 = arith.addi %scan3A_597, %scan3A_598 : i32
      %scan3A_600 = arith.constant 1 : i32
      %scan3A_601:8 = scf.for %scan3A_631 = %scan3A_597 to %scan3A_599 step %scan3A_600 iter_args(%scan3A_632 = %scan3A_583#0, %scan3A_633 = %scan3A_583#1, %scan3A_634 = %scan3A_583#2, %scan3A_635 = %scan3A_583#3, %scan3A_636 = %scan3A_583#4, %scan3A_637 = %scan3A_583#5, %scan3A_638 = %scan3A_583#6, %scan3A_639 = %scan3A_583#7) -> (vector<16xf32>, vector<16xf32>, vector<16xf32>, vector<16xf32>, vector<16xf32>, vector<16xf32>, vector<16xf32>, vector<16xf32>)  : i32 {
        %mul3A_640 = arith.constant 64 : i32
        %mul3A_641 = arith.muli %scan3A_631, %mul3A_640 : i32
        %add3A_642 = arith.constant 0 : i32
        %add3A_643 = arith.addi %mul3A_641, %add3A_642 : i32
        %get3A = arith.constant 0 : i32
        %get3A_644 = arith.index_cast %get3A : i32 to index
        %get3A_645 = arith.index_cast %add3A_643 : i32 to index
        %get3A_646 = tpu.vector_load %arg5[%get3A_644, %get3A_645] {strides = array<i32>} : memref<8x4096xf32, #tpu.memory_space<vmem>>, vector<16xf32>,
        %add3A_647 = arith.addf %scan3A_632, %get3A_646 : vector<16xf32>
        %add3A_648 = arith.constant 0 : i32
        %add3A_649 = arith.addi %mul3A_641, %add3A_648 : i32
        %get3A_650 = arith.constant 1 : i32
        %get3A_651 = arith.index_cast %get3A_650 : i32 to index
        %get3A_652 = arith.index_cast %add3A_649 : i32 to index
        %get3A_653 = tpu.vector_load %arg5[%get3A_651, %get3A_652] {strides = array<i32>} : memref<8x4096xf32, #tpu.memory_space<vmem>>, vector<16xf32>,
        %add3A_654 = arith.addf %scan3A_633, %get3A_653 : vector<16xf32>
        %add3A_655 = arith.constant 0 : i32
        %add3A_656 = arith.addi %mul3A_641, %add3A_655 : i32
        %get3A_657 = arith.constant 2 : i32
        %get3A_658 = arith.index_cast %get3A_657 : i32 to index
        %get3A_659 = arith.index_cast %add3A_656 : i32 to index
        %get3A_660 = tpu.vector_load %arg5[%get3A_658, %get3A_659] {strides = array<i32>} : memref<8x4096xf32, #tpu.memory_space<vmem>>, vector<16xf32>,
        %add3A_661 = arith.addf %scan3A_634, %get3A_660 : vector<16xf32>
        %add3A_662 = arith.constant 0 : i32
        %add3A_663 = arith.addi %mul3A_641, %add3A_662 : i32
        %get3A_664 = arith.constant 3 : i32
        %get3A_665 = arith.index_cast %get3A_664 : i32 to index
        %get3A_666 = arith.index_cast %add3A_663 : i32 to index
        %get3A_667 = tpu.vector_load %arg5[%get3A_665, %get3A_666] {strides = array<i32>} : memref<8x4096xf32, #tpu.memory_space<vmem>>, vector<16xf32>,
        %add3A_668 = arith.addf %scan3A_635, %get3A_667 : vector<16xf32>
        %add3A_669 = arith.constant 0 : i32
        %add3A_670 = arith.addi %mul3A_641, %add3A_669 : i32
        %get3A_671 = arith.constant 4 : i32
        %get3A_672 = arith.index_cast %get3A_671 : i32 to index
        %get3A_673 = arith.index_cast %add3A_670 : i32 to index
        %get3A_674 = tpu.vector_load %arg5[%get3A_672, %get3A_673] {strides = array<i32>} : memref<8x4096xf32, #tpu.memory_space<vmem>>, vector<16xf32>,
        %add3A_675 = arith.addf %scan3A_636, %get3A_674 : vector<16xf32>
        %add3A_676 = arith.constant 0 : i32
        %add3A_677 = arith.addi %mul3A_641, %add3A_676 : i32
        %get3A_678 = arith.constant 5 : i32
        %get3A_679 = arith.index_cast %get3A_678 : i32 to index
        %get3A_680 = arith.index_cast %add3A_677 : i32 to index
        %get3A_681 = tpu.vector_load %arg5[%get3A_679, %get3A_680] {strides = array<i32>} : memref<8x4096xf32, #tpu.memory_space<vmem>>, vector<16xf32>,
        %add3A_682 = arith.addf %scan3A_637, %get3A_681 : vector<16xf32>
        %add3A_683 = arith.constant 0 : i32
        %add3A_684 = arith.addi %mul3A_641, %add3A_683 : i32
        %get3A_685 = arith.constant 6 : i32
        %get3A_686 = arith.index_cast %get3A_685 : i32 to index
        %get3A_687 = arith.index_cast %add3A_684 : i32 to index
        %get3A_688 = tpu.vector_load %arg5[%get3A_686, %get3A_687] {strides = array<i32>} : memref<8x4096xf32, #tpu.memory_space<vmem>>, vector<16xf32>,
        %add3A_689 = arith.addf %scan3A_638, %get3A_688 : vector<16xf32>
        %add3A_690 = arith.constant 0 : i32
        %add3A_691 = arith.addi %mul3A_641, %add3A_690 : i32
        %get3A_692 = arith.constant 7 : i32
        %get3A_693 = arith.index_cast %get3A_692 : i32 to index
        %get3A_694 = arith.index_cast %add3A_691 : i32 to index
        %get3A_695 = tpu.vector_load %arg5[%get3A_693, %get3A_694] {strides = array<i32>} : memref<8x4096xf32, #tpu.memory_space<vmem>>, vector<16xf32>,
        %add3A_696 = arith.addf %scan3A_639, %get3A_695 : vector<16xf32>
        %add3A_697 = arith.constant 16 : i32
        %add3A_698 = arith.addi %mul3A_641, %add3A_697 : i32
        %get3A_699 = arith.constant 0 : i32
        %get3A_700 = arith.index_cast %get3A_699 : i32 to index
        %get3A_701 = arith.index_cast %add3A_698 : i32 to index
        %get3A_702 = tpu.vector_load %arg5[%get3A_700, %get3A_701] {strides = array<i32>} : memref<8x4096xf32, #tpu.memory_space<vmem>>, vector<16xf32>,
        %add3A_703 = arith.addf %add3A_647, %get3A_702 : vector<16xf32>
        %add3A_704 = arith.constant 16 : i32
        %add3A_705 = arith.addi %mul3A_641, %add3A_704 : i32
        %get3A_706 = arith.constant 1 : i32
        %get3A_707 = arith.index_cast %get3A_706 : i32 to index
        %get3A_708 = arith.index_cast %add3A_705 : i32 to index
        %get3A_709 = tpu.vector_load %arg5[%get3A_707, %get3A_708] {strides = array<i32>} : memref<8x4096xf32, #tpu.memory_space<vmem>>, vector<16xf32>,
        %add3A_710 = arith.addf %add3A_654, %get3A_709 : vector<16xf32>
        %add3A_711 = arith.constant 16 : i32
        %add3A_712 = arith.addi %mul3A_641, %add3A_711 : i32
        %get3A_713 = arith.constant 2 : i32
        %get3A_714 = arith.index_cast %get3A_713 : i32 to index
        %get3A_715 = arith.index_cast %add3A_712 : i32 to index
        %get3A_716 = tpu.vector_load %arg5[%get3A_714, %get3A_715] {strides = array<i32>} : memref<8x4096xf32, #tpu.memory_space<vmem>>, vector<16xf32>,
        %add3A_717 = arith.addf %add3A_661, %get3A_716 : vector<16xf32>
        %add3A_718 = arith.constant 16 : i32
        %add3A_719 = arith.addi %mul3A_641, %add3A_718 : i32
        %get3A_720 = arith.constant 3 : i32
        %get3A_721 = arith.index_cast %get3A_720 : i32 to index
        %get3A_722 = arith.index_cast %add3A_719 : i32 to index
        %get3A_723 = tpu.vector_load %arg5[%get3A_721, %get3A_722] {strides = array<i32>} : memref<8x4096xf32, #tpu.memory_space<vmem>>, vector<16xf32>,
        %add3A_724 = arith.addf %add3A_668, %get3A_723 : vector<16xf32>
        %add3A_725 = arith.constant 16 : i32
        %add3A_726 = arith.addi %mul3A_641, %add3A_725 : i32
        %get3A_727 = arith.constant 4 : i32
        %get3A_728 = arith.index_cast %get3A_727 : i32 to index
        %get3A_729 = arith.index_cast %add3A_726 : i32 to index
        %get3A_730 = tpu.vector_load %arg5[%get3A_728, %get3A_729] {strides = array<i32>} : memref<8x4096xf32, #tpu.memory_space<vmem>>, vector<16xf32>,
        %add3A_731 = arith.addf %add3A_675, %get3A_730 : vector<16xf32>
        %add3A_732 = arith.constant 16 : i32
        %add3A_733 = arith.addi %mul3A_641, %add3A_732 : i32
        %get3A_734 = arith.constant 5 : i32
        %get3A_735 = arith.index_cast %get3A_734 : i32 to index
        %get3A_736 = arith.index_cast %add3A_733 : i32 to index
        %get3A_737 = tpu.vector_load %arg5[%get3A_735, %get3A_736] {strides = array<i32>} : memref<8x4096xf32, #tpu.memory_space<vmem>>, vector<16xf32>,
        %add3A_738 = arith.addf %add3A_682, %get3A_737 : vector<16xf32>
        %add3A_739 = arith.constant 16 : i32
        %add3A_740 = arith.addi %mul3A_641, %add3A_739 : i32
        %get3A_741 = arith.constant 6 : i32
        %get3A_742 = arith.index_cast %get3A_741 : i32 to index
        %get3A_743 = arith.index_cast %add3A_740 : i32 to index
        %get3A_744 = tpu.vector_load %arg5[%get3A_742, %get3A_743] {strides = array<i32>} : memref<8x4096xf32, #tpu.memory_space<vmem>>, vector<16xf32>,
        %add3A_745 = arith.addf %add3A_689, %get3A_744 : vector<16xf32>
        %add3A_746 = arith.constant 16 : i32
        %add3A_747 = arith.addi %mul3A_641, %add3A_746 : i32
        %get3A_748 = arith.constant 7 : i32
        %get3A_749 = arith.index_cast %get3A_748 : i32 to index
        %get3A_750 = arith.index_cast %add3A_747 : i32 to index
        %get3A_751 = tpu.vector_load %arg5[%get3A_749, %get3A_750] {strides = array<i32>} : memref<8x4096xf32, #tpu.memory_space<vmem>>, vector<16xf32>,
        %add3A_752 = arith.addf %add3A_696, %get3A_751 : vector<16xf32>
        %add3A_753 = arith.constant 32 : i32
        %add3A_754 = arith.addi %mul3A_641, %add3A_753 : i32
        %get3A_755 = arith.constant 0 : i32
        %get3A_756 = arith.index_cast %get3A_755 : i32 to index
        %get3A_757 = arith.index_cast %add3A_754 : i32 to index
        %get3A_758 = tpu.vector_load %arg5[%get3A_756, %get3A_757] {strides = array<i32>} : memref<8x4096xf32, #tpu.memory_space<vmem>>, vector<16xf32>,
        %add3A_759 = arith.addf %add3A_703, %get3A_758 : vector<16xf32>
        %add3A_760 = arith.constant 32 : i32
        %add3A_761 = arith.addi %mul3A_641, %add3A_760 : i32
        %get3A_762 = arith.constant 1 : i32
        %get3A_763 = arith.index_cast %get3A_762 : i32 to index
        %get3A_764 = arith.index_cast %add3A_761 : i32 to index
        %get3A_765 = tpu.vector_load %arg5[%get3A_763, %get3A_764] {strides = array<i32>} : memref<8x4096xf32, #tpu.memory_space<vmem>>, vector<16xf32>,
        %add3A_766 = arith.addf %add3A_710, %get3A_765 : vector<16xf32>
        %add3A_767 = arith.constant 32 : i32
        %add3A_768 = arith.addi %mul3A_641, %add3A_767 : i32
        %get3A_769 = arith.constant 2 : i32
        %get3A_770 = arith.index_cast %get3A_769 : i32 to index
        %get3A_771 = arith.index_cast %add3A_768 : i32 to index
        %get3A_772 = tpu.vector_load %arg5[%get3A_770, %get3A_771] {strides = array<i32>} : memref<8x4096xf32, #tpu.memory_space<vmem>>, vector<16xf32>,
        %add3A_773 = arith.addf %add3A_717, %get3A_772 : vector<16xf32>
        %add3A_774 = arith.constant 32 : i32
        %add3A_775 = arith.addi %mul3A_641, %add3A_774 : i32
        %get3A_776 = arith.constant 3 : i32
        %get3A_777 = arith.index_cast %get3A_776 : i32 to index
        %get3A_778 = arith.index_cast %add3A_775 : i32 to index
        %get3A_779 = tpu.vector_load %arg5[%get3A_777, %get3A_778] {strides = array<i32>} : memref<8x4096xf32, #tpu.memory_space<vmem>>, vector<16xf32>,
        %add3A_780 = arith.addf %add3A_724, %get3A_779 : vector<16xf32>
        %add3A_781 = arith.constant 32 : i32
        %add3A_782 = arith.addi %mul3A_641, %add3A_781 : i32
        %get3A_783 = arith.constant 4 : i32
        %get3A_784 = arith.index_cast %get3A_783 : i32 to index
        %get3A_785 = arith.index_cast %add3A_782 : i32 to index
        %get3A_786 = tpu.vector_load %arg5[%get3A_784, %get3A_785] {strides = array<i32>} : memref<8x4096xf32, #tpu.memory_space<vmem>>, vector<16xf32>,
        %add3A_787 = arith.addf %add3A_731, %get3A_786 : vector<16xf32>
        %add3A_788 = arith.constant 32 : i32
        %add3A_789 = arith.addi %mul3A_641, %add3A_788 : i32
        %get3A_790 = arith.constant 5 : i32
        %get3A_791 = arith.index_cast %get3A_790 : i32 to index
        %get3A_792 = arith.index_cast %add3A_789 : i32 to index
        %get3A_793 = tpu.vector_load %arg5[%get3A_791, %get3A_792] {strides = array<i32>} : memref<8x4096xf32, #tpu.memory_space<vmem>>, vector<16xf32>,
        %add3A_794 = arith.addf %add3A_738, %get3A_793 : vector<16xf32>
        %add3A_795 = arith.constant 32 : i32
        %add3A_796 = arith.addi %mul3A_641, %add3A_795 : i32
        %get3A_797 = arith.constant 6 : i32
        %get3A_798 = arith.index_cast %get3A_797 : i32 to index
        %get3A_799 = arith.index_cast %add3A_796 : i32 to index
        %get3A_800 = tpu.vector_load %arg5[%get3A_798, %get3A_799] {strides = array<i32>} : memref<8x4096xf32, #tpu.memory_space<vmem>>, vector<16xf32>,
        %add3A_801 = arith.addf %add3A_745, %get3A_800 : vector<16xf32>
        %add3A_802 = arith.constant 32 : i32
        %add3A_803 = arith.addi %mul3A_641, %add3A_802 : i32
        %get3A_804 = arith.constant 7 : i32
        %get3A_805 = arith.index_cast %get3A_804 : i32 to index
        %get3A_806 = arith.index_cast %add3A_803 : i32 to index
        %get3A_807 = tpu.vector_load %arg5[%get3A_805, %get3A_806] {strides = array<i32>} : memref<8x4096xf32, #tpu.memory_space<vmem>>, vector<16xf32>,
        %add3A_808 = arith.addf %add3A_752, %get3A_807 : vector<16xf32>
        %add3A_809 = arith.constant 48 : i32
        %add3A_810 = arith.addi %mul3A_641, %add3A_809 : i32
        %get3A_811 = arith.constant 0 : i32
        %get3A_812 = arith.index_cast %get3A_811 : i32 to index
        %get3A_813 = arith.index_cast %add3A_810 : i32 to index
        %get3A_814 = tpu.vector_load %arg5[%get3A_812, %get3A_813] {strides = array<i32>} : memref<8x4096xf32, #tpu.memory_space<vmem>>, vector<16xf32>,
        %add3A_815 = arith.addf %add3A_759, %get3A_814 : vector<16xf32>
        %add3A_816 = arith.constant 48 : i32
        %add3A_817 = arith.addi %mul3A_641, %add3A_816 : i32
        %get3A_818 = arith.constant 1 : i32
        %get3A_819 = arith.index_cast %get3A_818 : i32 to index
        %get3A_820 = arith.index_cast %add3A_817 : i32 to index
        %get3A_821 = tpu.vector_load %arg5[%get3A_819, %get3A_820] {strides = array<i32>} : memref<8x4096xf32, #tpu.memory_space<vmem>>, vector<16xf32>,
        %add3A_822 = arith.addf %add3A_766, %get3A_821 : vector<16xf32>
        %add3A_823 = arith.constant 48 : i32
        %add3A_824 = arith.addi %mul3A_641, %add3A_823 : i32
        %get3A_825 = arith.constant 2 : i32
        %get3A_826 = arith.index_cast %get3A_825 : i32 to index
        %get3A_827 = arith.index_cast %add3A_824 : i32 to index
        %get3A_828 = tpu.vector_load %arg5[%get3A_826, %get3A_827] {strides = array<i32>} : memref<8x4096xf32, #tpu.memory_space<vmem>>, vector<16xf32>,
        %add3A_829 = arith.addf %add3A_773, %get3A_828 : vector<16xf32>
        %add3A_830 = arith.constant 48 : i32
        %add3A_831 = arith.addi %mul3A_641, %add3A_830 : i32
        %get3A_832 = arith.constant 3 : i32
        %get3A_833 = arith.index_cast %get3A_832 : i32 to index
        %get3A_834 = arith.index_cast %add3A_831 : i32 to index
        %get3A_835 = tpu.vector_load %arg5[%get3A_833, %get3A_834] {strides = array<i32>} : memref<8x4096xf32, #tpu.memory_space<vmem>>, vector<16xf32>,
        %add3A_836 = arith.addf %add3A_780, %get3A_835 : vector<16xf32>
        %add3A_837 = arith.constant 48 : i32
        %add3A_838 = arith.addi %mul3A_641, %add3A_837 : i32
        %get3A_839 = arith.constant 4 : i32
        %get3A_840 = arith.index_cast %get3A_839 : i32 to index
        %get3A_841 = arith.index_cast %add3A_838 : i32 to index
        %get3A_842 = tpu.vector_load %arg5[%get3A_840, %get3A_841] {strides = array<i32>} : memref<8x4096xf32, #tpu.memory_space<vmem>>, vector<16xf32>,
        %add3A_843 = arith.addf %add3A_787, %get3A_842 : vector<16xf32>
        %add3A_844 = arith.constant 48 : i32
        %add3A_845 = arith.addi %mul3A_641, %add3A_844 : i32
        %get3A_846 = arith.constant 5 : i32
        %get3A_847 = arith.index_cast %get3A_846 : i32 to index
        %get3A_848 = arith.index_cast %add3A_845 : i32 to index
        %get3A_849 = tpu.vector_load %arg5[%get3A_847, %get3A_848] {strides = array<i32>} : memref<8x4096xf32, #tpu.memory_space<vmem>>, vector<16xf32>,
        %add3A_850 = arith.addf %add3A_794, %get3A_849 : vector<16xf32>
        %add3A_851 = arith.constant 48 : i32
        %add3A_852 = arith.addi %mul3A_641, %add3A_851 : i32
        %get3A_853 = arith.constant 6 : i32
        %get3A_854 = arith.index_cast %get3A_853 : i32 to index
        %get3A_855 = arith.index_cast %add3A_852 : i32 to index
        %get3A_856 = tpu.vector_load %arg5[%get3A_854, %get3A_855] {strides = array<i32>} : memref<8x4096xf32, #tpu.memory_space<vmem>>, vector<16xf32>,
        %add3A_857 = arith.addf %add3A_801, %get3A_856 : vector<16xf32>
        %add3A_858 = arith.constant 48 : i32
        %add3A_859 = arith.addi %mul3A_641, %add3A_858 : i32
        %get3A_860 = arith.constant 7 : i32
        %get3A_861 = arith.index_cast %get3A_860 : i32 to index
        %get3A_862 = arith.index_cast %add3A_859 : i32 to index
        %get3A_863 = tpu.vector_load %arg5[%get3A_861, %get3A_862] {strides = array<i32>} : memref<8x4096xf32, #tpu.memory_space<vmem>>, vector<16xf32>,
        %add3A_864 = arith.addf %add3A_808, %get3A_863 : vector<16xf32>
        scf.yield %add3A_815, %add3A_822, %add3A_829, %add3A_836, %add3A_843, %add3A_850, %add3A_857, %add3A_864 : vector<16xf32>, vector<16xf32>, vector<16xf32>, vector<16xf32>, vector<16xf32>, vector<16xf32>, vector<16xf32>, vector<16xf32>
      }
      %scan3A_602 = arith.constant 64 : i32
      %add3A_603 = arith.constant 3 : i32
      %add3A_604 = arith.addi %add3A_592, %add3A_603 : i32
      %lt3A_605 = arith.constant 24 : i32
      %lt3A_606 = arith.cmpi slt, %add3A_604, %lt3A_605 : i32
      %convert_element_type3A_607 = arith.extui %lt3A_606 : i1 to i32
      %cond3A_608 = arith.constant 0 : i32
      %cond3A_609 = arith.cmpi ne, %convert_element_type3A_607, %cond3A_608 : i32
      scf.if %cond3A_609 {
        %mul3A_631 = arith.constant 4096 : i32
        %mul3A_632 = arith.muli %add3A_604, %mul3A_631 : i32
        %dma_start3A_633 = tpu.memref_slice %arg2[%add3A_422, %mul3A_632] : memref<1024x100000xf32, #tpu.memory_space<hbm>> -> memref<8x4096xf32, #tpu.memory_space<hbm>>
        %dma_start3A_634 = tpu.memref_slice %arg2[%add3A_422, %mul3A_632] : memref<1024x100000xf32, #tpu.memory_space<hbm>> -> memref<8x4096xf32, #tpu.memory_space<hbm>>
        tpu.enqueue_dma source(%dma_start3A_634 : memref<8x4096xf32, #tpu.memory_space<hbm>>) target(%arg5 : memref<8x4096xf32, #tpu.memory_space<vmem>>) target_semaphore(%arg9 : memref<!tpu.dma_semaphore, #tpu.memory_space<semaphore_mem>>)
      } else {
      }
      %mul3A_610 = arith.constant 3 : i32
      %mul3A_611 = arith.muli %scan3A_563, %mul3A_610 : i32
      %add3A_612 = arith.constant 2 : i32
      %add3A_613 = arith.addi %mul3A_611, %add3A_612 : i32
      %dma_wait3A_614 = arith.constant 0 : i32
      %dma_wait3A_615 = tpu.memref_slice %arg2[%add3A_422, %dma_wait3A_614] : memref<1024x100000xf32, #tpu.memory_space<hbm>> -> memref<8x4096xf32, #tpu.memory_space<hbm>>
      %dma_wait3A_616 = arith.constant 0 : i32
      %dma_wait3A_617 = tpu.memref_slice %arg2[%add3A_422, %dma_wait3A_616] : memref<1024x100000xf32, #tpu.memory_space<hbm>> -> memref<8x4096xf32, #tpu.memory_space<hbm>>
      tpu.wait_dma2 semaphore(%arg9 : memref<!tpu.dma_semaphore, #tpu.memory_space<semaphore_mem>>) src(%dma_wait3A_617 : memref<8x4096xf32, #tpu.memory_space<hbm>>) dst(%arg6 : memref<8x4096xf32, #tpu.memory_space<vmem>>)
      %scan3A_618 = arith.constant 0 : i32
      %scan3A_619 = arith.constant 64 : i32
      %scan3A_620 = arith.addi %scan3A_618, %scan3A_619 : i32
      %scan3A_621 = arith.constant 1 : i32
      %scan3A_622:8 = scf.for %scan3A_631 = %scan3A_618 to %scan3A_620 step %scan3A_621 iter_args(%scan3A_632 = %scan3A_601#0, %scan3A_633 = %scan3A_601#1, %scan3A_634 = %scan3A_601#2, %scan3A_635 = %scan3A_601#3, %scan3A_636 = %scan3A_601#4, %scan3A_637 = %scan3A_601#5, %scan3A_638 = %scan3A_601#6, %scan3A_639 = %scan3A_601#7) -> (vector<16xf32>, vector<16xf32>, vector<16xf32>, vector<16xf32>, vector<16xf32>, vector<16xf32>, vector<16xf32>, vector<16xf32>)  : i32 {
        %mul3A_640 = arith.constant 64 : i32
        %mul3A_641 = arith.muli %scan3A_631, %mul3A_640 : i32
        %add3A_642 = arith.constant 0 : i32
        %add3A_643 = arith.addi %mul3A_641, %add3A_642 : i32
        %get3A = arith.constant 0 : i32
        %get3A_644 = arith.index_cast %get3A : i32 to index
        %get3A_645 = arith.index_cast %add3A_643 : i32 to index
        %get3A_646 = tpu.vector_load %arg6[%get3A_644, %get3A_645] {strides = array<i32>} : memref<8x4096xf32, #tpu.memory_space<vmem>>, vector<16xf32>,
        %add3A_647 = arith.addf %scan3A_632, %get3A_646 : vector<16xf32>
        %add3A_648 = arith.constant 0 : i32
        %add3A_649 = arith.addi %mul3A_641, %add3A_648 : i32
        %get3A_650 = arith.constant 1 : i32
        %get3A_651 = arith.index_cast %get3A_650 : i32 to index
        %get3A_652 = arith.index_cast %add3A_649 : i32 to index
        %get3A_653 = tpu.vector_load %arg6[%get3A_651, %get3A_652] {strides = array<i32>} : memref<8x4096xf32, #tpu.memory_space<vmem>>, vector<16xf32>,
        %add3A_654 = arith.addf %scan3A_633, %get3A_653 : vector<16xf32>
        %add3A_655 = arith.constant 0 : i32
        %add3A_656 = arith.addi %mul3A_641, %add3A_655 : i32
        %get3A_657 = arith.constant 2 : i32
        %get3A_658 = arith.index_cast %get3A_657 : i32 to index
        %get3A_659 = arith.index_cast %add3A_656 : i32 to index
        %get3A_660 = tpu.vector_load %arg6[%get3A_658, %get3A_659] {strides = array<i32>} : memref<8x4096xf32, #tpu.memory_space<vmem>>, vector<16xf32>,
        %add3A_661 = arith.addf %scan3A_634, %get3A_660 : vector<16xf32>
        %add3A_662 = arith.constant 0 : i32
        %add3A_663 = arith.addi %mul3A_641, %add3A_662 : i32
        %get3A_664 = arith.constant 3 : i32
        %get3A_665 = arith.index_cast %get3A_664 : i32 to index
        %get3A_666 = arith.index_cast %add3A_663 : i32 to index
        %get3A_667 = tpu.vector_load %arg6[%get3A_665, %get3A_666] {strides = array<i32>} : memref<8x4096xf32, #tpu.memory_space<vmem>>, vector<16xf32>,
        %add3A_668 = arith.addf %scan3A_635, %get3A_667 : vector<16xf32>
        %add3A_669 = arith.constant 0 : i32
        %add3A_670 = arith.addi %mul3A_641, %add3A_669 : i32
        %get3A_671 = arith.constant 4 : i32
        %get3A_672 = arith.index_cast %get3A_671 : i32 to index
        %get3A_673 = arith.index_cast %add3A_670 : i32 to index
        %get3A_674 = tpu.vector_load %arg6[%get3A_672, %get3A_673] {strides = array<i32>} : memref<8x4096xf32, #tpu.memory_space<vmem>>, vector<16xf32>,
        %add3A_675 = arith.addf %scan3A_636, %get3A_674 : vector<16xf32>
        %add3A_676 = arith.constant 0 : i32
        %add3A_677 = arith.addi %mul3A_641, %add3A_676 : i32
        %get3A_678 = arith.constant 5 : i32
        %get3A_679 = arith.index_cast %get3A_678 : i32 to index
        %get3A_680 = arith.index_cast %add3A_677 : i32 to index
        %get3A_681 = tpu.vector_load %arg6[%get3A_679, %get3A_680] {strides = array<i32>} : memref<8x4096xf32, #tpu.memory_space<vmem>>, vector<16xf32>,
        %add3A_682 = arith.addf %scan3A_637, %get3A_681 : vector<16xf32>
        %add3A_683 = arith.constant 0 : i32
        %add3A_684 = arith.addi %mul3A_641, %add3A_683 : i32
        %get3A_685 = arith.constant 6 : i32
        %get3A_686 = arith.index_cast %get3A_685 : i32 to index
        %get3A_687 = arith.index_cast %add3A_684 : i32 to index
        %get3A_688 = tpu.vector_load %arg6[%get3A_686, %get3A_687] {strides = array<i32>} : memref<8x4096xf32, #tpu.memory_space<vmem>>, vector<16xf32>,
        %add3A_689 = arith.addf %scan3A_638, %get3A_688 : vector<16xf32>
        %add3A_690 = arith.constant 0 : i32
        %add3A_691 = arith.addi %mul3A_641, %add3A_690 : i32
        %get3A_692 = arith.constant 7 : i32
        %get3A_693 = arith.index_cast %get3A_692 : i32 to index
        %get3A_694 = arith.index_cast %add3A_691 : i32 to index
        %get3A_695 = tpu.vector_load %arg6[%get3A_693, %get3A_694] {strides = array<i32>} : memref<8x4096xf32, #tpu.memory_space<vmem>>, vector<16xf32>,
        %add3A_696 = arith.addf %scan3A_639, %get3A_695 : vector<16xf32>
        %add3A_697 = arith.constant 16 : i32
        %add3A_698 = arith.addi %mul3A_641, %add3A_697 : i32
        %get3A_699 = arith.constant 0 : i32
        %get3A_700 = arith.index_cast %get3A_699 : i32 to index
        %get3A_701 = arith.index_cast %add3A_698 : i32 to index
        %get3A_702 = tpu.vector_load %arg6[%get3A_700, %get3A_701] {strides = array<i32>} : memref<8x4096xf32, #tpu.memory_space<vmem>>, vector<16xf32>,
        %add3A_703 = arith.addf %add3A_647, %get3A_702 : vector<16xf32>
        %add3A_704 = arith.constant 16 : i32
        %add3A_705 = arith.addi %mul3A_641, %add3A_704 : i32
        %get3A_706 = arith.constant 1 : i32
        %get3A_707 = arith.index_cast %get3A_706 : i32 to index
        %get3A_708 = arith.index_cast %add3A_705 : i32 to index
        %get3A_709 = tpu.vector_load %arg6[%get3A_707, %get3A_708] {strides = array<i32>} : memref<8x4096xf32, #tpu.memory_space<vmem>>, vector<16xf32>,
        %add3A_710 = arith.addf %add3A_654, %get3A_709 : vector<16xf32>
        %add3A_711 = arith.constant 16 : i32
        %add3A_712 = arith.addi %mul3A_641, %add3A_711 : i32
        %get3A_713 = arith.constant 2 : i32
        %get3A_714 = arith.index_cast %get3A_713 : i32 to index
        %get3A_715 = arith.index_cast %add3A_712 : i32 to index
        %get3A_716 = tpu.vector_load %arg6[%get3A_714, %get3A_715] {strides = array<i32>} : memref<8x4096xf32, #tpu.memory_space<vmem>>, vector<16xf32>,
        %add3A_717 = arith.addf %add3A_661, %get3A_716 : vector<16xf32>
        %add3A_718 = arith.constant 16 : i32
        %add3A_719 = arith.addi %mul3A_641, %add3A_718 : i32
        %get3A_720 = arith.constant 3 : i32
        %get3A_721 = arith.index_cast %get3A_720 : i32 to index
        %get3A_722 = arith.index_cast %add3A_719 : i32 to index
        %get3A_723 = tpu.vector_load %arg6[%get3A_721, %get3A_722] {strides = array<i32>} : memref<8x4096xf32, #tpu.memory_space<vmem>>, vector<16xf32>,
        %add3A_724 = arith.addf %add3A_668, %get3A_723 : vector<16xf32>
        %add3A_725 = arith.constant 16 : i32
        %add3A_726 = arith.addi %mul3A_641, %add3A_725 : i32
        %get3A_727 = arith.constant 4 : i32
        %get3A_728 = arith.index_cast %get3A_727 : i32 to index
        %get3A_729 = arith.index_cast %add3A_726 : i32 to index
        %get3A_730 = tpu.vector_load %arg6[%get3A_728, %get3A_729] {strides = array<i32>} : memref<8x4096xf32, #tpu.memory_space<vmem>>, vector<16xf32>,
        %add3A_731 = arith.addf %add3A_675, %get3A_730 : vector<16xf32>
        %add3A_732 = arith.constant 16 : i32
        %add3A_733 = arith.addi %mul3A_641, %add3A_732 : i32
        %get3A_734 = arith.constant 5 : i32
        %get3A_735 = arith.index_cast %get3A_734 : i32 to index
        %get3A_736 = arith.index_cast %add3A_733 : i32 to index
        %get3A_737 = tpu.vector_load %arg6[%get3A_735, %get3A_736] {strides = array<i32>} : memref<8x4096xf32, #tpu.memory_space<vmem>>, vector<16xf32>,
        %add3A_738 = arith.addf %add3A_682, %get3A_737 : vector<16xf32>
        %add3A_739 = arith.constant 16 : i32
        %add3A_740 = arith.addi %mul3A_641, %add3A_739 : i32
        %get3A_741 = arith.constant 6 : i32
        %get3A_742 = arith.index_cast %get3A_741 : i32 to index
        %get3A_743 = arith.index_cast %add3A_740 : i32 to index
        %get3A_744 = tpu.vector_load %arg6[%get3A_742, %get3A_743] {strides = array<i32>} : memref<8x4096xf32, #tpu.memory_space<vmem>>, vector<16xf32>,
        %add3A_745 = arith.addf %add3A_689, %get3A_744 : vector<16xf32>
        %add3A_746 = arith.constant 16 : i32
        %add3A_747 = arith.addi %mul3A_641, %add3A_746 : i32
        %get3A_748 = arith.constant 7 : i32
        %get3A_749 = arith.index_cast %get3A_748 : i32 to index
        %get3A_750 = arith.index_cast %add3A_747 : i32 to index
        %get3A_751 = tpu.vector_load %arg6[%get3A_749, %get3A_750] {strides = array<i32>} : memref<8x4096xf32, #tpu.memory_space<vmem>>, vector<16xf32>,
        %add3A_752 = arith.addf %add3A_696, %get3A_751 : vector<16xf32>
        %add3A_753 = arith.constant 32 : i32
        %add3A_754 = arith.addi %mul3A_641, %add3A_753 : i32
        %get3A_755 = arith.constant 0 : i32
        %get3A_756 = arith.index_cast %get3A_755 : i32 to index
        %get3A_757 = arith.index_cast %add3A_754 : i32 to index
        %get3A_758 = tpu.vector_load %arg6[%get3A_756, %get3A_757] {strides = array<i32>} : memref<8x4096xf32, #tpu.memory_space<vmem>>, vector<16xf32>,
        %add3A_759 = arith.addf %add3A_703, %get3A_758 : vector<16xf32>
        %add3A_760 = arith.constant 32 : i32
        %add3A_761 = arith.addi %mul3A_641, %add3A_760 : i32
        %get3A_762 = arith.constant 1 : i32
        %get3A_763 = arith.index_cast %get3A_762 : i32 to index
        %get3A_764 = arith.index_cast %add3A_761 : i32 to index
        %get3A_765 = tpu.vector_load %arg6[%get3A_763, %get3A_764] {strides = array<i32>} : memref<8x4096xf32, #tpu.memory_space<vmem>>, vector<16xf32>,
        %add3A_766 = arith.addf %add3A_710, %get3A_765 : vector<16xf32>
        %add3A_767 = arith.constant 32 : i32
        %add3A_768 = arith.addi %mul3A_641, %add3A_767 : i32
        %get3A_769 = arith.constant 2 : i32
        %get3A_770 = arith.index_cast %get3A_769 : i32 to index
        %get3A_771 = arith.index_cast %add3A_768 : i32 to index
        %get3A_772 = tpu.vector_load %arg6[%get3A_770, %get3A_771] {strides = array<i32>} : memref<8x4096xf32, #tpu.memory_space<vmem>>, vector<16xf32>,
        %add3A_773 = arith.addf %add3A_717, %get3A_772 : vector<16xf32>
        %add3A_774 = arith.constant 32 : i32
        %add3A_775 = arith.addi %mul3A_641, %add3A_774 : i32
        %get3A_776 = arith.constant 3 : i32
        %get3A_777 = arith.index_cast %get3A_776 : i32 to index
        %get3A_778 = arith.index_cast %add3A_775 : i32 to index
        %get3A_779 = tpu.vector_load %arg6[%get3A_777, %get3A_778] {strides = array<i32>} : memref<8x4096xf32, #tpu.memory_space<vmem>>, vector<16xf32>,
        %add3A_780 = arith.addf %add3A_724, %get3A_779 : vector<16xf32>
        %add3A_781 = arith.constant 32 : i32
        %add3A_782 = arith.addi %mul3A_641, %add3A_781 : i32
        %get3A_783 = arith.constant 4 : i32
        %get3A_784 = arith.index_cast %get3A_783 : i32 to index
        %get3A_785 = arith.index_cast %add3A_782 : i32 to index
        %get3A_786 = tpu.vector_load %arg6[%get3A_784, %get3A_785] {strides = array<i32>} : memref<8x4096xf32, #tpu.memory_space<vmem>>, vector<16xf32>,
        %add3A_787 = arith.addf %add3A_731, %get3A_786 : vector<16xf32>
        %add3A_788 = arith.constant 32 : i32
        %add3A_789 = arith.addi %mul3A_641, %add3A_788 : i32
        %get3A_790 = arith.constant 5 : i32
        %get3A_791 = arith.index_cast %get3A_790 : i32 to index
        %get3A_792 = arith.index_cast %add3A_789 : i32 to index
        %get3A_793 = tpu.vector_load %arg6[%get3A_791, %get3A_792] {strides = array<i32>} : memref<8x4096xf32, #tpu.memory_space<vmem>>, vector<16xf32>,
        %add3A_794 = arith.addf %add3A_738, %get3A_793 : vector<16xf32>
        %add3A_795 = arith.constant 32 : i32
        %add3A_796 = arith.addi %mul3A_641, %add3A_795 : i32
        %get3A_797 = arith.constant 6 : i32
        %get3A_798 = arith.index_cast %get3A_797 : i32 to index
        %get3A_799 = arith.index_cast %add3A_796 : i32 to index
        %get3A_800 = tpu.vector_load %arg6[%get3A_798, %get3A_799] {strides = array<i32>} : memref<8x4096xf32, #tpu.memory_space<vmem>>, vector<16xf32>,
        %add3A_801 = arith.addf %add3A_745, %get3A_800 : vector<16xf32>
        %add3A_802 = arith.constant 32 : i32
        %add3A_803 = arith.addi %mul3A_641, %add3A_802 : i32
        %get3A_804 = arith.constant 7 : i32
        %get3A_805 = arith.index_cast %get3A_804 : i32 to index
        %get3A_806 = arith.index_cast %add3A_803 : i32 to index
        %get3A_807 = tpu.vector_load %arg6[%get3A_805, %get3A_806] {strides = array<i32>} : memref<8x4096xf32, #tpu.memory_space<vmem>>, vector<16xf32>,
        %add3A_808 = arith.addf %add3A_752, %get3A_807 : vector<16xf32>
        %add3A_809 = arith.constant 48 : i32
        %add3A_810 = arith.addi %mul3A_641, %add3A_809 : i32
        %get3A_811 = arith.constant 0 : i32
        %get3A_812 = arith.index_cast %get3A_811 : i32 to index
        %get3A_813 = arith.index_cast %add3A_810 : i32 to index
        %get3A_814 = tpu.vector_load %arg6[%get3A_812, %get3A_813] {strides = array<i32>} : memref<8x4096xf32, #tpu.memory_space<vmem>>, vector<16xf32>,
        %add3A_815 = arith.addf %add3A_759, %get3A_814 : vector<16xf32>
        %add3A_816 = arith.constant 48 : i32
        %add3A_817 = arith.addi %mul3A_641, %add3A_816 : i32
        %get3A_818 = arith.constant 1 : i32
        %get3A_819 = arith.index_cast %get3A_818 : i32 to index
        %get3A_820 = arith.index_cast %add3A_817 : i32 to index
        %get3A_821 = tpu.vector_load %arg6[%get3A_819, %get3A_820] {strides = array<i32>} : memref<8x4096xf32, #tpu.memory_space<vmem>>, vector<16xf32>,
        %add3A_822 = arith.addf %add3A_766, %get3A_821 : vector<16xf32>
        %add3A_823 = arith.constant 48 : i32
        %add3A_824 = arith.addi %mul3A_641, %add3A_823 : i32
        %get3A_825 = arith.constant 2 : i32
        %get3A_826 = arith.index_cast %get3A_825 : i32 to index
        %get3A_827 = arith.index_cast %add3A_824 : i32 to index
        %get3A_828 = tpu.vector_load %arg6[%get3A_826, %get3A_827] {strides = array<i32>} : memref<8x4096xf32, #tpu.memory_space<vmem>>, vector<16xf32>,
        %add3A_829 = arith.addf %add3A_773, %get3A_828 : vector<16xf32>
        %add3A_830 = arith.constant 48 : i32
        %add3A_831 = arith.addi %mul3A_641, %add3A_830 : i32
        %get3A_832 = arith.constant 3 : i32
        %get3A_833 = arith.index_cast %get3A_832 : i32 to index
        %get3A_834 = arith.index_cast %add3A_831 : i32 to index
        %get3A_835 = tpu.vector_load %arg6[%get3A_833, %get3A_834] {strides = array<i32>} : memref<8x4096xf32, #tpu.memory_space<vmem>>, vector<16xf32>,
        %add3A_836 = arith.addf %add3A_780, %get3A_835 : vector<16xf32>
        %add3A_837 = arith.constant 48 : i32
        %add3A_838 = arith.addi %mul3A_641, %add3A_837 : i32
        %get3A_839 = arith.constant 4 : i32
        %get3A_840 = arith.index_cast %get3A_839 : i32 to index
        %get3A_841 = arith.index_cast %add3A_838 : i32 to index
        %get3A_842 = tpu.vector_load %arg6[%get3A_840, %get3A_841] {strides = array<i32>} : memref<8x4096xf32, #tpu.memory_space<vmem>>, vector<16xf32>,
        %add3A_843 = arith.addf %add3A_787, %get3A_842 : vector<16xf32>
        %add3A_844 = arith.constant 48 : i32
        %add3A_845 = arith.addi %mul3A_641, %add3A_844 : i32
        %get3A_846 = arith.constant 5 : i32
        %get3A_847 = arith.index_cast %get3A_846 : i32 to index
        %get3A_848 = arith.index_cast %add3A_845 : i32 to index
        %get3A_849 = tpu.vector_load %arg6[%get3A_847, %get3A_848] {strides = array<i32>} : memref<8x4096xf32, #tpu.memory_space<vmem>>, vector<16xf32>,
        %add3A_850 = arith.addf %add3A_794, %get3A_849 : vector<16xf32>
        %add3A_851 = arith.constant 48 : i32
        %add3A_852 = arith.addi %mul3A_641, %add3A_851 : i32
        %get3A_853 = arith.constant 6 : i32
        %get3A_854 = arith.index_cast %get3A_853 : i32 to index
        %get3A_855 = arith.index_cast %add3A_852 : i32 to index
        %get3A_856 = tpu.vector_load %arg6[%get3A_854, %get3A_855] {strides = array<i32>} : memref<8x4096xf32, #tpu.memory_space<vmem>>, vector<16xf32>,
        %add3A_857 = arith.addf %add3A_801, %get3A_856 : vector<16xf32>
        %add3A_858 = arith.constant 48 : i32
        %add3A_859 = arith.addi %mul3A_641, %add3A_858 : i32
        %get3A_860 = arith.constant 7 : i32
        %get3A_861 = arith.index_cast %get3A_860 : i32 to index
        %get3A_862 = arith.index_cast %add3A_859 : i32 to index
        %get3A_863 = tpu.vector_load %arg6[%get3A_861, %get3A_862] {strides = array<i32>} : memref<8x4096xf32, #tpu.memory_space<vmem>>, vector<16xf32>,
        %add3A_864 = arith.addf %add3A_808, %get3A_863 : vector<16xf32>
        scf.yield %add3A_815, %add3A_822, %add3A_829, %add3A_836, %add3A_843, %add3A_850, %add3A_857, %add3A_864 : vector<16xf32>, vector<16xf32>, vector<16xf32>, vector<16xf32>, vector<16xf32>, vector<16xf32>, vector<16xf32>, vector<16xf32>
      }
      %scan3A_623 = arith.constant 64 : i32
      %add3A_624 = arith.constant 3 : i32
      %add3A_625 = arith.addi %add3A_613, %add3A_624 : i32
      %lt3A_626 = arith.constant 24 : i32
      %lt3A_627 = arith.cmpi slt, %add3A_625, %lt3A_626 : i32
      %convert_element_type3A_628 = arith.extui %lt3A_627 : i1 to i32
      %cond3A_629 = arith.constant 0 : i32
      %cond3A_630 = arith.cmpi ne, %convert_element_type3A_628, %cond3A_629 : i32
      scf.if %cond3A_630 {
        %mul3A_631 = arith.constant 4096 : i32
        %mul3A_632 = arith.muli %add3A_625, %mul3A_631 : i32
        %dma_start3A_633 = tpu.memref_slice %arg2[%add3A_422, %mul3A_632] : memref<1024x100000xf32, #tpu.memory_space<hbm>> -> memref<8x4096xf32, #tpu.memory_space<hbm>>
        %dma_start3A_634 = tpu.memref_slice %arg2[%add3A_422, %mul3A_632] : memref<1024x100000xf32, #tpu.memory_space<hbm>> -> memref<8x4096xf32, #tpu.memory_space<hbm>>
        tpu.enqueue_dma source(%dma_start3A_634 : memref<8x4096xf32, #tpu.memory_space<hbm>>) target(%arg6 : memref<8x4096xf32, #tpu.memory_space<vmem>>) target_semaphore(%arg9 : memref<!tpu.dma_semaphore, #tpu.memory_space<semaphore_mem>>)
      } else {
      }
      scf.yield %scan3A_622#0, %scan3A_622#1, %scan3A_622#2, %scan3A_622#3, %scan3A_622#4, %scan3A_622#5, %scan3A_622#6, %scan3A_622#7 : vector<16xf32>, vector<16xf32>, vector<16xf32>, vector<16xf32>, vector<16xf32>, vector<16xf32>, vector<16xf32>, vector<16xf32>
    }
    %scan3A_456 = arith.constant 8 : i32
    "tpu.region"() ({
      %run_scoped3A = tpu.sem_alloc : memref<!tpu.dma_semaphore, #tpu.memory_space<semaphore_mem>>
      %dma_start3A_563 = arith.constant 98304 : i32
      %dma_start3A_564 = tpu.memref_slice %arg2[%add3A_422, %dma_start3A_563] : memref<1024x100000xf32, #tpu.memory_space<hbm>> -> memref<8x1696xf32, #tpu.memory_space<hbm>>
      %dma_start3A_565 = arith.constant 98304 : i32
      %dma_start3A_566 = tpu.memref_slice %arg2[%add3A_422, %dma_start3A_565] : memref<1024x100000xf32, #tpu.memory_space<hbm>> -> memref<8x1696xf32, #tpu.memory_space<hbm>>
      tpu.enqueue_dma source(%dma_start3A_566 : memref<8x1696xf32, #tpu.memory_space<hbm>>) target(%arg7 : memref<8x1696xf32, #tpu.memory_space<vmem>>) target_semaphore(%run_scoped3A : memref<!tpu.dma_semaphore, #tpu.memory_space<semaphore_mem>>)
      %dma_wait3A = arith.constant 98304 : i32
      %dma_wait3A_567 = tpu.memref_slice %arg2[%add3A_422, %dma_wait3A] : memref<1024x100000xf32, #tpu.memory_space<hbm>> -> memref<8x1696xf32, #tpu.memory_space<hbm>>
      %dma_wait3A_568 = arith.constant 98304 : i32
      %dma_wait3A_569 = tpu.memref_slice %arg2[%add3A_422, %dma_wait3A_568] : memref<1024x100000xf32, #tpu.memory_space<hbm>> -> memref<8x1696xf32, #tpu.memory_space<hbm>>
      tpu.wait_dma2 semaphore(%run_scoped3A : memref<!tpu.dma_semaphore, #tpu.memory_space<semaphore_mem>>) src(%dma_wait3A_569 : memref<8x1696xf32, #tpu.memory_space<hbm>>) dst(%arg7 : memref<8x1696xf32, #tpu.memory_space<vmem>>)
      tpu.yield
    }) : () -> ()
    %scan3A_457 = arith.constant 0 : i32
    %scan3A_458 = arith.constant 106 : i32
    %scan3A_459 = arith.addi %scan3A_457, %scan3A_458 : i32
    %scan3A_460 = arith.constant 1 : i32
    %scan3A_461:8 = scf.for %scan3A_563 = %scan3A_457 to %scan3A_459 step %scan3A_460 iter_args(%scan3A_564 = %scan3A_455#0, %scan3A_565 = %scan3A_455#1, %scan3A_566 = %scan3A_455#2, %scan3A_567 = %scan3A_455#3, %scan3A_568 = %scan3A_455#4, %scan3A_569 = %scan3A_455#5, %scan3A_570 = %scan3A_455#6, %scan3A_571 = %scan3A_455#7) -> (vector<16xf32>, vector<16xf32>, vector<16xf32>, vector<16xf32>, vector<16xf32>, vector<16xf32>, vector<16xf32>, vector<16xf32>)  : i32 {
      %mul3A_572 = arith.constant 16 : i32
      %mul3A_573 = arith.muli %scan3A_563, %mul3A_572 : i32
      %get3A = arith.constant 0 : i32
      %get3A_574 = arith.index_cast %get3A : i32 to index
      %get3A_575 = arith.index_cast %mul3A_573 : i32 to index
      %get3A_576 = tpu.vector_load %arg7[%get3A_574, %get3A_575] {strides = array<i32>} : memref<8x1696xf32, #tpu.memory_space<vmem>>, vector<16xf32>,
      %add3A_577 = arith.addf %scan3A_564, %get3A_576 : vector<16xf32>
      %mul3A_578 = arith.constant 16 : i32
      %mul3A_579 = arith.muli %scan3A_563, %mul3A_578 : i32
      %get3A_580 = arith.constant 1 : i32
      %get3A_581 = arith.index_cast %get3A_580 : i32 to index
      %get3A_582 = arith.index_cast %mul3A_579 : i32 to index
      %get3A_583 = tpu.vector_load %arg7[%get3A_581, %get3A_582] {strides = array<i32>} : memref<8x1696xf32, #tpu.memory_space<vmem>>, vector<16xf32>,
      %add3A_584 = arith.addf %scan3A_565, %get3A_583 : vector<16xf32>
      %mul3A_585 = arith.constant 16 : i32
      %mul3A_586 = arith.muli %scan3A_563, %mul3A_585 : i32
      %get3A_587 = arith.constant 2 : i32
      %get3A_588 = arith.index_cast %get3A_587 : i32 to index
      %get3A_589 = arith.index_cast %mul3A_586 : i32 to index
      %get3A_590 = tpu.vector_load %arg7[%get3A_588, %get3A_589] {strides = array<i32>} : memref<8x1696xf32, #tpu.memory_space<vmem>>, vector<16xf32>,
      %add3A_591 = arith.addf %scan3A_566, %get3A_590 : vector<16xf32>
      %mul3A_592 = arith.constant 16 : i32
      %mul3A_593 = arith.muli %scan3A_563, %mul3A_592 : i32
      %get3A_594 = arith.constant 3 : i32
      %get3A_595 = arith.index_cast %get3A_594 : i32 to index
      %get3A_596 = arith.index_cast %mul3A_593 : i32 to index
      %get3A_597 = tpu.vector_load %arg7[%get3A_595, %get3A_596] {strides = array<i32>} : memref<8x1696xf32, #tpu.memory_space<vmem>>, vector<16xf32>,
      %add3A_598 = arith.addf %scan3A_567, %get3A_597 : vector<16xf32>
      %mul3A_599 = arith.constant 16 : i32
      %mul3A_600 = arith.muli %scan3A_563, %mul3A_599 : i32
      %get3A_601 = arith.constant 4 : i32
      %get3A_602 = arith.index_cast %get3A_601 : i32 to index
      %get3A_603 = arith.index_cast %mul3A_600 : i32 to index
      %get3A_604 = tpu.vector_load %arg7[%get3A_602, %get3A_603] {strides = array<i32>} : memref<8x1696xf32, #tpu.memory_space<vmem>>, vector<16xf32>,
      %add3A_605 = arith.addf %scan3A_568, %get3A_604 : vector<16xf32>
      %mul3A_606 = arith.constant 16 : i32
      %mul3A_607 = arith.muli %scan3A_563, %mul3A_606 : i32
      %get3A_608 = arith.constant 5 : i32
      %get3A_609 = arith.index_cast %get3A_608 : i32 to index
      %get3A_610 = arith.index_cast %mul3A_607 : i32 to index
      %get3A_611 = tpu.vector_load %arg7[%get3A_609, %get3A_610] {strides = array<i32>} : memref<8x1696xf32, #tpu.memory_space<vmem>>, vector<16xf32>,
      %add3A_612 = arith.addf %scan3A_569, %get3A_611 : vector<16xf32>
      %mul3A_613 = arith.constant 16 : i32
      %mul3A_614 = arith.muli %scan3A_563, %mul3A_613 : i32
      %get3A_615 = arith.constant 6 : i32
      %get3A_616 = arith.index_cast %get3A_615 : i32 to index
      %get3A_617 = arith.index_cast %mul3A_614 : i32 to index
      %get3A_618 = tpu.vector_load %arg7[%get3A_616, %get3A_617] {strides = array<i32>} : memref<8x1696xf32, #tpu.memory_space<vmem>>, vector<16xf32>,
      %add3A_619 = arith.addf %scan3A_570, %get3A_618 : vector<16xf32>
      %mul3A_620 = arith.constant 16 : i32
      %mul3A_621 = arith.muli %scan3A_563, %mul3A_620 : i32
      %get3A_622 = arith.constant 7 : i32
      %get3A_623 = arith.index_cast %get3A_622 : i32 to index
      %get3A_624 = arith.index_cast %mul3A_621 : i32 to index
      %get3A_625 = tpu.vector_load %arg7[%get3A_623, %get3A_624] {strides = array<i32>} : memref<8x1696xf32, #tpu.memory_space<vmem>>, vector<16xf32>,
      %add3A_626 = arith.addf %scan3A_571, %get3A_625 : vector<16xf32>
      scf.yield %add3A_577, %add3A_584, %add3A_591, %add3A_598, %add3A_605, %add3A_612, %add3A_619, %add3A_626 : vector<16xf32>, vector<16xf32>, vector<16xf32>, vector<16xf32>, vector<16xf32>, vector<16xf32>, vector<16xf32>, vector<16xf32>
    }
    %scan3A_462 = arith.constant 106 : i32
    %broadcast_in_dim3A_463 = arith.constant 0.000000e+00 : f32
    %broadcast_in_dim3A_464 = vector.broadcast %broadcast_in_dim3A_463 : f32 to vector<16xf32>
    %eq3A_465 = arith.constant 0 : i32
    %eq3A_466 = vector.broadcast %eq3A_465 : i32 to vector<16xi32>
    %eq3A_467 = arith.cmpi eq, %iota3A, %eq3A_466 : vector<16xi32>
    %reduce_sum3A_468 = arith.constant true
    %reduce_sum3A_469 = vector.broadcast %reduce_sum3A_468 : i1 to vector<16xi1>
    %reduce_sum3A_470 = tpu.scan <sum>, %scan3A_461#0 masked %reduce_sum3A_469 : vector<16xf32>, vector<16xi1> -> vector<16xf32>
    %reduce_sum3A_471 = vector.extract %reduce_sum3A_470[15] : f32 from vector<16xf32>
    %jit3A_472 = arith.constant 0.000000e+00 : f32
    %broadcast_in_dim3A_473 = vector.broadcast %reduce_sum3A_471 : f32 to vector<16xf32>
    %broadcast_in_dim3A_474 = vector.broadcast %jit3A_472 : f32 to vector<16xf32>
    %select_n3A_475 = arith.select %eq3A_467, %broadcast_in_dim3A_473, %broadcast_in_dim3A_474 : vector<16xi1>, vector<16xf32>
    %add3A_476 = arith.addf %broadcast_in_dim3A_464, %select_n3A_475 : vector<16xf32>
    %eq3A_477 = arith.constant 1 : i32
    %eq3A_478 = vector.broadcast %eq3A_477 : i32 to vector<16xi32>
    %eq3A_479 = arith.cmpi eq, %iota3A, %eq3A_478 : vector<16xi32>
    %reduce_sum3A_480 = arith.constant true
    %reduce_sum3A_481 = vector.broadcast %reduce_sum3A_480 : i1 to vector<16xi1>
    %reduce_sum3A_482 = tpu.scan <sum>, %scan3A_461#1 masked %reduce_sum3A_481 : vector<16xf32>, vector<16xi1> -> vector<16xf32>
    %reduce_sum3A_483 = vector.extract %reduce_sum3A_482[15] : f32 from vector<16xf32>
    %jit3A_484 = arith.constant 0.000000e+00 : f32
    %broadcast_in_dim3A_485 = vector.broadcast %reduce_sum3A_483 : f32 to vector<16xf32>
    %broadcast_in_dim3A_486 = vector.broadcast %jit3A_484 : f32 to vector<16xf32>
    %select_n3A_487 = arith.select %eq3A_479, %broadcast_in_dim3A_485, %broadcast_in_dim3A_486 : vector<16xi1>, vector<16xf32>
    %add3A_488 = arith.addf %add3A_476, %select_n3A_487 : vector<16xf32>
    %eq3A_489 = arith.constant 2 : i32
    %eq3A_490 = vector.broadcast %eq3A_489 : i32 to vector<16xi32>
    %eq3A_491 = arith.cmpi eq, %iota3A, %eq3A_490 : vector<16xi32>
    %reduce_sum3A_492 = arith.constant true
    %reduce_sum3A_493 = vector.broadcast %reduce_sum3A_492 : i1 to vector<16xi1>
    %reduce_sum3A_494 = tpu.scan <sum>, %scan3A_461#2 masked %reduce_sum3A_493 : vector<16xf32>, vector<16xi1> -> vector<16xf32>
    %reduce_sum3A_495 = vector.extract %reduce_sum3A_494[15] : f32 from vector<16xf32>
    %jit3A_496 = arith.constant 0.000000e+00 : f32
    %broadcast_in_dim3A_497 = vector.broadcast %reduce_sum3A_495 : f32 to vector<16xf32>
    %broadcast_in_dim3A_498 = vector.broadcast %jit3A_496 : f32 to vector<16xf32>
    %select_n3A_499 = arith.select %eq3A_491, %broadcast_in_dim3A_497, %broadcast_in_dim3A_498 : vector<16xi1>, vector<16xf32>
    %add3A_500 = arith.addf %add3A_488, %select_n3A_499 : vector<16xf32>
    %eq3A_501 = arith.constant 3 : i32
    %eq3A_502 = vector.broadcast %eq3A_501 : i32 to vector<16xi32>
    %eq3A_503 = arith.cmpi eq, %iota3A, %eq3A_502 : vector<16xi32>
    %reduce_sum3A_504 = arith.constant true
    %reduce_sum3A_505 = vector.broadcast %reduce_sum3A_504 : i1 to vector<16xi1>
    %reduce_sum3A_506 = tpu.scan <sum>, %scan3A_461#3 masked %reduce_sum3A_505 : vector<16xf32>, vector<16xi1> -> vector<16xf32>
    %reduce_sum3A_507 = vector.extract %reduce_sum3A_506[15] : f32 from vector<16xf32>
    %jit3A_508 = arith.constant 0.000000e+00 : f32
    %broadcast_in_dim3A_509 = vector.broadcast %reduce_sum3A_507 : f32 to vector<16xf32>
    %broadcast_in_dim3A_510 = vector.broadcast %jit3A_508 : f32 to vector<16xf32>
    %select_n3A_511 = arith.select %eq3A_503, %broadcast_in_dim3A_509, %broadcast_in_dim3A_510 : vector<16xi1>, vector<16xf32>
    %add3A_512 = arith.addf %add3A_500, %select_n3A_511 : vector<16xf32>
    %eq3A_513 = arith.constant 4 : i32
    %eq3A_514 = vector.broadcast %eq3A_513 : i32 to vector<16xi32>
    %eq3A_515 = arith.cmpi eq, %iota3A, %eq3A_514 : vector<16xi32>
    %reduce_sum3A_516 = arith.constant true
    %reduce_sum3A_517 = vector.broadcast %reduce_sum3A_516 : i1 to vector<16xi1>
    %reduce_sum3A_518 = tpu.scan <sum>, %scan3A_461#4 masked %reduce_sum3A_517 : vector<16xf32>, vector<16xi1> -> vector<16xf32>
    %reduce_sum3A_519 = vector.extract %reduce_sum3A_518[15] : f32 from vector<16xf32>
    %jit3A_520 = arith.constant 0.000000e+00 : f32
    %broadcast_in_dim3A_521 = vector.broadcast %reduce_sum3A_519 : f32 to vector<16xf32>
    %broadcast_in_dim3A_522 = vector.broadcast %jit3A_520 : f32 to vector<16xf32>
    %select_n3A_523 = arith.select %eq3A_515, %broadcast_in_dim3A_521, %broadcast_in_dim3A_522 : vector<16xi1>, vector<16xf32>
    %add3A_524 = arith.addf %add3A_512, %select_n3A_523 : vector<16xf32>
    %eq3A_525 = arith.constant 5 : i32
    %eq3A_526 = vector.broadcast %eq3A_525 : i32 to vector<16xi32>
    %eq3A_527 = arith.cmpi eq, %iota3A, %eq3A_526 : vector<16xi32>
    %reduce_sum3A_528 = arith.constant true
    %reduce_sum3A_529 = vector.broadcast %reduce_sum3A_528 : i1 to vector<16xi1>
    %reduce_sum3A_530 = tpu.scan <sum>, %scan3A_461#5 masked %reduce_sum3A_529 : vector<16xf32>, vector<16xi1> -> vector<16xf32>
    %reduce_sum3A_531 = vector.extract %reduce_sum3A_530[15] : f32 from vector<16xf32>
    %jit3A_532 = arith.constant 0.000000e+00 : f32
    %broadcast_in_dim3A_533 = vector.broadcast %reduce_sum3A_531 : f32 to vector<16xf32>
    %broadcast_in_dim3A_534 = vector.broadcast %jit3A_532 : f32 to vector<16xf32>
    %select_n3A_535 = arith.select %eq3A_527, %broadcast_in_dim3A_533, %broadcast_in_dim3A_534 : vector<16xi1>, vector<16xf32>
    %add3A_536 = arith.addf %add3A_524, %select_n3A_535 : vector<16xf32>
    %eq3A_537 = arith.constant 6 : i32
    %eq3A_538 = vector.broadcast %eq3A_537 : i32 to vector<16xi32>
    %eq3A_539 = arith.cmpi eq, %iota3A, %eq3A_538 : vector<16xi32>
    %reduce_sum3A_540 = arith.constant true
    %reduce_sum3A_541 = vector.broadcast %reduce_sum3A_540 : i1 to vector<16xi1>
    %reduce_sum3A_542 = tpu.scan <sum>, %scan3A_461#6 masked %reduce_sum3A_541 : vector<16xf32>, vector<16xi1> -> vector<16xf32>
    %reduce_sum3A_543 = vector.extract %reduce_sum3A_542[15] : f32 from vector<16xf32>
    %jit3A_544 = arith.constant 0.000000e+00 : f32
    %broadcast_in_dim3A_545 = vector.broadcast %reduce_sum3A_543 : f32 to vector<16xf32>
    %broadcast_in_dim3A_546 = vector.broadcast %jit3A_544 : f32 to vector<16xf32>
    %select_n3A_547 = arith.select %eq3A_539, %broadcast_in_dim3A_545, %broadcast_in_dim3A_546 : vector<16xi1>, vector<16xf32>
    %add3A_548 = arith.addf %add3A_536, %select_n3A_547 : vector<16xf32>
    %eq3A_549 = arith.constant 7 : i32
    %eq3A_550 = vector.broadcast %eq3A_549 : i32 to vector<16xi32>
    %eq3A_551 = arith.cmpi eq, %iota3A, %eq3A_550 : vector<16xi32>
    %reduce_sum3A_552 = arith.constant true
    %reduce_sum3A_553 = vector.broadcast %reduce_sum3A_552 : i1 to vector<16xi1>
    %reduce_sum3A_554 = tpu.scan <sum>, %scan3A_461#7 masked %reduce_sum3A_553 : vector<16xf32>, vector<16xi1> -> vector<16xf32>
    %reduce_sum3A_555 = vector.extract %reduce_sum3A_554[15] : f32 from vector<16xf32>
    %jit3A_556 = arith.constant 0.000000e+00 : f32
    %broadcast_in_dim3A_557 = vector.broadcast %reduce_sum3A_555 : f32 to vector<16xf32>
    %broadcast_in_dim3A_558 = vector.broadcast %jit3A_556 : f32 to vector<16xf32>
    %select_n3A_559 = arith.select %eq3A_551, %broadcast_in_dim3A_557, %broadcast_in_dim3A_558 : vector<16xi1>, vector<16xf32>
    %add3A_560 = arith.addf %add3A_548, %select_n3A_559 : vector<16xf32>
    %swap3A_561 = arith.constant 0 : index
    %swap3A_562 = tpu.vector_load %arg8[%swap3A_561] {strides = array<i32>} : memref<16xf32, #tpu.memory_space<vmem>>, vector<16xf32>,
    tpu.vector_store %arg8[%swap3A_561], %add3A_560 {strides = array<i32>} : memref<16xf32, #tpu.memory_space<vmem>>, vector<16xf32>,
    "tpu.region"() ({
      %run_scoped3A = tpu.sem_alloc : memref<!tpu.dma_semaphore, #tpu.memory_space<semaphore_mem>>
      %dma_start3A_563 = arith.constant 0 : i32
      %dma_start3A_564 = tpu.memref_slice %arg8[%dma_start3A_563] : memref<16xf32, #tpu.memory_space<vmem>> -> memref<8xf32, #tpu.memory_space<vmem>>
      %dma_start3A_565 = tpu.memref_slice %arg3[%add3A_422] : memref<1024xf32, #tpu.memory_space<hbm>> -> memref<8xf32, #tpu.memory_space<hbm>>
      %dma_start3A_566 = tpu.memref_slice %arg3[%add3A_422] : memref<1024xf32, #tpu.memory_space<hbm>> -> memref<8xf32, #tpu.memory_space<hbm>>
      %dma_start3A_567 = arith.constant 0 : i32
      %dma_start3A_568 = tpu.memref_slice %arg8[%dma_start3A_567] : memref<16xf32, #tpu.memory_space<vmem>> -> memref<8xf32, #tpu.memory_space<vmem>>
      tpu.enqueue_dma source(%dma_start3A_568 : memref<8xf32, #tpu.memory_space<vmem>>) target(%dma_start3A_566 : memref<8xf32, #tpu.memory_space<hbm>>) target_semaphore(%run_scoped3A : memref<!tpu.dma_semaphore, #tpu.memory_space<semaphore_mem>>)
      %dma_wait3A = arith.constant 0 : i32
      %dma_wait3A_569 = tpu.memref_slice %arg8[%dma_wait3A] : memref<16xf32, #tpu.memory_space<vmem>> -> memref<8xf32, #tpu.memory_space<vmem>>
      %dma_wait3A_570 = tpu.memref_slice %arg3[%add3A_422] : memref<1024xf32, #tpu.memory_space<hbm>> -> memref<8xf32, #tpu.memory_space<hbm>>
      %dma_wait3A_571 = tpu.memref_slice %arg3[%add3A_422] : memref<1024xf32, #tpu.memory_space<hbm>> -> memref<8xf32, #tpu.memory_space<hbm>>
      %dma_wait3A_572 = arith.constant 0 : i32
      %dma_wait3A_573 = tpu.memref_slice %arg8[%dma_wait3A_572] : memref<16xf32, #tpu.memory_space<vmem>> -> memref<8xf32, #tpu.memory_space<vmem>>
      tpu.wait_dma2 semaphore(%run_scoped3A : memref<!tpu.dma_semaphore, #tpu.memory_space<semaphore_mem>>) src(%dma_wait3A_573 : memref<8xf32, #tpu.memory_space<vmem>>) dst(%dma_wait3A_571 : memref<8xf32, #tpu.memory_space<hbm>>)
      tpu.yield
    }) : () -> ()
    return
  }
}

</mosaic_0001>

<sc_bundles>
// kernel: kernel.3.cloned.1.call-start
scs
__scs_entry_jumppad:
0x0: {  	(pc) =	sbr.rel $0x88, $3  }
0x1: {  	(tag) =	ssettag $0x0;
	lr =	simm.s32 $0x1  }
0x2: {  	[smem:$0x3FA0] =	sst lr;
	_ =	strace $0xD0000000  }
0x3: {  	_ = 	snop  }
0x4: {  	_ = 	snop  }
0x5: {  	_ = 	snop  }
0x6: {  	_ = 	snop  }
0x7: {  	_ = 	snop  }
__scs_overlays_trampoline_lowered:
0x8: {  	[smem:$0x3FAF] =	sst s0  }
0x9: {  	[smem:$0x3FB0] =	sst s1  }
0xa: {  	[smem:$0x3FB1] =	sst s2  }
0xb: {  	[smem:$0x3FB2] =	sst s3  }
0xc: {  	[smem:$0x3FB3] =	sst s4  }
0xd: {  	[smem:$0x3FB4] =	sst s5  }
0xe: {  	[smem:$0x3FB5] =	sst s6  }
0xf: {  	[smem:$0x3FB6] =	sst s7  }
0x10: {  	[smem:$0x3FB7] =	sst s8  }
0x11: {  	[smem:$0x3FB8] =	sst s9;
	s0 =	simm.s32 @!p0 $0x0  }
0x12: {  	s1 =	sld [smem:$0x3F9E];
	s0 =	simm.s32 @p0 $0x1  }
0x13: {  	[smem:$0x3FB9] =	sst s0;
	s0 =	simm.s32 @!p1 $0x0  }
0x14: {  	s2 =	sld [smem:$0x3F9D];
	s0 =	simm.s32 @p1 $0x1  }
0x15: {  	[smem:$0x3FBA] =	sst s0;
	s0 =	simm.s32 @!p2 $0x0  }
0x16: {  	s3 =	sld [smem:$0x3FDB];
	s0 =	simm.s32 @p2 $0x1  }
0x17: {  	s4 =	simm.s32 $0x1BF5;
	[smem:$0x3FBC] =	sst s0  }
0x18: {  	s0 =	sld [smem:$0x3F9F];
	_ =	swait.ge [sflag:s4], $0x0  }
0x19: {  	s7 =	sld [smem:$0x3FA0]  }
0x1a: {  	s8 =	sadd.s32 $0xFFFFE003, lr  }
0x1b: {  	s9 =	sadd.s32 $0xFFFFFEF7, lr;
	s5 =	simm.s32 $0xFFFFFFFF;
	p2 =	slt.u32 s8, $0xFFFFF086  }
0x1c: {  	p1 =	slt.u32 s9, $0xF7A;
	s5 =	simm.s32 @!p2 $0x0  }
0x1d: {  	s5 =	simm.s32 @p1 $0x1;
	p0 =	seq.s32 s7, s2  }
0x1e: {  	s7 =	smul.u32 @!p0 $0xF7A, s2;
	p2 =	seq.s32 @!p0 s5, $0x0  }
0x1f: {  	s9 =	smul.u32 $0xF7A, s1;
	s8 =	simm.s32 @!p0 $0x1BF5;
	p2 =	por !p2, p0  }
0x20: {  	[sflag:s8] =	ssyncset.s32 @!p0 $0xFFFFF086;
	s6 =	sadd.s32 @!p0 s3, s7;
	s7 =	simm.s32 @!p0 $0x108  }
0x21: {  	s3 =	sadd.s32 s3, s9;
	s6 =	sadd.s32 @!p0 $0x88, s6;
	s7 =	simm.s32 @p2 $0x1082  }
0x22: {  	[simem:s7], [sflag:s8] =	dma.local @!p0 [hbm:s6], $0xF7A  }
0x23: {  	s9 =	sor.u32 $0xD0000000, s2;
	s6 =	simm.s32 $0x108;
	_ =	swait.ge @!p0 [sflag:s8], $0x0  }
0x24: {  	s3 =	sadd.s32 $0x88, s3;
	s6 =	simm.s32 @!p1 $0x1082;
	[sflag:s4] =	ssyncset.s32 $0xFFFFF086  }
0x25: {  	[simem:s6], [sflag:s4] =	dma.local [hbm:s3], $0xF7A  }
0x26: {  	[smem:$0x3FA0] =	sst s1;
	(tag) =	ssettag s2;
	_ =	strace s9  }
0x27: {  	s1 =	sld [smem:$0x3FB0]  }
0x28: {  	s2 =	sld [smem:$0x3FB1]  }
0x29: {  	s4 =	sld [smem:$0x3FB3]  }
0x2a: {  	p0 =	seq.s32 s5, $0x0;
	s5 =	sld [smem:$0x3FB4]  }
0x2b: {  	s6 =	sld [smem:$0x3FB5]  }
0x2c: {  	s7 =	sld [smem:$0x3FB6]  }
0x2d: {  	s3 =	simm.s32 $0x108;
	s8 =	sld [smem:$0x3FB7]  }
0x2e: {  	s3 =	simm.s32 @!p0 $0x1082;
	s9 =	sld [smem:$0x3FB8]  }
0x2f: {  	lr =	sadd.s32 s0, s3;
	s0 =	sld [smem:$0x3FAF]  }
0x30: {  	s3 =	sld [smem:$0x3FB2]  }
0x31: {  	[smem:$0x3FBB] =	sst s10  }
0x32: {  	s10 =	sld [smem:$0x3FB9];
	_ =	sdelay $0x3  }
0x33: {  	p0 =	seq.s32 s10, $0x1;
	s10 =	sld [smem:$0x3FBB];
	_ =	sdelay $0x3  }
0x34: {  	[smem:$0x3FBB] =	sst s10  }
0x35: {  	s10 =	sld [smem:$0x3FBA];
	_ =	sdelay $0x3  }
0x36: {  	p1 =	seq.s32 s10, $0x1;
	s10 =	sld [smem:$0x3FBB];
	_ =	sdelay $0x3  }
0x37: {  	[smem:$0x3FBB] =	sst s10  }
0x38: {  	s10 =	sld [smem:$0x3FBC]  }
0x39: {  	_ = 	snop;
	(pc) =	sbr.ind lr, $3  }
0x3a: {  	_ = 	snop  }
0x3b: {  	_ = 	snop  }
0x3c: {  	p2 =	seq.s32 s10, $0x1;
	s10 =	sld [smem:$0x3FBB]  }
0x3d: {  	_ =	shalt  }
0x3e: {  	_ =	shalt  }
0x3f: {  	_ =	shalt  }
0x40: {  	_ =	shalt  }
0x41: {  	_ =	shalt  }
0x42: {  	_ =	shalt  }
0x43: {  	_ =	shalt  }
0x44: {  	_ =	shalt  }
0x45: {  	_ =	shalt  }
0x46: {  	_ =	shalt  }
0x47: {  	_ =	shalt  }
0x48: {  	_ =	shalt  }
0x49: {  	_ =	shalt  }
0x4a: {  	_ =	shalt  }
0x4b: {  	_ =	shalt  }
0x4c: {  	_ =	shalt  }
0x4d: {  	_ =	shalt  }
0x4e: {  	_ =	shalt  }
0x4f: {  	_ =	shalt  }
0x50: {  	_ =	shalt  }
0x51: {  	_ =	shalt  }
0x52: {  	_ =	shalt  }
0x53: {  	_ =	shalt  }
0x54: {  	_ =	shalt  }
0x55: {  	_ =	shalt  }
0x56: {  	_ =	shalt  }
0x57: {  	_ =	shalt  }
0x58: {  	_ =	shalt  }
0x59: {  	_ =	shalt  }
0x5a: {  	_ =	shalt  }
0x5b: {  	_ =	shalt  }
0x5c: {  	_ =	shalt  }
0x5d: {  	_ =	shalt  }
0x5e: {  	_ =	shalt  }
0x5f: {  	_ =	shalt  }
0x60: {  	_ =	shalt  }
0x61: {  	_ =	shalt  }
0x62: {  	_ =	shalt  }
0x63: {  	_ =	shalt  }
0x64: {  	_ =	shalt  }
0x65: {  	_ =	shalt  }
0x66: {  	_ =	shalt  }
0x67: {  	_ =	shalt  }
0x68: {  	_ =	shalt  }
0x69: {  	_ =	shalt  }
0x6a: {  	_ =	shalt  }
0x6b: {  	_ =	shalt  }
0x6c: {  	_ =	shalt  }
0x6d: {  	_ =	shalt  }
0x6e: {  	_ =	shalt  }
0x6f: {  	_ =	shalt  }
0x70: {  	_ =	shalt  }
0x71: {  	_ =	shalt  }
0x72: {  	_ =	shalt  }
0x73: {  	_ =	shalt  }
0x74: {  	_ =	shalt  }
0x75: {  	_ =	shalt  }
0x76: {  	_ =	shalt  }
0x77: {  	_ =	shalt  }
0x78: {  	_ =	shalt  }
0x79: {  	_ =	shalt  }
0x7a: {  	_ =	shalt  }
0x7b: {  	_ =	shalt  }
0x7c: {  	_ =	shalt  }
0x7d: {  	_ =	shalt  }
0x7e: {  	_ =	shalt  }
0x7f: {  	_ =	shalt  }
0x80: {  	_ =	shalt  }
0x81: {  	_ =	shalt  }
0x82: {  	_ =	shalt  }
0x83: {  	_ =	shalt  }
0x84: {  	_ =	shalt  }
0x85: {  	_ =	shalt  }
0x86: {  	_ =	shalt  }
0x87: {  	_ =	shalt  }
.Lfunc_end0:
.L_simem_size_0:
called_computation_lowered:
.L_overlay_start_0:
0x88: {  	s2 =	sld [smem:$0x3FD9]  }
0x89: {  	s3 =	sld [smem:$0x3FFE];
	_ =	sdelay $0x1  }
0x8a: {  	s1 =	srdreg.scid  }
0x8b: {  	s0 =	sand.u32 $0x1, s1  }
0x8c: {  	s16 =	sshll.u32 s0, $0xA;
	s2 =	sadd.s32 s3, s2  }
0x8d: {  	s2 =	sadd.s32 s2, s16  }
0x8e: {  	[smem:$0x3FC7] =	sst s2  }
0x8f: {  	_ = 	snop  }
0x90: {  	(tm) =	ssettm $0x1  }
0x91: {  	s17 =	sld [smem:$0x3FFB];
	_ =	sdelay $0x3  }
0x92: {  	_ =	strace s17  }
0x93: {  	s2 =	sld [smem:$0x3FFC];
	_ =	sdelay $0x3  }
0x94: {  	_ =	strace s2  }
0x95: {  	s2 =	sld [smem:$0x3FFD];
	_ =	sdelay $0x3  }
0x96: {  	_ =	strace s2  }
0x97: {  	_ =	strace $0x8FFFFFFF  }
0x98: {  	s18 =	sld [smem:$0x3FDB];
	_ =	sdelay $0x1  }
0x99: {  	s19 =	simm.s32 $_scs_section_size  }
0x9a: {  	s4 =	simm.s32 $_size__tile_overlayer_lowered;
	s5 =	simm.s32 $_tile_overlayer_lowered  }
0x9b: {  	s22 =	simm.s32 $0x1BFF;
	s21 =	sshll.u32 s5, $0x1;
	s2 =	sadd.s32 s19, s18  }
0x9c: {  	s6 =	simm.s32 $0x0;
	s20 =	sshll.u32 s4, $0x1;
	s4 =	sadd.s32 s21, s2  }
0x9d: {  	[timem:s6], [sflag:s22] =	dma.local [hbm:s4], s20  }
0x9e: {  	_ =	swait.ge [sflag:s22], s20  }
0x9f: {  	s3 =	ssub.s32 $0x0, s20;
	[sflag:s22] =	ssyncset.done $0x0  }
0xa0: {  	[sflag:s22] =	ssyncadd.s32 s3;
	_ =	sdelay $0x1  }
0xa1: {  	s23 =	simm.s32 $0x1B8B  }
0xa2: {  	_ =	swait.ge [sflag:s23], $0x1  }
0xa3: {  	[sflag:s23] =	ssyncset.done $0x0  }
0xa4: {  	s25 =	simm.s32 $0x1B8E;
	s24 =	sld [smem:$0x3FFE];
	[sflag:s23] =	ssyncadd.s32 $0xFFFFFFFF  }
0xa5: {  	s26 =	simm.s32 $execute0_lowered;
	[smem:$0x3FD2] =	sst s25  }
0xa6: {  	s4 =	sshll.u32 s26, $0x1;
	_ =	strace $0x80000046;
	[dreg:$0x1] =	wrdreg $0xFFFFFFFF  }
0xa7: {  	s28 =	simm.s32 $_size_execute0_lowered;
	s2 =	sadd.s32 s2, s4;
	[dreg:$0x0] =	wrdreg $0x0  }
0xa8: {  	s4 =	sshll.u32 s28, $0x1;
	[dreg:$0x2] =	wrdreg s2  }
0xa9: {  	[dreg:$0x3] =	wrdreg s4  }
0xaa: {  	[dreg:$0x4] =	wrdreg $0xC0  }
0xab: {  	_ =	task [dreg:s6], $0x5FFFF  }
0xac: {  	[dreg:$0x1] =	wrdreg $0xFFFFFFFF  }
0xad: {  	[dreg:$0x0] =	wrdreg $0x60  }
0xae: {  	[dreg:$0x2] =	wrdreg s24  }
0xaf: {  	[dreg:$0x3] =	wrdreg $0x9  }
0xb0: {  	_ =	task.clear_ibuf [dreg:s6], $0x4FFFF;
	_ =	strace $0x90000046  }
0xb1: {  	s29 =	simm.s32 $0x9;
	_ =	strace $0x80000048  }
0xb2: {  	_ =	swait.ge [sflag:s29], $0x1  }
0xb3: {  	[sflag:s29] =	ssyncadd.s32 $0xFFFFFFFF  }
0xb4: {  	_ =	strace $0x90000048  }
0xb5: {  	_ =	sfence  }
0xb6: {  	s30 =	sld [smem:$0x0];
	_ =	sdelay $0x2  }
0xb7: {  	s31 =	sshll.u32 s1, $0xD;
	s1 =	sshrl.u32 s1, $0x2  }
0xb8: {  	s3 =	sand.u32 $0x4000, s31;
	s1 =	sadd.s32 s1, s30  }
0xb9: {  	s0 =	sor.u32 s3, s0;
	s1 =	sshll.u32 s1, $0x11  }
0xba: {  	s0 =	sor.u32 s1, s0  }
0xbb: {  	s0 =	sadd.s32 $0x8F2B, s0  }
0xbc: {  	[sflag:s0] =	ssyncadd.remote.s32 $0x1  }
0xbd: {  	_ =	sfence.sel $0xFFFF  }
0xbe: {  	[dreg:$0x0] =	wrdreg $0xFFFFFFFF;
	(pc) =	sbr.abs _section_cstart, $3  }
0xbf: {  	[dreg:$0x1] =	wrdreg $0xFFFFFFFF  }
0xc0: {  	_ =	task.clear_ibuf [dreg:s6], $0x2FFFF;
	_ =	strace $0x9FFFFFFF  }
0xc1: {  	(tm) =	ssettm $0x7FFFFFFF  }
tec
execute0_lowered:
.L_overlay_start_1:
0x0: {  	(tag) =	ssettag $0x1  }
0x1: {  	s0 =	srdreg.scid;
	s1 =	stileid.u32  }
0x2: {  	s2 =	rddreg [dreg:$0x0];
	s3 =	simm.s32 $0x0;
	s0 =	sand.u32 $0x1, s0  }
0x3: {  	s1 =	sshll.u32 s1, $0x3;
	[smem:$0x7FF] =	sst s3;
	s4 =	sshll.u32 s0, $0x2  }
0x4: {  	s5 =	sadd.s32 $0xC38000, s2;
	s0 =	ssub.s32 $0x2, s0;
	s1 =	sor.u32 s4, s1  }
0x5: {  	_ =	strace $0x80000047;
	s7 =	sshrl.u32 s0, $0x1;
	s4 =	smul.u32 $0xC3800, s1  }
0x6: {  	s9 =	sor.u32 $0x1, s1;
	s0 =	ssub.s32 s0, s7;
	s18 =	sadd.s32 s5, s1  }
0x7: {  	s14 =	sor.u32 $0x2, s1;
	s1 =	sor.u32 $0x3, s1;
	s10 =	smul.u32 $0xC3800, s9  }
0x8: {  	[dreg:$0x4] =	wrdreg s18;
	s20 =	smul.u32 $0xC3800, s14;
	s9 =	sadd.s32 s5, s9  }
0x9: {  	s22 =	smul.u32 $0xC3800, s1;
	s24 =	sadd.s32 s5, s14;
	[dreg:$0x6] =	wrdreg s9  }
0xa: {  	s1 =	sadd.s32 s5, s1;
	s0 =	smax.u32 s0, $0x1;
	[dreg:$0x8] =	wrdreg s24  }
0xb: {  	s6 =	sshrl.u32 s4, $0x3;
	s7 =	sadd.s32 $0x20000, s4;
	[dreg:$0xa] =	wrdreg s1  }
0xc: {  	s8 =	sadd.s32 $0x28000, s4;
	[dreg:$0xb] =	wrdreg s0;
	s15 =	sadd.s32 s2, s6  }
0xd: {  	s19 =	sshrl.u32 s10, $0x3;
	s6 =	sadd.s32 $0x1000, s15;
	[dreg:$0x2] =	wrdreg s15  }
0xe: {  	s11 =	sadd.s32 $0x18000, s10;
	s26 =	sadd.s32 $0x2000, s15;
	[dreg:$0x3] =	wrdreg s6  }
0xf: {  	s12 =	sadd.s32 $0x20000, s10;
	s1 =	sadd.s32 $0x18000, s15;
	[dreg:$0xc] =	wrdreg s26  }
0x10: {  	s21 =	sshrl.u32 s20, $0x3;
	s19 =	sadd.s32 s2, s19;
	[dreg:$0xd] =	wrdreg s1  }
0x11: {  	s13 =	sadd.s32 $0x28000, s10;
	s9 =	sadd.s32 s2, s21;
	[dreg:$0x5] =	wrdreg s19  }
0x12: {  	s16 =	sadd.s32 $0x18000, s20;
	s5 =	sadd.s32 $0x1000, s19;
	[dreg:$0x7] =	wrdreg s9  }
0x13: {  	s17 =	sadd.s32 $0x20000, s20;
	s10 =	sadd.s32 $0x2000, s19;
	[dreg:$0xe] =	wrdreg s5  }
0x14: {  	s18 =	sadd.s32 $0x28000, s20;
	s14 =	sadd.s32 $0x18000, s19;
	[dreg:$0xf] =	wrdreg s10  }
0x15: {  	s25 =	sshrl.u32 s22, $0x3;
	s15 =	sadd.s32 $0x1000, s9;
	[dreg:$0x10] =	wrdreg s14  }
0x16: {  	s23 =	sadd.s32 $0x20000, s22;
	s19 =	sadd.s32 $0x2000, s9;
	[dreg:$0x11] =	wrdreg s15  }
0x17: {  	s24 =	sadd.s32 $0x28000, s22;
	s20 =	sadd.s32 $0x18000, s9;
	[dreg:$0x12] =	wrdreg s19  }
0x18: {  	s6 =	sadd.s32 $0x18000, s4;
	s4 =	sadd.s32 s2, s25;
	[dreg:$0x13] =	wrdreg s20  }
0x19: {  	s21 =	sadd.s32 $0x18000, s22;
	s22 =	sadd.s32 $0x1000, s4;
	[dreg:$0x9] =	wrdreg s4  }
0x1a: {  	s28 =	simm.s32 $0x18000;
	s25 =	sadd.s32 $0x2000, s4;
	[dreg:$0x14] =	wrdreg s22  }
0x1b: {  	vm0 =	vmmov $0x1;
	vm1 =	vcmask $0x704;
	s29 =	simm.s32 $0x2;
	s26 =	sadd.s32 $0x18000, s4;
	[dreg:$0x15] =	wrdreg s25  }
0x1c: {  	vm2 =	vcmask $0xB08;
	vm3 =	vcmask $0xF0C;
	vm4 =	vcmask $0x1310;
	s30 =	simm.s32 $0x1B800;
	s31 =	simm.s32 $0x0;
	[dreg:$0x16] =	wrdreg s26  }
0x1d: {  	vm5 =	vcmask $0x1714;
	vm6 =	vcmask $0x1B18;
	vm7 =	vcmask $0x1F1C;
	s22 =	simm.s32 $0x8000;
	s25 =	simm.s32 $0x10000;
	s26 =	simm.s32 $0x1  }
.LBB2_1:
0x1e: {  	s0 =	rddreg [dreg:$0x2]  }
0x1f: {  	[tilespmem:s3], [sflag:$0x1] =	stream.linear.gather [hbm4b:s0+s3], $0x8000, $0x38;
	[tilespmem:$0x1B880] =	vst v63  }
0x20: {  	s19 =	rddreg [dreg:$0x3]  }
0x21: {  	v0 =	vimm.f32 $0.0e+00;
	v1 =	vimm.f32 $0.0e+00;
	[tilespmem:s22], [sflag:$0x1] =	stream.linear.gather [hbm4b:s19+s3], $0x8000, $0x38;
	[tilespmem:$0x1B880] =	vst v63  }
0x22: {  	s20 =	rddreg [dreg:$0xc];
	v2 =	vimm.f32 $0.0e+00;
	v3 =	vimm.f32 $0.0e+00;
	v4 =	vimm.f32 $0.0e+00;
	s1 =	simm.s32 $0x0  }
0x23: {  	v5 =	vimm.f32 $0.0e+00;
	v6 =	vimm.f32 $0.0e+00;
	v7 =	vimm.f32 $0.0e+00;
	[tilespmem:s25], [sflag:$0x1] =	stream.linear.gather [hbm4b:s20+s3], $0x8000, $0x38;
	[tilespmem:$0x1B880] =	vst v63  }
.LBB2_2:
0x24: {  	_ =	swait.ge [sflag:s26], $0x8000;
	s0 =	simm.s32 $0x0  }
0x25: {  	[sflag:s26] =	ssyncset.done $0x0;
	s4 =	sand.u32 $0x40, s0;
	s5 =	sand.u32 $0x7C00, s0  }
0x26: {  	[sflag:s26] =	ssyncadd.s32 $0xFFFF8000;
	s5 =	sor.u32 s4, s5  }
0x27: {  	v10 =	vld [tilespmem:s5+$0x30]  }
0x28: {  	v12 =	vld [tilespmem:s5+$0xB0]  }
0x29: {  	v11 =	vld [tilespmem:s5+$0x130]  }
0x2a: {  	v13 =	vld [tilespmem:s5+$0x1B0]  }
0x2b: {  	v18 =	vld [tilespmem:s5+$0x20]  }
0x2c: {  	v21 =	vld [tilespmem:s5+$0xA0]  }
0x2d: {  	v19 =	vld [tilespmem:s5+$0x120]  }
0x2e: {  	v20 =	vld [tilespmem:s5+$0x1A0]  }
0x2f: {  	v24 =	vld [tilespmem:s5+$0x10]  }
0x30: {  	v27 =	vld [tilespmem:s5+$0x90]  }
0x31: {  	v22 =	vld [tilespmem:s5+$0x110]  }
0x32: {  	p0 =	por $0x0, $0x0;
	s4 =	simm.s32 $0x1;
	v25 =	vld [tilespmem:s5+$0x190]  }
0x33: {  	s4 =	simm.s32 @!p0 $0x0;
	v8 =	vld [tilespmem:s5+$0x0]  }
0x34: {  	v9 =	vld [tilespmem:s5+$0x80];
	s4 =	sshll.u32 s4, $0x6  }
0x35: {  	v30 =	vld [tilespmem:s5+$0x100];
	s4 =	sadd.s32 $0x0, s4  }
0x36: {  	v31 =	vld [tilespmem:s5+$0x180];
	s9 =	sor.u32 $0x200, s4  }
0x37: {  	s10 =	sor.u32 $0x280, s4;
	v26 =	vld [tilespmem:s9+$0x0]  }
0x38: {  	s14 =	sor.u32 $0x300, s4;
	v28 =	vld [tilespmem:s10+$0x0]  }
0x39: {  	s15 =	sor.u32 $0x380, s4;
	v23 =	vld [tilespmem:s14+$0x0];
	s9 =	sadd.s32 $0x30, s4  }
0x3a: {  	v29 =	vld [tilespmem:s15+$0x0];
	s19 =	sor.u32 $0x200, s9  }
0x3b: {  	s14 =	sadd.s32 $0x20, s4;
	s20 =	sor.u32 $0x280, s9;
	v16 =	vld [tilespmem:s19+$0x0]  }
0x3c: {  	s5 =	simm.s32 $0x40;
	v32 =	vadd.f32 v8, v7;
	v33 =	vadd.f32 v9, v6;
	s10 =	sor.u32 $0x200, s14;
	v17 =	vld [tilespmem:s20+$0x0]  }
.LBB2_3:
0x3d: {  	p1 =	sne.s32 s5, $0xFC0;
	v5 =	vadd.f32 v30, v5;
	v4 =	vadd.f32 v31, v4;
	s4 =	sadd.s32 $0x10, s4;
	v6 =	vld [tilespmem:s10+$0x0];
	s10 =	sor.u32 $0x280, s14  }
0x3e: {  	v7 =	vadd.f32 v24, v32;
	v8 =	vadd.f32 v27, v33;
	s15 =	sor.u32 $0x200, s4;
	v9 =	vld [tilespmem:s10+$0x0]  }
0x3f: {  	s10 =	sor.u32 $0x280, s4;
	v5 =	vadd.f32 v22, v5;
	v4 =	vadd.f32 v25, v4;
	v14 =	vld [tilespmem:s15+$0x0]  }
0x40: {  	v15 =	vld [tilespmem:s10+$0x0];
	s10 =	sor.u32 $0x300, s4;
	v7 =	vadd.f32 v18, v7;
	v8 =	vadd.f32 v21, v8  }
0x41: {  	s4 =	sor.u32 $0x380, s4;
	v18 =	vld [tilespmem:s10+$0x0];
	v5 =	vadd.f32 v19, v5;
	v4 =	vadd.f32 v20, v4  }
0x42: {  	v19 =	vld [tilespmem:s4+$0x0];
	s4 =	sor.u32 $0x300, s14;
	v7 =	vadd.f32 v10, v7;
	v8 =	vadd.f32 v12, v8  }
0x43: {  	v20 =	vld [tilespmem:s4+$0x0];
	s4 =	sor.u32 $0x380, s14;
	v5 =	vadd.f32 v11, v5;
	v4 =	vadd.f32 v13, v4  }
0x44: {  	v3 =	vadd.f32 v26, v3;
	v2 =	vadd.f32 v28, v2;
	s0 =	sadd.s32 $0x200, s0;
	v13 =	vld [tilespmem:s4+$0x0];
	s4 =	sor.u32 $0x300, s9  }
0x45: {  	v1 =	vadd.f32 v23, v1;
	v0 =	vadd.f32 v29, v0;
	s10 =	sand.u32 $0x40, s5;
	s14 =	sand.u32 $0x7C00, s0;
	v21 =	vld [tilespmem:s4+$0x0];
	s4 =	sor.u32 $0x380, s9  }
0x46: {  	v3 =	vadd.f32 v14, v3;
	s9 =	sor.u32 s10, s14;
	v2 =	vadd.f32 v15, v2;
	v14 =	vld [tilespmem:s4+$0x0]  }
0x47: {  	v1 =	vadd.f32 v18, v1;
	v10 =	vld [tilespmem:s9+$0x30];
	v0 =	vadd.f32 v19, v0  }
0x48: {  	v3 =	vadd.f32 v6, v3;
	v2 =	vadd.f32 v9, v2;
	v12 =	vld [tilespmem:s9+$0xB0]  }
0x49: {  	v1 =	vadd.f32 v20, v1;
	v11 =	vld [tilespmem:s9+$0x130];
	v0 =	vadd.f32 v13, v0  }
0x4a: {  	v3 =	vadd.f32 v16, v3;
	v2 =	vadd.f32 v17, v2;
	v13 =	vld [tilespmem:s9+$0x1B0]  }
0x4b: {  	v1 =	vadd.f32 v21, v1;
	v18 =	vld [tilespmem:s9+$0x20];
	v0 =	vadd.f32 v14, v0  }
0x4c: {  	v21 =	vld [tilespmem:s9+$0xA0]  }
0x4d: {  	v19 =	vld [tilespmem:s9+$0x120]  }
0x4e: {  	v20 =	vld [tilespmem:s9+$0x1A0]  }
0x4f: {  	v24 =	vld [tilespmem:s9+$0x10]  }
0x50: {  	v27 =	vld [tilespmem:s9+$0x90]  }
0x51: {  	v22 =	vld [tilespmem:s9+$0x110]  }
0x52: {  	p0 =	por !p0, !p0;
	s4 =	simm.s32 $0x1;
	v25 =	vld [tilespmem:s9+$0x190]  }
0x53: {  	s4 =	simm.s32 @!p0 $0x0;
	v6 =	vld [tilespmem:s9+$0x0]  }
0x54: {  	s4 =	sshll.u32 s4, $0x6;
	v9 =	vld [tilespmem:s9+$0x80]  }
0x55: {  	s4 =	sadd.s32 s4, s0;
	v30 =	vld [tilespmem:s9+$0x100]  }
0x56: {  	v31 =	vld [tilespmem:s9+$0x180];
	s9 =	sor.u32 $0x200, s4  }
0x57: {  	v26 =	vld [tilespmem:s9+$0x0];
	s9 =	sor.u32 $0x280, s4  }
.Ltmp0:
0x58: {  	v28 =	vld [tilespmem:s9+$0x0];
	s9 =	sor.u32 $0x300, s4;
	(pc) =	sbr.rel @p1 .LBB2_3-.Ltmp0, $4  }
0x59: {  	s10 =	sor.u32 $0x380, s4;
	v23 =	vld [tilespmem:s9+$0x0];
	s9 =	sadd.s32 $0x30, s4  }
0x5a: {  	v29 =	vld [tilespmem:s10+$0x0];
	s10 =	sor.u32 $0x200, s9  }
0x5b: {  	s14 =	sadd.s32 $0x20, s4;
	s15 =	sor.u32 $0x280, s9;
	v16 =	vld [tilespmem:s10+$0x0]  }
0x5c: {  	s5 =	sadd.s32 $0x40, s5;
	v32 =	vadd.f32 v6, v7;
	v33 =	vadd.f32 v9, v8;
	s10 =	sor.u32 $0x200, s14;
	v17 =	vld [tilespmem:s15+$0x0]  }
0x5d: {  	v34 =	vld [tilespmem:s10+$0x0];
	s20 =	sor.u32 $0x280, s14  }
0x5e: {  	s0 =	sadd.s32 $0x10, s4;
	s15 =	sor.u32 $0x300, s14;
	v35 =	vld [tilespmem:s20+$0x0]  }
0x5f: {  	p0 =	seq.s32 s1, $0x7;
	s5 =	sor.u32 $0x200, s0;
	v40 =	vld [tilespmem:s15+$0x0]  }
0x60: {  	s10 =	sor.u32 $0x300, s0;
	v36 =	vld [tilespmem:s5+$0x0];
	s5 =	sor.u32 $0x280, s0;
	s0 =	sor.u32 $0x380, s0  }
0x61: {  	s19 =	sor.u32 $0x380, s14;
	v39 =	vld [tilespmem:s0+$0x0];
	s0 =	smul.u32 @!p0 $0x18000, s1  }
0x62: {  	v41 =	vld [tilespmem:s19+$0x0]  }
0x63: {  	v37 =	vld [tilespmem:s5+$0x0];
	s5 =	sadd.s32 @!p0 s0, s6  }
0x64: {  	s20 =	sor.u32 $0x300, s9;
	v38 =	vld [tilespmem:s10+$0x0];
	s5 =	sshrl.u32 @!p0 s5, $0x3  }
0x65: {  	s9 =	sor.u32 $0x380, s9;
	v42 =	vld [tilespmem:s20+$0x0];
	s4 =	sadd.s32 @!p0 s2, s5;
	s5 =	simm.s32 @!p0 $0x0  }
0x66: {  	v43 =	vld [tilespmem:s9+$0x0];
	[tilespmem:s5], [sflag:$0x1] =	stream.linear.gather @!p0 [hbm4b:s4+s5], $0x8000, $0x38  }
0x67: {  	s5 =	simm.s32 $0x0;
	_ =	swait.ge [sflag:s26], $0x8000  }
0x68: {  	s10 =	sand.u32 $0x40, s5;
	s14 =	sand.u32 $0x7C00, s5;
	[sflag:s26] =	ssyncset.done $0x0  }
0x69: {  	s9 =	sor.u32 s10, s14;
	[sflag:s26] =	ssyncadd.s32 $0xFFFF8000  }
0x6a: {  	v6 =	vld [tilespmem:s9+$0x8030]  }
0x6b: {  	v8 =	vld [tilespmem:s9+$0x80B0]  }
0x6c: {  	v7 =	vld [tilespmem:s9+$0x8130]  }
0x6d: {  	v9 =	vld [tilespmem:s9+$0x81B0]  }
0x6e: {  	v14 =	vld [tilespmem:s9+$0x8020]  }
0x6f: {  	v15 =	vld [tilespmem:s9+$0x80A0]  }
0x70: {  	v30 =	vadd.f32 v30, v5;
	v31 =	vadd.f32 v31, v4;
	v4 =	vld [tilespmem:s9+$0x8120]  }
0x71: {  	v3 =	vadd.f32 v26, v3;
	v24 =	vadd.f32 v24, v32;
	v5 =	vld [tilespmem:s9+$0x81A0]  }
0x72: {  	v27 =	vadd.f32 v27, v33;
	v30 =	vadd.f32 v22, v30;
	v22 =	vld [tilespmem:s9+$0x8010]  }
0x73: {  	v31 =	vadd.f32 v25, v31;
	v18 =	vadd.f32 v18, v24;
	v25 =	vld [tilespmem:s9+$0x8090]  }
0x74: {  	v21 =	vadd.f32 v21, v27;
	v19 =	vadd.f32 v19, v30;
	v24 =	vld [tilespmem:s9+$0x8110]  }
0x75: {  	p1 =	por $0x0, $0x0;
	v2 =	vadd.f32 v28, v2;
	v20 =	vadd.f32 v20, v31;
	s4 =	simm.s32 $0x1;
	v27 =	vld [tilespmem:s9+$0x8190]  }
0x76: {  	v21 =	vadd.f32 v12, v21;
	v12 =	vadd.f32 v11, v19;
	s4 =	simm.s32 @!p1 $0x0;
	v19 =	vld [tilespmem:s9+$0x8000]  }
0x77: {  	v1 =	vadd.f32 v23, v1;
	v13 =	vadd.f32 v13, v20;
	s4 =	sshll.u32 s4, $0x6;
	v20 =	vld [tilespmem:s9+$0x8080]  }
0x78: {  	v0 =	vadd.f32 v29, v0;
	v63 =	vadd.f32 v10, v18;
	s4 =	sadd.s32 $0x0, s4;
	v30 =	vld [tilespmem:s9+$0x8100]  }
0x79: {  	v3 =	vadd.f32 v36, v3;
	v1 =	vadd.f32 v38, v1;
	v31 =	vld [tilespmem:s9+$0x8180];
	s15 =	sor.u32 $0x200, s4  }
0x7a: {  	v2 =	vadd.f32 v37, v2;
	v0 =	vadd.f32 v39, v0;
	s19 =	sor.u32 $0x280, s4;
	v23 =	vld [tilespmem:s15+$0x8000]  }
0x7b: {  	v3 =	vadd.f32 v34, v3;
	v1 =	vadd.f32 v40, v1;
	s20 =	sor.u32 $0x300, s4;
	v28 =	vld [tilespmem:s19+$0x8000]  }
0x7c: {  	v2 =	vadd.f32 v35, v2;
	v0 =	vadd.f32 v41, v0;
	s10 =	sor.u32 $0x380, s4;
	s14 =	sadd.s32 $0x30, s4;
	v26 =	vld [tilespmem:s20+$0x8000]  }
0x7d: {  	v16 =	vadd.f32 v16, v3;
	v10 =	vadd.f32 v42, v1;
	v29 =	vld [tilespmem:s10+$0x8000];
	s15 =	sor.u32 $0x200, s14  }
0x7e: {  	v17 =	vadd.f32 v17, v2;
	v11 =	vadd.f32 v43, v0;
	s19 =	sadd.s32 $0x20, s4;
	s20 =	sor.u32 $0x280, s14;
	v18 =	vld [tilespmem:s15+$0x8000]  }
0x7f: {  	s9 =	simm.s32 $0x40;
	s10 =	sor.u32 $0x200, s19;
	v32 =	vadd.f32 v19, v63;
	v33 =	vadd.f32 v20, v21;
	v19 =	vld [tilespmem:s20+$0x8000]  }
.LBB2_5:
0x80: {  	p2 =	sne.s32 s9, $0xFC0;
	v0 =	vadd.f32 v30, v12;
	v1 =	vadd.f32 v31, v13;
	s4 =	sadd.s32 $0x10, s4;
	v2 =	vld [tilespmem:s10+$0x8000];
	s10 =	sor.u32 $0x280, s19  }
0x81: {  	v3 =	vadd.f32 v22, v32;
	v12 =	vadd.f32 v25, v33;
	s15 =	sor.u32 $0x200, s4;
	v20 =	vld [tilespmem:s10+$0x8000]  }
0x82: {  	s10 =	sor.u32 $0x280, s4;
	v0 =	vadd.f32 v24, v0;
	v1 =	vadd.f32 v27, v1;
	v21 =	vld [tilespmem:s15+$0x8000]  }
0x83: {  	v22 =	vld [tilespmem:s10+$0x8000];
	s10 =	sor.u32 $0x300, s4;
	v3 =	vadd.f32 v14, v3;
	v12 =	vadd.f32 v15, v12  }
0x84: {  	s4 =	sor.u32 $0x380, s4;
	v14 =	vld [tilespmem:s10+$0x8000];
	v0 =	vadd.f32 v4, v0;
	v1 =	vadd.f32 v5, v1  }
0x85: {  	v4 =	vld [tilespmem:s4+$0x8000];
	s4 =	sor.u32 $0x300, s19;
	v3 =	vadd.f32 v6, v3;
	v33 =	vadd.f32 v8, v12  }
0x86: {  	v5 =	vld [tilespmem:s4+$0x8000];
	s4 =	sor.u32 $0x380, s19;
	v12 =	vadd.f32 v7, v0;
	v13 =	vadd.f32 v9, v1  }
0x87: {  	s5 =	sadd.s32 $0x200, s5;
	v0 =	vadd.f32 v23, v16;
	v1 =	vadd.f32 v28, v17;
	v9 =	vld [tilespmem:s4+$0x8000];
	s4 =	sor.u32 $0x300, s14  }
0x88: {  	s15 =	sand.u32 $0x7C00, s5;
	s10 =	sand.u32 $0x40, s9;
	v8 =	vadd.f32 v29, v11;
	v7 =	vadd.f32 v26, v10;
	v10 =	vld [tilespmem:s4+$0x8000];
	s4 =	sor.u32 $0x380, s14  }
0x89: {  	s10 =	sor.u32 s10, s15;
	v0 =	vadd.f32 v21, v0;
	v1 =	vadd.f32 v22, v1;
	v11 =	vld [tilespmem:s4+$0x8000]  }
0x8a: {  	v14 =	vadd.f32 v14, v7;
	v6 =	vld [tilespmem:s10+$0x8030];
	v4 =	vadd.f32 v4, v8  }
0x8b: {  	v0 =	vadd.f32 v2, v0;
	v1 =	vadd.f32 v20, v1;
	v8 =	vld [tilespmem:s10+$0x80B0]  }
0x8c: {  	v2 =	vadd.f32 v5, v14;
	v7 =	vld [tilespmem:s10+$0x8130];
	v4 =	vadd.f32 v9, v4  }
0x8d: {  	v16 =	vadd.f32 v18, v0;
	v17 =	vadd.f32 v19, v1;
	v9 =	vld [tilespmem:s10+$0x81B0]  }
0x8e: {  	v10 =	vadd.f32 v10, v2;
	v14 =	vld [tilespmem:s10+$0x8020];
	v11 =	vadd.f32 v11, v4  }
0x8f: {  	v15 =	vld [tilespmem:s10+$0x80A0]  }
0x90: {  	v4 =	vld [tilespmem:s10+$0x8120]  }
0x91: {  	v5 =	vld [tilespmem:s10+$0x81A0]  }
0x92: {  	v22 =	vld [tilespmem:s10+$0x8010]  }
0x93: {  	v25 =	vld [tilespmem:s10+$0x8090]  }
0x94: {  	v24 =	vld [tilespmem:s10+$0x8110]  }
0x95: {  	p1 =	por !p1, !p1;
	s4 =	simm.s32 $0x1;
	v27 =	vld [tilespmem:s10+$0x8190]  }
0x96: {  	s4 =	simm.s32 @!p1 $0x0;
	v0 =	vld [tilespmem:s10+$0x8000]  }
0x97: {  	s4 =	sshll.u32 s4, $0x6;
	v1 =	vld [tilespmem:s10+$0x8080]  }
0x98: {  	s4 =	sadd.s32 s4, s5;
	v30 =	vld [tilespmem:s10+$0x8100]  }
0x99: {  	v31 =	vld [tilespmem:s10+$0x8180];
	s10 =	sor.u32 $0x200, s4  }
0x9a: {  	v23 =	vld [tilespmem:s10+$0x8000];
	s10 =	sor.u32 $0x280, s4  }
.Ltmp1:
0x9b: {  	v28 =	vld [tilespmem:s10+$0x8000];
	s10 =	sor.u32 $0x300, s4;
	(pc) =	sbr.rel @p2 .LBB2_5-.Ltmp1, $4  }
0x9c: {  	s14 =	sadd.s32 $0x30, s4;
	v26 =	vld [tilespmem:s10+$0x8000];
	s10 =	sor.u32 $0x380, s4  }
0x9d: {  	v29 =	vld [tilespmem:s10+$0x8000];
	s10 =	sor.u32 $0x200, s14  }
0x9e: {  	s19 =	sadd.s32 $0x20, s4;
	s15 =	sor.u32 $0x280, s14;
	v18 =	vld [tilespmem:s10+$0x8000]  }
0x9f: {  	s9 =	sadd.s32 $0x40, s9;
	v32 =	vadd.f32 v0, v3;
	v33 =	vadd.f32 v1, v33;
	s10 =	sor.u32 $0x200, s19;
	v19 =	vld [tilespmem:s15+$0x8000]  }
0xa0: {  	v34 =	vld [tilespmem:s10+$0x8000];
	s5 =	sor.u32 $0x280, s19  }
0xa1: {  	s4 =	sadd.s32 $0x10, s4;
	s10 =	sor.u32 $0x300, s14;
	v35 =	vld [tilespmem:s5+$0x8000]  }
0xa2: {  	s9 =	sor.u32 $0x200, s4;
	v42 =	vld [tilespmem:s10+$0x8000]  }
0xa3: {  	s15 =	sor.u32 $0x280, s4;
	v36 =	vld [tilespmem:s9+$0x8000]  }
0xa4: {  	s20 =	sor.u32 $0x300, s4;
	v37 =	vld [tilespmem:s15+$0x8000]  }
0xa5: {  	s4 =	sor.u32 $0x380, s4;
	v38 =	vld [tilespmem:s20+$0x8000]  }
0xa6: {  	s0 =	sadd.s32 @!p0 s0, s7;
	s5 =	sor.u32 $0x300, s19;
	v39 =	vld [tilespmem:s4+$0x8000]  }
0xa7: {  	s0 =	sshrl.u32 @!p0 s0, $0x3;
	v40 =	vld [tilespmem:s5+$0x8000];
	s9 =	sor.u32 $0x380, s19;
	s15 =	sor.u32 $0x380, s14  }
0xa8: {  	s0 =	sadd.s32 @!p0 s2, s0;
	s4 =	simm.s32 @!p0 $0x0;
	s5 =	simm.s32 @!p0 $0x8000;
	v41 =	vld [tilespmem:s9+$0x8000]  }
0xa9: {  	v43 =	vld [tilespmem:s15+$0x8000];
	[tilespmem:s5], [sflag:$0x1] =	stream.linear.gather @!p0 [hbm4b:s0+s4], $0x8000, $0x38  }
0xaa: {  	s0 =	simm.s32 $0x0;
	_ =	swait.ge [sflag:s26], $0x8000  }
0xab: {  	s19 =	sand.u32 $0x40, s0;
	s20 =	sand.u32 $0x7C00, s0;
	[sflag:s26] =	ssyncset.done $0x0  }
0xac: {  	s4 =	sor.u32 s19, s20;
	[sflag:s26] =	ssyncadd.s32 $0xFFFF8000  }
0xad: {  	v0 =	vld [tilespmem:s4+$0x10030]  }
0xae: {  	v2 =	vld [tilespmem:s4+$0x100B0]  }
0xaf: {  	v1 =	vld [tilespmem:s4+$0x10130]  }
0xb0: {  	v3 =	vld [tilespmem:s4+$0x101B0]  }
0xb1: {  	v20 =	vld [tilespmem:s4+$0x10020]  }
0xb2: {  	v21 =	vld [tilespmem:s4+$0x100A0]  }
0xb3: {  	v30 =	vadd.f32 v30, v12;
	v31 =	vadd.f32 v31, v13;
	v12 =	vld [tilespmem:s4+$0x10120]  }
0xb4: {  	v32 =	vadd.f32 v22, v32;
	v25 =	vadd.f32 v25, v33;
	v13 =	vld [tilespmem:s4+$0x101A0]  }
0xb5: {  	v24 =	vadd.f32 v24, v30;
	v27 =	vadd.f32 v27, v31;
	v22 =	vld [tilespmem:s4+$0x10010]  }
0xb6: {  	v14 =	vadd.f32 v14, v32;
	v15 =	vadd.f32 v15, v25;
	v25 =	vld [tilespmem:s4+$0x10090]  }
0xb7: {  	v10 =	vadd.f32 v26, v10;
	v4 =	vadd.f32 v4, v24;
	v24 =	vld [tilespmem:s4+$0x10110]  }
0xb8: {  	p1 =	por $0x0, $0x0;
	s5 =	simm.s32 $0x1;
	v5 =	vadd.f32 v5, v27;
	v27 =	vadd.f32 v6, v14;
	v6 =	vld [tilespmem:s4+$0x10190]  }
0xb9: {  	s5 =	simm.s32 @!p1 $0x0;
	v15 =	vadd.f32 v8, v15;
	v8 =	vadd.f32 v23, v16;
	v63 =	vld [tilespmem:s4+$0x10000]  }
0xba: {  	s5 =	sshll.u32 s5, $0x6;
	v5 =	vadd.f32 v9, v5;
	v9 =	vadd.f32 v28, v17;
	v28 =	vld [tilespmem:s4+$0x10080]  }
0xbb: {  	v11 =	vadd.f32 v29, v11;
	v4 =	vadd.f32 v7, v4;
	s19 =	sadd.s32 $0x0, s5;
	v7 =	vld [tilespmem:s4+$0x10100]  }
0xbc: {  	v8 =	vadd.f32 v36, v8;
	v26 =	vld [tilespmem:s4+$0x10180];
	s5 =	sor.u32 $0x200, s19;
	v10 =	vadd.f32 v38, v10  }
0xbd: {  	v11 =	vadd.f32 v39, v11;
	s9 =	sor.u32 $0x280, s19;
	v9 =	vadd.f32 v37, v9;
	v16 =	vld [tilespmem:s5+$0x10000]  }
0xbe: {  	s10 =	sor.u32 $0x300, s19;
	v23 =	vld [tilespmem:s9+$0x10000];
	v8 =	vadd.f32 v34, v8;
	v14 =	vadd.f32 v40, v10  }
0xbf: {  	s14 =	sor.u32 $0x380, s19;
	v17 =	vld [tilespmem:s10+$0x10000];
	s9 =	sadd.s32 $0x30, s19;
	v29 =	vadd.f32 v41, v11;
	v9 =	vadd.f32 v35, v9  }
0xc0: {  	s15 =	sor.u32 $0x200, s9;
	v10 =	vadd.f32 v18, v8;
	v18 =	vld [tilespmem:s14+$0x10000];
	v8 =	vadd.f32 v42, v14  }
0xc1: {  	s20 =	sor.u32 $0x280, s9;
	s14 =	sadd.s32 $0x20, s19;
	v14 =	vld [tilespmem:s15+$0x10000];
	v11 =	vadd.f32 v19, v9;
	v9 =	vadd.f32 v43, v29  }
0xc2: {  	s5 =	simm.s32 $0x40;
	v19 =	vadd.f32 v63, v27;
	v27 =	vadd.f32 v28, v15;
	s4 =	sor.u32 $0x200, s14;
	v15 =	vld [tilespmem:s20+$0x10000]  }
.LBB2_7:
0xc3: {  	p2 =	sne.s32 s5, $0xFC0;
	v4 =	vadd.f32 v7, v4;
	v5 =	vadd.f32 v26, v5;
	s10 =	sadd.s32 $0x10, s19;
	v7 =	vld [tilespmem:s4+$0x10000];
	s4 =	sor.u32 $0x280, s14  }
0xc4: {  	v19 =	vadd.f32 v22, v19;
	v22 =	vadd.f32 v25, v27;
	s15 =	sor.u32 $0x200, s10;
	v25 =	vld [tilespmem:s4+$0x10000]  }
0xc5: {  	s4 =	sor.u32 $0x280, s10;
	v4 =	vadd.f32 v24, v4;
	v5 =	vadd.f32 v6, v5;
	v6 =	vld [tilespmem:s15+$0x10000]  }
0xc6: {  	v24 =	vld [tilespmem:s4+$0x10000];
	s4 =	sor.u32 $0x300, s10;
	v19 =	vadd.f32 v20, v19;
	v20 =	vadd.f32 v21, v22  }
0xc7: {  	v21 =	vld [tilespmem:s4+$0x10000];
	s4 =	sor.u32 $0x380, s10;
	v4 =	vadd.f32 v12, v4;
	v5 =	vadd.f32 v13, v5  }
0xc8: {  	v12 =	vld [tilespmem:s4+$0x10000];
	s4 =	sor.u32 $0x300, s14;
	v19 =	vadd.f32 v0, v19;
	v27 =	vadd.f32 v2, v20  }
0xc9: {  	v13 =	vld [tilespmem:s4+$0x10000];
	s4 =	sor.u32 $0x380, s14;
	v4 =	vadd.f32 v1, v4;
	v5 =	vadd.f32 v3, v5  }
0xca: {  	s0 =	sadd.s32 $0x200, s0;
	v0 =	vadd.f32 v16, v10;
	v1 =	vadd.f32 v23, v11;
	v3 =	vld [tilespmem:s4+$0x10000];
	s4 =	sor.u32 $0x300, s9  }
0xcb: {  	s10 =	sand.u32 $0x40, s5;
	v2 =	vadd.f32 v17, v8;
	v8 =	vadd.f32 v18, v9;
	s14 =	sand.u32 $0x7C00, s0;
	v9 =	vld [tilespmem:s4+$0x10000];
	s4 =	sor.u32 $0x380, s9  }
0xcc: {  	v6 =	vadd.f32 v6, v0;
	s9 =	sor.u32 s10, s14;
	v1 =	vadd.f32 v24, v1;
	v16 =	vld [tilespmem:s4+$0x10000]  }
0xcd: {  	v10 =	vadd.f32 v21, v2;
	v0 =	vld [tilespmem:s9+$0x10030];
	v8 =	vadd.f32 v12, v8  }
0xce: {  	v6 =	vadd.f32 v7, v6;
	v7 =	vadd.f32 v25, v1;
	v2 =	vld [tilespmem:s9+$0x100B0]  }
0xcf: {  	v12 =	vadd.f32 v13, v10;
	v1 =	vld [tilespmem:s9+$0x10130];
	v13 =	vadd.f32 v3, v8  }
0xd0: {  	v10 =	vadd.f32 v14, v6;
	v11 =	vadd.f32 v15, v7;
	v3 =	vld [tilespmem:s9+$0x101B0]  }
0xd1: {  	v8 =	vadd.f32 v9, v12;
	v20 =	vld [tilespmem:s9+$0x10020];
	v9 =	vadd.f32 v16, v13  }
0xd2: {  	v21 =	vld [tilespmem:s9+$0x100A0]  }
0xd3: {  	v12 =	vld [tilespmem:s9+$0x10120]  }
0xd4: {  	v13 =	vld [tilespmem:s9+$0x101A0]  }
0xd5: {  	v22 =	vld [tilespmem:s9+$0x10010]  }
0xd6: {  	v25 =	vld [tilespmem:s9+$0x10090]  }
0xd7: {  	v24 =	vld [tilespmem:s9+$0x10110]  }
0xd8: {  	p1 =	por !p1, !p1;
	s4 =	simm.s32 $0x1;
	v6 =	vld [tilespmem:s9+$0x10190]  }
0xd9: {  	s4 =	simm.s32 @!p1 $0x0;
	v15 =	vld [tilespmem:s9+$0x10000]  }
0xda: {  	s4 =	sshll.u32 s4, $0x6;
	v28 =	vld [tilespmem:s9+$0x10080]  }
0xdb: {  	s19 =	sadd.s32 s4, s0;
	v7 =	vld [tilespmem:s9+$0x10100]  }
0xdc: {  	s4 =	sor.u32 $0x200, s19;
	v26 =	vld [tilespmem:s9+$0x10180]  }
0xdd: {  	v16 =	vld [tilespmem:s4+$0x10000];
	s4 =	sor.u32 $0x280, s19  }
.Ltmp2:
0xde: {  	v23 =	vld [tilespmem:s4+$0x10000];
	s4 =	sor.u32 $0x300, s19;
	(pc) =	sbr.rel @p2 .LBB2_7-.Ltmp2, $4  }
0xdf: {  	s9 =	sadd.s32 $0x30, s19;
	v17 =	vld [tilespmem:s4+$0x10000];
	s4 =	sor.u32 $0x380, s19  }
0xe0: {  	v18 =	vld [tilespmem:s4+$0x10000];
	s4 =	sor.u32 $0x200, s9  }
0xe1: {  	s14 =	sadd.s32 $0x20, s19;
	s10 =	sor.u32 $0x280, s9;
	v14 =	vld [tilespmem:s4+$0x10000]  }
0xe2: {  	s5 =	sadd.s32 $0x40, s5;
	v19 =	vadd.f32 v15, v19;
	v27 =	vadd.f32 v28, v27;
	s4 =	sor.u32 $0x200, s14;
	v15 =	vld [tilespmem:s10+$0x10000]  }
0xe3: {  	v4 =	vadd.f32 v7, v4;
	s0 =	sadd.s32 $0x10, s19;
	v54 =	vld [tilespmem:s4+$0x10000];
	s19 =	sor.u32 $0x280, s14  }
0xe4: {  	v5 =	vadd.f32 v26, v5;
	v7 =	vadd.f32 v22, v19;
	s5 =	sor.u32 $0x200, s0;
	v56 =	vld [tilespmem:s19+$0x10000]  }
0xe5: {  	v55 =	vadd.f32 v25, v27;
	s20 =	sor.u32 $0x280, s0;
	v4 =	vadd.f32 v24, v4;
	v57 =	vld [tilespmem:s5+$0x10000]  }
0xe6: {  	v8 =	vadd.f32 v17, v8;
	v5 =	vadd.f32 v6, v5;
	v58 =	vld [tilespmem:s20+$0x10000];
	s5 =	sor.u32 $0x300, s0  }
0xe7: {  	s0 =	sor.u32 $0x380, s0;
	v6 =	vadd.f32 v20, v7;
	v59 =	vld [tilespmem:s5+$0x10000];
	v4 =	vadd.f32 v12, v4  }
0xe8: {  	s10 =	sor.u32 $0x300, s14;
	v19 =	vadd.f32 v21, v55;
	v61 =	vld [tilespmem:s0+$0x10000];
	v60 =	vadd.f32 v13, v5  }
0xe9: {  	s15 =	sor.u32 $0x380, s14;
	v7 =	vadd.f32 v0, v6;
	v0 =	vld [tilespmem:s10+$0x10000];
	v5 =	vadd.f32 v1, v4  }
0xea: {  	s19 =	sor.u32 $0x300, s9;
	v4 =	vadd.f32 v3, v60;
	v1 =	vadd.f32 v16, v10;
	v3 =	vld [tilespmem:s15+$0x10000]  }
0xeb: {  	v9 =	vadd.f32 v18, v9;
	v62 =	vld [tilespmem:s19+$0x10000];
	s20 =	sor.u32 $0x380, s9;
	v6 =	vadd.f32 v2, v19  }
0xec: {  	v63 =	vld [tilespmem:s20+$0x10000];
	v2 =	vadd.f32 v23, v11;
	v1 =	vadd.f32 v57, v1  }
0xed: {  	v8 =	vadd.f32 v59, v8;
	v9 =	vadd.f32 v61, v9  }
.Ltmp3:
0xee: {  	v2 =	vadd.f32 v58, v2;
	v1 =	vadd.f32 v54, v1;
	(pc) =	sbr.rel @p0 .LBB2_10-.Ltmp3, $4  }
0xef: {  	v0 =	vadd.f32 v0, v8;
	v8 =	vadd.f32 v3, v9  }
0xf0: {  	v2 =	vadd.f32 v56, v2;
	v3 =	vadd.f32 v14, v1  }
0xf1: {  	v1 =	vadd.f32 v62, v0;
	v0 =	vadd.f32 v63, v8  }
0xf2: {  	v2 =	vadd.f32 v15, v2  }
0xf3: {  	s0 =	smul.u32 $0x18000, s1  }
.Ltmp4:
0xf4: {  	_ = 	snop;
	(pc) =	sbr.rel .LBB2_2-.Ltmp4, $4  }
0xf5: {  	s0 =	sadd.s32 s0, s8  }
0xf6: {  	s0 =	sshrl.u32 s0, $0x3  }
0xf7: {  	s1 =	sadd.s32 $0x1, s1;
	s0 =	sadd.s32 s2, s0  }
0xf8: {  	[tilespmem:s25], [sflag:$0x1] =	stream.linear.gather [hbm4b:s0+s3], $0x8000, $0x38;
	[tilespmem:$0x1B880] =	vst v63  }
.LBB2_10:
0xf9: {  	s1 =	simm.s32 $0x0;
	s0 =	rddreg [dreg:$0xd]  }
0xfa: {  	[tilespmem:s28], [sflag:$0x2] =	stream.linear.gather [hbm4b:s0+s1], $0x3800, $0x38;
	[tilespmem:$0x1B880] =	vst v63  }
0xfb: {  	s20 =	sand.u32 $0x7, s1  }
0xfc: {  	_ =	swait.ge [sflag:s29], $0x3800;
	s0 =	sshll.u32 s20, $0x4  }
0xfd: {  	s4 =	sand.u32 $0x70, s1;
	[sflag:s29] =	ssyncset.done $0x0;
	s0 =	sadd.s32 $0x0, s0  }
0xfe: {  	s5 =	sand.u32 $0x3C00, s1;
	[sflag:s29] =	ssyncadd.s32 $0xFFFFC800;
	s9 =	sor.u32 $0x380, s0  }
0xff: {  	s0 =	sor.u32 s4, s5;
	v8 =	vld [tilespmem:s9+$0x18000]  }
0x100: {  	v12 =	vld [tilespmem:s0+$0x18000]  }
0x101: {  	v11 =	vld [tilespmem:s0+$0x18080]  }
0x102: {  	s4 =	simm.s32 $0x1;
	v9 =	vld [tilespmem:s0+$0x18100]  }
0x103: {  	s5 =	simm.s32 $0x20;
	s9 =	simm.s32 $0x10;
	s10 =	sand.u32 $0x7, s4;
	v10 =	vld [tilespmem:s0+$0x18180]  }
.LBB2_11:
0x104: {  	p0 =	sne.s32 s5, $0x690;
	s10 =	sshll.u32 s10, $0x4;
	v13 =	vld [tilespmem:s0+$0x18200];
	v0 =	vadd.f32 v8, v0;
	s1 =	sadd.s32 $0x80, s1  }
0x105: {  	s9 =	sand.u32 $0x70, s9;
	s10 =	sadd.s32 s10, s1;
	s14 =	sand.u32 $0x3C00, s1;
	v7 =	vadd.f32 v12, v7;
	v14 =	vld [tilespmem:s0+$0x18280]  }
0x106: {  	s10 =	sor.u32 $0x380, s10;
	v6 =	vadd.f32 v11, v6;
	v15 =	vld [tilespmem:s0+$0x18300];
	s0 =	sor.u32 s9, s14;
	s9 =	smov.u32 s5  }
.Ltmp5:
0x107: {  	v8 =	vld [tilespmem:s10+$0x18000];
	v5 =	vadd.f32 v9, v5;
	(pc) =	sbr.rel @p0 .LBB2_11-.Ltmp5, $4  }
0x108: {  	v12 =	vld [tilespmem:s0+$0x18000];
	v4 =	vadd.f32 v10, v4  }
0x109: {  	v11 =	vld [tilespmem:s0+$0x18080];
	v3 =	vadd.f32 v13, v3  }
0x10a: {  	s4 =	sadd.s32 $0x1, s4;
	v9 =	vld [tilespmem:s0+$0x18100];
	v2 =	vadd.f32 v14, v2  }
0x10b: {  	s5 =	sadd.s32 $0x10, s5;
	s10 =	sand.u32 $0x7, s4;
	v10 =	vld [tilespmem:s0+$0x18180];
	v1 =	vadd.f32 v15, v1  }
0x10c: {  	s1 =	sadd.s32 $0x80, s1  }
0x10d: {  	s4 =	sand.u32 $0x70, s9;
	s5 =	sand.u32 $0x3C00, s1  }
0x10e: {  	s4 =	sor.u32 s4, s5  }
0x10f: {  	v13 =	vld [tilespmem:s4+$0x18000];
	_ =	sdelay $0x1  }
0x110: {  	v14 =	vld [tilespmem:s4+$0x18080]  }
0x111: {  	v7 =	vadd.f32 v12, v7  }
0x112: {  	v59 =	vld [tilespmem:s4+$0x18100]  }
0x113: {  	v60 =	vld [tilespmem:s0+$0x18200];
	v6 =	vadd.f32 v11, v6;
	v7 =	vadd.f32 v13, v7  }
0x114: {  	v61 =	vld [tilespmem:s4+$0x18180]  }
0x115: {  	v62 =	vld [tilespmem:s0+$0x18280];
	v5 =	vadd.f32 v9, v5;
	v6 =	vadd.f32 v14, v6;
	(xrf2) =	vadd.scan.msk.f32 $0xffff, v7  }
0x116: {  	v7 =	vld [tilespmem:s4+$0x18200]  }
0x117: {  	v4 =	vadd.f32 v10, v4;
	v5 =	vadd.f32 v59, v5;
	(xrf2) =	vadd.scan.msk.f32 $0xffff, v6  }
0x118: {  	v6 =	vld [tilespmem:s4+$0x18280]  }
0x119: {  	v63 =	vld [tilespmem:s0+$0x18300];
	v3 =	vadd.f32 v60, v3;
	v4 =	vadd.f32 v61, v4;
	(xrf2) =	vadd.scan.msk.f32 $0xffff, v5  }
0x11a: {  	s10 =	sshll.u32 s10, $0x4  }
0x11b: {  	s0 =	sadd.s32 s10, s1;
	v2 =	vadd.f32 v62, v2;
	v5 =	vld [tilespmem:s4+$0x18300];
	(xrf2) =	vadd.scan.msk.f32 $0xffff, v4;
	v3 =	vadd.f32 v7, v3  }
0x11c: {  	s0 =	sor.u32 $0x380, s0  }
0x11d: {  	v4 =	vld [tilespmem:s0+$0x18000];
	v2 =	vadd.f32 v6, v2;
	(xrf2) =	vadd.scan.msk.f32 $0xffff, v3  }
0x11e: {  	v1 =	vadd.f32 v63, v1  }
0x11f: {  	v3, _, _ =	vpop (xrf2);
	(xrf2) =	vadd.scan.msk.f32 $0xffff, v2  }
0x120: {  	v0 =	vadd.f32 v8, v0;
	v1 =	vadd.f32 v5, v1;
	v2 =	vbroadcast v3, $0xF  }
0x121: {  	v3, _, _ =	vpop (xrf2)  }
0x122: {  	v0 =	vadd.f32 v4, v0;
	(xrf2) =	vadd.scan.msk.f32 $0xffff, v1;
	v1 =	vnsel vm0, $0x0, v2;
	v2 =	vbroadcast v3, $0xF  }
0x123: {  	v3, _, _ =	vpop (xrf2)  }
0x124: {  	(xrf2) =	vadd.scan.msk.f32 $0xffff, v0;
	v1 =	vadd.f32 $0.0e+00, v1;
	v0 =	vnsel vm1, $0x0, v2;
	v2 =	vbroadcast v3, $0xF  }
0x125: {  	v3, _, _ =	vpop (xrf2)  }
0x126: {  	v0 =	vadd.f32 v0, v1;
	v1 =	vnsel vm2, $0x0, v2;
	v2 =	vbroadcast v3, $0xF  }
0x127: {  	v3, _, _ =	vpop (xrf2)  }
0x128: {  	v0 =	vadd.f32 v1, v0;
	v1 =	vnsel vm3, $0x0, v2;
	v2 =	vbroadcast v3, $0xF  }
0x129: {  	v3, _, _ =	vpop (xrf2)  }
0x12a: {  	v0 =	vadd.f32 v1, v0;
	v1 =	vnsel vm4, $0x0, v2;
	v2 =	vbroadcast v3, $0xF;
	_ =	sdelay $0x1  }
0x12b: {  	v0 =	vadd.f32 v1, v0;
	v1 =	vnsel vm5, $0x0, v2  }
0x12c: {  	v3, _, _ =	vpop (xrf2)  }
0x12d: {  	v2 =	vbroadcast v3, $0xF  }
0x12e: {  	v0 =	vadd.f32 v1, v0;
	v1, _, _ =	vpop (xrf2)  }
0x12f: {  	v2 =	vnsel vm6, $0x0, v2;
	v1 =	vbroadcast v1, $0xF  }
0x130: {  	v0 =	vadd.f32 v2, v0  }
0x131: {  	v1 =	vnsel vm7, $0x0, v1  }
0x132: {  	v0 =	vadd.f32 v1, v0;
	_ =	sdelay $0x1  }
0x133: {  	s14 =	rddreg [dreg:$0x4];
	s1 =	simm.s32 $0x0;
	[tilespmem:$0x1B800] =	vst v0  }
0x134: {  	[hbm4b:s14+s1] =	stream.linear.scatter [tilespmem:s30], [sflag:$0x2], $0x8, $0x38;
	[tilespmem:$0x1B880] =	vst v63  }
0x135: {  	_ =	swait.ge [sflag:s29], $0x8  }
0x136: {  	[sflag:s29] =	ssyncset.done $0x0  }
0x137: {  	s15 =	rddreg [dreg:$0x5];
	[sflag:s29] =	ssyncadd.s32 $0xFFFFFFF8  }
0x138: {  	[tilespmem:s1], [sflag:$0x1] =	stream.linear.gather [hbm4b:s15+s1], $0x8000, $0x38;
	[tilespmem:$0x1B880] =	vst v63  }
0x139: {  	s19 =	rddreg [dreg:$0xe]  }
0x13a: {  	v7 =	vimm.f32 $0.0e+00;
	v6 =	vimm.f32 $0.0e+00;
	[tilespmem:s22], [sflag:$0x1] =	stream.linear.gather [hbm4b:s19+s1], $0x8000, $0x38;
	[tilespmem:$0x1B880] =	vst v63  }
0x13b: {  	s0 =	simm.s32 $0x0;
	v5 =	vimm.f32 $0.0e+00;
	v4 =	vimm.f32 $0.0e+00;
	v3 =	vimm.f32 $0.0e+00;
	s20 =	rddreg [dreg:$0xf]  }
0x13c: {  	v2 =	vimm.f32 $0.0e+00;
	v1 =	vimm.f32 $0.0e+00;
	v0 =	vimm.f32 $0.0e+00;
	[tilespmem:s25], [sflag:$0x1] =	stream.linear.gather [hbm4b:s20+s1], $0x8000, $0x38;
	[tilespmem:$0x1B880] =	vst v63  }
.LBB2_13:
0x13d: {  	_ =	swait.ge [sflag:s26], $0x8000  }
0x13e: {  	s4 =	sand.u32 $0x40, s1;
	s5 =	sand.u32 $0x7C00, s1;
	[sflag:s26] =	ssyncset.done $0x0  }
0x13f: {  	s5 =	sor.u32 s4, s5;
	[sflag:s26] =	ssyncadd.s32 $0xFFFF8000  }
0x140: {  	v10 =	vld [tilespmem:s5+$0x30]  }
0x141: {  	v12 =	vld [tilespmem:s5+$0xB0]  }
0x142: {  	v11 =	vld [tilespmem:s5+$0x130]  }
0x143: {  	v13 =	vld [tilespmem:s5+$0x1B0]  }
0x144: {  	v18 =	vld [tilespmem:s5+$0x20]  }
0x145: {  	v21 =	vld [tilespmem:s5+$0xA0]  }
0x146: {  	v19 =	vld [tilespmem:s5+$0x120]  }
0x147: {  	v20 =	vld [tilespmem:s5+$0x1A0]  }
0x148: {  	v24 =	vld [tilespmem:s5+$0x10]  }
0x149: {  	v27 =	vld [tilespmem:s5+$0x90]  }
0x14a: {  	v22 =	vld [tilespmem:s5+$0x110]  }
0x14b: {  	p0 =	por $0x0, $0x0;
	s4 =	simm.s32 $0x1;
	v25 =	vld [tilespmem:s5+$0x190]  }
0x14c: {  	s4 =	simm.s32 @!p0 $0x0;
	v8 =	vld [tilespmem:s5+$0x0]  }
0x14d: {  	s4 =	sshll.u32 s4, $0x6;
	v9 =	vld [tilespmem:s5+$0x80]  }
0x14e: {  	v30 =	vld [tilespmem:s5+$0x100];
	s4 =	sadd.s32 $0x0, s4  }
0x14f: {  	v31 =	vld [tilespmem:s5+$0x180];
	s19 =	sor.u32 $0x200, s4  }
0x150: {  	s20 =	sor.u32 $0x280, s4;
	v26 =	vld [tilespmem:s19+$0x0]  }
0x151: {  	s9 =	sor.u32 $0x300, s4;
	v28 =	vld [tilespmem:s20+$0x0]  }
0x152: {  	s10 =	sor.u32 $0x380, s4;
	s14 =	sadd.s32 $0x30, s4;
	v23 =	vld [tilespmem:s9+$0x0]  }
0x153: {  	v29 =	vld [tilespmem:s10+$0x0];
	s15 =	sor.u32 $0x200, s14  }
0x154: {  	s19 =	sadd.s32 $0x20, s4;
	s20 =	sor.u32 $0x280, s14;
	v16 =	vld [tilespmem:s15+$0x0]  }
0x155: {  	s5 =	simm.s32 $0x40;
	s9 =	simm.s32 $0x0;
	s10 =	sor.u32 $0x200, s19;
	v17 =	vld [tilespmem:s20+$0x0];
	v32 =	vadd.f32 v8, v7;
	v33 =	vadd.f32 v9, v6  }
.LBB2_14:
0x156: {  	p1 =	sne.s32 s5, $0xFC0;
	v5 =	vadd.f32 v30, v5;
	v4 =	vadd.f32 v31, v4;
	s4 =	sadd.s32 $0x10, s4;
	v6 =	vld [tilespmem:s10+$0x0];
	s10 =	sor.u32 $0x280, s19  }
0x157: {  	v7 =	vadd.f32 v24, v32;
	v8 =	vadd.f32 v27, v33;
	s15 =	sor.u32 $0x200, s4;
	v9 =	vld [tilespmem:s10+$0x0]  }
0x158: {  	s10 =	sor.u32 $0x280, s4;
	v5 =	vadd.f32 v22, v5;
	v4 =	vadd.f32 v25, v4;
	v14 =	vld [tilespmem:s15+$0x0]  }
0x159: {  	v15 =	vld [tilespmem:s10+$0x0];
	s10 =	sor.u32 $0x300, s4;
	v7 =	vadd.f32 v18, v7;
	v8 =	vadd.f32 v21, v8  }
0x15a: {  	s4 =	sor.u32 $0x380, s4;
	v18 =	vld [tilespmem:s10+$0x0];
	v5 =	vadd.f32 v19, v5;
	v4 =	vadd.f32 v20, v4  }
0x15b: {  	v19 =	vld [tilespmem:s4+$0x0];
	s4 =	sor.u32 $0x300, s19;
	v7 =	vadd.f32 v10, v7;
	v8 =	vadd.f32 v12, v8  }
0x15c: {  	v20 =	vld [tilespmem:s4+$0x0];
	s4 =	sor.u32 $0x380, s19;
	v5 =	vadd.f32 v11, v5;
	v4 =	vadd.f32 v13, v4  }
0x15d: {  	v3 =	vadd.f32 v26, v3;
	v2 =	vadd.f32 v28, v2;
	s9 =	sadd.s32 $0x200, s9;
	v13 =	vld [tilespmem:s4+$0x0];
	s4 =	sor.u32 $0x300, s14  }
0x15e: {  	v1 =	vadd.f32 v23, v1;
	s15 =	sand.u32 $0x7C00, s9;
	v0 =	vadd.f32 v29, v0;
	s10 =	sand.u32 $0x40, s5;
	v21 =	vld [tilespmem:s4+$0x0];
	s4 =	sor.u32 $0x380, s14  }
0x15f: {  	s10 =	sor.u32 s10, s15;
	v3 =	vadd.f32 v14, v3;
	v2 =	vadd.f32 v15, v2;
	v14 =	vld [tilespmem:s4+$0x0]  }
0x160: {  	v1 =	vadd.f32 v18, v1;
	v10 =	vld [tilespmem:s10+$0x30];
	v0 =	vadd.f32 v19, v0  }
0x161: {  	v3 =	vadd.f32 v6, v3;
	v2 =	vadd.f32 v9, v2;
	v12 =	vld [tilespmem:s10+$0xB0]  }
0x162: {  	v1 =	vadd.f32 v20, v1;
	v11 =	vld [tilespmem:s10+$0x130];
	v0 =	vadd.f32 v13, v0  }
0x163: {  	v3 =	vadd.f32 v16, v3;
	v2 =	vadd.f32 v17, v2;
	v13 =	vld [tilespmem:s10+$0x1B0]  }
0x164: {  	v1 =	vadd.f32 v21, v1;
	v18 =	vld [tilespmem:s10+$0x20];
	v0 =	vadd.f32 v14, v0  }
0x165: {  	v21 =	vld [tilespmem:s10+$0xA0]  }
0x166: {  	v19 =	vld [tilespmem:s10+$0x120]  }
0x167: {  	v20 =	vld [tilespmem:s10+$0x1A0]  }
0x168: {  	v24 =	vld [tilespmem:s10+$0x10]  }
0x169: {  	v27 =	vld [tilespmem:s10+$0x90]  }
0x16a: {  	v22 =	vld [tilespmem:s10+$0x110]  }
0x16b: {  	p0 =	por !p0, !p0;
	s4 =	simm.s32 $0x1;
	v25 =	vld [tilespmem:s10+$0x190]  }
0x16c: {  	s4 =	simm.s32 @!p0 $0x0;
	v6 =	vld [tilespmem:s10+$0x0]  }
0x16d: {  	s4 =	sshll.u32 s4, $0x6;
	v9 =	vld [tilespmem:s10+$0x80]  }
0x16e: {  	s4 =	sadd.s32 s4, s9;
	v30 =	vld [tilespmem:s10+$0x100]  }
0x16f: {  	v31 =	vld [tilespmem:s10+$0x180];
	s10 =	sor.u32 $0x200, s4  }
0x170: {  	v26 =	vld [tilespmem:s10+$0x0];
	s10 =	sor.u32 $0x280, s4  }
.Ltmp6:
0x171: {  	v28 =	vld [tilespmem:s10+$0x0];
	s10 =	sor.u32 $0x300, s4;
	(pc) =	sbr.rel @p1 .LBB2_14-.Ltmp6, $4  }
0x172: {  	s14 =	sadd.s32 $0x30, s4;
	v23 =	vld [tilespmem:s10+$0x0];
	s10 =	sor.u32 $0x380, s4  }
0x173: {  	v29 =	vld [tilespmem:s10+$0x0];
	s10 =	sor.u32 $0x200, s14  }
0x174: {  	s19 =	sadd.s32 $0x20, s4;
	s15 =	sor.u32 $0x280, s14;
	v16 =	vld [tilespmem:s10+$0x0]  }
0x175: {  	s5 =	sadd.s32 $0x40, s5;
	v32 =	vadd.f32 v6, v7;
	v33 =	vadd.f32 v9, v8;
	s10 =	sor.u32 $0x200, s19;
	v17 =	vld [tilespmem:s15+$0x0]  }
0x176: {  	v34 =	vld [tilespmem:s10+$0x0];
	s5 =	sor.u32 $0x280, s19  }
0x177: {  	s10 =	sor.u32 $0x300, s19;
	v35 =	vld [tilespmem:s5+$0x0]  }
0x178: {  	s15 =	sor.u32 $0x380, s19;
	v40 =	vld [tilespmem:s10+$0x0]  }
0x179: {  	s4 =	sadd.s32 $0x10, s4;
	p0 =	seq.s32 s0, $0x7;
	s19 =	sor.u32 $0x300, s14;
	v41 =	vld [tilespmem:s15+$0x0]  }
0x17a: {  	s9 =	sor.u32 $0x200, s4;
	s5 =	smul.u32 @!p0 $0x18000, s0;
	v42 =	vld [tilespmem:s19+$0x0]  }
0x17b: {  	v36 =	vld [tilespmem:s9+$0x0];
	s9 =	sor.u32 $0x300, s4  }
0x17c: {  	s20 =	sor.u32 $0x280, s4;
	v38 =	vld [tilespmem:s9+$0x0];
	s9 =	sadd.s32 @!p0 s5, s11  }
0x17d: {  	v37 =	vld [tilespmem:s20+$0x0];
	s4 =	sor.u32 $0x380, s4;
	s9 =	sshrl.u32 @!p0 s9, $0x3  }
0x17e: {  	s20 =	sor.u32 $0x380, s14;
	v39 =	vld [tilespmem:s4+$0x0];
	s4 =	sadd.s32 @!p0 s2, s9;
	s9 =	simm.s32 @!p0 $0x0  }
0x17f: {  	v43 =	vld [tilespmem:s20+$0x0];
	[tilespmem:s9], [sflag:$0x1] =	stream.linear.gather @!p0 [hbm4b:s4+s9], $0x8000, $0x38  }
0x180: {  	s9 =	simm.s32 $0x0;
	_ =	swait.ge [sflag:s26], $0x8000  }
0x181: {  	s10 =	sand.u32 $0x40, s9;
	s14 =	sand.u32 $0x7C00, s9;
	[sflag:s26] =	ssyncset.done $0x0  }
0x182: {  	s10 =	sor.u32 s10, s14;
	[sflag:s26] =	ssyncadd.s32 $0xFFFF8000  }
0x183: {  	v6 =	vld [tilespmem:s10+$0x8030]  }
0x184: {  	v8 =	vld [tilespmem:s10+$0x80B0]  }
0x185: {  	v7 =	vld [tilespmem:s10+$0x8130]  }
0x186: {  	v9 =	vld [tilespmem:s10+$0x81B0]  }
0x187: {  	v14 =	vld [tilespmem:s10+$0x8020]  }
0x188: {  	v15 =	vld [tilespmem:s10+$0x80A0]  }
0x189: {  	v30 =	vadd.f32 v30, v5;
	v31 =	vadd.f32 v31, v4;
	v4 =	vld [tilespmem:s10+$0x8120]  }
0x18a: {  	v3 =	vadd.f32 v26, v3;
	v24 =	vadd.f32 v24, v32;
	v5 =	vld [tilespmem:s10+$0x81A0]  }
0x18b: {  	v27 =	vadd.f32 v27, v33;
	v30 =	vadd.f32 v22, v30;
	v22 =	vld [tilespmem:s10+$0x8010]  }
0x18c: {  	v31 =	vadd.f32 v25, v31;
	v18 =	vadd.f32 v18, v24;
	v25 =	vld [tilespmem:s10+$0x8090]  }
0x18d: {  	v21 =	vadd.f32 v21, v27;
	v19 =	vadd.f32 v19, v30;
	v24 =	vld [tilespmem:s10+$0x8110]  }
0x18e: {  	p1 =	por $0x0, $0x0;
	v2 =	vadd.f32 v28, v2;
	v20 =	vadd.f32 v20, v31;
	s4 =	simm.s32 $0x1;
	v27 =	vld [tilespmem:s10+$0x8190]  }
0x18f: {  	v21 =	vadd.f32 v12, v21;
	v12 =	vadd.f32 v11, v19;
	s4 =	simm.s32 @!p1 $0x0;
	v19 =	vld [tilespmem:s10+$0x8000]  }
0x190: {  	v1 =	vadd.f32 v23, v1;
	v13 =	vadd.f32 v13, v20;
	s4 =	sshll.u32 s4, $0x6;
	v20 =	vld [tilespmem:s10+$0x8080]  }
0x191: {  	v0 =	vadd.f32 v29, v0;
	v63 =	vadd.f32 v10, v18;
	s4 =	sadd.s32 $0x0, s4;
	v30 =	vld [tilespmem:s10+$0x8100]  }
0x192: {  	v3 =	vadd.f32 v36, v3;
	v2 =	vadd.f32 v37, v2;
	v31 =	vld [tilespmem:s10+$0x8180];
	s15 =	sor.u32 $0x200, s4  }
0x193: {  	v1 =	vadd.f32 v38, v1;
	v0 =	vadd.f32 v39, v0;
	s19 =	sor.u32 $0x280, s4;
	v23 =	vld [tilespmem:s15+$0x8000]  }
0x194: {  	v3 =	vadd.f32 v34, v3;
	v2 =	vadd.f32 v35, v2;
	s20 =	sor.u32 $0x300, s4;
	v28 =	vld [tilespmem:s19+$0x8000]  }
0x195: {  	v1 =	vadd.f32 v40, v1;
	v0 =	vadd.f32 v41, v0;
	s14 =	sor.u32 $0x380, s4;
	v26 =	vld [tilespmem:s20+$0x8000];
	s19 =	sadd.s32 $0x30, s4  }
0x196: {  	v16 =	vadd.f32 v16, v3;
	v17 =	vadd.f32 v17, v2;
	v29 =	vld [tilespmem:s14+$0x8000];
	s15 =	sor.u32 $0x200, s19  }
0x197: {  	s10 =	sadd.s32 $0x20, s4;
	v10 =	vadd.f32 v42, v1;
	v11 =	vadd.f32 v43, v0;
	s20 =	sor.u32 $0x280, s19;
	v18 =	vld [tilespmem:s15+$0x8000]  }
0x198: {  	s14 =	simm.s32 $0x40;
	s15 =	sor.u32 $0x200, s10;
	v32 =	vadd.f32 v19, v63;
	v33 =	vadd.f32 v20, v21;
	v19 =	vld [tilespmem:s20+$0x8000]  }
.LBB2_16:
0x199: {  	p2 =	sne.s32 s14, $0xFC0;
	v0 =	vadd.f32 v30, v12;
	v1 =	vadd.f32 v31, v13;
	s4 =	sadd.s32 $0x10, s4;
	v2 =	vld [tilespmem:s15+$0x8000];
	s15 =	sor.u32 $0x280, s10  }
0x19a: {  	v3 =	vadd.f32 v22, v32;
	v12 =	vadd.f32 v25, v33;
	s20 =	sor.u32 $0x200, s4;
	v20 =	vld [tilespmem:s15+$0x8000]  }
0x19b: {  	s15 =	sor.u32 $0x280, s4;
	v0 =	vadd.f32 v24, v0;
	v1 =	vadd.f32 v27, v1;
	v21 =	vld [tilespmem:s20+$0x8000]  }
0x19c: {  	v22 =	vld [tilespmem:s15+$0x8000];
	s15 =	sor.u32 $0x300, s4;
	v3 =	vadd.f32 v14, v3;
	v12 =	vadd.f32 v15, v12  }
0x19d: {  	s4 =	sor.u32 $0x380, s4;
	v14 =	vld [tilespmem:s15+$0x8000];
	v0 =	vadd.f32 v4, v0;
	v1 =	vadd.f32 v5, v1  }
0x19e: {  	v4 =	vld [tilespmem:s4+$0x8000];
	s4 =	sor.u32 $0x300, s10;
	v3 =	vadd.f32 v6, v3;
	v33 =	vadd.f32 v8, v12  }
0x19f: {  	v5 =	vld [tilespmem:s4+$0x8000];
	s4 =	sor.u32 $0x380, s10;
	v12 =	vadd.f32 v7, v0;
	v13 =	vadd.f32 v9, v1  }
0x1a0: {  	s9 =	sadd.s32 $0x200, s9;
	v0 =	vadd.f32 v23, v16;
	v1 =	vadd.f32 v28, v17;
	v9 =	vld [tilespmem:s4+$0x8000];
	s4 =	sor.u32 $0x300, s19  }
0x1a1: {  	s15 =	sand.u32 $0x7C00, s9;
	v8 =	vadd.f32 v29, v11;
	s10 =	sand.u32 $0x40, s14;
	v7 =	vadd.f32 v26, v10;
	v10 =	vld [tilespmem:s4+$0x8000];
	s4 =	sor.u32 $0x380, s19  }
0x1a2: {  	s10 =	sor.u32 s10, s15;
	v0 =	vadd.f32 v21, v0;
	v1 =	vadd.f32 v22, v1;
	v11 =	vld [tilespmem:s4+$0x8000]  }
0x1a3: {  	v14 =	vadd.f32 v14, v7;
	v6 =	vld [tilespmem:s10+$0x8030];
	v4 =	vadd.f32 v4, v8  }
0x1a4: {  	v0 =	vadd.f32 v2, v0;
	v1 =	vadd.f32 v20, v1;
	v8 =	vld [tilespmem:s10+$0x80B0]  }
0x1a5: {  	v2 =	vadd.f32 v5, v14;
	v7 =	vld [tilespmem:s10+$0x8130];
	v4 =	vadd.f32 v9, v4  }
0x1a6: {  	v16 =	vadd.f32 v18, v0;
	v17 =	vadd.f32 v19, v1;
	v9 =	vld [tilespmem:s10+$0x81B0]  }
0x1a7: {  	v10 =	vadd.f32 v10, v2;
	v14 =	vld [tilespmem:s10+$0x8020];
	v11 =	vadd.f32 v11, v4  }
0x1a8: {  	v15 =	vld [tilespmem:s10+$0x80A0]  }
0x1a9: {  	v4 =	vld [tilespmem:s10+$0x8120]  }
0x1aa: {  	v5 =	vld [tilespmem:s10+$0x81A0]  }
0x1ab: {  	v22 =	vld [tilespmem:s10+$0x8010]  }
0x1ac: {  	v25 =	vld [tilespmem:s10+$0x8090]  }
0x1ad: {  	v24 =	vld [tilespmem:s10+$0x8110]  }
0x1ae: {  	p1 =	por !p1, !p1;
	s4 =	simm.s32 $0x1;
	v27 =	vld [tilespmem:s10+$0x8190]  }
0x1af: {  	s4 =	simm.s32 @!p1 $0x0;
	v0 =	vld [tilespmem:s10+$0x8000]  }
0x1b0: {  	s4 =	sshll.u32 s4, $0x6;
	v1 =	vld [tilespmem:s10+$0x8080]  }
0x1b1: {  	s4 =	sadd.s32 s4, s9;
	v30 =	vld [tilespmem:s10+$0x8100]  }
0x1b2: {  	v31 =	vld [tilespmem:s10+$0x8180];
	s10 =	sor.u32 $0x200, s4  }
0x1b3: {  	v23 =	vld [tilespmem:s10+$0x8000];
	s10 =	sor.u32 $0x280, s4  }
.Ltmp7:
0x1b4: {  	v28 =	vld [tilespmem:s10+$0x8000];
	s10 =	sor.u32 $0x300, s4;
	(pc) =	sbr.rel @p2 .LBB2_16-.Ltmp7, $4  }
0x1b5: {  	s19 =	sadd.s32 $0x30, s4;
	v26 =	vld [tilespmem:s10+$0x8000];
	s10 =	sor.u32 $0x380, s4  }
0x1b6: {  	s15 =	sor.u32 $0x200, s19;
	v29 =	vld [tilespmem:s10+$0x8000]  }
0x1b7: {  	s20 =	sor.u32 $0x280, s19;
	s10 =	sadd.s32 $0x20, s4;
	v18 =	vld [tilespmem:s15+$0x8000]  }
0x1b8: {  	s14 =	sadd.s32 $0x40, s14;
	v32 =	vadd.f32 v0, v3;
	v33 =	vadd.f32 v1, v33;
	s15 =	sor.u32 $0x200, s10;
	v19 =	vld [tilespmem:s20+$0x8000]  }
0x1b9: {  	s4 =	sadd.s32 $0x10, s4;
	v34 =	vld [tilespmem:s15+$0x8000];
	s9 =	sor.u32 $0x280, s10  }
0x1ba: {  	s14 =	sor.u32 $0x200, s4;
	v35 =	vld [tilespmem:s9+$0x8000]  }
0x1bb: {  	s15 =	sor.u32 $0x280, s4;
	v36 =	vld [tilespmem:s14+$0x8000]  }
0x1bc: {  	s20 =	sor.u32 $0x300, s4;
	v37 =	vld [tilespmem:s15+$0x8000]  }
0x1bd: {  	s4 =	sor.u32 $0x380, s4;
	v38 =	vld [tilespmem:s20+$0x8000]  }
0x1be: {  	s9 =	sor.u32 $0x380, s19;
	v39 =	vld [tilespmem:s4+$0x8000]  }
0x1bf: {  	s5 =	sadd.s32 @!p0 s5, s12;
	s14 =	sor.u32 $0x300, s10;
	v43 =	vld [tilespmem:s9+$0x8000]  }
0x1c0: {  	s5 =	sshrl.u32 @!p0 s5, $0x3;
	s15 =	sor.u32 $0x380, s10;
	s20 =	sor.u32 $0x300, s19;
	v40 =	vld [tilespmem:s14+$0x8000]  }
0x1c1: {  	s4 =	sadd.s32 @!p0 s2, s5;
	s5 =	simm.s32 @!p0 $0x0;
	s9 =	simm.s32 @!p0 $0x8000;
	v41 =	vld [tilespmem:s15+$0x8000]  }
0x1c2: {  	v42 =	vld [tilespmem:s20+$0x8000];
	[tilespmem:s9], [sflag:$0x1] =	stream.linear.gather @!p0 [hbm4b:s4+s5], $0x8000, $0x38  }
0x1c3: {  	s5 =	simm.s32 $0x0;
	_ =	swait.ge [sflag:s26], $0x8000  }
0x1c4: {  	s10 =	sand.u32 $0x40, s5;
	s14 =	sand.u32 $0x7C00, s5;
	[sflag:s26] =	ssyncset.done $0x0  }
0x1c5: {  	s9 =	sor.u32 s10, s14;
	[sflag:s26] =	ssyncadd.s32 $0xFFFF8000  }
0x1c6: {  	v0 =	vld [tilespmem:s9+$0x10030]  }
0x1c7: {  	v2 =	vld [tilespmem:s9+$0x100B0]  }
0x1c8: {  	v1 =	vld [tilespmem:s9+$0x10130]  }
0x1c9: {  	v3 =	vld [tilespmem:s9+$0x101B0]  }
0x1ca: {  	v20 =	vld [tilespmem:s9+$0x10020]  }
0x1cb: {  	v21 =	vld [tilespmem:s9+$0x100A0]  }
0x1cc: {  	v30 =	vadd.f32 v30, v12;
	v31 =	vadd.f32 v31, v13;
	v12 =	vld [tilespmem:s9+$0x10120]  }
0x1cd: {  	v32 =	vadd.f32 v22, v32;
	v25 =	vadd.f32 v25, v33;
	v13 =	vld [tilespmem:s9+$0x101A0]  }
0x1ce: {  	v24 =	vadd.f32 v24, v30;
	v27 =	vadd.f32 v27, v31;
	v22 =	vld [tilespmem:s9+$0x10010]  }
0x1cf: {  	v14 =	vadd.f32 v14, v32;
	v15 =	vadd.f32 v15, v25;
	v25 =	vld [tilespmem:s9+$0x10090]  }
0x1d0: {  	v10 =	vadd.f32 v26, v10;
	v4 =	vadd.f32 v4, v24;
	v24 =	vld [tilespmem:s9+$0x10110]  }
0x1d1: {  	p1 =	por $0x0, $0x0;
	s4 =	simm.s32 $0x1;
	v5 =	vadd.f32 v5, v27;
	v27 =	vadd.f32 v6, v14;
	v6 =	vld [tilespmem:s9+$0x10190]  }
0x1d2: {  	s4 =	simm.s32 @!p1 $0x0;
	v15 =	vadd.f32 v8, v15;
	v8 =	vadd.f32 v23, v16;
	v63 =	vld [tilespmem:s9+$0x10000]  }
0x1d3: {  	s4 =	sshll.u32 s4, $0x6;
	v5 =	vadd.f32 v9, v5;
	v9 =	vadd.f32 v28, v17;
	v28 =	vld [tilespmem:s9+$0x10080]  }
0x1d4: {  	v11 =	vadd.f32 v29, v11;
	v4 =	vadd.f32 v7, v4;
	s4 =	sadd.s32 $0x0, s4;
	v7 =	vld [tilespmem:s9+$0x10100]  }
0x1d5: {  	v8 =	vadd.f32 v36, v8;
	v26 =	vld [tilespmem:s9+$0x10180];
	s15 =	sor.u32 $0x200, s4;
	v10 =	vadd.f32 v38, v10  }
0x1d6: {  	v11 =	vadd.f32 v39, v11;
	s19 =	sor.u32 $0x280, s4;
	v9 =	vadd.f32 v37, v9;
	v16 =	vld [tilespmem:s15+$0x10000]  }
0x1d7: {  	s20 =	sor.u32 $0x300, s4;
	v23 =	vld [tilespmem:s19+$0x10000];
	v8 =	vadd.f32 v34, v8;
	v14 =	vadd.f32 v40, v10  }
0x1d8: {  	s10 =	sor.u32 $0x380, s4;
	s14 =	sadd.s32 $0x30, s4;
	v17 =	vld [tilespmem:s20+$0x10000];
	v29 =	vadd.f32 v41, v11;
	v9 =	vadd.f32 v35, v9  }
0x1d9: {  	s15 =	sor.u32 $0x200, s14;
	v10 =	vadd.f32 v18, v8;
	v18 =	vld [tilespmem:s10+$0x10000];
	v8 =	vadd.f32 v42, v14  }
0x1da: {  	s19 =	sadd.s32 $0x20, s4;
	s20 =	sor.u32 $0x280, s14;
	v14 =	vld [tilespmem:s15+$0x10000];
	v11 =	vadd.f32 v19, v9;
	v9 =	vadd.f32 v43, v29  }
0x1db: {  	s9 =	simm.s32 $0x40;
	s10 =	sor.u32 $0x200, s19;
	v19 =	vadd.f32 v63, v27;
	v27 =	vadd.f32 v28, v15;
	v15 =	vld [tilespmem:s20+$0x10000]  }
.LBB2_18:
0x1dc: {  	p2 =	sne.s32 s9, $0xFC0;
	v4 =	vadd.f32 v7, v4;
	v5 =	vadd.f32 v26, v5;
	s4 =	sadd.s32 $0x10, s4;
	v7 =	vld [tilespmem:s10+$0x10000];
	s10 =	sor.u32 $0x280, s19  }
0x1dd: {  	v19 =	vadd.f32 v22, v19;
	v22 =	vadd.f32 v25, v27;
	s15 =	sor.u32 $0x200, s4;
	v25 =	vld [tilespmem:s10+$0x10000]  }
0x1de: {  	s10 =	sor.u32 $0x280, s4;
	v4 =	vadd.f32 v24, v4;
	v5 =	vadd.f32 v6, v5;
	v6 =	vld [tilespmem:s15+$0x10000]  }
0x1df: {  	v24 =	vld [tilespmem:s10+$0x10000];
	s10 =	sor.u32 $0x300, s4;
	v19 =	vadd.f32 v20, v19;
	v20 =	vadd.f32 v21, v22  }
0x1e0: {  	s4 =	sor.u32 $0x380, s4;
	v21 =	vld [tilespmem:s10+$0x10000];
	v4 =	vadd.f32 v12, v4;
	v5 =	vadd.f32 v13, v5  }
0x1e1: {  	v12 =	vld [tilespmem:s4+$0x10000];
	s4 =	sor.u32 $0x300, s19;
	v19 =	vadd.f32 v0, v19;
	v27 =	vadd.f32 v2, v20  }
0x1e2: {  	v13 =	vld [tilespmem:s4+$0x10000];
	s4 =	sor.u32 $0x380, s19;
	v4 =	vadd.f32 v1, v4;
	v5 =	vadd.f32 v3, v5  }
0x1e3: {  	s5 =	sadd.s32 $0x200, s5;
	v0 =	vadd.f32 v16, v10;
	v1 =	vadd.f32 v23, v11;
	v3 =	vld [tilespmem:s4+$0x10000];
	s4 =	sor.u32 $0x300, s14  }
0x1e4: {  	s15 =	sand.u32 $0x7C00, s5;
	s10 =	sand.u32 $0x40, s9;
	v2 =	vadd.f32 v17, v8;
	v8 =	vadd.f32 v18, v9;
	v9 =	vld [tilespmem:s4+$0x10000];
	s4 =	sor.u32 $0x380, s14  }
0x1e5: {  	s10 =	sor.u32 s10, s15;
	v6 =	vadd.f32 v6, v0;
	v1 =	vadd.f32 v24, v1;
	v16 =	vld [tilespmem:s4+$0x10000]  }
0x1e6: {  	v10 =	vadd.f32 v21, v2;
	v0 =	vld [tilespmem:s10+$0x10030];
	v8 =	vadd.f32 v12, v8  }
0x1e7: {  	v6 =	vadd.f32 v7, v6;
	v7 =	vadd.f32 v25, v1;
	v2 =	vld [tilespmem:s10+$0x100B0]  }
0x1e8: {  	v12 =	vadd.f32 v13, v10;
	v1 =	vld [tilespmem:s10+$0x10130];
	v13 =	vadd.f32 v3, v8  }
0x1e9: {  	v10 =	vadd.f32 v14, v6;
	v11 =	vadd.f32 v15, v7;
	v3 =	vld [tilespmem:s10+$0x101B0]  }
0x1ea: {  	v8 =	vadd.f32 v9, v12;
	v20 =	vld [tilespmem:s10+$0x10020];
	v9 =	vadd.f32 v16, v13  }
0x1eb: {  	v21 =	vld [tilespmem:s10+$0x100A0]  }
0x1ec: {  	v12 =	vld [tilespmem:s10+$0x10120]  }
0x1ed: {  	v13 =	vld [tilespmem:s10+$0x101A0]  }
0x1ee: {  	v22 =	vld [tilespmem:s10+$0x10010]  }
0x1ef: {  	v25 =	vld [tilespmem:s10+$0x10090]  }
0x1f0: {  	v24 =	vld [tilespmem:s10+$0x10110]  }
0x1f1: {  	p1 =	por !p1, !p1;
	s4 =	simm.s32 $0x1;
	v6 =	vld [tilespmem:s10+$0x10190]  }
0x1f2: {  	s4 =	simm.s32 @!p1 $0x0;
	v15 =	vld [tilespmem:s10+$0x10000]  }
0x1f3: {  	s4 =	sshll.u32 s4, $0x6;
	v28 =	vld [tilespmem:s10+$0x10080]  }
0x1f4: {  	s4 =	sadd.s32 s4, s5;
	v7 =	vld [tilespmem:s10+$0x10100]  }
0x1f5: {  	v26 =	vld [tilespmem:s10+$0x10180];
	s10 =	sor.u32 $0x200, s4  }
0x1f6: {  	v16 =	vld [tilespmem:s10+$0x10000];
	s10 =	sor.u32 $0x280, s4  }
.Ltmp8:
0x1f7: {  	v23 =	vld [tilespmem:s10+$0x10000];
	s10 =	sor.u32 $0x300, s4;
	(pc) =	sbr.rel @p2 .LBB2_18-.Ltmp8, $4  }
0x1f8: {  	s14 =	sadd.s32 $0x30, s4;
	v17 =	vld [tilespmem:s10+$0x10000];
	s10 =	sor.u32 $0x380, s4  }
0x1f9: {  	v18 =	vld [tilespmem:s10+$0x10000];
	s10 =	sor.u32 $0x200, s14  }
0x1fa: {  	s19 =	sadd.s32 $0x20, s4;
	s15 =	sor.u32 $0x280, s14;
	v14 =	vld [tilespmem:s10+$0x10000]  }
0x1fb: {  	s9 =	sadd.s32 $0x40, s9;
	v19 =	vadd.f32 v15, v19;
	v27 =	vadd.f32 v28, v27;
	s10 =	sor.u32 $0x200, s19;
	v15 =	vld [tilespmem:s15+$0x10000]  }
0x1fc: {  	v4 =	vadd.f32 v7, v4;
	s4 =	sadd.s32 $0x10, s4;
	v54 =	vld [tilespmem:s10+$0x10000];
	s5 =	sor.u32 $0x280, s19  }
0x1fd: {  	v5 =	vadd.f32 v26, v5;
	v7 =	vadd.f32 v22, v19;
	s9 =	sor.u32 $0x200, s4;
	v56 =	vld [tilespmem:s5+$0x10000]  }
0x1fe: {  	v55 =	vadd.f32 v25, v27;
	s20 =	sor.u32 $0x280, s4;
	v4 =	vadd.f32 v24, v4;
	v57 =	vld [tilespmem:s9+$0x10000]  }
0x1ff: {  	v8 =	vadd.f32 v17, v8;
	v5 =	vadd.f32 v6, v5;
	v58 =	vld [tilespmem:s20+$0x10000];
	s9 =	sor.u32 $0x300, s4  }
0x200: {  	s4 =	sor.u32 $0x380, s4;
	v6 =	vadd.f32 v20, v7;
	v59 =	vld [tilespmem:s9+$0x10000];
	v4 =	vadd.f32 v12, v4  }
0x201: {  	s10 =	sor.u32 $0x300, s19;
	v19 =	vadd.f32 v21, v55;
	v61 =	vld [tilespmem:s4+$0x10000];
	v60 =	vadd.f32 v13, v5  }
0x202: {  	s15 =	sor.u32 $0x380, s19;
	v7 =	vadd.f32 v0, v6;
	v0 =	vld [tilespmem:s10+$0x10000];
	v5 =	vadd.f32 v1, v4  }
0x203: {  	s19 =	sor.u32 $0x300, s14;
	v4 =	vadd.f32 v3, v60;
	v1 =	vadd.f32 v16, v10;
	v3 =	vld [tilespmem:s15+$0x10000]  }
0x204: {  	v62 =	vld [tilespmem:s19+$0x10000];
	v9 =	vadd.f32 v18, v9;
	s20 =	sor.u32 $0x380, s14;
	v6 =	vadd.f32 v2, v19  }
0x205: {  	v63 =	vld [tilespmem:s20+$0x10000];
	v2 =	vadd.f32 v23, v11;
	v1 =	vadd.f32 v57, v1  }
0x206: {  	v8 =	vadd.f32 v59, v8;
	v9 =	vadd.f32 v61, v9  }
.Ltmp9:
0x207: {  	v2 =	vadd.f32 v58, v2;
	v1 =	vadd.f32 v54, v1;
	(pc) =	sbr.rel @p0 .LBB2_21-.Ltmp9, $4  }
0x208: {  	v0 =	vadd.f32 v0, v8;
	v8 =	vadd.f32 v3, v9  }
0x209: {  	v2 =	vadd.f32 v56, v2;
	v3 =	vadd.f32 v14, v1  }
0x20a: {  	v1 =	vadd.f32 v62, v0;
	v0 =	vadd.f32 v63, v8  }
0x20b: {  	v2 =	vadd.f32 v15, v2  }
0x20c: {  	s4 =	smul.u32 $0x18000, s0  }
.Ltmp10:
0x20d: {  	_ = 	snop;
	(pc) =	sbr.rel .LBB2_13-.Ltmp10, $4  }
0x20e: {  	s4 =	sadd.s32 s4, s13  }
0x20f: {  	s4 =	sshrl.u32 s4, $0x3  }
0x210: {  	s0 =	sadd.s32 $0x1, s0;
	s4 =	sadd.s32 s2, s4  }
0x211: {  	[tilespmem:s25], [sflag:$0x1] =	stream.linear.gather [hbm4b:s4+s3], $0x8000, $0x38;
	[tilespmem:$0x1B880] =	vst v63  }
.LBB2_21:
0x212: {  	s1 =	simm.s32 $0x0;
	s0 =	rddreg [dreg:$0x10]  }
0x213: {  	[tilespmem:s28], [sflag:$0x2] =	stream.linear.gather [hbm4b:s0+s1], $0x3800, $0x38;
	[tilespmem:$0x1B880] =	vst v63  }
0x214: {  	s20 =	sand.u32 $0x7, s1  }
0x215: {  	_ =	swait.ge [sflag:s29], $0x3800;
	s0 =	sshll.u32 s20, $0x4  }
0x216: {  	s4 =	sand.u32 $0x70, s1;
	[sflag:s29] =	ssyncset.done $0x0;
	s0 =	sadd.s32 $0x0, s0  }
0x217: {  	s5 =	sand.u32 $0x3C00, s1;
	[sflag:s29] =	ssyncadd.s32 $0xFFFFC800;
	s9 =	sor.u32 $0x380, s0  }
0x218: {  	s0 =	sor.u32 s4, s5;
	v8 =	vld [tilespmem:s9+$0x18000]  }
0x219: {  	v12 =	vld [tilespmem:s0+$0x18000]  }
0x21a: {  	v11 =	vld [tilespmem:s0+$0x18080]  }
0x21b: {  	s4 =	simm.s32 $0x1;
	v9 =	vld [tilespmem:s0+$0x18100]  }
0x21c: {  	s5 =	simm.s32 $0x20;
	s9 =	simm.s32 $0x10;
	s10 =	sand.u32 $0x7, s4;
	v10 =	vld [tilespmem:s0+$0x18180]  }
.LBB2_22:
0x21d: {  	p0 =	sne.s32 s5, $0x690;
	s10 =	sshll.u32 s10, $0x4;
	v13 =	vld [tilespmem:s0+$0x18200];
	v0 =	vadd.f32 v8, v0;
	s1 =	sadd.s32 $0x80, s1  }
0x21e: {  	s9 =	sand.u32 $0x70, s9;
	s10 =	sadd.s32 s10, s1;
	s14 =	sand.u32 $0x3C00, s1;
	v7 =	vadd.f32 v12, v7;
	v14 =	vld [tilespmem:s0+$0x18280]  }
0x21f: {  	s10 =	sor.u32 $0x380, s10;
	v6 =	vadd.f32 v11, v6;
	v15 =	vld [tilespmem:s0+$0x18300];
	s0 =	sor.u32 s9, s14;
	s9 =	smov.u32 s5  }
.Ltmp11:
0x220: {  	v8 =	vld [tilespmem:s10+$0x18000];
	v5 =	vadd.f32 v9, v5;
	(pc) =	sbr.rel @p0 .LBB2_22-.Ltmp11, $4  }
0x221: {  	v12 =	vld [tilespmem:s0+$0x18000];
	v4 =	vadd.f32 v10, v4  }
0x222: {  	v11 =	vld [tilespmem:s0+$0x18080];
	v3 =	vadd.f32 v13, v3  }
0x223: {  	s4 =	sadd.s32 $0x1, s4;
	v9 =	vld [tilespmem:s0+$0x18100];
	v2 =	vadd.f32 v14, v2  }
0x224: {  	s5 =	sadd.s32 $0x10, s5;
	s10 =	sand.u32 $0x7, s4;
	v10 =	vld [tilespmem:s0+$0x18180];
	v1 =	vadd.f32 v15, v1  }
0x225: {  	s1 =	sadd.s32 $0x80, s1  }
0x226: {  	s4 =	sand.u32 $0x70, s9;
	s5 =	sand.u32 $0x3C00, s1  }
0x227: {  	s4 =	sor.u32 s4, s5  }
0x228: {  	v13 =	vld [tilespmem:s4+$0x18000];
	_ =	sdelay $0x1  }
0x229: {  	v14 =	vld [tilespmem:s4+$0x18080]  }
0x22a: {  	v7 =	vadd.f32 v12, v7  }
0x22b: {  	v59 =	vld [tilespmem:s4+$0x18100]  }
0x22c: {  	v60 =	vld [tilespmem:s0+$0x18200];
	v6 =	vadd.f32 v11, v6;
	v7 =	vadd.f32 v13, v7  }
0x22d: {  	v61 =	vld [tilespmem:s4+$0x18180]  }
0x22e: {  	v62 =	vld [tilespmem:s0+$0x18280];
	v5 =	vadd.f32 v9, v5;
	v6 =	vadd.f32 v14, v6;
	(xrf2) =	vadd.scan.msk.f32 $0xffff, v7  }
0x22f: {  	v7 =	vld [tilespmem:s4+$0x18200]  }
0x230: {  	v4 =	vadd.f32 v10, v4;
	v5 =	vadd.f32 v59, v5;
	(xrf2) =	vadd.scan.msk.f32 $0xffff, v6  }
0x231: {  	v6 =	vld [tilespmem:s4+$0x18280]  }
0x232: {  	v63 =	vld [tilespmem:s0+$0x18300];
	v3 =	vadd.f32 v60, v3;
	v4 =	vadd.f32 v61, v4;
	(xrf2) =	vadd.scan.msk.f32 $0xffff, v5  }
0x233: {  	s10 =	sshll.u32 s10, $0x4  }
0x234: {  	s0 =	sadd.s32 s10, s1;
	v2 =	vadd.f32 v62, v2;
	v5 =	vld [tilespmem:s4+$0x18300];
	(xrf2) =	vadd.scan.msk.f32 $0xffff, v4;
	v3 =	vadd.f32 v7, v3  }
0x235: {  	s0 =	sor.u32 $0x380, s0  }
0x236: {  	v4 =	vld [tilespmem:s0+$0x18000];
	v2 =	vadd.f32 v6, v2;
	(xrf2) =	vadd.scan.msk.f32 $0xffff, v3  }
0x237: {  	v1 =	vadd.f32 v63, v1  }
0x238: {  	v3, _, _ =	vpop (xrf2);
	(xrf2) =	vadd.scan.msk.f32 $0xffff, v2  }
0x239: {  	v0 =	vadd.f32 v8, v0;
	v1 =	vadd.f32 v5, v1;
	v2 =	vbroadcast v3, $0xF  }
0x23a: {  	v3, _, _ =	vpop (xrf2)  }
0x23b: {  	v0 =	vadd.f32 v4, v0;
	(xrf2) =	vadd.scan.msk.f32 $0xffff, v1;
	v1 =	vnsel vm0, $0x0, v2;
	v2 =	vbroadcast v3, $0xF  }
0x23c: {  	v3, _, _ =	vpop (xrf2)  }
0x23d: {  	(xrf2) =	vadd.scan.msk.f32 $0xffff, v0;
	v1 =	vadd.f32 $0.0e+00, v1;
	v0 =	vnsel vm1, $0x0, v2;
	v2 =	vbroadcast v3, $0xF  }
0x23e: {  	v3, _, _ =	vpop (xrf2)  }
0x23f: {  	v0 =	vadd.f32 v0, v1;
	v1 =	vnsel vm2, $0x0, v2;
	v2 =	vbroadcast v3, $0xF  }
0x240: {  	v3, _, _ =	vpop (xrf2)  }
0x241: {  	v0 =	vadd.f32 v1, v0;
	v1 =	vnsel vm3, $0x0, v2;
	v2 =	vbroadcast v3, $0xF  }
0x242: {  	v3, _, _ =	vpop (xrf2)  }
0x243: {  	v0 =	vadd.f32 v1, v0;
	v1 =	vnsel vm4, $0x0, v2;
	v2 =	vbroadcast v3, $0xF;
	_ =	sdelay $0x1  }
0x244: {  	v0 =	vadd.f32 v1, v0;
	v1 =	vnsel vm5, $0x0, v2  }
0x245: {  	v3, _, _ =	vpop (xrf2)  }
0x246: {  	v2 =	vbroadcast v3, $0xF  }
0x247: {  	v0 =	vadd.f32 v1, v0;
	v1, _, _ =	vpop (xrf2)  }
0x248: {  	v2 =	vnsel vm6, $0x0, v2;
	v1 =	vbroadcast v1, $0xF  }
0x249: {  	v0 =	vadd.f32 v2, v0  }
0x24a: {  	v1 =	vnsel vm7, $0x0, v1  }
0x24b: {  	v0 =	vadd.f32 v1, v0;
	_ =	sdelay $0x1  }
0x24c: {  	s14 =	rddreg [dreg:$0x6];
	s1 =	simm.s32 $0x0;
	[tilespmem:$0x1B800] =	vst v0  }
0x24d: {  	[hbm4b:s14+s1] =	stream.linear.scatter [tilespmem:s30], [sflag:$0x2], $0x8, $0x38;
	[tilespmem:$0x1B880] =	vst v63  }
0x24e: {  	_ =	swait.ge [sflag:s29], $0x8  }
0x24f: {  	[sflag:s29] =	ssyncset.done $0x0  }
0x250: {  	s15 =	rddreg [dreg:$0x7];
	[sflag:s29] =	ssyncadd.s32 $0xFFFFFFF8  }
0x251: {  	[tilespmem:s1], [sflag:$0x1] =	stream.linear.gather [hbm4b:s15+s1], $0x8000, $0x38;
	[tilespmem:$0x1B880] =	vst v63  }
0x252: {  	s19 =	rddreg [dreg:$0x11]  }
0x253: {  	v7 =	vimm.f32 $0.0e+00;
	v6 =	vimm.f32 $0.0e+00;
	[tilespmem:s22], [sflag:$0x1] =	stream.linear.gather [hbm4b:s19+s1], $0x8000, $0x38;
	[tilespmem:$0x1B880] =	vst v63  }
0x254: {  	s0 =	simm.s32 $0x0;
	v5 =	vimm.f32 $0.0e+00;
	v4 =	vimm.f32 $0.0e+00;
	v3 =	vimm.f32 $0.0e+00;
	s20 =	rddreg [dreg:$0x12]  }
0x255: {  	v2 =	vimm.f32 $0.0e+00;
	v1 =	vimm.f32 $0.0e+00;
	v0 =	vimm.f32 $0.0e+00;
	[tilespmem:s25], [sflag:$0x1] =	stream.linear.gather [hbm4b:s20+s1], $0x8000, $0x38;
	[tilespmem:$0x1B880] =	vst v63  }
.LBB2_24:
0x256: {  	_ =	swait.ge [sflag:s26], $0x8000  }
0x257: {  	s4 =	sand.u32 $0x40, s1;
	s5 =	sand.u32 $0x7C00, s1;
	[sflag:s26] =	ssyncset.done $0x0  }
0x258: {  	s5 =	sor.u32 s4, s5;
	[sflag:s26] =	ssyncadd.s32 $0xFFFF8000  }
0x259: {  	v10 =	vld [tilespmem:s5+$0x30]  }
0x25a: {  	v12 =	vld [tilespmem:s5+$0xB0]  }
0x25b: {  	v11 =	vld [tilespmem:s5+$0x130]  }
0x25c: {  	v13 =	vld [tilespmem:s5+$0x1B0]  }
0x25d: {  	v18 =	vld [tilespmem:s5+$0x20]  }
0x25e: {  	v21 =	vld [tilespmem:s5+$0xA0]  }
0x25f: {  	v19 =	vld [tilespmem:s5+$0x120]  }
0x260: {  	v20 =	vld [tilespmem:s5+$0x1A0]  }
0x261: {  	v24 =	vld [tilespmem:s5+$0x10]  }
0x262: {  	v27 =	vld [tilespmem:s5+$0x90]  }
0x263: {  	v22 =	vld [tilespmem:s5+$0x110]  }
0x264: {  	p0 =	por $0x0, $0x0;
	s4 =	simm.s32 $0x1;
	v25 =	vld [tilespmem:s5+$0x190]  }
0x265: {  	s4 =	simm.s32 @!p0 $0x0;
	v8 =	vld [tilespmem:s5+$0x0]  }
0x266: {  	s4 =	sshll.u32 s4, $0x6;
	v9 =	vld [tilespmem:s5+$0x80]  }
0x267: {  	v30 =	vld [tilespmem:s5+$0x100];
	s4 =	sadd.s32 $0x0, s4  }
0x268: {  	v31 =	vld [tilespmem:s5+$0x180];
	s19 =	sor.u32 $0x200, s4  }
0x269: {  	s20 =	sor.u32 $0x280, s4;
	v26 =	vld [tilespmem:s19+$0x0]  }
0x26a: {  	s9 =	sor.u32 $0x300, s4;
	v28 =	vld [tilespmem:s20+$0x0]  }
0x26b: {  	s10 =	sor.u32 $0x380, s4;
	s14 =	sadd.s32 $0x30, s4;
	v23 =	vld [tilespmem:s9+$0x0]  }
0x26c: {  	v29 =	vld [tilespmem:s10+$0x0];
	s15 =	sor.u32 $0x200, s14  }
0x26d: {  	s19 =	sadd.s32 $0x20, s4;
	s20 =	sor.u32 $0x280, s14;
	v16 =	vld [tilespmem:s15+$0x0]  }
0x26e: {  	s5 =	simm.s32 $0x40;
	s9 =	simm.s32 $0x0;
	s10 =	sor.u32 $0x200, s19;
	v17 =	vld [tilespmem:s20+$0x0];
	v32 =	vadd.f32 v8, v7;
	v33 =	vadd.f32 v9, v6  }
.LBB2_25:
0x26f: {  	p1 =	sne.s32 s5, $0xFC0;
	v5 =	vadd.f32 v30, v5;
	v4 =	vadd.f32 v31, v4;
	s4 =	sadd.s32 $0x10, s4;
	v6 =	vld [tilespmem:s10+$0x0];
	s10 =	sor.u32 $0x280, s19  }
0x270: {  	v7 =	vadd.f32 v24, v32;
	v8 =	vadd.f32 v27, v33;
	s15 =	sor.u32 $0x200, s4;
	v9 =	vld [tilespmem:s10+$0x0]  }
0x271: {  	s10 =	sor.u32 $0x280, s4;
	v5 =	vadd.f32 v22, v5;
	v4 =	vadd.f32 v25, v4;
	v14 =	vld [tilespmem:s15+$0x0]  }
0x272: {  	v15 =	vld [tilespmem:s10+$0x0];
	s10 =	sor.u32 $0x300, s4;
	v7 =	vadd.f32 v18, v7;
	v8 =	vadd.f32 v21, v8  }
0x273: {  	s4 =	sor.u32 $0x380, s4;
	v18 =	vld [tilespmem:s10+$0x0];
	v5 =	vadd.f32 v19, v5;
	v4 =	vadd.f32 v20, v4  }
0x274: {  	v19 =	vld [tilespmem:s4+$0x0];
	s4 =	sor.u32 $0x300, s19;
	v7 =	vadd.f32 v10, v7;
	v8 =	vadd.f32 v12, v8  }
0x275: {  	v20 =	vld [tilespmem:s4+$0x0];
	s4 =	sor.u32 $0x380, s19;
	v5 =	vadd.f32 v11, v5;
	v4 =	vadd.f32 v13, v4  }
0x276: {  	v3 =	vadd.f32 v26, v3;
	v2 =	vadd.f32 v28, v2;
	s9 =	sadd.s32 $0x200, s9;
	v13 =	vld [tilespmem:s4+$0x0];
	s4 =	sor.u32 $0x300, s14  }
0x277: {  	v1 =	vadd.f32 v23, v1;
	s15 =	sand.u32 $0x7C00, s9;
	v0 =	vadd.f32 v29, v0;
	s10 =	sand.u32 $0x40, s5;
	v21 =	vld [tilespmem:s4+$0x0];
	s4 =	sor.u32 $0x380, s14  }
0x278: {  	s10 =	sor.u32 s10, s15;
	v3 =	vadd.f32 v14, v3;
	v2 =	vadd.f32 v15, v2;
	v14 =	vld [tilespmem:s4+$0x0]  }
0x279: {  	v1 =	vadd.f32 v18, v1;
	v10 =	vld [tilespmem:s10+$0x30];
	v0 =	vadd.f32 v19, v0  }
0x27a: {  	v3 =	vadd.f32 v6, v3;
	v2 =	vadd.f32 v9, v2;
	v12 =	vld [tilespmem:s10+$0xB0]  }
0x27b: {  	v1 =	vadd.f32 v20, v1;
	v11 =	vld [tilespmem:s10+$0x130];
	v0 =	vadd.f32 v13, v0  }
0x27c: {  	v3 =	vadd.f32 v16, v3;
	v2 =	vadd.f32 v17, v2;
	v13 =	vld [tilespmem:s10+$0x1B0]  }
0x27d: {  	v1 =	vadd.f32 v21, v1;
	v18 =	vld [tilespmem:s10+$0x20];
	v0 =	vadd.f32 v14, v0  }
0x27e: {  	v21 =	vld [tilespmem:s10+$0xA0]  }
0x27f: {  	v19 =	vld [tilespmem:s10+$0x120]  }
0x280: {  	v20 =	vld [tilespmem:s10+$0x1A0]  }
0x281: {  	v24 =	vld [tilespmem:s10+$0x10]  }
0x282: {  	v27 =	vld [tilespmem:s10+$0x90]  }
0x283: {  	v22 =	vld [tilespmem:s10+$0x110]  }
0x284: {  	p0 =	por !p0, !p0;
	s4 =	simm.s32 $0x1;
	v25 =	vld [tilespmem:s10+$0x190]  }
0x285: {  	s4 =	simm.s32 @!p0 $0x0;
	v6 =	vld [tilespmem:s10+$0x0]  }
0x286: {  	s4 =	sshll.u32 s4, $0x6;
	v9 =	vld [tilespmem:s10+$0x80]  }
0x287: {  	s4 =	sadd.s32 s4, s9;
	v30 =	vld [tilespmem:s10+$0x100]  }
0x288: {  	v31 =	vld [tilespmem:s10+$0x180];
	s10 =	sor.u32 $0x200, s4  }
0x289: {  	v26 =	vld [tilespmem:s10+$0x0];
	s10 =	sor.u32 $0x280, s4  }
.Ltmp12:
0x28a: {  	v28 =	vld [tilespmem:s10+$0x0];
	s10 =	sor.u32 $0x300, s4;
	(pc) =	sbr.rel @p1 .LBB2_25-.Ltmp12, $4  }
0x28b: {  	s14 =	sadd.s32 $0x30, s4;
	v23 =	vld [tilespmem:s10+$0x0];
	s10 =	sor.u32 $0x380, s4  }
0x28c: {  	v29 =	vld [tilespmem:s10+$0x0];
	s10 =	sor.u32 $0x200, s14  }
0x28d: {  	s19 =	sadd.s32 $0x20, s4;
	s15 =	sor.u32 $0x280, s14;
	v16 =	vld [tilespmem:s10+$0x0]  }
0x28e: {  	s5 =	sadd.s32 $0x40, s5;
	v32 =	vadd.f32 v6, v7;
	v33 =	vadd.f32 v9, v8;
	s10 =	sor.u32 $0x200, s19;
	v17 =	vld [tilespmem:s15+$0x0]  }
0x28f: {  	v34 =	vld [tilespmem:s10+$0x0];
	s5 =	sor.u32 $0x280, s19  }
0x290: {  	s10 =	sor.u32 $0x300, s19;
	v35 =	vld [tilespmem:s5+$0x0]  }
0x291: {  	s15 =	sor.u32 $0x380, s19;
	v40 =	vld [tilespmem:s10+$0x0]  }
0x292: {  	s4 =	sadd.s32 $0x10, s4;
	p0 =	seq.s32 s0, $0x7;
	s19 =	sor.u32 $0x300, s14;
	v41 =	vld [tilespmem:s15+$0x0]  }
0x293: {  	s9 =	sor.u32 $0x200, s4;
	s5 =	smul.u32 @!p0 $0x18000, s0;
	v42 =	vld [tilespmem:s19+$0x0]  }
0x294: {  	v36 =	vld [tilespmem:s9+$0x0];
	s9 =	sor.u32 $0x300, s4  }
0x295: {  	s20 =	sor.u32 $0x280, s4;
	v38 =	vld [tilespmem:s9+$0x0];
	s9 =	sadd.s32 @!p0 s5, s16  }
0x296: {  	v37 =	vld [tilespmem:s20+$0x0];
	s4 =	sor.u32 $0x380, s4;
	s9 =	sshrl.u32 @!p0 s9, $0x3  }
0x297: {  	s20 =	sor.u32 $0x380, s14;
	v39 =	vld [tilespmem:s4+$0x0];
	s4 =	sadd.s32 @!p0 s2, s9;
	s9 =	simm.s32 @!p0 $0x0  }
0x298: {  	v43 =	vld [tilespmem:s20+$0x0];
	[tilespmem:s9], [sflag:$0x1] =	stream.linear.gather @!p0 [hbm4b:s4+s9], $0x8000, $0x38  }
0x299: {  	s9 =	simm.s32 $0x0;
	_ =	swait.ge [sflag:s26], $0x8000  }
0x29a: {  	s10 =	sand.u32 $0x40, s9;
	s14 =	sand.u32 $0x7C00, s9;
	[sflag:s26] =	ssyncset.done $0x0  }
0x29b: {  	s10 =	sor.u32 s10, s14;
	[sflag:s26] =	ssyncadd.s32 $0xFFFF8000  }
0x29c: {  	v6 =	vld [tilespmem:s10+$0x8030]  }
0x29d: {  	v8 =	vld [tilespmem:s10+$0x80B0]  }
0x29e: {  	v7 =	vld [tilespmem:s10+$0x8130]  }
0x29f: {  	v9 =	vld [tilespmem:s10+$0x81B0]  }
0x2a0: {  	v14 =	vld [tilespmem:s10+$0x8020]  }
0x2a1: {  	v15 =	vld [tilespmem:s10+$0x80A0]  }
0x2a2: {  	v30 =	vadd.f32 v30, v5;
	v31 =	vadd.f32 v31, v4;
	v4 =	vld [tilespmem:s10+$0x8120]  }
0x2a3: {  	v3 =	vadd.f32 v26, v3;
	v24 =	vadd.f32 v24, v32;
	v5 =	vld [tilespmem:s10+$0x81A0]  }
0x2a4: {  	v27 =	vadd.f32 v27, v33;
	v30 =	vadd.f32 v22, v30;
	v22 =	vld [tilespmem:s10+$0x8010]  }
0x2a5: {  	v31 =	vadd.f32 v25, v31;
	v18 =	vadd.f32 v18, v24;
	v25 =	vld [tilespmem:s10+$0x8090]  }
0x2a6: {  	v21 =	vadd.f32 v21, v27;
	v19 =	vadd.f32 v19, v30;
	v24 =	vld [tilespmem:s10+$0x8110]  }
0x2a7: {  	p1 =	por $0x0, $0x0;
	v2 =	vadd.f32 v28, v2;
	v20 =	vadd.f32 v20, v31;
	s4 =	simm.s32 $0x1;
	v27 =	vld [tilespmem:s10+$0x8190]  }
0x2a8: {  	v21 =	vadd.f32 v12, v21;
	v12 =	vadd.f32 v11, v19;
	s4 =	simm.s32 @!p1 $0x0;
	v19 =	vld [tilespmem:s10+$0x8000]  }
0x2a9: {  	v1 =	vadd.f32 v23, v1;
	v13 =	vadd.f32 v13, v20;
	s4 =	sshll.u32 s4, $0x6;
	v20 =	vld [tilespmem:s10+$0x8080]  }
0x2aa: {  	v0 =	vadd.f32 v29, v0;
	v63 =	vadd.f32 v10, v18;
	s4 =	sadd.s32 $0x0, s4;
	v30 =	vld [tilespmem:s10+$0x8100]  }
0x2ab: {  	v3 =	vadd.f32 v36, v3;
	v2 =	vadd.f32 v37, v2;
	v31 =	vld [tilespmem:s10+$0x8180];
	s15 =	sor.u32 $0x200, s4  }
0x2ac: {  	v1 =	vadd.f32 v38, v1;
	v0 =	vadd.f32 v39, v0;
	s19 =	sor.u32 $0x280, s4;
	v23 =	vld [tilespmem:s15+$0x8000]  }
0x2ad: {  	v3 =	vadd.f32 v34, v3;
	v2 =	vadd.f32 v35, v2;
	s20 =	sor.u32 $0x300, s4;
	v28 =	vld [tilespmem:s19+$0x8000]  }
0x2ae: {  	v1 =	vadd.f32 v40, v1;
	v0 =	vadd.f32 v41, v0;
	s14 =	sor.u32 $0x380, s4;
	v26 =	vld [tilespmem:s20+$0x8000];
	s19 =	sadd.s32 $0x30, s4  }
0x2af: {  	v16 =	vadd.f32 v16, v3;
	v17 =	vadd.f32 v17, v2;
	v29 =	vld [tilespmem:s14+$0x8000];
	s15 =	sor.u32 $0x200, s19  }
0x2b0: {  	s10 =	sadd.s32 $0x20, s4;
	v10 =	vadd.f32 v42, v1;
	v11 =	vadd.f32 v43, v0;
	s20 =	sor.u32 $0x280, s19;
	v18 =	vld [tilespmem:s15+$0x8000]  }
0x2b1: {  	s14 =	simm.s32 $0x40;
	s15 =	sor.u32 $0x200, s10;
	v32 =	vadd.f32 v19, v63;
	v33 =	vadd.f32 v20, v21;
	v19 =	vld [tilespmem:s20+$0x8000]  }
.LBB2_27:
0x2b2: {  	p2 =	sne.s32 s14, $0xFC0;
	v0 =	vadd.f32 v30, v12;
	v1 =	vadd.f32 v31, v13;
	s4 =	sadd.s32 $0x10, s4;
	v2 =	vld [tilespmem:s15+$0x8000];
	s15 =	sor.u32 $0x280, s10  }
0x2b3: {  	v3 =	vadd.f32 v22, v32;
	v12 =	vadd.f32 v25, v33;
	s20 =	sor.u32 $0x200, s4;
	v20 =	vld [tilespmem:s15+$0x8000]  }
0x2b4: {  	s15 =	sor.u32 $0x280, s4;
	v0 =	vadd.f32 v24, v0;
	v1 =	vadd.f32 v27, v1;
	v21 =	vld [tilespmem:s20+$0x8000]  }
0x2b5: {  	v22 =	vld [tilespmem:s15+$0x8000];
	s15 =	sor.u32 $0x300, s4;
	v3 =	vadd.f32 v14, v3;
	v12 =	vadd.f32 v15, v12  }
0x2b6: {  	s4 =	sor.u32 $0x380, s4;
	v14 =	vld [tilespmem:s15+$0x8000];
	v0 =	vadd.f32 v4, v0;
	v1 =	vadd.f32 v5, v1  }
0x2b7: {  	v4 =	vld [tilespmem:s4+$0x8000];
	s4 =	sor.u32 $0x300, s10;
	v3 =	vadd.f32 v6, v3;
	v33 =	vadd.f32 v8, v12  }
0x2b8: {  	v5 =	vld [tilespmem:s4+$0x8000];
	s4 =	sor.u32 $0x380, s10;
	v12 =	vadd.f32 v7, v0;
	v13 =	vadd.f32 v9, v1  }
0x2b9: {  	s9 =	sadd.s32 $0x200, s9;
	v0 =	vadd.f32 v23, v16;
	v1 =	vadd.f32 v28, v17;
	v9 =	vld [tilespmem:s4+$0x8000];
	s4 =	sor.u32 $0x300, s19  }
0x2ba: {  	s15 =	sand.u32 $0x7C00, s9;
	v8 =	vadd.f32 v29, v11;
	s10 =	sand.u32 $0x40, s14;
	v7 =	vadd.f32 v26, v10;
	v10 =	vld [tilespmem:s4+$0x8000];
	s4 =	sor.u32 $0x380, s19  }
0x2bb: {  	s10 =	sor.u32 s10, s15;
	v0 =	vadd.f32 v21, v0;
	v1 =	vadd.f32 v22, v1;
	v11 =	vld [tilespmem:s4+$0x8000]  }
0x2bc: {  	v14 =	vadd.f32 v14, v7;
	v6 =	vld [tilespmem:s10+$0x8030];
	v4 =	vadd.f32 v4, v8  }
0x2bd: {  	v0 =	vadd.f32 v2, v0;
	v1 =	vadd.f32 v20, v1;
	v8 =	vld [tilespmem:s10+$0x80B0]  }
0x2be: {  	v2 =	vadd.f32 v5, v14;
	v7 =	vld [tilespmem:s10+$0x8130];
	v4 =	vadd.f32 v9, v4  }
0x2bf: {  	v16 =	vadd.f32 v18, v0;
	v17 =	vadd.f32 v19, v1;
	v9 =	vld [tilespmem:s10+$0x81B0]  }
0x2c0: {  	v10 =	vadd.f32 v10, v2;
	v14 =	vld [tilespmem:s10+$0x8020];
	v11 =	vadd.f32 v11, v4  }
0x2c1: {  	v15 =	vld [tilespmem:s10+$0x80A0]  }
0x2c2: {  	v4 =	vld [tilespmem:s10+$0x8120]  }
0x2c3: {  	v5 =	vld [tilespmem:s10+$0x81A0]  }
0x2c4: {  	v22 =	vld [tilespmem:s10+$0x8010]  }
0x2c5: {  	v25 =	vld [tilespmem:s10+$0x8090]  }
0x2c6: {  	v24 =	vld [tilespmem:s10+$0x8110]  }
0x2c7: {  	p1 =	por !p1, !p1;
	s4 =	simm.s32 $0x1;
	v27 =	vld [tilespmem:s10+$0x8190]  }
0x2c8: {  	s4 =	simm.s32 @!p1 $0x0;
	v0 =	vld [tilespmem:s10+$0x8000]  }
0x2c9: {  	s4 =	sshll.u32 s4, $0x6;
	v1 =	vld [tilespmem:s10+$0x8080]  }
0x2ca: {  	s4 =	sadd.s32 s4, s9;
	v30 =	vld [tilespmem:s10+$0x8100]  }
0x2cb: {  	v31 =	vld [tilespmem:s10+$0x8180];
	s10 =	sor.u32 $0x200, s4  }
0x2cc: {  	v23 =	vld [tilespmem:s10+$0x8000];
	s10 =	sor.u32 $0x280, s4  }
.Ltmp13:
0x2cd: {  	v28 =	vld [tilespmem:s10+$0x8000];
	s10 =	sor.u32 $0x300, s4;
	(pc) =	sbr.rel @p2 .LBB2_27-.Ltmp13, $4  }
0x2ce: {  	s19 =	sadd.s32 $0x30, s4;
	v26 =	vld [tilespmem:s10+$0x8000];
	s10 =	sor.u32 $0x380, s4  }
0x2cf: {  	s15 =	sor.u32 $0x200, s19;
	v29 =	vld [tilespmem:s10+$0x8000]  }
0x2d0: {  	s20 =	sor.u32 $0x280, s19;
	s10 =	sadd.s32 $0x20, s4;
	v18 =	vld [tilespmem:s15+$0x8000]  }
0x2d1: {  	s14 =	sadd.s32 $0x40, s14;
	v32 =	vadd.f32 v0, v3;
	v33 =	vadd.f32 v1, v33;
	s15 =	sor.u32 $0x200, s10;
	v19 =	vld [tilespmem:s20+$0x8000]  }
0x2d2: {  	s4 =	sadd.s32 $0x10, s4;
	v34 =	vld [tilespmem:s15+$0x8000];
	s9 =	sor.u32 $0x280, s10  }
0x2d3: {  	s14 =	sor.u32 $0x200, s4;
	v35 =	vld [tilespmem:s9+$0x8000]  }
0x2d4: {  	s15 =	sor.u32 $0x280, s4;
	v36 =	vld [tilespmem:s14+$0x8000]  }
0x2d5: {  	s20 =	sor.u32 $0x300, s4;
	v37 =	vld [tilespmem:s15+$0x8000]  }
0x2d6: {  	s4 =	sor.u32 $0x380, s4;
	v38 =	vld [tilespmem:s20+$0x8000]  }
0x2d7: {  	s9 =	sor.u32 $0x380, s19;
	v39 =	vld [tilespmem:s4+$0x8000]  }
0x2d8: {  	s5 =	sadd.s32 @!p0 s5, s17;
	s14 =	sor.u32 $0x300, s10;
	v43 =	vld [tilespmem:s9+$0x8000]  }
0x2d9: {  	s5 =	sshrl.u32 @!p0 s5, $0x3;
	s15 =	sor.u32 $0x380, s10;
	s20 =	sor.u32 $0x300, s19;
	v40 =	vld [tilespmem:s14+$0x8000]  }
0x2da: {  	s4 =	sadd.s32 @!p0 s2, s5;
	s5 =	simm.s32 @!p0 $0x0;
	s9 =	simm.s32 @!p0 $0x8000;
	v41 =	vld [tilespmem:s15+$0x8000]  }
0x2db: {  	v42 =	vld [tilespmem:s20+$0x8000];
	[tilespmem:s9], [sflag:$0x1] =	stream.linear.gather @!p0 [hbm4b:s4+s5], $0x8000, $0x38  }
0x2dc: {  	s5 =	simm.s32 $0x0;
	_ =	swait.ge [sflag:s26], $0x8000  }
0x2dd: {  	s10 =	sand.u32 $0x40, s5;
	s14 =	sand.u32 $0x7C00, s5;
	[sflag:s26] =	ssyncset.done $0x0  }
0x2de: {  	s9 =	sor.u32 s10, s14;
	[sflag:s26] =	ssyncadd.s32 $0xFFFF8000  }
0x2df: {  	v0 =	vld [tilespmem:s9+$0x10030]  }
0x2e0: {  	v2 =	vld [tilespmem:s9+$0x100B0]  }
0x2e1: {  	v1 =	vld [tilespmem:s9+$0x10130]  }
0x2e2: {  	v3 =	vld [tilespmem:s9+$0x101B0]  }
0x2e3: {  	v20 =	vld [tilespmem:s9+$0x10020]  }
0x2e4: {  	v21 =	vld [tilespmem:s9+$0x100A0]  }
0x2e5: {  	v30 =	vadd.f32 v30, v12;
	v31 =	vadd.f32 v31, v13;
	v12 =	vld [tilespmem:s9+$0x10120]  }
0x2e6: {  	v32 =	vadd.f32 v22, v32;
	v25 =	vadd.f32 v25, v33;
	v13 =	vld [tilespmem:s9+$0x101A0]  }
0x2e7: {  	v24 =	vadd.f32 v24, v30;
	v27 =	vadd.f32 v27, v31;
	v22 =	vld [tilespmem:s9+$0x10010]  }
0x2e8: {  	v14 =	vadd.f32 v14, v32;
	v15 =	vadd.f32 v15, v25;
	v25 =	vld [tilespmem:s9+$0x10090]  }
0x2e9: {  	v10 =	vadd.f32 v26, v10;
	v4 =	vadd.f32 v4, v24;
	v24 =	vld [tilespmem:s9+$0x10110]  }
0x2ea: {  	p1 =	por $0x0, $0x0;
	s4 =	simm.s32 $0x1;
	v5 =	vadd.f32 v5, v27;
	v27 =	vadd.f32 v6, v14;
	v6 =	vld [tilespmem:s9+$0x10190]  }
0x2eb: {  	s4 =	simm.s32 @!p1 $0x0;
	v15 =	vadd.f32 v8, v15;
	v8 =	vadd.f32 v23, v16;
	v63 =	vld [tilespmem:s9+$0x10000]  }
0x2ec: {  	s4 =	sshll.u32 s4, $0x6;
	v5 =	vadd.f32 v9, v5;
	v9 =	vadd.f32 v28, v17;
	v28 =	vld [tilespmem:s9+$0x10080]  }
0x2ed: {  	v11 =	vadd.f32 v29, v11;
	v4 =	vadd.f32 v7, v4;
	s4 =	sadd.s32 $0x0, s4;
	v7 =	vld [tilespmem:s9+$0x10100]  }
0x2ee: {  	v8 =	vadd.f32 v36, v8;
	v26 =	vld [tilespmem:s9+$0x10180];
	s15 =	sor.u32 $0x200, s4;
	v10 =	vadd.f32 v38, v10  }
0x2ef: {  	v11 =	vadd.f32 v39, v11;
	s19 =	sor.u32 $0x280, s4;
	v9 =	vadd.f32 v37, v9;
	v16 =	vld [tilespmem:s15+$0x10000]  }
0x2f0: {  	s20 =	sor.u32 $0x300, s4;
	v23 =	vld [tilespmem:s19+$0x10000];
	v8 =	vadd.f32 v34, v8;
	v14 =	vadd.f32 v40, v10  }
0x2f1: {  	s10 =	sor.u32 $0x380, s4;
	s14 =	sadd.s32 $0x30, s4;
	v17 =	vld [tilespmem:s20+$0x10000];
	v29 =	vadd.f32 v41, v11;
	v9 =	vadd.f32 v35, v9  }
0x2f2: {  	s15 =	sor.u32 $0x200, s14;
	v10 =	vadd.f32 v18, v8;
	v18 =	vld [tilespmem:s10+$0x10000];
	v8 =	vadd.f32 v42, v14  }
0x2f3: {  	s19 =	sadd.s32 $0x20, s4;
	s20 =	sor.u32 $0x280, s14;
	v14 =	vld [tilespmem:s15+$0x10000];
	v11 =	vadd.f32 v19, v9;
	v9 =	vadd.f32 v43, v29  }
0x2f4: {  	s9 =	simm.s32 $0x40;
	s10 =	sor.u32 $0x200, s19;
	v19 =	vadd.f32 v63, v27;
	v27 =	vadd.f32 v28, v15;
	v15 =	vld [tilespmem:s20+$0x10000]  }
.LBB2_29:
0x2f5: {  	p2 =	sne.s32 s9, $0xFC0;
	v4 =	vadd.f32 v7, v4;
	v5 =	vadd.f32 v26, v5;
	s4 =	sadd.s32 $0x10, s4;
	v7 =	vld [tilespmem:s10+$0x10000];
	s10 =	sor.u32 $0x280, s19  }
0x2f6: {  	v19 =	vadd.f32 v22, v19;
	v22 =	vadd.f32 v25, v27;
	s15 =	sor.u32 $0x200, s4;
	v25 =	vld [tilespmem:s10+$0x10000]  }
0x2f7: {  	s10 =	sor.u32 $0x280, s4;
	v4 =	vadd.f32 v24, v4;
	v5 =	vadd.f32 v6, v5;
	v6 =	vld [tilespmem:s15+$0x10000]  }
0x2f8: {  	v24 =	vld [tilespmem:s10+$0x10000];
	s10 =	sor.u32 $0x300, s4;
	v19 =	vadd.f32 v20, v19;
	v20 =	vadd.f32 v21, v22  }
0x2f9: {  	s4 =	sor.u32 $0x380, s4;
	v21 =	vld [tilespmem:s10+$0x10000];
	v4 =	vadd.f32 v12, v4;
	v5 =	vadd.f32 v13, v5  }
0x2fa: {  	v12 =	vld [tilespmem:s4+$0x10000];
	s4 =	sor.u32 $0x300, s19;
	v19 =	vadd.f32 v0, v19;
	v27 =	vadd.f32 v2, v20  }
0x2fb: {  	v13 =	vld [tilespmem:s4+$0x10000];
	s4 =	sor.u32 $0x380, s19;
	v4 =	vadd.f32 v1, v4;
	v5 =	vadd.f32 v3, v5  }
0x2fc: {  	s5 =	sadd.s32 $0x200, s5;
	v0 =	vadd.f32 v16, v10;
	v1 =	vadd.f32 v23, v11;
	v3 =	vld [tilespmem:s4+$0x10000];
	s4 =	sor.u32 $0x300, s14  }
0x2fd: {  	s15 =	sand.u32 $0x7C00, s5;
	s10 =	sand.u32 $0x40, s9;
	v2 =	vadd.f32 v17, v8;
	v8 =	vadd.f32 v18, v9;
	v9 =	vld [tilespmem:s4+$0x10000];
	s4 =	sor.u32 $0x380, s14  }
0x2fe: {  	s10 =	sor.u32 s10, s15;
	v6 =	vadd.f32 v6, v0;
	v1 =	vadd.f32 v24, v1;
	v16 =	vld [tilespmem:s4+$0x10000]  }
0x2ff: {  	v10 =	vadd.f32 v21, v2;
	v0 =	vld [tilespmem:s10+$0x10030];
	v8 =	vadd.f32 v12, v8  }
0x300: {  	v6 =	vadd.f32 v7, v6;
	v7 =	vadd.f32 v25, v1;
	v2 =	vld [tilespmem:s10+$0x100B0]  }
0x301: {  	v12 =	vadd.f32 v13, v10;
	v1 =	vld [tilespmem:s10+$0x10130];
	v13 =	vadd.f32 v3, v8  }
0x302: {  	v10 =	vadd.f32 v14, v6;
	v11 =	vadd.f32 v15, v7;
	v3 =	vld [tilespmem:s10+$0x101B0]  }
0x303: {  	v8 =	vadd.f32 v9, v12;
	v20 =	vld [tilespmem:s10+$0x10020];
	v9 =	vadd.f32 v16, v13  }
0x304: {  	v21 =	vld [tilespmem:s10+$0x100A0]  }
0x305: {  	v12 =	vld [tilespmem:s10+$0x10120]  }
0x306: {  	v13 =	vld [tilespmem:s10+$0x101A0]  }
0x307: {  	v22 =	vld [tilespmem:s10+$0x10010]  }
0x308: {  	v25 =	vld [tilespmem:s10+$0x10090]  }
0x309: {  	v24 =	vld [tilespmem:s10+$0x10110]  }
0x30a: {  	p1 =	por !p1, !p1;
	s4 =	simm.s32 $0x1;
	v6 =	vld [tilespmem:s10+$0x10190]  }
0x30b: {  	s4 =	simm.s32 @!p1 $0x0;
	v15 =	vld [tilespmem:s10+$0x10000]  }
0x30c: {  	s4 =	sshll.u32 s4, $0x6;
	v28 =	vld [tilespmem:s10+$0x10080]  }
0x30d: {  	s4 =	sadd.s32 s4, s5;
	v7 =	vld [tilespmem:s10+$0x10100]  }
0x30e: {  	v26 =	vld [tilespmem:s10+$0x10180];
	s10 =	sor.u32 $0x200, s4  }
0x30f: {  	v16 =	vld [tilespmem:s10+$0x10000];
	s10 =	sor.u32 $0x280, s4  }
.Ltmp14:
0x310: {  	v23 =	vld [tilespmem:s10+$0x10000];
	s10 =	sor.u32 $0x300, s4;
	(pc) =	sbr.rel @p2 .LBB2_29-.Ltmp14, $4  }
0x311: {  	s14 =	sadd.s32 $0x30, s4;
	v17 =	vld [tilespmem:s10+$0x10000];
	s10 =	sor.u32 $0x380, s4  }
0x312: {  	v18 =	vld [tilespmem:s10+$0x10000];
	s10 =	sor.u32 $0x200, s14  }
0x313: {  	s19 =	sadd.s32 $0x20, s4;
	s15 =	sor.u32 $0x280, s14;
	v14 =	vld [tilespmem:s10+$0x10000]  }
0x314: {  	s9 =	sadd.s32 $0x40, s9;
	v19 =	vadd.f32 v15, v19;
	v27 =	vadd.f32 v28, v27;
	s10 =	sor.u32 $0x200, s19;
	v15 =	vld [tilespmem:s15+$0x10000]  }
0x315: {  	v4 =	vadd.f32 v7, v4;
	s4 =	sadd.s32 $0x10, s4;
	v54 =	vld [tilespmem:s10+$0x10000];
	s5 =	sor.u32 $0x280, s19  }
0x316: {  	v5 =	vadd.f32 v26, v5;
	v7 =	vadd.f32 v22, v19;
	s9 =	sor.u32 $0x200, s4;
	v56 =	vld [tilespmem:s5+$0x10000]  }
0x317: {  	v55 =	vadd.f32 v25, v27;
	s20 =	sor.u32 $0x280, s4;
	v4 =	vadd.f32 v24, v4;
	v57 =	vld [tilespmem:s9+$0x10000]  }
0x318: {  	v8 =	vadd.f32 v17, v8;
	v5 =	vadd.f32 v6, v5;
	v58 =	vld [tilespmem:s20+$0x10000];
	s9 =	sor.u32 $0x300, s4  }
0x319: {  	s4 =	sor.u32 $0x380, s4;
	v6 =	vadd.f32 v20, v7;
	v59 =	vld [tilespmem:s9+$0x10000];
	v4 =	vadd.f32 v12, v4  }
0x31a: {  	s10 =	sor.u32 $0x300, s19;
	v19 =	vadd.f32 v21, v55;
	v61 =	vld [tilespmem:s4+$0x10000];
	v60 =	vadd.f32 v13, v5  }
0x31b: {  	s15 =	sor.u32 $0x380, s19;
	v7 =	vadd.f32 v0, v6;
	v0 =	vld [tilespmem:s10+$0x10000];
	v5 =	vadd.f32 v1, v4  }
0x31c: {  	s19 =	sor.u32 $0x300, s14;
	v4 =	vadd.f32 v3, v60;
	v1 =	vadd.f32 v16, v10;
	v3 =	vld [tilespmem:s15+$0x10000]  }
0x31d: {  	v62 =	vld [tilespmem:s19+$0x10000];
	v9 =	vadd.f32 v18, v9;
	s20 =	sor.u32 $0x380, s14;
	v6 =	vadd.f32 v2, v19  }
0x31e: {  	v63 =	vld [tilespmem:s20+$0x10000];
	v2 =	vadd.f32 v23, v11;
	v1 =	vadd.f32 v57, v1  }
0x31f: {  	v8 =	vadd.f32 v59, v8;
	v9 =	vadd.f32 v61, v9  }
.Ltmp15:
0x320: {  	v2 =	vadd.f32 v58, v2;
	v1 =	vadd.f32 v54, v1;
	(pc) =	sbr.rel @p0 .LBB2_32-.Ltmp15, $4  }
0x321: {  	v0 =	vadd.f32 v0, v8;
	v8 =	vadd.f32 v3, v9  }
0x322: {  	v2 =	vadd.f32 v56, v2;
	v3 =	vadd.f32 v14, v1  }
0x323: {  	v1 =	vadd.f32 v62, v0;
	v0 =	vadd.f32 v63, v8  }
0x324: {  	v2 =	vadd.f32 v15, v2  }
0x325: {  	s4 =	smul.u32 $0x18000, s0  }
.Ltmp16:
0x326: {  	_ = 	snop;
	(pc) =	sbr.rel .LBB2_24-.Ltmp16, $4  }
0x327: {  	s4 =	sadd.s32 s4, s18  }
0x328: {  	s4 =	sshrl.u32 s4, $0x3  }
0x329: {  	s0 =	sadd.s32 $0x1, s0;
	s4 =	sadd.s32 s2, s4  }
0x32a: {  	[tilespmem:s25], [sflag:$0x1] =	stream.linear.gather [hbm4b:s4+s3], $0x8000, $0x38;
	[tilespmem:$0x1B880] =	vst v63  }
.LBB2_32:
0x32b: {  	s1 =	simm.s32 $0x0;
	s0 =	rddreg [dreg:$0x13]  }
0x32c: {  	[tilespmem:s28], [sflag:$0x2] =	stream.linear.gather [hbm4b:s0+s1], $0x3800, $0x38;
	[tilespmem:$0x1B880] =	vst v63  }
0x32d: {  	s20 =	sand.u32 $0x7, s1  }
0x32e: {  	_ =	swait.ge [sflag:s29], $0x3800;
	s0 =	sshll.u32 s20, $0x4  }
0x32f: {  	s4 =	sand.u32 $0x70, s1;
	[sflag:s29] =	ssyncset.done $0x0;
	s0 =	sadd.s32 $0x0, s0  }
0x330: {  	s5 =	sand.u32 $0x3C00, s1;
	[sflag:s29] =	ssyncadd.s32 $0xFFFFC800;
	s9 =	sor.u32 $0x380, s0  }
0x331: {  	s0 =	sor.u32 s4, s5;
	v8 =	vld [tilespmem:s9+$0x18000]  }
0x332: {  	v12 =	vld [tilespmem:s0+$0x18000]  }
0x333: {  	v11 =	vld [tilespmem:s0+$0x18080]  }
0x334: {  	s4 =	simm.s32 $0x1;
	v9 =	vld [tilespmem:s0+$0x18100]  }
0x335: {  	s5 =	simm.s32 $0x20;
	s9 =	simm.s32 $0x10;
	s10 =	sand.u32 $0x7, s4;
	v10 =	vld [tilespmem:s0+$0x18180]  }
.LBB2_33:
0x336: {  	p0 =	sne.s32 s5, $0x690;
	s10 =	sshll.u32 s10, $0x4;
	v13 =	vld [tilespmem:s0+$0x18200];
	v0 =	vadd.f32 v8, v0;
	s1 =	sadd.s32 $0x80, s1  }
0x337: {  	s9 =	sand.u32 $0x70, s9;
	s10 =	sadd.s32 s10, s1;
	s14 =	sand.u32 $0x3C00, s1;
	v7 =	vadd.f32 v12, v7;
	v14 =	vld [tilespmem:s0+$0x18280]  }
0x338: {  	s10 =	sor.u32 $0x380, s10;
	v6 =	vadd.f32 v11, v6;
	v15 =	vld [tilespmem:s0+$0x18300];
	s0 =	sor.u32 s9, s14;
	s9 =	smov.u32 s5  }
.Ltmp17:
0x339: {  	v8 =	vld [tilespmem:s10+$0x18000];
	v5 =	vadd.f32 v9, v5;
	(pc) =	sbr.rel @p0 .LBB2_33-.Ltmp17, $4  }
0x33a: {  	v12 =	vld [tilespmem:s0+$0x18000];
	v4 =	vadd.f32 v10, v4  }
0x33b: {  	v11 =	vld [tilespmem:s0+$0x18080];
	v3 =	vadd.f32 v13, v3  }
0x33c: {  	s4 =	sadd.s32 $0x1, s4;
	v9 =	vld [tilespmem:s0+$0x18100];
	v2 =	vadd.f32 v14, v2  }
0x33d: {  	s5 =	sadd.s32 $0x10, s5;
	s10 =	sand.u32 $0x7, s4;
	v10 =	vld [tilespmem:s0+$0x18180];
	v1 =	vadd.f32 v15, v1  }
0x33e: {  	s1 =	sadd.s32 $0x80, s1  }
0x33f: {  	s4 =	sand.u32 $0x70, s9;
	s5 =	sand.u32 $0x3C00, s1  }
0x340: {  	s4 =	sor.u32 s4, s5  }
0x341: {  	v13 =	vld [tilespmem:s4+$0x18000];
	_ =	sdelay $0x1  }
0x342: {  	v14 =	vld [tilespmem:s4+$0x18080]  }
0x343: {  	v7 =	vadd.f32 v12, v7  }
0x344: {  	v59 =	vld [tilespmem:s4+$0x18100]  }
0x345: {  	v60 =	vld [tilespmem:s0+$0x18200];
	v6 =	vadd.f32 v11, v6;
	v7 =	vadd.f32 v13, v7  }
0x346: {  	v61 =	vld [tilespmem:s4+$0x18180]  }
0x347: {  	v62 =	vld [tilespmem:s0+$0x18280];
	v5 =	vadd.f32 v9, v5;
	v6 =	vadd.f32 v14, v6;
	(xrf2) =	vadd.scan.msk.f32 $0xffff, v7  }
0x348: {  	v7 =	vld [tilespmem:s4+$0x18200]  }
0x349: {  	v4 =	vadd.f32 v10, v4;
	v5 =	vadd.f32 v59, v5;
	(xrf2) =	vadd.scan.msk.f32 $0xffff, v6  }
0x34a: {  	v6 =	vld [tilespmem:s4+$0x18280]  }
0x34b: {  	v63 =	vld [tilespmem:s0+$0x18300];
	v3 =	vadd.f32 v60, v3;
	v4 =	vadd.f32 v61, v4;
	(xrf2) =	vadd.scan.msk.f32 $0xffff, v5  }
0x34c: {  	s10 =	sshll.u32 s10, $0x4  }
0x34d: {  	s0 =	sadd.s32 s10, s1;
	v2 =	vadd.f32 v62, v2;
	v5 =	vld [tilespmem:s4+$0x18300];
	(xrf2) =	vadd.scan.msk.f32 $0xffff, v4;
	v3 =	vadd.f32 v7, v3  }
0x34e: {  	s0 =	sor.u32 $0x380, s0  }
0x34f: {  	v4 =	vld [tilespmem:s0+$0x18000];
	v2 =	vadd.f32 v6, v2;
	(xrf2) =	vadd.scan.msk.f32 $0xffff, v3  }
0x350: {  	v1 =	vadd.f32 v63, v1  }
0x351: {  	v3, _, _ =	vpop (xrf2);
	(xrf2) =	vadd.scan.msk.f32 $0xffff, v2  }
0x352: {  	v0 =	vadd.f32 v8, v0;
	v1 =	vadd.f32 v5, v1;
	v2 =	vbroadcast v3, $0xF  }
0x353: {  	v3, _, _ =	vpop (xrf2)  }
0x354: {  	v0 =	vadd.f32 v4, v0;
	(xrf2) =	vadd.scan.msk.f32 $0xffff, v1;
	v1 =	vnsel vm0, $0x0, v2;
	v2 =	vbroadcast v3, $0xF  }
0x355: {  	v3, _, _ =	vpop (xrf2)  }
0x356: {  	(xrf2) =	vadd.scan.msk.f32 $0xffff, v0;
	v1 =	vadd.f32 $0.0e+00, v1;
	v0 =	vnsel vm1, $0x0, v2;
	v2 =	vbroadcast v3, $0xF  }
0x357: {  	v3, _, _ =	vpop (xrf2)  }
0x358: {  	v0 =	vadd.f32 v0, v1;
	v1 =	vnsel vm2, $0x0, v2;
	v2 =	vbroadcast v3, $0xF  }
0x359: {  	v3, _, _ =	vpop (xrf2)  }
0x35a: {  	v0 =	vadd.f32 v1, v0;
	v1 =	vnsel vm3, $0x0, v2;
	v2 =	vbroadcast v3, $0xF  }
0x35b: {  	v3, _, _ =	vpop (xrf2)  }
0x35c: {  	v0 =	vadd.f32 v1, v0;
	v1 =	vnsel vm4, $0x0, v2;
	v2 =	vbroadcast v3, $0xF;
	_ =	sdelay $0x1  }
0x35d: {  	v0 =	vadd.f32 v1, v0;
	v1 =	vnsel vm5, $0x0, v2  }
0x35e: {  	v3, _, _ =	vpop (xrf2)  }
0x35f: {  	v2 =	vbroadcast v3, $0xF  }
0x360: {  	v0 =	vadd.f32 v1, v0;
	v1, _, _ =	vpop (xrf2)  }
0x361: {  	v2 =	vnsel vm6, $0x0, v2;
	v1 =	vbroadcast v1, $0xF  }
0x362: {  	v0 =	vadd.f32 v2, v0  }
0x363: {  	v1 =	vnsel vm7, $0x0, v1  }
0x364: {  	v0 =	vadd.f32 v1, v0;
	_ =	sdelay $0x1  }
0x365: {  	s14 =	rddreg [dreg:$0x8];
	s1 =	simm.s32 $0x0;
	[tilespmem:$0x1B800] =	vst v0  }
0x366: {  	[hbm4b:s14+s1] =	stream.linear.scatter [tilespmem:s30], [sflag:$0x2], $0x8, $0x38;
	[tilespmem:$0x1B880] =	vst v63  }
0x367: {  	_ =	swait.ge [sflag:s29], $0x8  }
0x368: {  	[sflag:s29] =	ssyncset.done $0x0  }
0x369: {  	s15 =	rddreg [dreg:$0x9];
	[sflag:s29] =	ssyncadd.s32 $0xFFFFFFF8  }
0x36a: {  	[tilespmem:s1], [sflag:$0x1] =	stream.linear.gather [hbm4b:s15+s1], $0x8000, $0x38;
	[tilespmem:$0x1B880] =	vst v63  }
0x36b: {  	s19 =	rddreg [dreg:$0x14]  }
0x36c: {  	v7 =	vimm.f32 $0.0e+00;
	v6 =	vimm.f32 $0.0e+00;
	[tilespmem:s22], [sflag:$0x1] =	stream.linear.gather [hbm4b:s19+s1], $0x8000, $0x38;
	[tilespmem:$0x1B880] =	vst v63  }
0x36d: {  	s0 =	simm.s32 $0x0;
	v5 =	vimm.f32 $0.0e+00;
	v4 =	vimm.f32 $0.0e+00;
	v3 =	vimm.f32 $0.0e+00;
	s20 =	rddreg [dreg:$0x15]  }
0x36e: {  	v2 =	vimm.f32 $0.0e+00;
	v1 =	vimm.f32 $0.0e+00;
	v0 =	vimm.f32 $0.0e+00;
	[tilespmem:s25], [sflag:$0x1] =	stream.linear.gather [hbm4b:s20+s1], $0x8000, $0x38;
	[tilespmem:$0x1B880] =	vst v63  }
.LBB2_35:
0x36f: {  	_ =	swait.ge [sflag:s26], $0x8000  }
0x370: {  	s4 =	sand.u32 $0x40, s1;
	s5 =	sand.u32 $0x7C00, s1;
	[sflag:s26] =	ssyncset.done $0x0  }
0x371: {  	s5 =	sor.u32 s4, s5;
	[sflag:s26] =	ssyncadd.s32 $0xFFFF8000  }
0x372: {  	v10 =	vld [tilespmem:s5+$0x30]  }
0x373: {  	v12 =	vld [tilespmem:s5+$0xB0]  }
0x374: {  	v11 =	vld [tilespmem:s5+$0x130]  }
0x375: {  	v13 =	vld [tilespmem:s5+$0x1B0]  }
0x376: {  	v18 =	vld [tilespmem:s5+$0x20]  }
0x377: {  	v21 =	vld [tilespmem:s5+$0xA0]  }
0x378: {  	v19 =	vld [tilespmem:s5+$0x120]  }
0x379: {  	v20 =	vld [tilespmem:s5+$0x1A0]  }
0x37a: {  	v24 =	vld [tilespmem:s5+$0x10]  }
0x37b: {  	v27 =	vld [tilespmem:s5+$0x90]  }
0x37c: {  	v22 =	vld [tilespmem:s5+$0x110]  }
0x37d: {  	p0 =	por $0x0, $0x0;
	s4 =	simm.s32 $0x1;
	v25 =	vld [tilespmem:s5+$0x190]  }
0x37e: {  	s4 =	simm.s32 @!p0 $0x0;
	v8 =	vld [tilespmem:s5+$0x0]  }
0x37f: {  	s4 =	sshll.u32 s4, $0x6;
	v9 =	vld [tilespmem:s5+$0x80]  }
0x380: {  	v30 =	vld [tilespmem:s5+$0x100];
	s4 =	sadd.s32 $0x0, s4  }
0x381: {  	v31 =	vld [tilespmem:s5+$0x180];
	s19 =	sor.u32 $0x200, s4  }
0x382: {  	s20 =	sor.u32 $0x280, s4;
	v26 =	vld [tilespmem:s19+$0x0]  }
0x383: {  	s9 =	sor.u32 $0x300, s4;
	v28 =	vld [tilespmem:s20+$0x0]  }
0x384: {  	s10 =	sor.u32 $0x380, s4;
	s14 =	sadd.s32 $0x30, s4;
	v23 =	vld [tilespmem:s9+$0x0]  }
0x385: {  	v29 =	vld [tilespmem:s10+$0x0];
	s15 =	sor.u32 $0x200, s14  }
0x386: {  	s19 =	sadd.s32 $0x20, s4;
	s20 =	sor.u32 $0x280, s14;
	v16 =	vld [tilespmem:s15+$0x0]  }
0x387: {  	s5 =	simm.s32 $0x40;
	s9 =	simm.s32 $0x0;
	s10 =	sor.u32 $0x200, s19;
	v17 =	vld [tilespmem:s20+$0x0];
	v32 =	vadd.f32 v8, v7;
	v33 =	vadd.f32 v9, v6  }
.LBB2_36:
0x388: {  	p1 =	sne.s32 s5, $0xFC0;
	v5 =	vadd.f32 v30, v5;
	v4 =	vadd.f32 v31, v4;
	s4 =	sadd.s32 $0x10, s4;
	v6 =	vld [tilespmem:s10+$0x0];
	s10 =	sor.u32 $0x280, s19  }
0x389: {  	v7 =	vadd.f32 v24, v32;
	v8 =	vadd.f32 v27, v33;
	s15 =	sor.u32 $0x200, s4;
	v9 =	vld [tilespmem:s10+$0x0]  }
0x38a: {  	s10 =	sor.u32 $0x280, s4;
	v5 =	vadd.f32 v22, v5;
	v4 =	vadd.f32 v25, v4;
	v14 =	vld [tilespmem:s15+$0x0]  }
0x38b: {  	v15 =	vld [tilespmem:s10+$0x0];
	s10 =	sor.u32 $0x300, s4;
	v7 =	vadd.f32 v18, v7;
	v8 =	vadd.f32 v21, v8  }
0x38c: {  	s4 =	sor.u32 $0x380, s4;
	v18 =	vld [tilespmem:s10+$0x0];
	v5 =	vadd.f32 v19, v5;
	v4 =	vadd.f32 v20, v4  }
0x38d: {  	v19 =	vld [tilespmem:s4+$0x0];
	s4 =	sor.u32 $0x300, s19;
	v7 =	vadd.f32 v10, v7;
	v8 =	vadd.f32 v12, v8  }
0x38e: {  	v20 =	vld [tilespmem:s4+$0x0];
	s4 =	sor.u32 $0x380, s19;
	v5 =	vadd.f32 v11, v5;
	v4 =	vadd.f32 v13, v4  }
0x38f: {  	v3 =	vadd.f32 v26, v3;
	v2 =	vadd.f32 v28, v2;
	s9 =	sadd.s32 $0x200, s9;
	v13 =	vld [tilespmem:s4+$0x0];
	s4 =	sor.u32 $0x300, s14  }
0x390: {  	v1 =	vadd.f32 v23, v1;
	s15 =	sand.u32 $0x7C00, s9;
	v0 =	vadd.f32 v29, v0;
	s10 =	sand.u32 $0x40, s5;
	v21 =	vld [tilespmem:s4+$0x0];
	s4 =	sor.u32 $0x380, s14  }
0x391: {  	s10 =	sor.u32 s10, s15;
	v3 =	vadd.f32 v14, v3;
	v2 =	vadd.f32 v15, v2;
	v14 =	vld [tilespmem:s4+$0x0]  }
0x392: {  	v1 =	vadd.f32 v18, v1;
	v10 =	vld [tilespmem:s10+$0x30];
	v0 =	vadd.f32 v19, v0  }
0x393: {  	v3 =	vadd.f32 v6, v3;
	v2 =	vadd.f32 v9, v2;
	v12 =	vld [tilespmem:s10+$0xB0]  }
0x394: {  	v1 =	vadd.f32 v20, v1;
	v11 =	vld [tilespmem:s10+$0x130];
	v0 =	vadd.f32 v13, v0  }
0x395: {  	v3 =	vadd.f32 v16, v3;
	v2 =	vadd.f32 v17, v2;
	v13 =	vld [tilespmem:s10+$0x1B0]  }
0x396: {  	v1 =	vadd.f32 v21, v1;
	v18 =	vld [tilespmem:s10+$0x20];
	v0 =	vadd.f32 v14, v0  }
0x397: {  	v21 =	vld [tilespmem:s10+$0xA0]  }
0x398: {  	v19 =	vld [tilespmem:s10+$0x120]  }
0x399: {  	v20 =	vld [tilespmem:s10+$0x1A0]  }
0x39a: {  	v24 =	vld [tilespmem:s10+$0x10]  }
0x39b: {  	v27 =	vld [tilespmem:s10+$0x90]  }
0x39c: {  	v22 =	vld [tilespmem:s10+$0x110]  }
0x39d: {  	p0 =	por !p0, !p0;
	s4 =	simm.s32 $0x1;
	v25 =	vld [tilespmem:s10+$0x190]  }
0x39e: {  	s4 =	simm.s32 @!p0 $0x0;
	v6 =	vld [tilespmem:s10+$0x0]  }
0x39f: {  	s4 =	sshll.u32 s4, $0x6;
	v9 =	vld [tilespmem:s10+$0x80]  }
0x3a0: {  	s4 =	sadd.s32 s4, s9;
	v30 =	vld [tilespmem:s10+$0x100]  }
0x3a1: {  	v31 =	vld [tilespmem:s10+$0x180];
	s10 =	sor.u32 $0x200, s4  }
0x3a2: {  	v26 =	vld [tilespmem:s10+$0x0];
	s10 =	sor.u32 $0x280, s4  }
.Ltmp18:
0x3a3: {  	v28 =	vld [tilespmem:s10+$0x0];
	s10 =	sor.u32 $0x300, s4;
	(pc) =	sbr.rel @p1 .LBB2_36-.Ltmp18, $4  }
0x3a4: {  	s14 =	sadd.s32 $0x30, s4;
	v23 =	vld [tilespmem:s10+$0x0];
	s10 =	sor.u32 $0x380, s4  }
0x3a5: {  	v29 =	vld [tilespmem:s10+$0x0];
	s10 =	sor.u32 $0x200, s14  }
0x3a6: {  	s19 =	sadd.s32 $0x20, s4;
	s15 =	sor.u32 $0x280, s14;
	v16 =	vld [tilespmem:s10+$0x0]  }
0x3a7: {  	s5 =	sadd.s32 $0x40, s5;
	v32 =	vadd.f32 v6, v7;
	v33 =	vadd.f32 v9, v8;
	s10 =	sor.u32 $0x200, s19;
	v17 =	vld [tilespmem:s15+$0x0]  }
0x3a8: {  	v34 =	vld [tilespmem:s10+$0x0];
	s5 =	sor.u32 $0x280, s19  }
0x3a9: {  	s10 =	sor.u32 $0x300, s19;
	v35 =	vld [tilespmem:s5+$0x0]  }
0x3aa: {  	s15 =	sor.u32 $0x380, s19;
	v40 =	vld [tilespmem:s10+$0x0]  }
0x3ab: {  	s4 =	sadd.s32 $0x10, s4;
	p0 =	seq.s32 s0, $0x7;
	s19 =	sor.u32 $0x300, s14;
	v41 =	vld [tilespmem:s15+$0x0]  }
0x3ac: {  	s9 =	sor.u32 $0x200, s4;
	s5 =	smul.u32 @!p0 $0x18000, s0;
	v42 =	vld [tilespmem:s19+$0x0]  }
0x3ad: {  	v36 =	vld [tilespmem:s9+$0x0];
	s9 =	sor.u32 $0x300, s4  }
0x3ae: {  	s20 =	sor.u32 $0x280, s4;
	v38 =	vld [tilespmem:s9+$0x0];
	s9 =	sadd.s32 @!p0 s5, s21  }
0x3af: {  	v37 =	vld [tilespmem:s20+$0x0];
	s4 =	sor.u32 $0x380, s4;
	s9 =	sshrl.u32 @!p0 s9, $0x3  }
0x3b0: {  	s20 =	sor.u32 $0x380, s14;
	v39 =	vld [tilespmem:s4+$0x0];
	s4 =	sadd.s32 @!p0 s2, s9;
	s9 =	simm.s32 @!p0 $0x0  }
0x3b1: {  	v43 =	vld [tilespmem:s20+$0x0];
	[tilespmem:s9], [sflag:$0x1] =	stream.linear.gather @!p0 [hbm4b:s4+s9], $0x8000, $0x38  }
0x3b2: {  	s9 =	simm.s32 $0x0;
	_ =	swait.ge [sflag:s26], $0x8000  }
0x3b3: {  	s10 =	sand.u32 $0x40, s9;
	s14 =	sand.u32 $0x7C00, s9;
	[sflag:s26] =	ssyncset.done $0x0  }
0x3b4: {  	s10 =	sor.u32 s10, s14;
	[sflag:s26] =	ssyncadd.s32 $0xFFFF8000  }
0x3b5: {  	v6 =	vld [tilespmem:s10+$0x8030]  }
0x3b6: {  	v8 =	vld [tilespmem:s10+$0x80B0]  }
0x3b7: {  	v7 =	vld [tilespmem:s10+$0x8130]  }
0x3b8: {  	v9 =	vld [tilespmem:s10+$0x81B0]  }
0x3b9: {  	v14 =	vld [tilespmem:s10+$0x8020]  }
0x3ba: {  	v15 =	vld [tilespmem:s10+$0x80A0]  }
0x3bb: {  	v30 =	vadd.f32 v30, v5;
	v31 =	vadd.f32 v31, v4;
	v4 =	vld [tilespmem:s10+$0x8120]  }
0x3bc: {  	v3 =	vadd.f32 v26, v3;
	v24 =	vadd.f32 v24, v32;
	v5 =	vld [tilespmem:s10+$0x81A0]  }
0x3bd: {  	v27 =	vadd.f32 v27, v33;
	v30 =	vadd.f32 v22, v30;
	v22 =	vld [tilespmem:s10+$0x8010]  }
0x3be: {  	v31 =	vadd.f32 v25, v31;
	v18 =	vadd.f32 v18, v24;
	v25 =	vld [tilespmem:s10+$0x8090]  }
0x3bf: {  	v21 =	vadd.f32 v21, v27;
	v19 =	vadd.f32 v19, v30;
	v24 =	vld [tilespmem:s10+$0x8110]  }
0x3c0: {  	p1 =	por $0x0, $0x0;
	v2 =	vadd.f32 v28, v2;
	v20 =	vadd.f32 v20, v31;
	s4 =	simm.s32 $0x1;
	v27 =	vld [tilespmem:s10+$0x8190]  }
0x3c1: {  	v21 =	vadd.f32 v12, v21;
	v12 =	vadd.f32 v11, v19;
	s4 =	simm.s32 @!p1 $0x0;
	v19 =	vld [tilespmem:s10+$0x8000]  }
0x3c2: {  	v1 =	vadd.f32 v23, v1;
	v13 =	vadd.f32 v13, v20;
	s4 =	sshll.u32 s4, $0x6;
	v20 =	vld [tilespmem:s10+$0x8080]  }
0x3c3: {  	v0 =	vadd.f32 v29, v0;
	v63 =	vadd.f32 v10, v18;
	s4 =	sadd.s32 $0x0, s4;
	v30 =	vld [tilespmem:s10+$0x8100]  }
0x3c4: {  	v3 =	vadd.f32 v36, v3;
	v2 =	vadd.f32 v37, v2;
	v31 =	vld [tilespmem:s10+$0x8180];
	s15 =	sor.u32 $0x200, s4  }
0x3c5: {  	v1 =	vadd.f32 v38, v1;
	v0 =	vadd.f32 v39, v0;
	s19 =	sor.u32 $0x280, s4;
	v23 =	vld [tilespmem:s15+$0x8000]  }
0x3c6: {  	v3 =	vadd.f32 v34, v3;
	v2 =	vadd.f32 v35, v2;
	s20 =	sor.u32 $0x300, s4;
	v28 =	vld [tilespmem:s19+$0x8000]  }
0x3c7: {  	v1 =	vadd.f32 v40, v1;
	v0 =	vadd.f32 v41, v0;
	s14 =	sor.u32 $0x380, s4;
	v26 =	vld [tilespmem:s20+$0x8000];
	s19 =	sadd.s32 $0x30, s4  }
0x3c8: {  	v16 =	vadd.f32 v16, v3;
	v17 =	vadd.f32 v17, v2;
	v29 =	vld [tilespmem:s14+$0x8000];
	s15 =	sor.u32 $0x200, s19  }
0x3c9: {  	s10 =	sadd.s32 $0x20, s4;
	v10 =	vadd.f32 v42, v1;
	v11 =	vadd.f32 v43, v0;
	s20 =	sor.u32 $0x280, s19;
	v18 =	vld [tilespmem:s15+$0x8000]  }
0x3ca: {  	s14 =	simm.s32 $0x40;
	s15 =	sor.u32 $0x200, s10;
	v32 =	vadd.f32 v19, v63;
	v33 =	vadd.f32 v20, v21;
	v19 =	vld [tilespmem:s20+$0x8000]  }
.LBB2_38:
0x3cb: {  	p2 =	sne.s32 s14, $0xFC0;
	v0 =	vadd.f32 v30, v12;
	v1 =	vadd.f32 v31, v13;
	s4 =	sadd.s32 $0x10, s4;
	v2 =	vld [tilespmem:s15+$0x8000];
	s15 =	sor.u32 $0x280, s10  }
0x3cc: {  	v3 =	vadd.f32 v22, v32;
	v12 =	vadd.f32 v25, v33;
	s20 =	sor.u32 $0x200, s4;
	v20 =	vld [tilespmem:s15+$0x8000]  }
0x3cd: {  	s15 =	sor.u32 $0x280, s4;
	v0 =	vadd.f32 v24, v0;
	v1 =	vadd.f32 v27, v1;
	v21 =	vld [tilespmem:s20+$0x8000]  }
0x3ce: {  	v22 =	vld [tilespmem:s15+$0x8000];
	s15 =	sor.u32 $0x300, s4;
	v3 =	vadd.f32 v14, v3;
	v12 =	vadd.f32 v15, v12  }
0x3cf: {  	s4 =	sor.u32 $0x380, s4;
	v14 =	vld [tilespmem:s15+$0x8000];
	v0 =	vadd.f32 v4, v0;
	v1 =	vadd.f32 v5, v1  }
0x3d0: {  	v4 =	vld [tilespmem:s4+$0x8000];
	s4 =	sor.u32 $0x300, s10;
	v3 =	vadd.f32 v6, v3;
	v33 =	vadd.f32 v8, v12  }
0x3d1: {  	v5 =	vld [tilespmem:s4+$0x8000];
	s4 =	sor.u32 $0x380, s10;
	v12 =	vadd.f32 v7, v0;
	v13 =	vadd.f32 v9, v1  }
0x3d2: {  	s9 =	sadd.s32 $0x200, s9;
	v0 =	vadd.f32 v23, v16;
	v1 =	vadd.f32 v28, v17;
	v9 =	vld [tilespmem:s4+$0x8000];
	s4 =	sor.u32 $0x300, s19  }
0x3d3: {  	s15 =	sand.u32 $0x7C00, s9;
	v8 =	vadd.f32 v29, v11;
	s10 =	sand.u32 $0x40, s14;
	v7 =	vadd.f32 v26, v10;
	v10 =	vld [tilespmem:s4+$0x8000];
	s4 =	sor.u32 $0x380, s19  }
0x3d4: {  	s10 =	sor.u32 s10, s15;
	v0 =	vadd.f32 v21, v0;
	v1 =	vadd.f32 v22, v1;
	v11 =	vld [tilespmem:s4+$0x8000]  }
0x3d5: {  	v14 =	vadd.f32 v14, v7;
	v6 =	vld [tilespmem:s10+$0x8030];
	v4 =	vadd.f32 v4, v8  }
0x3d6: {  	v0 =	vadd.f32 v2, v0;
	v1 =	vadd.f32 v20, v1;
	v8 =	vld [tilespmem:s10+$0x80B0]  }
0x3d7: {  	v2 =	vadd.f32 v5, v14;
	v7 =	vld [tilespmem:s10+$0x8130];
	v4 =	vadd.f32 v9, v4  }
0x3d8: {  	v16 =	vadd.f32 v18, v0;
	v17 =	vadd.f32 v19, v1;
	v9 =	vld [tilespmem:s10+$0x81B0]  }
0x3d9: {  	v10 =	vadd.f32 v10, v2;
	v14 =	vld [tilespmem:s10+$0x8020];
	v11 =	vadd.f32 v11, v4  }
0x3da: {  	v15 =	vld [tilespmem:s10+$0x80A0]  }
0x3db: {  	v4 =	vld [tilespmem:s10+$0x8120]  }
0x3dc: {  	v5 =	vld [tilespmem:s10+$0x81A0]  }
0x3dd: {  	v22 =	vld [tilespmem:s10+$0x8010]  }
0x3de: {  	v25 =	vld [tilespmem:s10+$0x8090]  }
0x3df: {  	v24 =	vld [tilespmem:s10+$0x8110]  }
0x3e0: {  	p1 =	por !p1, !p1;
	s4 =	simm.s32 $0x1;
	v27 =	vld [tilespmem:s10+$0x8190]  }
0x3e1: {  	s4 =	simm.s32 @!p1 $0x0;
	v0 =	vld [tilespmem:s10+$0x8000]  }
0x3e2: {  	s4 =	sshll.u32 s4, $0x6;
	v1 =	vld [tilespmem:s10+$0x8080]  }
0x3e3: {  	s4 =	sadd.s32 s4, s9;
	v30 =	vld [tilespmem:s10+$0x8100]  }
0x3e4: {  	v31 =	vld [tilespmem:s10+$0x8180];
	s10 =	sor.u32 $0x200, s4  }
0x3e5: {  	v23 =	vld [tilespmem:s10+$0x8000];
	s10 =	sor.u32 $0x280, s4  }
.Ltmp19:
0x3e6: {  	v28 =	vld [tilespmem:s10+$0x8000];
	s10 =	sor.u32 $0x300, s4;
	(pc) =	sbr.rel @p2 .LBB2_38-.Ltmp19, $4  }
0x3e7: {  	s19 =	sadd.s32 $0x30, s4;
	v26 =	vld [tilespmem:s10+$0x8000];
	s10 =	sor.u32 $0x380, s4  }
0x3e8: {  	s15 =	sor.u32 $0x200, s19;
	v29 =	vld [tilespmem:s10+$0x8000]  }
0x3e9: {  	s20 =	sor.u32 $0x280, s19;
	s10 =	sadd.s32 $0x20, s4;
	v18 =	vld [tilespmem:s15+$0x8000]  }
0x3ea: {  	s14 =	sadd.s32 $0x40, s14;
	v32 =	vadd.f32 v0, v3;
	v33 =	vadd.f32 v1, v33;
	s15 =	sor.u32 $0x200, s10;
	v19 =	vld [tilespmem:s20+$0x8000]  }
0x3eb: {  	s4 =	sadd.s32 $0x10, s4;
	v34 =	vld [tilespmem:s15+$0x8000];
	s9 =	sor.u32 $0x280, s10  }
0x3ec: {  	s14 =	sor.u32 $0x200, s4;
	v35 =	vld [tilespmem:s9+$0x8000]  }
0x3ed: {  	s15 =	sor.u32 $0x280, s4;
	v36 =	vld [tilespmem:s14+$0x8000]  }
0x3ee: {  	s20 =	sor.u32 $0x300, s4;
	v37 =	vld [tilespmem:s15+$0x8000]  }
0x3ef: {  	s4 =	sor.u32 $0x380, s4;
	v38 =	vld [tilespmem:s20+$0x8000]  }
0x3f0: {  	s9 =	sor.u32 $0x380, s19;
	v39 =	vld [tilespmem:s4+$0x8000]  }
0x3f1: {  	s5 =	sadd.s32 @!p0 s5, s23;
	s14 =	sor.u32 $0x300, s10;
	v43 =	vld [tilespmem:s9+$0x8000]  }
0x3f2: {  	s5 =	sshrl.u32 @!p0 s5, $0x3;
	s15 =	sor.u32 $0x380, s10;
	s20 =	sor.u32 $0x300, s19;
	v40 =	vld [tilespmem:s14+$0x8000]  }
0x3f3: {  	s4 =	sadd.s32 @!p0 s2, s5;
	s5 =	simm.s32 @!p0 $0x0;
	s9 =	simm.s32 @!p0 $0x8000;
	v41 =	vld [tilespmem:s15+$0x8000]  }
0x3f4: {  	v42 =	vld [tilespmem:s20+$0x8000];
	[tilespmem:s9], [sflag:$0x1] =	stream.linear.gather @!p0 [hbm4b:s4+s5], $0x8000, $0x38  }
0x3f5: {  	s5 =	simm.s32 $0x0;
	_ =	swait.ge [sflag:s26], $0x8000  }
0x3f6: {  	s10 =	sand.u32 $0x40, s5;
	s14 =	sand.u32 $0x7C00, s5;
	[sflag:s26] =	ssyncset.done $0x0  }
0x3f7: {  	s9 =	sor.u32 s10, s14;
	[sflag:s26] =	ssyncadd.s32 $0xFFFF8000  }
0x3f8: {  	v0 =	vld [tilespmem:s9+$0x10030]  }
0x3f9: {  	v2 =	vld [tilespmem:s9+$0x100B0]  }
0x3fa: {  	v1 =	vld [tilespmem:s9+$0x10130]  }
0x3fb: {  	v3 =	vld [tilespmem:s9+$0x101B0]  }
0x3fc: {  	v20 =	vld [tilespmem:s9+$0x10020]  }
0x3fd: {  	v21 =	vld [tilespmem:s9+$0x100A0]  }
0x3fe: {  	v30 =	vadd.f32 v30, v12;
	v31 =	vadd.f32 v31, v13;
	v12 =	vld [tilespmem:s9+$0x10120]  }
0x3ff: {  	v32 =	vadd.f32 v22, v32;
	v25 =	vadd.f32 v25, v33;
	v13 =	vld [tilespmem:s9+$0x101A0]  }
0x400: {  	v24 =	vadd.f32 v24, v30;
	v27 =	vadd.f32 v27, v31;
	v22 =	vld [tilespmem:s9+$0x10010]  }
0x401: {  	v14 =	vadd.f32 v14, v32;
	v15 =	vadd.f32 v15, v25;
	v25 =	vld [tilespmem:s9+$0x10090]  }
0x402: {  	v10 =	vadd.f32 v26, v10;
	v4 =	vadd.f32 v4, v24;
	v24 =	vld [tilespmem:s9+$0x10110]  }
0x403: {  	p1 =	por $0x0, $0x0;
	s4 =	simm.s32 $0x1;
	v5 =	vadd.f32 v5, v27;
	v27 =	vadd.f32 v6, v14;
	v6 =	vld [tilespmem:s9+$0x10190]  }
0x404: {  	s4 =	simm.s32 @!p1 $0x0;
	v15 =	vadd.f32 v8, v15;
	v8 =	vadd.f32 v23, v16;
	v63 =	vld [tilespmem:s9+$0x10000]  }
0x405: {  	s4 =	sshll.u32 s4, $0x6;
	v5 =	vadd.f32 v9, v5;
	v9 =	vadd.f32 v28, v17;
	v28 =	vld [tilespmem:s9+$0x10080]  }
0x406: {  	v11 =	vadd.f32 v29, v11;
	v4 =	vadd.f32 v7, v4;
	s4 =	sadd.s32 $0x0, s4;
	v7 =	vld [tilespmem:s9+$0x10100]  }
0x407: {  	v8 =	vadd.f32 v36, v8;
	v26 =	vld [tilespmem:s9+$0x10180];
	s15 =	sor.u32 $0x200, s4;
	v10 =	vadd.f32 v38, v10  }
0x408: {  	v11 =	vadd.f32 v39, v11;
	s19 =	sor.u32 $0x280, s4;
	v9 =	vadd.f32 v37, v9;
	v16 =	vld [tilespmem:s15+$0x10000]  }
0x409: {  	s20 =	sor.u32 $0x300, s4;
	v23 =	vld [tilespmem:s19+$0x10000];
	v8 =	vadd.f32 v34, v8;
	v14 =	vadd.f32 v40, v10  }
0x40a: {  	s10 =	sor.u32 $0x380, s4;
	s14 =	sadd.s32 $0x30, s4;
	v17 =	vld [tilespmem:s20+$0x10000];
	v29 =	vadd.f32 v41, v11;
	v9 =	vadd.f32 v35, v9  }
0x40b: {  	s15 =	sor.u32 $0x200, s14;
	v10 =	vadd.f32 v18, v8;
	v18 =	vld [tilespmem:s10+$0x10000];
	v8 =	vadd.f32 v42, v14  }
0x40c: {  	s19 =	sadd.s32 $0x20, s4;
	s20 =	sor.u32 $0x280, s14;
	v14 =	vld [tilespmem:s15+$0x10000];
	v11 =	vadd.f32 v19, v9;
	v9 =	vadd.f32 v43, v29  }
0x40d: {  	s9 =	simm.s32 $0x40;
	s10 =	sor.u32 $0x200, s19;
	v19 =	vadd.f32 v63, v27;
	v27 =	vadd.f32 v28, v15;
	v15 =	vld [tilespmem:s20+$0x10000]  }
.LBB2_40:
0x40e: {  	p2 =	sne.s32 s9, $0xFC0;
	v4 =	vadd.f32 v7, v4;
	v5 =	vadd.f32 v26, v5;
	s4 =	sadd.s32 $0x10, s4;
	v7 =	vld [tilespmem:s10+$0x10000];
	s10 =	sor.u32 $0x280, s19  }
0x40f: {  	v19 =	vadd.f32 v22, v19;
	v22 =	vadd.f32 v25, v27;
	s15 =	sor.u32 $0x200, s4;
	v25 =	vld [tilespmem:s10+$0x10000]  }
0x410: {  	s10 =	sor.u32 $0x280, s4;
	v4 =	vadd.f32 v24, v4;
	v5 =	vadd.f32 v6, v5;
	v6 =	vld [tilespmem:s15+$0x10000]  }
0x411: {  	v24 =	vld [tilespmem:s10+$0x10000];
	s10 =	sor.u32 $0x300, s4;
	v19 =	vadd.f32 v20, v19;
	v20 =	vadd.f32 v21, v22  }
0x412: {  	s4 =	sor.u32 $0x380, s4;
	v21 =	vld [tilespmem:s10+$0x10000];
	v4 =	vadd.f32 v12, v4;
	v5 =	vadd.f32 v13, v5  }
0x413: {  	v12 =	vld [tilespmem:s4+$0x10000];
	s4 =	sor.u32 $0x300, s19;
	v19 =	vadd.f32 v0, v19;
	v27 =	vadd.f32 v2, v20  }
0x414: {  	v13 =	vld [tilespmem:s4+$0x10000];
	s4 =	sor.u32 $0x380, s19;
	v4 =	vadd.f32 v1, v4;
	v5 =	vadd.f32 v3, v5  }
0x415: {  	s5 =	sadd.s32 $0x200, s5;
	v0 =	vadd.f32 v16, v10;
	v1 =	vadd.f32 v23, v11;
	v3 =	vld [tilespmem:s4+$0x10000];
	s4 =	sor.u32 $0x300, s14  }
0x416: {  	s15 =	sand.u32 $0x7C00, s5;
	s10 =	sand.u32 $0x40, s9;
	v2 =	vadd.f32 v17, v8;
	v8 =	vadd.f32 v18, v9;
	v9 =	vld [tilespmem:s4+$0x10000];
	s4 =	sor.u32 $0x380, s14  }
0x417: {  	s10 =	sor.u32 s10, s15;
	v6 =	vadd.f32 v6, v0;
	v1 =	vadd.f32 v24, v1;
	v16 =	vld [tilespmem:s4+$0x10000]  }
0x418: {  	v10 =	vadd.f32 v21, v2;
	v0 =	vld [tilespmem:s10+$0x10030];
	v8 =	vadd.f32 v12, v8  }
0x419: {  	v6 =	vadd.f32 v7, v6;
	v7 =	vadd.f32 v25, v1;
	v2 =	vld [tilespmem:s10+$0x100B0]  }
0x41a: {  	v12 =	vadd.f32 v13, v10;
	v1 =	vld [tilespmem:s10+$0x10130];
	v13 =	vadd.f32 v3, v8  }
0x41b: {  	v10 =	vadd.f32 v14, v6;
	v11 =	vadd.f32 v15, v7;
	v3 =	vld [tilespmem:s10+$0x101B0]  }
0x41c: {  	v8 =	vadd.f32 v9, v12;
	v20 =	vld [tilespmem:s10+$0x10020];
	v9 =	vadd.f32 v16, v13  }
0x41d: {  	v21 =	vld [tilespmem:s10+$0x100A0]  }
0x41e: {  	v12 =	vld [tilespmem:s10+$0x10120]  }
0x41f: {  	v13 =	vld [tilespmem:s10+$0x101A0]  }
0x420: {  	v22 =	vld [tilespmem:s10+$0x10010]  }
0x421: {  	v25 =	vld [tilespmem:s10+$0x10090]  }
0x422: {  	v24 =	vld [tilespmem:s10+$0x10110]  }
0x423: {  	p1 =	por !p1, !p1;
	s4 =	simm.s32 $0x1;
	v6 =	vld [tilespmem:s10+$0x10190]  }
0x424: {  	s4 =	simm.s32 @!p1 $0x0;
	v15 =	vld [tilespmem:s10+$0x10000]  }
0x425: {  	s4 =	sshll.u32 s4, $0x6;
	v28 =	vld [tilespmem:s10+$0x10080]  }
0x426: {  	s4 =	sadd.s32 s4, s5;
	v7 =	vld [tilespmem:s10+$0x10100]  }
0x427: {  	v26 =	vld [tilespmem:s10+$0x10180];
	s10 =	sor.u32 $0x200, s4  }
0x428: {  	v16 =	vld [tilespmem:s10+$0x10000];
	s10 =	sor.u32 $0x280, s4  }
.Ltmp20:
0x429: {  	v23 =	vld [tilespmem:s10+$0x10000];
	s10 =	sor.u32 $0x300, s4;
	(pc) =	sbr.rel @p2 .LBB2_40-.Ltmp20, $4  }
0x42a: {  	s14 =	sadd.s32 $0x30, s4;
	v17 =	vld [tilespmem:s10+$0x10000];
	s10 =	sor.u32 $0x380, s4  }
0x42b: {  	v18 =	vld [tilespmem:s10+$0x10000];
	s10 =	sor.u32 $0x200, s14  }
0x42c: {  	s19 =	sadd.s32 $0x20, s4;
	s15 =	sor.u32 $0x280, s14;
	v14 =	vld [tilespmem:s10+$0x10000]  }
0x42d: {  	s9 =	sadd.s32 $0x40, s9;
	v19 =	vadd.f32 v15, v19;
	v27 =	vadd.f32 v28, v27;
	s10 =	sor.u32 $0x200, s19;
	v15 =	vld [tilespmem:s15+$0x10000]  }
0x42e: {  	v4 =	vadd.f32 v7, v4;
	s4 =	sadd.s32 $0x10, s4;
	v54 =	vld [tilespmem:s10+$0x10000];
	s5 =	sor.u32 $0x280, s19  }
0x42f: {  	v5 =	vadd.f32 v26, v5;
	v7 =	vadd.f32 v22, v19;
	s9 =	sor.u32 $0x200, s4;
	v56 =	vld [tilespmem:s5+$0x10000]  }
0x430: {  	v55 =	vadd.f32 v25, v27;
	s20 =	sor.u32 $0x280, s4;
	v4 =	vadd.f32 v24, v4;
	v57 =	vld [tilespmem:s9+$0x10000]  }
0x431: {  	v8 =	vadd.f32 v17, v8;
	v5 =	vadd.f32 v6, v5;
	v58 =	vld [tilespmem:s20+$0x10000];
	s9 =	sor.u32 $0x300, s4  }
0x432: {  	s4 =	sor.u32 $0x380, s4;
	v6 =	vadd.f32 v20, v7;
	v59 =	vld [tilespmem:s9+$0x10000];
	v4 =	vadd.f32 v12, v4  }
0x433: {  	s10 =	sor.u32 $0x300, s19;
	v19 =	vadd.f32 v21, v55;
	v61 =	vld [tilespmem:s4+$0x10000];
	v60 =	vadd.f32 v13, v5  }
0x434: {  	s15 =	sor.u32 $0x380, s19;
	v7 =	vadd.f32 v0, v6;
	v0 =	vld [tilespmem:s10+$0x10000];
	v5 =	vadd.f32 v1, v4  }
0x435: {  	s19 =	sor.u32 $0x300, s14;
	v4 =	vadd.f32 v3, v60;
	v1 =	vadd.f32 v16, v10;
	v3 =	vld [tilespmem:s15+$0x10000]  }
0x436: {  	v62 =	vld [tilespmem:s19+$0x10000];
	v9 =	vadd.f32 v18, v9;
	s20 =	sor.u32 $0x380, s14;
	v6 =	vadd.f32 v2, v19  }
0x437: {  	v63 =	vld [tilespmem:s20+$0x10000];
	v2 =	vadd.f32 v23, v11;
	v1 =	vadd.f32 v57, v1  }
0x438: {  	v8 =	vadd.f32 v59, v8;
	v9 =	vadd.f32 v61, v9  }
.Ltmp21:
0x439: {  	v2 =	vadd.f32 v58, v2;
	v1 =	vadd.f32 v54, v1;
	(pc) =	sbr.rel @p0 .LBB2_43-.Ltmp21, $4  }
0x43a: {  	v0 =	vadd.f32 v0, v8;
	v8 =	vadd.f32 v3, v9  }
0x43b: {  	v2 =	vadd.f32 v56, v2;
	v3 =	vadd.f32 v14, v1  }
0x43c: {  	v1 =	vadd.f32 v62, v0;
	v0 =	vadd.f32 v63, v8  }
0x43d: {  	v2 =	vadd.f32 v15, v2  }
0x43e: {  	s4 =	smul.u32 $0x18000, s0  }
.Ltmp22:
0x43f: {  	_ = 	snop;
	(pc) =	sbr.rel .LBB2_35-.Ltmp22, $4  }
0x440: {  	s4 =	sadd.s32 s4, s24  }
0x441: {  	s4 =	sshrl.u32 s4, $0x3  }
0x442: {  	s0 =	sadd.s32 $0x1, s0;
	s4 =	sadd.s32 s2, s4  }
0x443: {  	[tilespmem:s25], [sflag:$0x1] =	stream.linear.gather [hbm4b:s4+s3], $0x8000, $0x38;
	[tilespmem:$0x1B880] =	vst v63  }
.LBB2_43:
0x444: {  	s1 =	simm.s32 $0x0;
	s0 =	rddreg [dreg:$0x16]  }
0x445: {  	[tilespmem:s28], [sflag:$0x2] =	stream.linear.gather [hbm4b:s0+s1], $0x3800, $0x38;
	[tilespmem:$0x1B880] =	vst v63  }
0x446: {  	s20 =	sand.u32 $0x7, s1  }
0x447: {  	_ =	swait.ge [sflag:s29], $0x3800;
	s0 =	sshll.u32 s20, $0x4  }
0x448: {  	s4 =	sand.u32 $0x70, s1;
	[sflag:s29] =	ssyncset.done $0x0;
	s0 =	sadd.s32 $0x0, s0  }
0x449: {  	s5 =	sand.u32 $0x3C00, s1;
	[sflag:s29] =	ssyncadd.s32 $0xFFFFC800;
	s9 =	sor.u32 $0x380, s0  }
0x44a: {  	s0 =	sor.u32 s4, s5;
	v8 =	vld [tilespmem:s9+$0x18000]  }
0x44b: {  	v12 =	vld [tilespmem:s0+$0x18000]  }
0x44c: {  	v11 =	vld [tilespmem:s0+$0x18080]  }
0x44d: {  	s4 =	simm.s32 $0x1;
	v9 =	vld [tilespmem:s0+$0x18100]  }
0x44e: {  	s5 =	simm.s32 $0x20;
	s9 =	simm.s32 $0x10;
	s10 =	sand.u32 $0x7, s4;
	v10 =	vld [tilespmem:s0+$0x18180]  }
.LBB2_44:
0x44f: {  	p0 =	sne.s32 s5, $0x690;
	s10 =	sshll.u32 s10, $0x4;
	v13 =	vld [tilespmem:s0+$0x18200];
	v0 =	vadd.f32 v8, v0;
	s1 =	sadd.s32 $0x80, s1  }
0x450: {  	s9 =	sand.u32 $0x70, s9;
	s10 =	sadd.s32 s10, s1;
	s14 =	sand.u32 $0x3C00, s1;
	v7 =	vadd.f32 v12, v7;
	v14 =	vld [tilespmem:s0+$0x18280]  }
0x451: {  	s10 =	sor.u32 $0x380, s10;
	v6 =	vadd.f32 v11, v6;
	v15 =	vld [tilespmem:s0+$0x18300];
	s0 =	sor.u32 s9, s14;
	s9 =	smov.u32 s5  }
.Ltmp23:
0x452: {  	v8 =	vld [tilespmem:s10+$0x18000];
	v5 =	vadd.f32 v9, v5;
	(pc) =	sbr.rel @p0 .LBB2_44-.Ltmp23, $4  }
0x453: {  	v12 =	vld [tilespmem:s0+$0x18000];
	v4 =	vadd.f32 v10, v4  }
0x454: {  	v11 =	vld [tilespmem:s0+$0x18080];
	v3 =	vadd.f32 v13, v3  }
0x455: {  	s4 =	sadd.s32 $0x1, s4;
	v9 =	vld [tilespmem:s0+$0x18100];
	v2 =	vadd.f32 v14, v2  }
0x456: {  	s5 =	sadd.s32 $0x10, s5;
	s10 =	sand.u32 $0x7, s4;
	v10 =	vld [tilespmem:s0+$0x18180];
	v1 =	vadd.f32 v15, v1  }
0x457: {  	s1 =	sadd.s32 $0x80, s1  }
0x458: {  	s4 =	sand.u32 $0x70, s9;
	s5 =	sand.u32 $0x3C00, s1  }
0x459: {  	s4 =	sor.u32 s4, s5  }
0x45a: {  	v13 =	vld [tilespmem:s4+$0x18000];
	_ =	sdelay $0x1  }
0x45b: {  	v14 =	vld [tilespmem:s4+$0x18080]  }
0x45c: {  	v7 =	vadd.f32 v12, v7  }
0x45d: {  	v34 =	vld [tilespmem:s4+$0x18100]  }
0x45e: {  	v35 =	vld [tilespmem:s0+$0x18200];
	v6 =	vadd.f32 v11, v6;
	v7 =	vadd.f32 v13, v7  }
0x45f: {  	v36 =	vld [tilespmem:s4+$0x18180]  }
0x460: {  	v37 =	vld [tilespmem:s0+$0x18280];
	v5 =	vadd.f32 v9, v5;
	v6 =	vadd.f32 v14, v6;
	(xrf2) =	vadd.scan.msk.f32 $0xffff, v7  }
0x461: {  	v38 =	vld [tilespmem:s4+$0x18200]  }
0x462: {  	v39 =	vld [tilespmem:s0+$0x18300];
	v4 =	vadd.f32 v10, v4;
	v5 =	vadd.f32 v34, v5;
	(xrf2) =	vadd.scan.msk.f32 $0xffff, v6  }
0x463: {  	v40 =	vld [tilespmem:s4+$0x18280]  }
0x464: {  	s15 =	sshll.u32 s10, $0x4;
	v3 =	vadd.f32 v35, v3;
	v4 =	vadd.f32 v36, v4;
	(xrf2) =	vadd.scan.msk.f32 $0xffff, v5  }
0x465: {  	s0 =	sadd.s32 s15, s1;
	v41 =	vld [tilespmem:s4+$0x18300]  }
0x466: {  	s0 =	sor.u32 $0x380, s0;
	v2 =	vadd.f32 v37, v2;
	v3 =	vadd.f32 v38, v3;
	(xrf2) =	vadd.scan.msk.f32 $0xffff, v4  }
0x467: {  	v42 =	vld [tilespmem:s0+$0x18000]  }
0x468: {  	v1 =	vadd.f32 v39, v1;
	v2 =	vadd.f32 v40, v2;
	(xrf2) =	vadd.scan.msk.f32 $0xffff, v3;
	_ =	sdelay $0x1  }
0x469: {  	v0 =	vadd.f32 v8, v0;
	v1 =	vadd.f32 v41, v1;
	v43, _, _ =	vpop (xrf2);
	(xrf2) =	vadd.scan.msk.f32 $0xffff, v2  }
0x46a: {  	v44 =	vbroadcast v43, $0xF  }
0x46b: {  	v0 =	vadd.f32 v42, v0;
	v45, _, _ =	vpop (xrf2);
	(xrf2) =	vadd.scan.msk.f32 $0xffff, v1  }
0x46c: {  	v47 =	vbroadcast v45, $0xF;
	v46 =	vnsel vm0, $0x0, v44  }
0x46d: {  	v48, _, _ =	vpop (xrf2);
	(xrf2) =	vadd.scan.msk.f32 $0xffff, v0;
	v1 =	vadd.f32 $0.0e+00, v46  }
0x46e: {  	v50 =	vbroadcast v48, $0xF;
	v49 =	vnsel vm1, $0x0, v47  }
0x46f: {  	v51, _, _ =	vpop (xrf2);
	v0 =	vadd.f32 v49, v1  }
0x470: {  	v53 =	vbroadcast v51, $0xF;
	v52 =	vnsel vm2, $0x0, v50  }
0x471: {  	v54, _, _ =	vpop (xrf2);
	v0 =	vadd.f32 v52, v0  }
0x472: {  	v56 =	vbroadcast v54, $0xF;
	v55 =	vnsel vm3, $0x0, v53  }
0x473: {  	v57, _, _ =	vpop (xrf2);
	v0 =	vadd.f32 v55, v0  }
0x474: {  	v58 =	vnsel vm4, $0x0, v56;
	v59 =	vbroadcast v57, $0xF  }
0x475: {  	v60, _, _ =	vpop (xrf2);
	v0 =	vadd.f32 v58, v0  }
0x476: {  	v62 =	vbroadcast v60, $0xF;
	v61 =	vnsel vm5, $0x0, v59  }
0x477: {  	v63, _, _ =	vpop (xrf2);
	v0 =	vadd.f32 v61, v0  }
0x478: {  	v1 =	vbroadcast v63, $0xF;
	v2 =	vnsel vm6, $0x0, v62  }
0x479: {  	v0 =	vadd.f32 v2, v0  }
0x47a: {  	v1 =	vnsel vm7, $0x0, v1  }
0x47b: {  	v0 =	vadd.f32 v1, v0;
	_ =	sdelay $0x1  }
0x47c: {  	s19 =	rddreg [dreg:$0xa];
	[tilespmem:$0x1B800] =	vst v0  }
0x47d: {  	[hbm4b:s19+s3] =	stream.linear.scatter [tilespmem:s30], [sflag:$0x2], $0x8, $0x38;
	[tilespmem:$0x1B880] =	vst v63  }
0x47e: {  	_ =	swait.ge [sflag:s29], $0x8  }
0x47f: {  	s31 =	sadd.s32 $0x1, s31;
	s20 =	rddreg [dreg:$0xb]  }
0x480: {  	p0 =	sne.s32 s31, s20  }
.Ltmp24:
0x481: {  	_ = 	snop;
	(pc) =	sbr.rel @p0 .LBB2_1-.Ltmp24, $3  }
0x482: {  	_ =	sdelay $0x1  }
0x483: {  	[sflag:s29] =	ssyncset.done $0x0  }
0x484: {  	[sflag:s29] =	ssyncadd.s32 $0xFFFFFFF8  }
0x485: {  	_ =	sfence.sel $0x180000  }
0x486: {  	[bflag:$0x0] =	sbarrier.arrive $0xFFFF  }
0x487: {  	_ =	strace $0x90000047  }
0x488: {  	s0 =	stileid.u32;
	[bflag:$0x2] =	sbarrier.arrive $0xFFFF  }
0x489: {  	p0 =	sne.s32 s0, $0x0;
	s0 =	rddreg [dreg:$0x1]  }
0x48a: {  	s0 =	sadd.s32 @!p0 $0x100000, s0  }
0x48b: {  	[sflag:s0] =	ssyncadd.tile.s32 @!p0 $0x1;
	_ =	shalt  }
.Lfunc_end2:
_tile_overlayer_lowered:
.L_overlay_start_2:
0x48c: {  	(tag) =	ssettag $0x2  }
0x48d: {  	s0 =	rddreg [dreg:$0x0];
	s2 =	stileid.u32  }
0x48e: {  	s1 =	rddreg [dreg:$0x1];
	p0 =	sne.s32 s2, $0x0  }
0x48f: {  	s3 =	rddreg [dreg:$0x2];
	[bflag:$0x3] =	sbarrier.arrive $0xFFFF;
	s2 =	simm.s32 @!p0 $0x1C02  }
0x490: {  	[timem:s3], [sflag:s2] =	dma.local @!p0 [hbm:s0], s1  }
0x491: {  	s0 =	simm.s32 @!p0 $0x2  }
0x492: {  	_ =	swait.ge @!p0 [sflag:s0], s1  }
0x493: {  	s1 =	ssub.s32 @!p0 $0x0, s1;
	[sflag:s0] =	ssyncset.done @!p0 $0x0  }
0x494: {  	[sflag:s0] =	ssyncadd.s32 @!p0 s1  }
0x495: {  	[bflag:$0x3] =	sbarrier.arrive $0xFFFF  }
0x496: {  	_ =	shalt  }

</sc_bundles>
